<compile_context>
chip_gen: v7x
topology: tpu7x:2x2x1
jax: 0.10.2.dev20260603
libtpu: 0.0.44.dev20260713+nightly
codegen_flags: <defaults>
</compile_context>

<pallas_src>
import functools

import jax
import jax.numpy as jnp
from jax import lax
from jax.experimental import pallas as pl
from jax.experimental.pallas import tpu as pltpu
from jax.experimental.pallas import tpu_sc as plsc

F32 = jnp.float32
I32 = jnp.int32

NC = 2
NS = 16
NW = NC * NS
GRP = 128
N_SH = 10240
NHEADS = 8


def _ln(x, w, b):
    m = x.mean(-1, keepdims=True)
    v = ((x - m) ** 2).mean(-1, keepdims=True)
    return (x - m) / jnp.sqrt(v + 1e-5) * w + b


@functools.cache
def _mk_pre(N, H):
    BLK = 1000
    grid = N // BLK

    def full(*s):
        return pl.BlockSpec(s, lambda i: (0,) * len(s))

    blk = pl.BlockSpec((BLK, H), lambda i: (i, 0))

    def body(xs_ref, xd_ref, wq, bq, wk, wv, bv, lsw, lsb, ldw, ldb,
             q_ref, kv_ref):
        xs = _ln(xs_ref[...], lsw[...], lsb[...])
        xd = _ln(xd_ref[...], ldw[...], ldb[...])
        q_ref[...] = xd @ wq[...] + bq[...]
        kv_ref[...] = jnp.concatenate(
            [xs @ wk[...], xs @ wv[...] + bv[...]], axis=-1)

    return pl.pallas_call(
        body,
        grid=(grid,),
        in_specs=[blk, blk, full(H, H), full(1, H), full(H, H), full(H, H),
                  full(1, H), full(1, H), full(1, H), full(1, H), full(1, H)],
        out_specs=[blk, pl.BlockSpec((BLK, 2 * H), lambda i: (i, 0))],
        out_shape=[jax.ShapeDtypeStruct((N, H), F32),
                   jax.ShapeDtypeStruct((N, 2 * H), F32)],
    )


@functools.cache
def _mk_gather(N, Ep, Dq, Dkv):
    n_per_w = Ep // NW
    n_grp = n_per_w // GRP
    n_pair = n_grp // 2
    mesh = plsc.VectorSubcoreMesh(core_axis_name="c", subcore_axis_name="s")

    @functools.partial(
        pl.kernel,
        out_type=[jax.ShapeDtypeStruct((Ep, Dq), F32),
                  jax.ShapeDtypeStruct((Ep, Dkv), F32)],
        mesh=mesh,
        scratch_types=[
            pltpu.VMEM((n_grp, GRP), I32),
            pltpu.VMEM((n_grp, GRP), I32),
            pltpu.VMEM((GRP, Dq), F32),
            pltpu.VMEM((GRP, Dq), F32),
            pltpu.VMEM((GRP, Dkv), F32),
            pltpu.VMEM((GRP, Dkv), F32),
            pltpu.SemaphoreType.DMA,
            pltpu.SemaphoreType.DMA,
            pltpu.SemaphoreType.DMA,
            pltpu.SemaphoreType.DMA,
        ],
    )
    def k(qtbl, kvtbl, dsti, srci, qe, kve, di_all, si_all,
          q_v0, q_v1, kv_v0, kv_v1, gs0, gs1, ws0, ws1):
        wid = lax.axis_index("s") * NC + lax.axis_index("c")
        base = wid * n_per_w
        q_v = (q_v0, q_v1)
        kv_v = (kv_v0, kv_v1)
        gs = (gs0, gs1)
        ws = (ws0, ws1)
        pltpu.sync_copy(dsti.at[wid], di_all)
        pltpu.sync_copy(srci.at[wid], si_all)

        def fire_gather(g, b):
            pltpu.async_copy(qtbl.at[di_all.at[g]], q_v[b], gs[b])
            pltpu.async_copy(kvtbl.at[si_all.at[g]], kv_v[b], gs[b])

        def wait_gather(b):
            pltpu.make_async_copy(qtbl.at[di_all.at[0]], q_v[b], gs[b]).wait()
            pltpu.make_async_copy(kvtbl.at[si_all.at[0]], kv_v[b], gs[b]).wait()

        def fire_wb(g, b):
            off = base + g * GRP
            pltpu.async_copy(q_v[b], qe.at[pl.ds(off, GRP)], ws[b])
            pltpu.async_copy(kv_v[b], kve.at[pl.ds(off, GRP)], ws[b])

        def wait_wb(b):
            pltpu.make_async_copy(q_v[b], qe.at[pl.ds(0, GRP)], ws[b]).wait()
            pltpu.make_async_copy(kv_v[b], kve.at[pl.ds(0, GRP)], ws[b]).wait()

        fire_gather(0, 0)

        def body(m, carry):
            g0 = 2 * m
            fire_gather(g0 + 1, 1)
            wait_gather(0)
            fire_wb(g0, 0)
            wait_gather(1)
            fire_wb(g0 + 1, 1)
            wait_wb(0)
            if n_grp % 2 == 1:
                fire_gather(g0 + 2, 0)
            else:
                @pl.when(m + 1 < n_pair)
                def _():
                    fire_gather(g0 + 2, 0)

            wait_wb(1)
            return carry

        lax.fori_loop(0, n_pair, body, 0)
        if n_grp % 2 == 1:
            wait_gather(0)
            fire_wb(n_grp - 1, 0)
            wait_wb(0)

    return k


@functools.cache
def _mk_edge(Ep, H, has_pos, conn):
    BLK = 2048
    grid = Ep // BLK
    scale = (H // NHEADS) ** -0.5

    def full(*s):
        return pl.BlockSpec(s, lambda i: (0,) * len(s))

    def body(*refs):
        if has_pos:
            (qe_ref, kve_ref, r_ref, wkr, wvr, bvr, lrw, lrb, S, ST,
             msg_ref, ex_ref) = refs
        else:
            qe_ref, kve_ref, S, ST, msg_ref, ex_ref = refs
        kv = kve_ref[...]
        ke = kv[:, :H]
        ve = kv[:, H:]
        if has_pos:
            rr = _ln(r_ref[...], lrw[...], lrb[...])
            ke = ke + rr @ wkr[...]
            ve = ve + rr @ wvr[...] + bvr[...]
        sim8 = ((qe_ref[...] * ke) @ S[...]) * scale
        ex128 = jnp.exp(sim8) @ ST[...]
        msg_ref[...] = ve * ex128
        ex_ref[...] = ex128

    in_specs = [pl.BlockSpec((BLK, H), lambda i: (i, 0)),
                pl.BlockSpec((BLK, 2 * H), lambda i: (i, 0))]
    if has_pos:
        in_specs += [pl.BlockSpec((BLK, conn), lambda i: (i, 0)),
                     full(conn, H), full(conn, H), full(1, H),
                     full(1, conn), full(1, conn)]
    in_specs += [full(H, NHEADS), full(NHEADS, H)]

    return pl.pallas_call(
        body,
        grid=(grid,),
        in_specs=in_specs,
        out_specs=[pl.BlockSpec((BLK, H), lambda i: (i, 0)),
                   pl.BlockSpec((BLK, H), lambda i: (i, 0))],
        out_shape=[jax.ShapeDtypeStruct((Ep, H), F32),
                   jax.ShapeDtypeStruct((Ep, H), F32)],
    )


@functools.cache
def _mk_scatter(Ep, H):
    n_per_w = Ep // NW
    n_grp = n_per_w // GRP
    n_pair = n_grp // 2
    rows_per_tile = N_SH // NS
    mesh = plsc.VectorSubcoreMesh(core_axis_name="c", subcore_axis_name="s")

    @functools.partial(
        pl.kernel,
        out_type=[jax.ShapeDtypeStruct((NC, N_SH, H), F32),
                  jax.ShapeDtypeStruct((NC, N_SH, H), F32)],
        mesh=mesh,
        scratch_types=[
            pltpu.VMEM((n_grp, GRP), I32),
            pltpu.VMEM((GRP, H), F32),
            pltpu.VMEM((GRP, H), F32),
            pltpu.VMEM_SHARED((N_SH, H), F32),
            pltpu.SemaphoreType.DMA,
            pltpu.SemaphoreType.DMA,
            pltpu.SemaphoreType.DMA,
            pltpu.SemaphoreType.DMA,
        ],
    )
    def k(msg, ex, dsti, zrows, agg2, den2, di_all, m_v0, m_v1, shacc,
          ls0, ls1, ss0, ss1):
        cid = lax.axis_index("c")
        sid = lax.axis_index("s")
        wid = sid * NC + cid
        tile_base = sid * rows_per_tile
        m_v = (m_v0, m_v1)
        ls = (ls0, ls1)
        ss = (ss0, ss1)
        pltpu.sync_copy(dsti.at[wid], di_all)

        def one_pass(edge_hbm, out_hbm):
            pltpu.sync_copy(zrows, shacc.at[pl.ds(tile_base, rows_per_tile)])
            plsc.subcore_barrier()

            def fire_load(g, b):
                off = wid * n_per_w + g * GRP
                pltpu.async_copy(edge_hbm.at[pl.ds(off, GRP)], m_v[b], ls[b])

            def wait_load(b):
                pltpu.make_async_copy(edge_hbm.at[pl.ds(0, GRP)], m_v[b],
                                      ls[b]).wait()

            def fire_scat(g, b):
                pltpu.async_copy(m_v[b], shacc.at[di_all.at[g]], ss[b],
                                 add=True)

            def wait_scat(b):
                pltpu.make_async_copy(m_v[b], shacc.at[di_all.at[0]],
                                      ss[b]).wait()

            fire_load(0, 0)

            def body(m, carry):
                g0 = 2 * m
                fire_load(g0 + 1, 1)
                wait_load(0)
                fire_scat(g0, 0)
                wait_load(1)
                fire_scat(g0 + 1, 1)
                wait_scat(0)

                if n_grp % 2 == 1:
                    fire_load(g0 + 2, 0)
                else:
                    @pl.when(m + 1 < n_pair)
                    def _():
                        fire_load(g0 + 2, 0)

                wait_scat(1)
                return carry

            lax.fori_loop(0, n_pair, body, 0)
            if n_grp % 2 == 1:
                wait_load(0)
                fire_scat(n_grp - 1, 0)
                wait_scat(0)
            plsc.subcore_barrier()
            pltpu.sync_copy(shacc.at[pl.ds(tile_base, rows_per_tile)],
                            out_hbm.at[cid, pl.ds(tile_base, rows_per_tile)])

        one_pass(msg, agg2)
        one_pass(ex, den2)

    return k


@functools.cache
def _mk_post(N, H, FF):
    BLK = 1000
    grid = N // BLK

    def full(*s):
        return pl.BlockSpec(s, lambda i: (0,) * len(s))

    def body(a2_ref, d2_ref, xdi_ref, wg, bg, ws, bs, wo, bo, ldw, ldb,
             lpw, lpb, fw1, fb1, fw2, fb2, lprew, lpreb, lpostw, lpostb,
             out_ref):
        num = a2_ref[0] + a2_ref[1]
        den = d2_ref[0] + d2_ref[1]
        agg = num / (den + 1e-16)
        xdi = xdi_ref[...]
        xd = _ln(xdi, ldw[...], ldb[...])
        g = jax.nn.sigmoid(agg @ wg[:H] + xd @ wg[H:] + bg[...])
        s = xd @ ws[...] + bs[...]
        upd = agg + g * (s - agg)
        attn_out = upd @ wo[...] + bo[...]
        x = xdi + _ln(attn_out, lpw[...], lpb[...])
        h = _ln(x, lprew[...], lpreb[...])
        ffo = jnp.maximum(h @ fw1[...] + fb1[...], 0.0) @ fw2[...] + fb2[...]
        out_ref[...] = x + _ln(ffo, lpostw[...], lpostb[...])

    return pl.pallas_call(
        body,
        grid=(grid,),
        in_specs=[pl.BlockSpec((NC, BLK, H), lambda i: (0, i, 0)),
                  pl.BlockSpec((NC, BLK, H), lambda i: (0, i, 0)),
                  pl.BlockSpec((BLK, H), lambda i: (i, 0)),
                  full(2 * H, H), full(1, H), full(H, H), full(1, H),
                  full(H, H), full(1, H), full(1, H), full(1, H),
                  full(1, H), full(1, H), full(H, FF), full(1, FF),
                  full(FF, H), full(1, H), full(1, H), full(1, H),
                  full(1, H), full(1, H)],
        out_specs=pl.BlockSpec((BLK, H), lambda i: (i, 0)),
        out_shape=jax.ShapeDtypeStruct((N, H), F32),
    )


def _layer(p, x_src_in, x_dst_in, r, edge_index, bipartite, has_pos):
    N, H = x_src_in.shape
    E = edge_index.shape[1]
    Ep = -(-E // (NW * GRP)) * (NW * GRP)
    n_grp = Ep // (NW * GRP)
    if n_grp % 2 == 0:
        Ep += NW * GRP
        n_grp += 1
    src = edge_index[0].astype(I32)
    dst = edge_index[1].astype(I32)
    src_p = jnp.concatenate([src, jnp.zeros((Ep - E,), I32)])
    dst_p = jnp.concatenate([dst, jnp.full((Ep - E,), N, I32)])
    src3 = src_p.reshape(NW, n_grp, GRP)
    dst3 = dst_p.reshape(NW, n_grp, GRP)

    def r1(a):
        return a.reshape(1, -1)

    if bipartite:
        ldw, ldb = p['ln_dst_w'], p['ln_dst_b']
    else:
        ldw, ldb = p['ln_src_w'], p['ln_src_b']

    q_tbl, kv_tbl = _mk_pre(N, H)(
        x_src_in, x_dst_in, p['Wq'], r1(p['bq']), p['Wk'], p['Wv'],
        r1(p['bv']), r1(p['ln_src_w']), r1(p['ln_src_b']), r1(ldw), r1(ldb))

    qe, kve = _mk_gather(N, Ep, H, 2 * H)(q_tbl, kv_tbl, dst3, src3)

    D = H // NHEADS
    S = (jnp.arange(H)[:, None] // D == jnp.arange(NHEADS)[None, :]).astype(F32)
    ST = S.T
    if has_pos:
        conn = r.shape[1]
        rp = jnp.concatenate([r, jnp.zeros((Ep - E, conn), F32)])
        msg, ex = _mk_edge(Ep, H, True, conn)(
            qe, kve, rp, p['Wkr'], p['Wvr'], r1(p['bvr']),
            r1(p['ln_r_w']), r1(p['ln_r_b']), S, ST)
    else:
        msg, ex = _mk_edge(Ep, H, False, 0)(qe, kve, S, ST)

    zrows = jnp.zeros((N_SH // NS, H), F32)
    agg2, den2 = _mk_scatter(Ep, H)(msg, ex, dst3, zrows)

    FF = p['ffW1'].shape[1]
    return _mk_post(N, H, FF)(
        agg2, den2, x_dst_in, p['Wg'], r1(p['bg']), p['Ws'], r1(p['bs']),
        p['Wo'], r1(p['bo']), r1(ldw), r1(ldb),
        r1(p['ln_post_w']), r1(p['ln_post_b']),
        p['ffW1'], r1(p['ffb1']), p['ffW2'], r1(p['ffb2']),
        r1(p['ln_ffpre_w']), r1(p['ln_ffpre_b']),
        r1(p['ln_ffpost_w']), r1(p['ln_ffpost_b']))


def kernel(x_agent, x_lane, lane_conn_attr, a2a_edge_index, l2l_edge_index,
           l2a_edge_index, params):
    x_lane2 = _layer(params['l2l'], x_lane, x_lane, lane_conn_attr,
                     l2l_edge_index, bipartite=False, has_pos=True)
    x_agent2 = _layer(params['a2a'], x_agent, x_agent, None,
                      a2a_edge_index, bipartite=False, has_pos=False)
    x_agent3 = _layer(params['l2a'], x_lane2, x_agent2, None,
                      l2a_edge_index, bipartite=True, has_pos=False)
    return x_agent3, x_lane2

# --- scband reference (transcript-rebuilt; emitter-appended) ---
"""Pipeline reference for scband-auto-encoder-factorized-attention-block-84439057039869 (READ-ONLY COPY).

The authoritative reference and input builder live on the scoring server;
editing this copy changes nothing except your own understanding.
"""

import jax, jax.numpy as jnp
import numpy as np

N_AGENT = 10000; N_LANE = 10000
E_A2A = 160000; E_L2L = 320000; E_L2A = 320000
AG_H = 128; AG_HEADS = 8; AG_FF = 256
LN_H = 128; LN_HEADS = 8; LN_FF = 256
CONN = 16


def _ln(x, w, b):
    m = x.mean(-1, keepdims=True)
    v = ((x - m) ** 2).mean(-1, keepdims=True)
    return (x - m) / jnp.sqrt(v + 1e-5) * w + b


def _mk_lin(key, din, dout, scale=0.02):
    return jax.random.normal(key, (din, dout), jnp.float32) * scale


def _mk_attn_params(key, hidden, H, D, ff, has_pos, pos_dim):
    ks = jax.random.split(key, 12)
    hd = H * D
    p = {
        'Wq': _mk_lin(ks[0], hidden, hd), 'bq': jnp.zeros((hd,), jnp.float32),
        'Wk': _mk_lin(ks[1], hidden, hd),
        'Wv': _mk_lin(ks[2], hidden, hd), 'bv': jnp.zeros((hd,), jnp.float32),
        'Ws': _mk_lin(ks[3], hidden, hd), 'bs': jnp.zeros((hd,), jnp.float32),
        'Wg': _mk_lin(ks[4], hd + hidden, hd), 'bg': jnp.zeros((hd,), jnp.float32),
        'Wo': _mk_lin(ks[5], hd, hidden), 'bo': jnp.zeros((hidden,), jnp.float32),
        'ln_src_w': jnp.ones((hidden,), jnp.float32), 'ln_src_b': jnp.zeros((hidden,), jnp.float32),
        'ln_dst_w': jnp.ones((hidden,), jnp.float32), 'ln_dst_b': jnp.zeros((hidden,), jnp.float32),
        'ln_post_w': jnp.ones((hidden,), jnp.float32), 'ln_post_b': jnp.zeros((hidden,), jnp.float32),
        'ln_ffpre_w': jnp.ones((hidden,), jnp.float32), 'ln_ffpre_b': jnp.zeros((hidden,), jnp.float32),
        'ln_ffpost_w': jnp.ones((hidden,), jnp.float32), 'ln_ffpost_b': jnp.zeros((hidden,), jnp.float32),
        'ffW1': _mk_lin(ks[6], hidden, ff), 'ffb1': jnp.zeros((ff,), jnp.float32),
        'ffW2': _mk_lin(ks[7], ff, hidden), 'ffb2': jnp.zeros((hidden,), jnp.float32),
    }
    if has_pos:
        p['Wkr'] = _mk_lin(ks[8], pos_dim, hd)
        p['Wvr'] = _mk_lin(ks[9], pos_dim, hd)
        p['bvr'] = jnp.zeros((hd,), jnp.float32)
        p['ln_r_w'] = jnp.ones((pos_dim,), jnp.float32)
        p['ln_r_b'] = jnp.zeros((pos_dim,), jnp.float32)
    return p


def _attn_layer(p, x_src_in, x_dst_in, r, edge_index, H, D, has_pos, bipartite):
    scale = D ** -0.5
    x_src = _ln(x_src_in, p['ln_src_w'], p['ln_src_b'])
    if bipartite:
        x_dst = _ln(x_dst_in, p['ln_dst_w'], p['ln_dst_b'])
    else:
        x_dst = _ln(x_dst_in, p['ln_src_w'], p['ln_src_b'])
    src = edge_index[0]
    dst = edge_index[1]
    Nd = x_dst_in.shape[0]
    q = (x_dst @ p['Wq'] + p['bq']).reshape(-1, H, D)
    k = (x_src @ p['Wk']).reshape(-1, H, D)
    v = (x_src @ p['Wv'] + p['bv']).reshape(-1, H, D)
    qi = q[dst]
    kj = k[src]
    vj = v[src]
    if has_pos and r is not None:
        rr = _ln(r, p['ln_r_w'], p['ln_r_b'])
        kj = kj + (rr @ p['Wkr']).reshape(-1, H, D)
        vj = vj + (rr @ p['Wvr'] + p['bvr']).reshape(-1, H, D)
    sim = (qi * kj).sum(-1) * scale
    mx = jax.ops.segment_max(sim, dst, num_segments=Nd)
    mx = jnp.where(jnp.isfinite(mx), mx, 0.0)
    ex = jnp.exp(sim - mx[dst])
    den = jax.ops.segment_sum(ex, dst, num_segments=Nd)
    attn = ex / (den[dst] + 1e-16)
    msg = (vj * attn[..., None]).reshape(-1, H * D)
    agg = jax.ops.segment_sum(msg, dst, num_segments=Nd)
    g = jax.nn.sigmoid(jnp.concatenate([agg, x_dst], axis=-1) @ p['Wg'] + p['bg'])
    upd = agg + g * ((x_dst @ p['Ws'] + p['bs']) - agg)
    attn_out = upd @ p['Wo'] + p['bo']
    x = x_dst_in + _ln(attn_out, p['ln_post_w'], p['ln_post_b'])
    h = _ln(x, p['ln_ffpre_w'], p['ln_ffpre_b'])
    ffo = jax.nn.relu(h @ p['ffW1'] + p['ffb1']) @ p['ffW2'] + p['ffb2']
    return x + _ln(ffo, p['ln_ffpost_w'], p['ln_ffpost_b'])


def setup_inputs(seed: int = 0) -> dict:
    key = jax.random.key(seed)
    ks = jax.random.split(key, 10)
    x_agent = jax.random.normal(ks[0], (N_AGENT, AG_H), jnp.float32)
    x_lane = jax.random.normal(ks[1], (N_LANE, LN_H), jnp.float32)
    lane_conn_attr = jax.random.normal(ks[2], (E_L2L, CONN), jnp.float32)
    a2a_edge_index = jax.random.randint(ks[3], (2, E_A2A), 0, N_AGENT)
    l2l_edge_index = jax.random.randint(ks[4], (2, E_L2L), 0, N_LANE)
    l2a_edge_index = jax.random.randint(ks[5], (2, E_L2A), 0, N_AGENT)
    params = {
        'l2l': _mk_attn_params(ks[6], LN_H, LN_HEADS, LN_H // LN_HEADS, LN_FF, True, CONN),
        'a2a': _mk_attn_params(ks[7], AG_H, AG_HEADS, AG_H // AG_HEADS, AG_FF, False, 0),
        'l2a': _mk_attn_params(ks[8], AG_H, AG_HEADS, AG_H // AG_HEADS, AG_FF, False, 0),
    }
    return {
        'x_agent': x_agent, 'x_lane': x_lane, 'lane_conn_attr': lane_conn_attr,
        'a2a_edge_index': a2a_edge_index, 'l2l_edge_index': l2l_edge_index,
        'l2a_edge_index': l2a_edge_index, 'params': params,
    }


def reference(x_agent, x_lane, lane_conn_attr, a2a_edge_index, l2l_edge_index, l2a_edge_index, params):
    x_lane = _attn_layer(params['l2l'], x_lane, x_lane, lane_conn_attr, l2l_edge_index,
                         LN_HEADS, LN_H // LN_HEADS, True, False)
    x_agent = _attn_layer(params['a2a'], x_agent, x_agent, None, a2a_edge_index,
                          AG_HEADS, AG_H // AG_HEADS, False, False)
    x_agent = _attn_layer(params['l2a'], x_lane, x_agent, None, l2a_edge_index,
                          AG_HEADS, AG_H // AG_HEADS, False, True)
    return x_agent, x_lane

if __name__ == "__main__":
    import jax
    _d = setup_inputs()
    print(jax.jit(kernel)(*tuple(_d.values())))

</pallas_src>

<mosaic_0001>
#map = affine_map<(d0, d1) -> (0, 0)>
#map1 = affine_map<(d0, d1) -> (0, 0, 0)>
module attributes {stable_mosaic.version = 14 : i64} {
  func.func @k(%arg0: i32, %arg1: i32, %arg2: memref<10000x128xf32, #tpu.memory_space<hbm>>, %arg3: memref<10000x256xf32, #tpu.memory_space<hbm>>, %arg4: memref<32x79x128xi32, #tpu.memory_space<hbm>>, %arg5: memref<32x79x128xi32, #tpu.memory_space<hbm>>, %arg6: memref<323584x128xf32, #tpu.memory_space<hbm>>, %arg7: memref<323584x256xf32, #tpu.memory_space<hbm>>, %arg8: memref<79x128xi32, #tpu.memory_space<vmem>>, %arg9: memref<79x128xi32, #tpu.memory_space<vmem>>, %arg10: memref<128x128xf32, #tpu.memory_space<vmem>>, %arg11: memref<128x128xf32, #tpu.memory_space<vmem>>, %arg12: memref<128x256xf32, #tpu.memory_space<vmem>>, %arg13: memref<128x256xf32, #tpu.memory_space<vmem>>, %arg14: memref<!tpu.dma_semaphore, #tpu.memory_space<semaphore_mem>>, %arg15: memref<!tpu.dma_semaphore, #tpu.memory_space<semaphore_mem>>, %arg16: memref<!tpu.dma_semaphore, #tpu.memory_space<semaphore_mem>>, %arg17: memref<!tpu.dma_semaphore, #tpu.memory_space<semaphore_mem>>) attributes {dimension_semantics = [#tpu.dimension_semantics<core_parallel>, #tpu.dimension_semantics<subcore_parallel>], iteration_bounds = array<i64: 2, 16>, scalar_prefetch = 0 : i64, scratch_operands = 10 : i64, tpu.core_type = #tpu.core_type<sc_vector_subcore>, window_params = [{transform_indices = #map}, {transform_indices = #map}, {transform_indices = #map1}, {transform_indices = #map1}, {transform_indices = #map}, {transform_indices = #map}]} {
    %mul3A = arith.constant 2 : i32
    %mul3A_0 = arith.muli %arg1, %mul3A : i32
    %add3A = arith.addi %mul3A_0, %arg0 : i32
    %mul3A_1 = arith.constant 10112 : i32
    %mul3A_2 = arith.muli %add3A, %mul3A_1 : i32
    "tpu.region"() ({
      %run_scoped3A = tpu.sem_alloc : memref<!tpu.dma_semaphore, #tpu.memory_space<semaphore_mem>>
      %dma_start3A_56 = arith.constant 0 : i32
      %dma_start3A_57 = arith.constant 0 : i32
      %dma_start3A_58 = tpu.memref_slice %arg4[%add3A, %dma_start3A_56, %dma_start3A_57] : memref<32x79x128xi32, #tpu.memory_space<hbm>> -> memref<1x79x128xi32, #tpu.memory_space<hbm>>
      %dma_start3A_59 = tpu.memref_squeeze %dma_start3A_58 : memref<1x79x128xi32, #tpu.memory_space<hbm>> -> memref<79x128xi32, #tpu.memory_space<hbm>>
      %dma_start3A_60 = arith.constant 0 : i32
      %dma_start3A_61 = arith.constant 0 : i32
      %dma_start3A_62 = tpu.memref_slice %arg4[%add3A, %dma_start3A_60, %dma_start3A_61] : memref<32x79x128xi32, #tpu.memory_space<hbm>> -> memref<1x79x128xi32, #tpu.memory_space<hbm>>
      %dma_start3A_63 = tpu.memref_squeeze %dma_start3A_62 : memref<1x79x128xi32, #tpu.memory_space<hbm>> -> memref<79x128xi32, #tpu.memory_space<hbm>>
      tpu.enqueue_dma source(%dma_start3A_63 : memref<79x128xi32, #tpu.memory_space<hbm>>) target(%arg8 : memref<79x128xi32, #tpu.memory_space<vmem>>) target_semaphore(%run_scoped3A : memref<!tpu.dma_semaphore, #tpu.memory_space<semaphore_mem>>)
      %dma_wait3A_64 = arith.constant 0 : i32
      %dma_wait3A_65 = arith.constant 0 : i32
      %dma_wait3A_66 = tpu.memref_slice %arg4[%add3A, %dma_wait3A_64, %dma_wait3A_65] : memref<32x79x128xi32, #tpu.memory_space<hbm>> -> memref<1x79x128xi32, #tpu.memory_space<hbm>>
      %dma_wait3A_67 = tpu.memref_squeeze %dma_wait3A_66 : memref<1x79x128xi32, #tpu.memory_space<hbm>> -> memref<79x128xi32, #tpu.memory_space<hbm>>
      %dma_wait3A_68 = arith.constant 0 : i32
      %dma_wait3A_69 = arith.constant 0 : i32
      %dma_wait3A_70 = tpu.memref_slice %arg4[%add3A, %dma_wait3A_68, %dma_wait3A_69] : memref<32x79x128xi32, #tpu.memory_space<hbm>> -> memref<1x79x128xi32, #tpu.memory_space<hbm>>
      %dma_wait3A_71 = tpu.memref_squeeze %dma_wait3A_70 : memref<1x79x128xi32, #tpu.memory_space<hbm>> -> memref<79x128xi32, #tpu.memory_space<hbm>>
      tpu.wait_dma2 semaphore(%run_scoped3A : memref<!tpu.dma_semaphore, #tpu.memory_space<semaphore_mem>>) src(%dma_wait3A_71 : memref<79x128xi32, #tpu.memory_space<hbm>>) dst(%arg8 : memref<79x128xi32, #tpu.memory_space<vmem>>)
      tpu.yield
    }) : () -> ()
    "tpu.region"() ({
      %run_scoped3A = tpu.sem_alloc : memref<!tpu.dma_semaphore, #tpu.memory_space<semaphore_mem>>
      %dma_start3A_56 = arith.constant 0 : i32
      %dma_start3A_57 = arith.constant 0 : i32
      %dma_start3A_58 = tpu.memref_slice %arg5[%add3A, %dma_start3A_56, %dma_start3A_57] : memref<32x79x128xi32, #tpu.memory_space<hbm>> -> memref<1x79x128xi32, #tpu.memory_space<hbm>>
      %dma_start3A_59 = tpu.memref_squeeze %dma_start3A_58 : memref<1x79x128xi32, #tpu.memory_space<hbm>> -> memref<79x128xi32, #tpu.memory_space<hbm>>
      %dma_start3A_60 = arith.constant 0 : i32
      %dma_start3A_61 = arith.constant 0 : i32
      %dma_start3A_62 = tpu.memref_slice %arg5[%add3A, %dma_start3A_60, %dma_start3A_61] : memref<32x79x128xi32, #tpu.memory_space<hbm>> -> memref<1x79x128xi32, #tpu.memory_space<hbm>>
      %dma_start3A_63 = tpu.memref_squeeze %dma_start3A_62 : memref<1x79x128xi32, #tpu.memory_space<hbm>> -> memref<79x128xi32, #tpu.memory_space<hbm>>
      tpu.enqueue_dma source(%dma_start3A_63 : memref<79x128xi32, #tpu.memory_space<hbm>>) target(%arg9 : memref<79x128xi32, #tpu.memory_space<vmem>>) target_semaphore(%run_scoped3A : memref<!tpu.dma_semaphore, #tpu.memory_space<semaphore_mem>>)
      %dma_wait3A_64 = arith.constant 0 : i32
      %dma_wait3A_65 = arith.constant 0 : i32
      %dma_wait3A_66 = tpu.memref_slice %arg5[%add3A, %dma_wait3A_64, %dma_wait3A_65] : memref<32x79x128xi32, #tpu.memory_space<hbm>> -> memref<1x79x128xi32, #tpu.memory_space<hbm>>
      %dma_wait3A_67 = tpu.memref_squeeze %dma_wait3A_66 : memref<1x79x128xi32, #tpu.memory_space<hbm>> -> memref<79x128xi32, #tpu.memory_space<hbm>>
      %dma_wait3A_68 = arith.constant 0 : i32
      %dma_wait3A_69 = arith.constant 0 : i32
      %dma_wait3A_70 = tpu.memref_slice %arg5[%add3A, %dma_wait3A_68, %dma_wait3A_69] : memref<32x79x128xi32, #tpu.memory_space<hbm>> -> memref<1x79x128xi32, #tpu.memory_space<hbm>>
      %dma_wait3A_71 = tpu.memref_squeeze %dma_wait3A_70 : memref<1x79x128xi32, #tpu.memory_space<hbm>> -> memref<79x128xi32, #tpu.memory_space<hbm>>
      tpu.wait_dma2 semaphore(%run_scoped3A : memref<!tpu.dma_semaphore, #tpu.memory_space<semaphore_mem>>) src(%dma_wait3A_71 : memref<79x128xi32, #tpu.memory_space<hbm>>) dst(%arg9 : memref<79x128xi32, #tpu.memory_space<vmem>>)
      tpu.yield
    }) : () -> ()
    %dma_start3A = arith.constant 0 : i32
    %dma_start3A_3 = arith.constant 0 : i32
    %dma_start3A_4 = tpu.memref_slice %arg8[%dma_start3A, %dma_start3A_3] : memref<79x128xi32, #tpu.memory_space<vmem>> -> memref<1x128xi32, #tpu.memory_space<vmem>>
    %dma_start3A_5 = tpu.memref_squeeze %dma_start3A_4 : memref<1x128xi32, #tpu.memory_space<vmem>> -> memref<128xi32, #tpu.memory_space<vmem>>
    %dma_start3A_6 = arith.constant 0 : i32
    %dma_start3A_7 = arith.constant 0 : i32
    %dma_start3A_8 = tpu.memref_slice %arg2[%dma_start3A_6, %dma_start3A_7] : memref<10000x128xf32, #tpu.memory_space<hbm>> -> memref<10000x128xf32, #tpu.memory_space<hbm>>
    tpu.enqueue_indirect_dma source(%dma_start3A_8 : memref<10000x128xf32, #tpu.memory_space<hbm>>) target(%arg10 : memref<128x128xf32, #tpu.memory_space<vmem>>) offsets(%dma_start3A_5 : memref<128xi32, #tpu.memory_space<vmem>>) semaphore(%arg14 : memref<!tpu.dma_semaphore, #tpu.memory_space<semaphore_mem>>)
    %dma_start3A_9 = arith.constant 0 : i32
    %dma_start3A_10 = arith.constant 0 : i32
    %dma_start3A_11 = tpu.memref_slice %arg9[%dma_start3A_9, %dma_start3A_10] : memref<79x128xi32, #tpu.memory_space<vmem>> -> memref<1x128xi32, #tpu.memory_space<vmem>>
    %dma_start3A_12 = tpu.memref_squeeze %dma_start3A_11 : memref<1x128xi32, #tpu.memory_space<vmem>> -> memref<128xi32, #tpu.memory_space<vmem>>
    %dma_start3A_13 = arith.constant 0 : i32
    %dma_start3A_14 = arith.constant 0 : i32
    %dma_start3A_15 = tpu.memref_slice %arg3[%dma_start3A_13, %dma_start3A_14] : memref<10000x256xf32, #tpu.memory_space<hbm>> -> memref<10000x256xf32, #tpu.memory_space<hbm>>
    tpu.enqueue_indirect_dma source(%dma_start3A_15 : memref<10000x256xf32, #tpu.memory_space<hbm>>) target(%arg12 : memref<128x256xf32, #tpu.memory_space<vmem>>) offsets(%dma_start3A_12 : memref<128xi32, #tpu.memory_space<vmem>>) semaphore(%arg14 : memref<!tpu.dma_semaphore, #tpu.memory_space<semaphore_mem>>)
    %scan3A = arith.constant 0 : i32
    %scan3A_16 = arith.constant 0 : i32
    %scan3A_17 = arith.constant 39 : i32
    %scan3A_18 = arith.addi %scan3A_16, %scan3A_17 : i32
    %scan3A_19 = arith.constant 1 : i32
    scf.for %scan3A_56 = %scan3A_16 to %scan3A_18 step %scan3A_19  : i32 {
      %mul3A_57 = arith.constant 2 : i32
      %mul3A_58 = arith.muli %mul3A_57, %scan3A_56 : i32
      %add3A_59 = arith.constant 1 : i32
      %add3A_60 = arith.addi %mul3A_58, %add3A_59 : i32
      %dma_start3A_61 = arith.constant 0 : i32
      %dma_start3A_62 = tpu.memref_slice %arg8[%add3A_60, %dma_start3A_61] : memref<79x128xi32, #tpu.memory_space<vmem>> -> memref<1x128xi32, #tpu.memory_space<vmem>>
      %dma_start3A_63 = tpu.memref_squeeze %dma_start3A_62 : memref<1x128xi32, #tpu.memory_space<vmem>> -> memref<128xi32, #tpu.memory_space<vmem>>
      %dma_start3A_64 = arith.constant 0 : i32
      %dma_start3A_65 = arith.constant 0 : i32
      %dma_start3A_66 = tpu.memref_slice %arg2[%dma_start3A_64, %dma_start3A_65] : memref<10000x128xf32, #tpu.memory_space<hbm>> -> memref<10000x128xf32, #tpu.memory_space<hbm>>
      tpu.enqueue_indirect_dma source(%dma_start3A_66 : memref<10000x128xf32, #tpu.memory_space<hbm>>) target(%arg11 : memref<128x128xf32, #tpu.memory_space<vmem>>) offsets(%dma_start3A_63 : memref<128xi32, #tpu.memory_space<vmem>>) semaphore(%arg15 : memref<!tpu.dma_semaphore, #tpu.memory_space<semaphore_mem>>)
      %dma_start3A_67 = arith.constant 0 : i32
      %dma_start3A_68 = tpu.memref_slice %arg9[%add3A_60, %dma_start3A_67] : memref<79x128xi32, #tpu.memory_space<vmem>> -> memref<1x128xi32, #tpu.memory_space<vmem>>
      %dma_start3A_69 = tpu.memref_squeeze %dma_start3A_68 : memref<1x128xi32, #tpu.memory_space<vmem>> -> memref<128xi32, #tpu.memory_space<vmem>>
      %dma_start3A_70 = arith.constant 0 : i32
      %dma_start3A_71 = arith.constant 0 : i32
      %dma_start3A_72 = tpu.memref_slice %arg3[%dma_start3A_70, %dma_start3A_71] : memref<10000x256xf32, #tpu.memory_space<hbm>> -> memref<10000x256xf32, #tpu.memory_space<hbm>>
      tpu.enqueue_indirect_dma source(%dma_start3A_72 : memref<10000x256xf32, #tpu.memory_space<hbm>>) target(%arg13 : memref<128x256xf32, #tpu.memory_space<vmem>>) offsets(%dma_start3A_69 : memref<128xi32, #tpu.memory_space<vmem>>) semaphore(%arg15 : memref<!tpu.dma_semaphore, #tpu.memory_space<semaphore_mem>>)
      %dma_wait3A_73 = arith.constant 0 : i32
      %dma_wait3A_74 = arith.constant 0 : i32
      %dma_wait3A_75 = tpu.memref_slice %arg8[%dma_wait3A_73, %dma_wait3A_74] : memref<79x128xi32, #tpu.memory_space<vmem>> -> memref<1x128xi32, #tpu.memory_space<vmem>>
      %dma_wait3A_76 = tpu.memref_squeeze %dma_wait3A_75 : memref<1x128xi32, #tpu.memory_space<vmem>> -> memref<128xi32, #tpu.memory_space<vmem>>
      %dma_wait3A_77 = arith.constant 0 : i32
      %dma_wait3A_78 = arith.constant 0 : i32
      %dma_wait3A_79 = tpu.memref_slice %arg2[%dma_wait3A_77, %dma_wait3A_78] : memref<10000x128xf32, #tpu.memory_space<hbm>> -> memref<10000x128xf32, #tpu.memory_space<hbm>>
      tpu.wait_indirect_dma semaphore(%arg14 : memref<!tpu.dma_semaphore, #tpu.memory_space<semaphore_mem>>) src(%dma_wait3A_79 : memref<10000x128xf32, #tpu.memory_space<hbm>>) dst(%arg10 : memref<128x128xf32, #tpu.memory_space<vmem>>)
      %dma_wait3A_80 = arith.constant 0 : i32
      %dma_wait3A_81 = arith.constant 0 : i32
      %dma_wait3A_82 = tpu.memref_slice %arg9[%dma_wait3A_80, %dma_wait3A_81] : memref<79x128xi32, #tpu.memory_space<vmem>> -> memref<1x128xi32, #tpu.memory_space<vmem>>
      %dma_wait3A_83 = tpu.memref_squeeze %dma_wait3A_82 : memref<1x128xi32, #tpu.memory_space<vmem>> -> memref<128xi32, #tpu.memory_space<vmem>>
      %dma_wait3A_84 = arith.constant 0 : i32
      %dma_wait3A_85 = arith.constant 0 : i32
      %dma_wait3A_86 = tpu.memref_slice %arg3[%dma_wait3A_84, %dma_wait3A_85] : memref<10000x256xf32, #tpu.memory_space<hbm>> -> memref<10000x256xf32, #tpu.memory_space<hbm>>
      tpu.wait_indirect_dma semaphore(%arg14 : memref<!tpu.dma_semaphore, #tpu.memory_space<semaphore_mem>>) src(%dma_wait3A_86 : memref<10000x256xf32, #tpu.memory_space<hbm>>) dst(%arg12 : memref<128x256xf32, #tpu.memory_space<vmem>>)
      %mul3A_87 = arith.constant 128 : i32
      %mul3A_88 = arith.muli %mul3A_58, %mul3A_87 : i32
      %add3A_89 = arith.addi %mul3A_2, %mul3A_88 : i32
      %dma_start3A_90 = arith.constant 0 : i32
      %dma_start3A_91 = tpu.memref_slice %arg6[%add3A_89, %dma_start3A_90] : memref<323584x128xf32, #tpu.memory_space<hbm>> -> memref<128x128xf32, #tpu.memory_space<hbm>>
      %dma_start3A_92 = arith.constant 0 : i32
      %dma_start3A_93 = tpu.memref_slice %arg6[%add3A_89, %dma_start3A_92] : memref<323584x128xf32, #tpu.memory_space<hbm>> -> memref<128x128xf32, #tpu.memory_space<hbm>>
      tpu.enqueue_dma source(%arg10 : memref<128x128xf32, #tpu.memory_space<vmem>>) target(%dma_start3A_93 : memref<128x128xf32, #tpu.memory_space<hbm>>) target_semaphore(%arg16 : memref<!tpu.dma_semaphore, #tpu.memory_space<semaphore_mem>>)
      %dma_start3A_94 = arith.constant 0 : i32
      %dma_start3A_95 = tpu.memref_slice %arg7[%add3A_89, %dma_start3A_94] : memref<323584x256xf32, #tpu.memory_space<hbm>> -> memref<128x256xf32, #tpu.memory_space<hbm>>
      %dma_start3A_96 = arith.constant 0 : i32
      %dma_start3A_97 = tpu.memref_slice %arg7[%add3A_89, %dma_start3A_96] : memref<323584x256xf32, #tpu.memory_space<hbm>> -> memref<128x256xf32, #tpu.memory_space<hbm>>
      tpu.enqueue_dma source(%arg12 : memref<128x256xf32, #tpu.memory_space<vmem>>) target(%dma_start3A_97 : memref<128x256xf32, #tpu.memory_space<hbm>>) target_semaphore(%arg16 : memref<!tpu.dma_semaphore, #tpu.memory_space<semaphore_mem>>)
      %dma_wait3A_98 = arith.constant 0 : i32
      %dma_wait3A_99 = arith.constant 0 : i32
      %dma_wait3A_100 = tpu.memref_slice %arg8[%dma_wait3A_98, %dma_wait3A_99] : memref<79x128xi32, #tpu.memory_space<vmem>> -> memref<1x128xi32, #tpu.memory_space<vmem>>
      %dma_wait3A_101 = tpu.memref_squeeze %dma_wait3A_100 : memref<1x128xi32, #tpu.memory_space<vmem>> -> memref<128xi32, #tpu.memory_space<vmem>>
      %dma_wait3A_102 = arith.constant 0 : i32
      %dma_wait3A_103 = arith.constant 0 : i32
      %dma_wait3A_104 = tpu.memref_slice %arg2[%dma_wait3A_102, %dma_wait3A_103] : memref<10000x128xf32, #tpu.memory_space<hbm>> -> memref<10000x128xf32, #tpu.memory_space<hbm>>
      tpu.wait_indirect_dma semaphore(%arg15 : memref<!tpu.dma_semaphore, #tpu.memory_space<semaphore_mem>>) src(%dma_wait3A_104 : memref<10000x128xf32, #tpu.memory_space<hbm>>) dst(%arg11 : memref<128x128xf32, #tpu.memory_space<vmem>>)
      %dma_wait3A_105 = arith.constant 0 : i32
      %dma_wait3A_106 = arith.constant 0 : i32
      %dma_wait3A_107 = tpu.memref_slice %arg9[%dma_wait3A_105, %dma_wait3A_106] : memref<79x128xi32, #tpu.memory_space<vmem>> -> memref<1x128xi32, #tpu.memory_space<vmem>>
      %dma_wait3A_108 = tpu.memref_squeeze %dma_wait3A_107 : memref<1x128xi32, #tpu.memory_space<vmem>> -> memref<128xi32, #tpu.memory_space<vmem>>
      %dma_wait3A_109 = arith.constant 0 : i32
      %dma_wait3A_110 = arith.constant 0 : i32
      %dma_wait3A_111 = tpu.memref_slice %arg3[%dma_wait3A_109, %dma_wait3A_110] : memref<10000x256xf32, #tpu.memory_space<hbm>> -> memref<10000x256xf32, #tpu.memory_space<hbm>>
      tpu.wait_indirect_dma semaphore(%arg15 : memref<!tpu.dma_semaphore, #tpu.memory_space<semaphore_mem>>) src(%dma_wait3A_111 : memref<10000x256xf32, #tpu.memory_space<hbm>>) dst(%arg13 : memref<128x256xf32, #tpu.memory_space<vmem>>)
      %add3A_112 = arith.constant 1 : i32
      %add3A_113 = arith.addi %mul3A_58, %add3A_112 : i32
      %mul3A_114 = arith.constant 128 : i32
      %mul3A_115 = arith.muli %add3A_113, %mul3A_114 : i32
      %add3A_116 = arith.addi %mul3A_2, %mul3A_115 : i32
      %dma_start3A_117 = arith.constant 0 : i32
      %dma_start3A_118 = tpu.memref_slice %arg6[%add3A_116, %dma_start3A_117] : memref<323584x128xf32, #tpu.memory_space<hbm>> -> memref<128x128xf32, #tpu.memory_space<hbm>>
      %dma_start3A_119 = arith.constant 0 : i32
      %dma_start3A_120 = tpu.memref_slice %arg6[%add3A_116, %dma_start3A_119] : memref<323584x128xf32, #tpu.memory_space<hbm>> -> memref<128x128xf32, #tpu.memory_space<hbm>>
      tpu.enqueue_dma source(%arg11 : memref<128x128xf32, #tpu.memory_space<vmem>>) target(%dma_start3A_120 : memref<128x128xf32, #tpu.memory_space<hbm>>) target_semaphore(%arg17 : memref<!tpu.dma_semaphore, #tpu.memory_space<semaphore_mem>>)
      %dma_start3A_121 = arith.constant 0 : i32
      %dma_start3A_122 = tpu.memref_slice %arg7[%add3A_116, %dma_start3A_121] : memref<323584x256xf32, #tpu.memory_space<hbm>> -> memref<128x256xf32, #tpu.memory_space<hbm>>
      %dma_start3A_123 = arith.constant 0 : i32
      %dma_start3A_124 = tpu.memref_slice %arg7[%add3A_116, %dma_start3A_123] : memref<323584x256xf32, #tpu.memory_space<hbm>> -> memref<128x256xf32, #tpu.memory_space<hbm>>
      tpu.enqueue_dma source(%arg13 : memref<128x256xf32, #tpu.memory_space<vmem>>) target(%dma_start3A_124 : memref<128x256xf32, #tpu.memory_space<hbm>>) target_semaphore(%arg17 : memref<!tpu.dma_semaphore, #tpu.memory_space<semaphore_mem>>)
      %dma_wait3A_125 = arith.constant 0 : i32
      %dma_wait3A_126 = arith.constant 0 : i32
      %dma_wait3A_127 = tpu.memref_slice %arg6[%dma_wait3A_125, %dma_wait3A_126] : memref<323584x128xf32, #tpu.memory_space<hbm>> -> memref<128x128xf32, #tpu.memory_space<hbm>>
      %dma_wait3A_128 = arith.constant 0 : i32
      %dma_wait3A_129 = arith.constant 0 : i32
      %dma_wait3A_130 = tpu.memref_slice %arg6[%dma_wait3A_128, %dma_wait3A_129] : memref<323584x128xf32, #tpu.memory_space<hbm>> -> memref<128x128xf32, #tpu.memory_space<hbm>>
      tpu.wait_dma2 semaphore(%arg16 : memref<!tpu.dma_semaphore, #tpu.memory_space<semaphore_mem>>) src(%arg10 : memref<128x128xf32, #tpu.memory_space<vmem>>) dst(%dma_wait3A_130 : memref<128x128xf32, #tpu.memory_space<hbm>>)
      %dma_wait3A_131 = arith.constant 0 : i32
      %dma_wait3A_132 = arith.constant 0 : i32
      %dma_wait3A_133 = tpu.memref_slice %arg7[%dma_wait3A_131, %dma_wait3A_132] : memref<323584x256xf32, #tpu.memory_space<hbm>> -> memref<128x256xf32, #tpu.memory_space<hbm>>
      %dma_wait3A_134 = arith.constant 0 : i32
      %dma_wait3A_135 = arith.constant 0 : i32
      %dma_wait3A_136 = tpu.memref_slice %arg7[%dma_wait3A_134, %dma_wait3A_135] : memref<323584x256xf32, #tpu.memory_space<hbm>> -> memref<128x256xf32, #tpu.memory_space<hbm>>
      tpu.wait_dma2 semaphore(%arg16 : memref<!tpu.dma_semaphore, #tpu.memory_space<semaphore_mem>>) src(%arg12 : memref<128x256xf32, #tpu.memory_space<vmem>>) dst(%dma_wait3A_136 : memref<128x256xf32, #tpu.memory_space<hbm>>)
      %add3A_137 = arith.constant 2 : i32
      %add3A_138 = arith.addi %mul3A_58, %add3A_137 : i32
      %dma_start3A_139 = arith.constant 0 : i32
      %dma_start3A_140 = tpu.memref_slice %arg8[%add3A_138, %dma_start3A_139] : memref<79x128xi32, #tpu.memory_space<vmem>> -> memref<1x128xi32, #tpu.memory_space<vmem>>
      %dma_start3A_141 = tpu.memref_squeeze %dma_start3A_140 : memref<1x128xi32, #tpu.memory_space<vmem>> -> memref<128xi32, #tpu.memory_space<vmem>>
      %dma_start3A_142 = arith.constant 0 : i32
      %dma_start3A_143 = arith.constant 0 : i32
      %dma_start3A_144 = tpu.memref_slice %arg2[%dma_start3A_142, %dma_start3A_143] : memref<10000x128xf32, #tpu.memory_space<hbm>> -> memref<10000x128xf32, #tpu.memory_space<hbm>>
      tpu.enqueue_indirect_dma source(%dma_start3A_144 : memref<10000x128xf32, #tpu.memory_space<hbm>>) target(%arg10 : memref<128x128xf32, #tpu.memory_space<vmem>>) offsets(%dma_start3A_141 : memref<128xi32, #tpu.memory_space<vmem>>) semaphore(%arg14 : memref<!tpu.dma_semaphore, #tpu.memory_space<semaphore_mem>>)
      %dma_start3A_145 = arith.constant 0 : i32
      %dma_start3A_146 = tpu.memref_slice %arg9[%add3A_138, %dma_start3A_145] : memref<79x128xi32, #tpu.memory_space<vmem>> -> memref<1x128xi32, #tpu.memory_space<vmem>>
      %dma_start3A_147 = tpu.memref_squeeze %dma_start3A_146 : memref<1x128xi32, #tpu.memory_space<vmem>> -> memref<128xi32, #tpu.memory_space<vmem>>
      %dma_start3A_148 = arith.constant 0 : i32
      %dma_start3A_149 = arith.constant 0 : i32
      %dma_start3A_150 = tpu.memref_slice %arg3[%dma_start3A_148, %dma_start3A_149] : memref<10000x256xf32, #tpu.memory_space<hbm>> -> memref<10000x256xf32, #tpu.memory_space<hbm>>
      tpu.enqueue_indirect_dma source(%dma_start3A_150 : memref<10000x256xf32, #tpu.memory_space<hbm>>) target(%arg12 : memref<128x256xf32, #tpu.memory_space<vmem>>) offsets(%dma_start3A_147 : memref<128xi32, #tpu.memory_space<vmem>>) semaphore(%arg14 : memref<!tpu.dma_semaphore, #tpu.memory_space<semaphore_mem>>)
      %dma_wait3A_151 = arith.constant 0 : i32
      %dma_wait3A_152 = arith.constant 0 : i32
      %dma_wait3A_153 = tpu.memref_slice %arg6[%dma_wait3A_151, %dma_wait3A_152] : memref<323584x128xf32, #tpu.memory_space<hbm>> -> memref<128x128xf32, #tpu.memory_space<hbm>>
      %dma_wait3A_154 = arith.constant 0 : i32
      %dma_wait3A_155 = arith.constant 0 : i32
      %dma_wait3A_156 = tpu.memref_slice %arg6[%dma_wait3A_154, %dma_wait3A_155] : memref<323584x128xf32, #tpu.memory_space<hbm>> -> memref<128x128xf32, #tpu.memory_space<hbm>>
      tpu.wait_dma2 semaphore(%arg17 : memref<!tpu.dma_semaphore, #tpu.memory_space<semaphore_mem>>) src(%arg11 : memref<128x128xf32, #tpu.memory_space<vmem>>) dst(%dma_wait3A_156 : memref<128x128xf32, #tpu.memory_space<hbm>>)
      %dma_wait3A_157 = arith.constant 0 : i32
      %dma_wait3A_158 = arith.constant 0 : i32
      %dma_wait3A_159 = tpu.memref_slice %arg7[%dma_wait3A_157, %dma_wait3A_158] : memref<323584x256xf32, #tpu.memory_space<hbm>> -> memref<128x256xf32, #tpu.memory_space<hbm>>
      %dma_wait3A_160 = arith.constant 0 : i32
      %dma_wait3A_161 = arith.constant 0 : i32
      %dma_wait3A_162 = tpu.memref_slice %arg7[%dma_wait3A_160, %dma_wait3A_161] : memref<323584x256xf32, #tpu.memory_space<hbm>> -> memref<128x256xf32, #tpu.memory_space<hbm>>
      tpu.wait_dma2 semaphore(%arg17 : memref<!tpu.dma_semaphore, #tpu.memory_space<semaphore_mem>>) src(%arg13 : memref<128x256xf32, #tpu.memory_space<vmem>>) dst(%dma_wait3A_162 : memref<128x256xf32, #tpu.memory_space<hbm>>)
    }
    %scan3A_20 = arith.constant 39 : i32
    %dma_wait3A = arith.constant 0 : i32
    %dma_wait3A_21 = arith.constant 0 : i32
    %dma_wait3A_22 = tpu.memref_slice %arg8[%dma_wait3A, %dma_wait3A_21] : memref<79x128xi32, #tpu.memory_space<vmem>> -> memref<1x128xi32, #tpu.memory_space<vmem>>
    %dma_wait3A_23 = tpu.memref_squeeze %dma_wait3A_22 : memref<1x128xi32, #tpu.memory_space<vmem>> -> memref<128xi32, #tpu.memory_space<vmem>>
    %dma_wait3A_24 = arith.constant 0 : i32
    %dma_wait3A_25 = arith.constant 0 : i32
    %dma_wait3A_26 = tpu.memref_slice %arg2[%dma_wait3A_24, %dma_wait3A_25] : memref<10000x128xf32, #tpu.memory_space<hbm>> -> memref<10000x128xf32, #tpu.memory_space<hbm>>
    tpu.wait_indirect_dma semaphore(%arg14 : memref<!tpu.dma_semaphore, #tpu.memory_space<semaphore_mem>>) src(%dma_wait3A_26 : memref<10000x128xf32, #tpu.memory_space<hbm>>) dst(%arg10 : memref<128x128xf32, #tpu.memory_space<vmem>>)
    %dma_wait3A_27 = arith.constant 0 : i32
    %dma_wait3A_28 = arith.constant 0 : i32
    %dma_wait3A_29 = tpu.memref_slice %arg9[%dma_wait3A_27, %dma_wait3A_28] : memref<79x128xi32, #tpu.memory_space<vmem>> -> memref<1x128xi32, #tpu.memory_space<vmem>>
    %dma_wait3A_30 = tpu.memref_squeeze %dma_wait3A_29 : memref<1x128xi32, #tpu.memory_space<vmem>> -> memref<128xi32, #tpu.memory_space<vmem>>
    %dma_wait3A_31 = arith.constant 0 : i32
    %dma_wait3A_32 = arith.constant 0 : i32
    %dma_wait3A_33 = tpu.memref_slice %arg3[%dma_wait3A_31, %dma_wait3A_32] : memref<10000x256xf32, #tpu.memory_space<hbm>> -> memref<10000x256xf32, #tpu.memory_space<hbm>>
    tpu.wait_indirect_dma semaphore(%arg14 : memref<!tpu.dma_semaphore, #tpu.memory_space<semaphore_mem>>) src(%dma_wait3A_33 : memref<10000x256xf32, #tpu.memory_space<hbm>>) dst(%arg12 : memref<128x256xf32, #tpu.memory_space<vmem>>)
    %add3A_34 = arith.constant 9984 : i32
    %add3A_35 = arith.addi %mul3A_2, %add3A_34 : i32
    %dma_start3A_36 = arith.constant 0 : i32
    %dma_start3A_37 = tpu.memref_slice %arg6[%add3A_35, %dma_start3A_36] : memref<323584x128xf32, #tpu.memory_space<hbm>> -> memref<128x128xf32, #tpu.memory_space<hbm>>
    %dma_start3A_38 = arith.constant 0 : i32
    %dma_start3A_39 = tpu.memref_slice %arg6[%add3A_35, %dma_start3A_38] : memref<323584x128xf32, #tpu.memory_space<hbm>> -> memref<128x128xf32, #tpu.memory_space<hbm>>
    tpu.enqueue_dma source(%arg10 : memref<128x128xf32, #tpu.memory_space<vmem>>) target(%dma_start3A_39 : memref<128x128xf32, #tpu.memory_space<hbm>>) target_semaphore(%arg16 : memref<!tpu.dma_semaphore, #tpu.memory_space<semaphore_mem>>)
    %dma_start3A_40 = arith.constant 0 : i32
    %dma_start3A_41 = tpu.memref_slice %arg7[%add3A_35, %dma_start3A_40] : memref<323584x256xf32, #tpu.memory_space<hbm>> -> memref<128x256xf32, #tpu.memory_space<hbm>>
    %dma_start3A_42 = arith.constant 0 : i32
    %dma_start3A_43 = tpu.memref_slice %arg7[%add3A_35, %dma_start3A_42] : memref<323584x256xf32, #tpu.memory_space<hbm>> -> memref<128x256xf32, #tpu.memory_space<hbm>>
    tpu.enqueue_dma source(%arg12 : memref<128x256xf32, #tpu.memory_space<vmem>>) target(%dma_start3A_43 : memref<128x256xf32, #tpu.memory_space<hbm>>) target_semaphore(%arg16 : memref<!tpu.dma_semaphore, #tpu.memory_space<semaphore_mem>>)
    %dma_wait3A_44 = arith.constant 0 : i32
    %dma_wait3A_45 = arith.constant 0 : i32
    %dma_wait3A_46 = tpu.memref_slice %arg6[%dma_wait3A_44, %dma_wait3A_45] : memref<323584x128xf32, #tpu.memory_space<hbm>> -> memref<128x128xf32, #tpu.memory_space<hbm>>
    %dma_wait3A_47 = arith.constant 0 : i32
    %dma_wait3A_48 = arith.constant 0 : i32
    %dma_wait3A_49 = tpu.memref_slice %arg6[%dma_wait3A_47, %dma_wait3A_48] : memref<323584x128xf32, #tpu.memory_space<hbm>> -> memref<128x128xf32, #tpu.memory_space<hbm>>
    tpu.wait_dma2 semaphore(%arg16 : memref<!tpu.dma_semaphore, #tpu.memory_space<semaphore_mem>>) src(%arg10 : memref<128x128xf32, #tpu.memory_space<vmem>>) dst(%dma_wait3A_49 : memref<128x128xf32, #tpu.memory_space<hbm>>)
    %dma_wait3A_50 = arith.constant 0 : i32
    %dma_wait3A_51 = arith.constant 0 : i32
    %dma_wait3A_52 = tpu.memref_slice %arg7[%dma_wait3A_50, %dma_wait3A_51] : memref<323584x256xf32, #tpu.memory_space<hbm>> -> memref<128x256xf32, #tpu.memory_space<hbm>>
    %dma_wait3A_53 = arith.constant 0 : i32
    %dma_wait3A_54 = arith.constant 0 : i32
    %dma_wait3A_55 = tpu.memref_slice %arg7[%dma_wait3A_53, %dma_wait3A_54] : memref<323584x256xf32, #tpu.memory_space<hbm>> -> memref<128x256xf32, #tpu.memory_space<hbm>>
    tpu.wait_dma2 semaphore(%arg16 : memref<!tpu.dma_semaphore, #tpu.memory_space<semaphore_mem>>) src(%arg12 : memref<128x256xf32, #tpu.memory_space<vmem>>) dst(%dma_wait3A_55 : memref<128x256xf32, #tpu.memory_space<hbm>>)
    return
  }
}

#map = affine_map<(d0, d1) -> (0, 0)>
#map1 = affine_map<(d0, d1) -> (0, 0, 0)>
module attributes {stable_mosaic.version = 14 : i64} {
  func.func @k(%arg0: i32, %arg1: i32, %arg2: memref<323584x128xf32, #tpu.memory_space<hbm>>, %arg3: memref<323584x128xf32, #tpu.memory_space<hbm>>, %arg4: memref<32x79x128xi32, #tpu.memory_space<hbm>>, %arg5: memref<640x128xf32, #tpu.memory_space<hbm>>, %arg6: memref<2x10240x128xf32, #tpu.memory_space<hbm>>, %arg7: memref<2x10240x128xf32, #tpu.memory_space<hbm>>, %arg8: memref<79x128xi32, #tpu.memory_space<vmem>>, %arg9: memref<128x128xf32, #tpu.memory_space<vmem>>, %arg10: memref<128x128xf32, #tpu.memory_space<vmem>>, %arg11: memref<10240x128xf32, #tpu.memory_space<vmem_shared>>, %arg12: memref<!tpu.dma_semaphore, #tpu.memory_space<semaphore_mem>>, %arg13: memref<!tpu.dma_semaphore, #tpu.memory_space<semaphore_mem>>, %arg14: memref<!tpu.dma_semaphore, #tpu.memory_space<semaphore_mem>>, %arg15: memref<!tpu.dma_semaphore, #tpu.memory_space<semaphore_mem>>) attributes {dimension_semantics = [#tpu.dimension_semantics<core_parallel>, #tpu.dimension_semantics<subcore_parallel>], iteration_bounds = array<i64: 2, 16>, scalar_prefetch = 0 : i64, scratch_operands = 8 : i64, tpu.core_type = #tpu.core_type<sc_vector_subcore>, window_params = [{transform_indices = #map}, {transform_indices = #map}, {transform_indices = #map1}, {transform_indices = #map}, {transform_indices = #map1}, {transform_indices = #map1}]} {
    %mul3A = arith.constant 2 : i32
    %mul3A_0 = arith.muli %arg1, %mul3A : i32
    %add3A = arith.addi %mul3A_0, %arg0 : i32
    %mul3A_1 = arith.constant 640 : i32
    %mul3A_2 = arith.muli %arg1, %mul3A_1 : i32
    "tpu.region"() ({
      %run_scoped3A = tpu.sem_alloc : memref<!tpu.dma_semaphore, #tpu.memory_space<semaphore_mem>>
      %dma_start3A_71 = arith.constant 0 : i32
      %dma_start3A_72 = arith.constant 0 : i32
      %dma_start3A_73 = tpu.memref_slice %arg4[%add3A, %dma_start3A_71, %dma_start3A_72] : memref<32x79x128xi32, #tpu.memory_space<hbm>> -> memref<1x79x128xi32, #tpu.memory_space<hbm>>
      %dma_start3A_74 = tpu.memref_squeeze %dma_start3A_73 : memref<1x79x128xi32, #tpu.memory_space<hbm>> -> memref<79x128xi32, #tpu.memory_space<hbm>>
      %dma_start3A_75 = arith.constant 0 : i32
      %dma_start3A_76 = arith.constant 0 : i32
      %dma_start3A_77 = tpu.memref_slice %arg4[%add3A, %dma_start3A_75, %dma_start3A_76] : memref<32x79x128xi32, #tpu.memory_space<hbm>> -> memref<1x79x128xi32, #tpu.memory_space<hbm>>
      %dma_start3A_78 = tpu.memref_squeeze %dma_start3A_77 : memref<1x79x128xi32, #tpu.memory_space<hbm>> -> memref<79x128xi32, #tpu.memory_space<hbm>>
      tpu.enqueue_dma source(%dma_start3A_78 : memref<79x128xi32, #tpu.memory_space<hbm>>) target(%arg8 : memref<79x128xi32, #tpu.memory_space<vmem>>) target_semaphore(%run_scoped3A : memref<!tpu.dma_semaphore, #tpu.memory_space<semaphore_mem>>)
      %dma_wait3A_79 = arith.constant 0 : i32
      %dma_wait3A_80 = arith.constant 0 : i32
      %dma_wait3A_81 = tpu.memref_slice %arg4[%add3A, %dma_wait3A_79, %dma_wait3A_80] : memref<32x79x128xi32, #tpu.memory_space<hbm>> -> memref<1x79x128xi32, #tpu.memory_space<hbm>>
      %dma_wait3A_82 = tpu.memref_squeeze %dma_wait3A_81 : memref<1x79x128xi32, #tpu.memory_space<hbm>> -> memref<79x128xi32, #tpu.memory_space<hbm>>
      %dma_wait3A_83 = arith.constant 0 : i32
      %dma_wait3A_84 = arith.constant 0 : i32
      %dma_wait3A_85 = tpu.memref_slice %arg4[%add3A, %dma_wait3A_83, %dma_wait3A_84] : memref<32x79x128xi32, #tpu.memory_space<hbm>> -> memref<1x79x128xi32, #tpu.memory_space<hbm>>
      %dma_wait3A_86 = tpu.memref_squeeze %dma_wait3A_85 : memref<1x79x128xi32, #tpu.memory_space<hbm>> -> memref<79x128xi32, #tpu.memory_space<hbm>>
      tpu.wait_dma2 semaphore(%run_scoped3A : memref<!tpu.dma_semaphore, #tpu.memory_space<semaphore_mem>>) src(%dma_wait3A_86 : memref<79x128xi32, #tpu.memory_space<hbm>>) dst(%arg8 : memref<79x128xi32, #tpu.memory_space<vmem>>)
      tpu.yield
    }) : () -> ()
    "tpu.region"() ({
      %run_scoped3A = tpu.sem_alloc : memref<!tpu.dma_semaphore, #tpu.memory_space<semaphore_mem>>
      %dma_start3A_71 = arith.constant 0 : i32
      %dma_start3A_72 = tpu.memref_slice %arg11[%mul3A_2, %dma_start3A_71] : memref<10240x128xf32, #tpu.memory_space<vmem_shared>> -> memref<640x128xf32, #tpu.memory_space<vmem_shared>>
      tpu.enqueue_dma source(%arg5 : memref<640x128xf32, #tpu.memory_space<hbm>>) target(%dma_start3A_72 : memref<640x128xf32, #tpu.memory_space<vmem_shared>>) target_semaphore(%run_scoped3A : memref<!tpu.dma_semaphore, #tpu.memory_space<semaphore_mem>>)
      %dma_wait3A_73 = arith.constant 0 : i32
      %dma_wait3A_74 = tpu.memref_slice %arg11[%mul3A_2, %dma_wait3A_73] : memref<10240x128xf32, #tpu.memory_space<vmem_shared>> -> memref<640x128xf32, #tpu.memory_space<vmem_shared>>
      tpu.wait_dma2 semaphore(%run_scoped3A : memref<!tpu.dma_semaphore, #tpu.memory_space<semaphore_mem>>) src(%arg5 : memref<640x128xf32, #tpu.memory_space<hbm>>) dst(%dma_wait3A_74 : memref<640x128xf32, #tpu.memory_space<vmem_shared>>)
      tpu.yield
    }) : () -> ()
    %barrier3A = arith.constant 0 : index
    tpu.barrier barrier_id(%barrier3A)
    %mul3A_3 = arith.constant 10112 : i32
    %mul3A_4 = arith.muli %add3A, %mul3A_3 : i32
    %add3A_5 = arith.constant 0 : i32
    %add3A_6 = arith.addi %mul3A_4, %add3A_5 : i32
    %dma_start3A = arith.constant 0 : i32
    %dma_start3A_7 = tpu.memref_slice %arg2[%add3A_6, %dma_start3A] : memref<323584x128xf32, #tpu.memory_space<hbm>> -> memref<128x128xf32, #tpu.memory_space<hbm>>
    %dma_start3A_8 = arith.constant 0 : i32
    %dma_start3A_9 = tpu.memref_slice %arg2[%add3A_6, %dma_start3A_8] : memref<323584x128xf32, #tpu.memory_space<hbm>> -> memref<128x128xf32, #tpu.memory_space<hbm>>
    tpu.enqueue_dma source(%dma_start3A_9 : memref<128x128xf32, #tpu.memory_space<hbm>>) target(%arg9 : memref<128x128xf32, #tpu.memory_space<vmem>>) target_semaphore(%arg12 : memref<!tpu.dma_semaphore, #tpu.memory_space<semaphore_mem>>)
    %scan3A = arith.constant 0 : i32
    %scan3A_10 = arith.constant 0 : i32
    %scan3A_11 = arith.constant 39 : i32
    %scan3A_12 = arith.addi %scan3A_10, %scan3A_11 : i32
    %scan3A_13 = arith.constant 1 : i32
    scf.for %scan3A_71 = %scan3A_10 to %scan3A_12 step %scan3A_13  : i32 {
      %mul3A_72 = arith.constant 2 : i32
      %mul3A_73 = arith.muli %mul3A_72, %scan3A_71 : i32
      %add3A_74 = arith.constant 1 : i32
      %add3A_75 = arith.addi %mul3A_73, %add3A_74 : i32
      %mul3A_76 = arith.constant 10112 : i32
      %mul3A_77 = arith.muli %add3A, %mul3A_76 : i32
      %mul3A_78 = arith.constant 128 : i32
      %mul3A_79 = arith.muli %add3A_75, %mul3A_78 : i32
      %add3A_80 = arith.addi %mul3A_77, %mul3A_79 : i32
      %dma_start3A_81 = arith.constant 0 : i32
      %dma_start3A_82 = tpu.memref_slice %arg2[%add3A_80, %dma_start3A_81] : memref<323584x128xf32, #tpu.memory_space<hbm>> -> memref<128x128xf32, #tpu.memory_space<hbm>>
      %dma_start3A_83 = arith.constant 0 : i32
      %dma_start3A_84 = tpu.memref_slice %arg2[%add3A_80, %dma_start3A_83] : memref<323584x128xf32, #tpu.memory_space<hbm>> -> memref<128x128xf32, #tpu.memory_space<hbm>>
      tpu.enqueue_dma source(%dma_start3A_84 : memref<128x128xf32, #tpu.memory_space<hbm>>) target(%arg10 : memref<128x128xf32, #tpu.memory_space<vmem>>) target_semaphore(%arg13 : memref<!tpu.dma_semaphore, #tpu.memory_space<semaphore_mem>>)
      %dma_wait3A_85 = arith.constant 0 : i32
      %dma_wait3A_86 = arith.constant 0 : i32
      %dma_wait3A_87 = tpu.memref_slice %arg2[%dma_wait3A_85, %dma_wait3A_86] : memref<323584x128xf32, #tpu.memory_space<hbm>> -> memref<128x128xf32, #tpu.memory_space<hbm>>
      %dma_wait3A_88 = arith.constant 0 : i32
      %dma_wait3A_89 = arith.constant 0 : i32
      %dma_wait3A_90 = tpu.memref_slice %arg2[%dma_wait3A_88, %dma_wait3A_89] : memref<323584x128xf32, #tpu.memory_space<hbm>> -> memref<128x128xf32, #tpu.memory_space<hbm>>
      tpu.wait_dma2 semaphore(%arg12 : memref<!tpu.dma_semaphore, #tpu.memory_space<semaphore_mem>>) src(%dma_wait3A_90 : memref<128x128xf32, #tpu.memory_space<hbm>>) dst(%arg9 : memref<128x128xf32, #tpu.memory_space<vmem>>)
      %dma_start3A_91 = arith.constant 0 : i32
      %dma_start3A_92 = tpu.memref_slice %arg8[%mul3A_73, %dma_start3A_91] : memref<79x128xi32, #tpu.memory_space<vmem>> -> memref<1x128xi32, #tpu.memory_space<vmem>>
      %dma_start3A_93 = tpu.memref_squeeze %dma_start3A_92 : memref<1x128xi32, #tpu.memory_space<vmem>> -> memref<128xi32, #tpu.memory_space<vmem>>
      %dma_start3A_94 = arith.constant 0 : i32
      %dma_start3A_95 = arith.constant 0 : i32
      %dma_start3A_96 = tpu.memref_slice %arg11[%dma_start3A_94, %dma_start3A_95] : memref<10240x128xf32, #tpu.memory_space<vmem_shared>> -> memref<10240x128xf32, #tpu.memory_space<vmem_shared>>
      tpu.enqueue_indirect_dma source(%arg9 : memref<128x128xf32, #tpu.memory_space<vmem>>) target(%dma_start3A_96 : memref<10240x128xf32, #tpu.memory_space<vmem_shared>>) offsets(%dma_start3A_93 : memref<128xi32, #tpu.memory_space<vmem>>) semaphore(%arg14 : memref<!tpu.dma_semaphore, #tpu.memory_space<semaphore_mem>>) {add = true}
      %dma_wait3A_97 = arith.constant 0 : i32
      %dma_wait3A_98 = arith.constant 0 : i32
      %dma_wait3A_99 = tpu.memref_slice %arg2[%dma_wait3A_97, %dma_wait3A_98] : memref<323584x128xf32, #tpu.memory_space<hbm>> -> memref<128x128xf32, #tpu.memory_space<hbm>>
      %dma_wait3A_100 = arith.constant 0 : i32
      %dma_wait3A_101 = arith.constant 0 : i32
      %dma_wait3A_102 = tpu.memref_slice %arg2[%dma_wait3A_100, %dma_wait3A_101] : memref<323584x128xf32, #tpu.memory_space<hbm>> -> memref<128x128xf32, #tpu.memory_space<hbm>>
      tpu.wait_dma2 semaphore(%arg13 : memref<!tpu.dma_semaphore, #tpu.memory_space<semaphore_mem>>) src(%dma_wait3A_102 : memref<128x128xf32, #tpu.memory_space<hbm>>) dst(%arg10 : memref<128x128xf32, #tpu.memory_space<vmem>>)
      %add3A_103 = arith.constant 1 : i32
      %add3A_104 = arith.addi %mul3A_73, %add3A_103 : i32
      %dma_start3A_105 = arith.constant 0 : i32
      %dma_start3A_106 = tpu.memref_slice %arg8[%add3A_104, %dma_start3A_105] : memref<79x128xi32, #tpu.memory_space<vmem>> -> memref<1x128xi32, #tpu.memory_space<vmem>>
      %dma_start3A_107 = tpu.memref_squeeze %dma_start3A_106 : memref<1x128xi32, #tpu.memory_space<vmem>> -> memref<128xi32, #tpu.memory_space<vmem>>
      %dma_start3A_108 = arith.constant 0 : i32
      %dma_start3A_109 = arith.constant 0 : i32
      %dma_start3A_110 = tpu.memref_slice %arg11[%dma_start3A_108, %dma_start3A_109] : memref<10240x128xf32, #tpu.memory_space<vmem_shared>> -> memref<10240x128xf32, #tpu.memory_space<vmem_shared>>
      tpu.enqueue_indirect_dma source(%arg10 : memref<128x128xf32, #tpu.memory_space<vmem>>) target(%dma_start3A_110 : memref<10240x128xf32, #tpu.memory_space<vmem_shared>>) offsets(%dma_start3A_107 : memref<128xi32, #tpu.memory_space<vmem>>) semaphore(%arg15 : memref<!tpu.dma_semaphore, #tpu.memory_space<semaphore_mem>>) {add = true}
      %dma_wait3A_111 = arith.constant 0 : i32
      %dma_wait3A_112 = arith.constant 0 : i32
      %dma_wait3A_113 = tpu.memref_slice %arg8[%dma_wait3A_111, %dma_wait3A_112] : memref<79x128xi32, #tpu.memory_space<vmem>> -> memref<1x128xi32, #tpu.memory_space<vmem>>
      %dma_wait3A_114 = tpu.memref_squeeze %dma_wait3A_113 : memref<1x128xi32, #tpu.memory_space<vmem>> -> memref<128xi32, #tpu.memory_space<vmem>>
      %dma_wait3A_115 = arith.constant 0 : i32
      %dma_wait3A_116 = arith.constant 0 : i32
      %dma_wait3A_117 = tpu.memref_slice %arg11[%dma_wait3A_115, %dma_wait3A_116] : memref<10240x128xf32, #tpu.memory_space<vmem_shared>> -> memref<10240x128xf32, #tpu.memory_space<vmem_shared>>
      tpu.wait_indirect_dma semaphore(%arg14 : memref<!tpu.dma_semaphore, #tpu.memory_space<semaphore_mem>>) src(%arg9 : memref<128x128xf32, #tpu.memory_space<vmem>>) dst(%dma_wait3A_117 : memref<10240x128xf32, #tpu.memory_space<vmem_shared>>)
      %add3A_118 = arith.constant 2 : i32
      %add3A_119 = arith.addi %mul3A_73, %add3A_118 : i32
      %mul3A_120 = arith.constant 10112 : i32
      %mul3A_121 = arith.muli %add3A, %mul3A_120 : i32
      %mul3A_122 = arith.constant 128 : i32
      %mul3A_123 = arith.muli %add3A_119, %mul3A_122 : i32
      %add3A_124 = arith.addi %mul3A_121, %mul3A_123 : i32
      %dma_start3A_125 = arith.constant 0 : i32
      %dma_start3A_126 = tpu.memref_slice %arg2[%add3A_124, %dma_start3A_125] : memref<323584x128xf32, #tpu.memory_space<hbm>> -> memref<128x128xf32, #tpu.memory_space<hbm>>
      %dma_start3A_127 = arith.constant 0 : i32
      %dma_start3A_128 = tpu.memref_slice %arg2[%add3A_124, %dma_start3A_127] : memref<323584x128xf32, #tpu.memory_space<hbm>> -> memref<128x128xf32, #tpu.memory_space<hbm>>
      tpu.enqueue_dma source(%dma_start3A_128 : memref<128x128xf32, #tpu.memory_space<hbm>>) target(%arg9 : memref<128x128xf32, #tpu.memory_space<vmem>>) target_semaphore(%arg12 : memref<!tpu.dma_semaphore, #tpu.memory_space<semaphore_mem>>)
      %dma_wait3A_129 = arith.constant 0 : i32
      %dma_wait3A_130 = arith.constant 0 : i32
      %dma_wait3A_131 = tpu.memref_slice %arg8[%dma_wait3A_129, %dma_wait3A_130] : memref<79x128xi32, #tpu.memory_space<vmem>> -> memref<1x128xi32, #tpu.memory_space<vmem>>
      %dma_wait3A_132 = tpu.memref_squeeze %dma_wait3A_131 : memref<1x128xi32, #tpu.memory_space<vmem>> -> memref<128xi32, #tpu.memory_space<vmem>>
      %dma_wait3A_133 = arith.constant 0 : i32
      %dma_wait3A_134 = arith.constant 0 : i32
      %dma_wait3A_135 = tpu.memref_slice %arg11[%dma_wait3A_133, %dma_wait3A_134] : memref<10240x128xf32, #tpu.memory_space<vmem_shared>> -> memref<10240x128xf32, #tpu.memory_space<vmem_shared>>
      tpu.wait_indirect_dma semaphore(%arg15 : memref<!tpu.dma_semaphore, #tpu.memory_space<semaphore_mem>>) src(%arg10 : memref<128x128xf32, #tpu.memory_space<vmem>>) dst(%dma_wait3A_135 : memref<10240x128xf32, #tpu.memory_space<vmem_shared>>)
    }
    %scan3A_14 = arith.constant 39 : i32
    %dma_wait3A = arith.constant 0 : i32
    %dma_wait3A_15 = arith.constant 0 : i32
    %dma_wait3A_16 = tpu.memref_slice %arg2[%dma_wait3A, %dma_wait3A_15] : memref<323584x128xf32, #tpu.memory_space<hbm>> -> memref<128x128xf32, #tpu.memory_space<hbm>>
    %dma_wait3A_17 = arith.constant 0 : i32
    %dma_wait3A_18 = arith.constant 0 : i32
    %dma_wait3A_19 = tpu.memref_slice %arg2[%dma_wait3A_17, %dma_wait3A_18] : memref<323584x128xf32, #tpu.memory_space<hbm>> -> memref<128x128xf32, #tpu.memory_space<hbm>>
    tpu.wait_dma2 semaphore(%arg12 : memref<!tpu.dma_semaphore, #tpu.memory_space<semaphore_mem>>) src(%dma_wait3A_19 : memref<128x128xf32, #tpu.memory_space<hbm>>) dst(%arg9 : memref<128x128xf32, #tpu.memory_space<vmem>>)
    %dma_start3A_20 = arith.constant 78 : i32
    %dma_start3A_21 = arith.constant 0 : i32
    %dma_start3A_22 = tpu.memref_slice %arg8[%dma_start3A_20, %dma_start3A_21] : memref<79x128xi32, #tpu.memory_space<vmem>> -> memref<1x128xi32, #tpu.memory_space<vmem>>
    %dma_start3A_23 = tpu.memref_squeeze %dma_start3A_22 : memref<1x128xi32, #tpu.memory_space<vmem>> -> memref<128xi32, #tpu.memory_space<vmem>>
    %dma_start3A_24 = arith.constant 0 : i32
    %dma_start3A_25 = arith.constant 0 : i32
    %dma_start3A_26 = tpu.memref_slice %arg11[%dma_start3A_24, %dma_start3A_25] : memref<10240x128xf32, #tpu.memory_space<vmem_shared>> -> memref<10240x128xf32, #tpu.memory_space<vmem_shared>>
    tpu.enqueue_indirect_dma source(%arg9 : memref<128x128xf32, #tpu.memory_space<vmem>>) target(%dma_start3A_26 : memref<10240x128xf32, #tpu.memory_space<vmem_shared>>) offsets(%dma_start3A_23 : memref<128xi32, #tpu.memory_space<vmem>>) semaphore(%arg14 : memref<!tpu.dma_semaphore, #tpu.memory_space<semaphore_mem>>) {add = true}
    %dma_wait3A_27 = arith.constant 0 : i32
    %dma_wait3A_28 = arith.constant 0 : i32
    %dma_wait3A_29 = tpu.memref_slice %arg8[%dma_wait3A_27, %dma_wait3A_28] : memref<79x128xi32, #tpu.memory_space<vmem>> -> memref<1x128xi32, #tpu.memory_space<vmem>>
    %dma_wait3A_30 = tpu.memref_squeeze %dma_wait3A_29 : memref<1x128xi32, #tpu.memory_space<vmem>> -> memref<128xi32, #tpu.memory_space<vmem>>
    %dma_wait3A_31 = arith.constant 0 : i32
    %dma_wait3A_32 = arith.constant 0 : i32
    %dma_wait3A_33 = tpu.memref_slice %arg11[%dma_wait3A_31, %dma_wait3A_32] : memref<10240x128xf32, #tpu.memory_space<vmem_shared>> -> memref<10240x128xf32, #tpu.memory_space<vmem_shared>>
    tpu.wait_indirect_dma semaphore(%arg14 : memref<!tpu.dma_semaphore, #tpu.memory_space<semaphore_mem>>) src(%arg9 : memref<128x128xf32, #tpu.memory_space<vmem>>) dst(%dma_wait3A_33 : memref<10240x128xf32, #tpu.memory_space<vmem_shared>>)
    %barrier3A_34 = arith.constant 0 : index
    tpu.barrier barrier_id(%barrier3A_34)
    "tpu.region"() ({
      %run_scoped3A = tpu.sem_alloc : memref<!tpu.dma_semaphore, #tpu.memory_space<semaphore_mem>>
      %dma_start3A_71 = arith.constant 0 : i32
      %dma_start3A_72 = tpu.memref_slice %arg6[%arg0, %mul3A_2, %dma_start3A_71] : memref<2x10240x128xf32, #tpu.memory_space<hbm>> -> memref<1x640x128xf32, #tpu.memory_space<hbm>>
      %dma_start3A_73 = tpu.memref_squeeze %dma_start3A_72 : memref<1x640x128xf32, #tpu.memory_space<hbm>> -> memref<640x128xf32, #tpu.memory_space<hbm>>
      %dma_start3A_74 = arith.constant 0 : i32
      %dma_start3A_75 = tpu.memref_slice %arg11[%mul3A_2, %dma_start3A_74] : memref<10240x128xf32, #tpu.memory_space<vmem_shared>> -> memref<640x128xf32, #tpu.memory_space<vmem_shared>>
      tpu.enqueue_dma source(%dma_start3A_75 : memref<640x128xf32, #tpu.memory_space<vmem_shared>>) target(%dma_start3A_73 : memref<640x128xf32, #tpu.memory_space<hbm>>) target_semaphore(%run_scoped3A : memref<!tpu.dma_semaphore, #tpu.memory_space<semaphore_mem>>)
      %dma_wait3A_76 = arith.constant 0 : i32
      %dma_wait3A_77 = tpu.memref_slice %arg6[%arg0, %mul3A_2, %dma_wait3A_76] : memref<2x10240x128xf32, #tpu.memory_space<hbm>> -> memref<1x640x128xf32, #tpu.memory_space<hbm>>
      %dma_wait3A_78 = tpu.memref_squeeze %dma_wait3A_77 : memref<1x640x128xf32, #tpu.memory_space<hbm>> -> memref<640x128xf32, #tpu.memory_space<hbm>>
      %dma_wait3A_79 = arith.constant 0 : i32
      %dma_wait3A_80 = tpu.memref_slice %arg11[%mul3A_2, %dma_wait3A_79] : memref<10240x128xf32, #tpu.memory_space<vmem_shared>> -> memref<640x128xf32, #tpu.memory_space<vmem_shared>>
      tpu.wait_dma2 semaphore(%run_scoped3A : memref<!tpu.dma_semaphore, #tpu.memory_space<semaphore_mem>>) src(%dma_wait3A_80 : memref<640x128xf32, #tpu.memory_space<vmem_shared>>) dst(%dma_wait3A_78 : memref<640x128xf32, #tpu.memory_space<hbm>>)
      tpu.yield
    }) : () -> ()
    "tpu.region"() ({
      %run_scoped3A = tpu.sem_alloc : memref<!tpu.dma_semaphore, #tpu.memory_space<semaphore_mem>>
      %dma_start3A_71 = arith.constant 0 : i32
      %dma_start3A_72 = tpu.memref_slice %arg11[%mul3A_2, %dma_start3A_71] : memref<10240x128xf32, #tpu.memory_space<vmem_shared>> -> memref<640x128xf32, #tpu.memory_space<vmem_shared>>
      tpu.enqueue_dma source(%arg5 : memref<640x128xf32, #tpu.memory_space<hbm>>) target(%dma_start3A_72 : memref<640x128xf32, #tpu.memory_space<vmem_shared>>) target_semaphore(%run_scoped3A : memref<!tpu.dma_semaphore, #tpu.memory_space<semaphore_mem>>)
      %dma_wait3A_73 = arith.constant 0 : i32
      %dma_wait3A_74 = tpu.memref_slice %arg11[%mul3A_2, %dma_wait3A_73] : memref<10240x128xf32, #tpu.memory_space<vmem_shared>> -> memref<640x128xf32, #tpu.memory_space<vmem_shared>>
      tpu.wait_dma2 semaphore(%run_scoped3A : memref<!tpu.dma_semaphore, #tpu.memory_space<semaphore_mem>>) src(%arg5 : memref<640x128xf32, #tpu.memory_space<hbm>>) dst(%dma_wait3A_74 : memref<640x128xf32, #tpu.memory_space<vmem_shared>>)
      tpu.yield
    }) : () -> ()
    %barrier3A_35 = arith.constant 0 : index
    tpu.barrier barrier_id(%barrier3A_35)
    %mul3A_36 = arith.constant 10112 : i32
    %mul3A_37 = arith.muli %add3A, %mul3A_36 : i32
    %add3A_38 = arith.constant 0 : i32
    %add3A_39 = arith.addi %mul3A_37, %add3A_38 : i32
    %dma_start3A_40 = arith.constant 0 : i32
    %dma_start3A_41 = tpu.memref_slice %arg3[%add3A_39, %dma_start3A_40] : memref<323584x128xf32, #tpu.memory_space<hbm>> -> memref<128x128xf32, #tpu.memory_space<hbm>>
    %dma_start3A_42 = arith.constant 0 : i32
    %dma_start3A_43 = tpu.memref_slice %arg3[%add3A_39, %dma_start3A_42] : memref<323584x128xf32, #tpu.memory_space<hbm>> -> memref<128x128xf32, #tpu.memory_space<hbm>>
    tpu.enqueue_dma source(%dma_start3A_43 : memref<128x128xf32, #tpu.memory_space<hbm>>) target(%arg9 : memref<128x128xf32, #tpu.memory_space<vmem>>) target_semaphore(%arg12 : memref<!tpu.dma_semaphore, #tpu.memory_space<semaphore_mem>>)
    %scan3A_44 = arith.constant 0 : i32
    %scan3A_45 = arith.constant 0 : i32
    %scan3A_46 = arith.constant 39 : i32
    %scan3A_47 = arith.addi %scan3A_45, %scan3A_46 : i32
    %scan3A_48 = arith.constant 1 : i32
    scf.for %scan3A_71 = %scan3A_45 to %scan3A_47 step %scan3A_48  : i32 {
      %mul3A_72 = arith.constant 2 : i32
      %mul3A_73 = arith.muli %mul3A_72, %scan3A_71 : i32
      %add3A_74 = arith.constant 1 : i32
      %add3A_75 = arith.addi %mul3A_73, %add3A_74 : i32
      %mul3A_76 = arith.constant 10112 : i32
      %mul3A_77 = arith.muli %add3A, %mul3A_76 : i32
      %mul3A_78 = arith.constant 128 : i32
      %mul3A_79 = arith.muli %add3A_75, %mul3A_78 : i32
      %add3A_80 = arith.addi %mul3A_77, %mul3A_79 : i32
      %dma_start3A_81 = arith.constant 0 : i32
      %dma_start3A_82 = tpu.memref_slice %arg3[%add3A_80, %dma_start3A_81] : memref<323584x128xf32, #tpu.memory_space<hbm>> -> memref<128x128xf32, #tpu.memory_space<hbm>>
      %dma_start3A_83 = arith.constant 0 : i32
      %dma_start3A_84 = tpu.memref_slice %arg3[%add3A_80, %dma_start3A_83] : memref<323584x128xf32, #tpu.memory_space<hbm>> -> memref<128x128xf32, #tpu.memory_space<hbm>>
      tpu.enqueue_dma source(%dma_start3A_84 : memref<128x128xf32, #tpu.memory_space<hbm>>) target(%arg10 : memref<128x128xf32, #tpu.memory_space<vmem>>) target_semaphore(%arg13 : memref<!tpu.dma_semaphore, #tpu.memory_space<semaphore_mem>>)
      %dma_wait3A_85 = arith.constant 0 : i32
      %dma_wait3A_86 = arith.constant 0 : i32
      %dma_wait3A_87 = tpu.memref_slice %arg3[%dma_wait3A_85, %dma_wait3A_86] : memref<323584x128xf32, #tpu.memory_space<hbm>> -> memref<128x128xf32, #tpu.memory_space<hbm>>
      %dma_wait3A_88 = arith.constant 0 : i32
      %dma_wait3A_89 = arith.constant 0 : i32
      %dma_wait3A_90 = tpu.memref_slice %arg3[%dma_wait3A_88, %dma_wait3A_89] : memref<323584x128xf32, #tpu.memory_space<hbm>> -> memref<128x128xf32, #tpu.memory_space<hbm>>
      tpu.wait_dma2 semaphore(%arg12 : memref<!tpu.dma_semaphore, #tpu.memory_space<semaphore_mem>>) src(%dma_wait3A_90 : memref<128x128xf32, #tpu.memory_space<hbm>>) dst(%arg9 : memref<128x128xf32, #tpu.memory_space<vmem>>)
      %dma_start3A_91 = arith.constant 0 : i32
      %dma_start3A_92 = tpu.memref_slice %arg8[%mul3A_73, %dma_start3A_91] : memref<79x128xi32, #tpu.memory_space<vmem>> -> memref<1x128xi32, #tpu.memory_space<vmem>>
      %dma_start3A_93 = tpu.memref_squeeze %dma_start3A_92 : memref<1x128xi32, #tpu.memory_space<vmem>> -> memref<128xi32, #tpu.memory_space<vmem>>
      %dma_start3A_94 = arith.constant 0 : i32
      %dma_start3A_95 = arith.constant 0 : i32
      %dma_start3A_96 = tpu.memref_slice %arg11[%dma_start3A_94, %dma_start3A_95] : memref<10240x128xf32, #tpu.memory_space<vmem_shared>> -> memref<10240x128xf32, #tpu.memory_space<vmem_shared>>
      tpu.enqueue_indirect_dma source(%arg9 : memref<128x128xf32, #tpu.memory_space<vmem>>) target(%dma_start3A_96 : memref<10240x128xf32, #tpu.memory_space<vmem_shared>>) offsets(%dma_start3A_93 : memref<128xi32, #tpu.memory_space<vmem>>) semaphore(%arg14 : memref<!tpu.dma_semaphore, #tpu.memory_space<semaphore_mem>>) {add = true}
      %dma_wait3A_97 = arith.constant 0 : i32
      %dma_wait3A_98 = arith.constant 0 : i32
      %dma_wait3A_99 = tpu.memref_slice %arg3[%dma_wait3A_97, %dma_wait3A_98] : memref<323584x128xf32, #tpu.memory_space<hbm>> -> memref<128x128xf32, #tpu.memory_space<hbm>>
      %dma_wait3A_100 = arith.constant 0 : i32
      %dma_wait3A_101 = arith.constant 0 : i32
      %dma_wait3A_102 = tpu.memref_slice %arg3[%dma_wait3A_100, %dma_wait3A_101] : memref<323584x128xf32, #tpu.memory_space<hbm>> -> memref<128x128xf32, #tpu.memory_space<hbm>>
      tpu.wait_dma2 semaphore(%arg13 : memref<!tpu.dma_semaphore, #tpu.memory_space<semaphore_mem>>) src(%dma_wait3A_102 : memref<128x128xf32, #tpu.memory_space<hbm>>) dst(%arg10 : memref<128x128xf32, #tpu.memory_space<vmem>>)
      %add3A_103 = arith.constant 1 : i32
      %add3A_104 = arith.addi %mul3A_73, %add3A_103 : i32
      %dma_start3A_105 = arith.constant 0 : i32
      %dma_start3A_106 = tpu.memref_slice %arg8[%add3A_104, %dma_start3A_105] : memref<79x128xi32, #tpu.memory_space<vmem>> -> memref<1x128xi32, #tpu.memory_space<vmem>>
      %dma_start3A_107 = tpu.memref_squeeze %dma_start3A_106 : memref<1x128xi32, #tpu.memory_space<vmem>> -> memref<128xi32, #tpu.memory_space<vmem>>
      %dma_start3A_108 = arith.constant 0 : i32
      %dma_start3A_109 = arith.constant 0 : i32
      %dma_start3A_110 = tpu.memref_slice %arg11[%dma_start3A_108, %dma_start3A_109] : memref<10240x128xf32, #tpu.memory_space<vmem_shared>> -> memref<10240x128xf32, #tpu.memory_space<vmem_shared>>
      tpu.enqueue_indirect_dma source(%arg10 : memref<128x128xf32, #tpu.memory_space<vmem>>) target(%dma_start3A_110 : memref<10240x128xf32, #tpu.memory_space<vmem_shared>>) offsets(%dma_start3A_107 : memref<128xi32, #tpu.memory_space<vmem>>) semaphore(%arg15 : memref<!tpu.dma_semaphore, #tpu.memory_space<semaphore_mem>>) {add = true}
      %dma_wait3A_111 = arith.constant 0 : i32
      %dma_wait3A_112 = arith.constant 0 : i32
      %dma_wait3A_113 = tpu.memref_slice %arg8[%dma_wait3A_111, %dma_wait3A_112] : memref<79x128xi32, #tpu.memory_space<vmem>> -> memref<1x128xi32, #tpu.memory_space<vmem>>
      %dma_wait3A_114 = tpu.memref_squeeze %dma_wait3A_113 : memref<1x128xi32, #tpu.memory_space<vmem>> -> memref<128xi32, #tpu.memory_space<vmem>>
      %dma_wait3A_115 = arith.constant 0 : i32
      %dma_wait3A_116 = arith.constant 0 : i32
      %dma_wait3A_117 = tpu.memref_slice %arg11[%dma_wait3A_115, %dma_wait3A_116] : memref<10240x128xf32, #tpu.memory_space<vmem_shared>> -> memref<10240x128xf32, #tpu.memory_space<vmem_shared>>
      tpu.wait_indirect_dma semaphore(%arg14 : memref<!tpu.dma_semaphore, #tpu.memory_space<semaphore_mem>>) src(%arg9 : memref<128x128xf32, #tpu.memory_space<vmem>>) dst(%dma_wait3A_117 : memref<10240x128xf32, #tpu.memory_space<vmem_shared>>)
      %add3A_118 = arith.constant 2 : i32
      %add3A_119 = arith.addi %mul3A_73, %add3A_118 : i32
      %mul3A_120 = arith.constant 10112 : i32
      %mul3A_121 = arith.muli %add3A, %mul3A_120 : i32
      %mul3A_122 = arith.constant 128 : i32
      %mul3A_123 = arith.muli %add3A_119, %mul3A_122 : i32
      %add3A_124 = arith.addi %mul3A_121, %mul3A_123 : i32
      %dma_start3A_125 = arith.constant 0 : i32
      %dma_start3A_126 = tpu.memref_slice %arg3[%add3A_124, %dma_start3A_125] : memref<323584x128xf32, #tpu.memory_space<hbm>> -> memref<128x128xf32, #tpu.memory_space<hbm>>
      %dma_start3A_127 = arith.constant 0 : i32
      %dma_start3A_128 = tpu.memref_slice %arg3[%add3A_124, %dma_start3A_127] : memref<323584x128xf32, #tpu.memory_space<hbm>> -> memref<128x128xf32, #tpu.memory_space<hbm>>
      tpu.enqueue_dma source(%dma_start3A_128 : memref<128x128xf32, #tpu.memory_space<hbm>>) target(%arg9 : memref<128x128xf32, #tpu.memory_space<vmem>>) target_semaphore(%arg12 : memref<!tpu.dma_semaphore, #tpu.memory_space<semaphore_mem>>)
      %dma_wait3A_129 = arith.constant 0 : i32
      %dma_wait3A_130 = arith.constant 0 : i32
      %dma_wait3A_131 = tpu.memref_slice %arg8[%dma_wait3A_129, %dma_wait3A_130] : memref<79x128xi32, #tpu.memory_space<vmem>> -> memref<1x128xi32, #tpu.memory_space<vmem>>
      %dma_wait3A_132 = tpu.memref_squeeze %dma_wait3A_131 : memref<1x128xi32, #tpu.memory_space<vmem>> -> memref<128xi32, #tpu.memory_space<vmem>>
      %dma_wait3A_133 = arith.constant 0 : i32
      %dma_wait3A_134 = arith.constant 0 : i32
      %dma_wait3A_135 = tpu.memref_slice %arg11[%dma_wait3A_133, %dma_wait3A_134] : memref<10240x128xf32, #tpu.memory_space<vmem_shared>> -> memref<10240x128xf32, #tpu.memory_space<vmem_shared>>
      tpu.wait_indirect_dma semaphore(%arg15 : memref<!tpu.dma_semaphore, #tpu.memory_space<semaphore_mem>>) src(%arg10 : memref<128x128xf32, #tpu.memory_space<vmem>>) dst(%dma_wait3A_135 : memref<10240x128xf32, #tpu.memory_space<vmem_shared>>)
    }
    %scan3A_49 = arith.constant 39 : i32
    %dma_wait3A_50 = arith.constant 0 : i32
    %dma_wait3A_51 = arith.constant 0 : i32
    %dma_wait3A_52 = tpu.memref_slice %arg3[%dma_wait3A_50, %dma_wait3A_51] : memref<323584x128xf32, #tpu.memory_space<hbm>> -> memref<128x128xf32, #tpu.memory_space<hbm>>
    %dma_wait3A_53 = arith.constant 0 : i32
    %dma_wait3A_54 = arith.constant 0 : i32
    %dma_wait3A_55 = tpu.memref_slice %arg3[%dma_wait3A_53, %dma_wait3A_54] : memref<323584x128xf32, #tpu.memory_space<hbm>> -> memref<128x128xf32, #tpu.memory_space<hbm>>
    tpu.wait_dma2 semaphore(%arg12 : memref<!tpu.dma_semaphore, #tpu.memory_space<semaphore_mem>>) src(%dma_wait3A_55 : memref<128x128xf32, #tpu.memory_space<hbm>>) dst(%arg9 : memref<128x128xf32, #tpu.memory_space<vmem>>)
    %dma_start3A_56 = arith.constant 78 : i32
    %dma_start3A_57 = arith.constant 0 : i32
    %dma_start3A_58 = tpu.memref_slice %arg8[%dma_start3A_56, %dma_start3A_57] : memref<79x128xi32, #tpu.memory_space<vmem>> -> memref<1x128xi32, #tpu.memory_space<vmem>>
    %dma_start3A_59 = tpu.memref_squeeze %dma_start3A_58 : memref<1x128xi32, #tpu.memory_space<vmem>> -> memref<128xi32, #tpu.memory_space<vmem>>
    %dma_start3A_60 = arith.constant 0 : i32
    %dma_start3A_61 = arith.constant 0 : i32
    %dma_start3A_62 = tpu.memref_slice %arg11[%dma_start3A_60, %dma_start3A_61] : memref<10240x128xf32, #tpu.memory_space<vmem_shared>> -> memref<10240x128xf32, #tpu.memory_space<vmem_shared>>
    tpu.enqueue_indirect_dma source(%arg9 : memref<128x128xf32, #tpu.memory_space<vmem>>) target(%dma_start3A_62 : memref<10240x128xf32, #tpu.memory_space<vmem_shared>>) offsets(%dma_start3A_59 : memref<128xi32, #tpu.memory_space<vmem>>) semaphore(%arg14 : memref<!tpu.dma_semaphore, #tpu.memory_space<semaphore_mem>>) {add = true}
    %dma_wait3A_63 = arith.constant 0 : i32
    %dma_wait3A_64 = arith.constant 0 : i32
    %dma_wait3A_65 = tpu.memref_slice %arg8[%dma_wait3A_63, %dma_wait3A_64] : memref<79x128xi32, #tpu.memory_space<vmem>> -> memref<1x128xi32, #tpu.memory_space<vmem>>
    %dma_wait3A_66 = tpu.memref_squeeze %dma_wait3A_65 : memref<1x128xi32, #tpu.memory_space<vmem>> -> memref<128xi32, #tpu.memory_space<vmem>>
    %dma_wait3A_67 = arith.constant 0 : i32
    %dma_wait3A_68 = arith.constant 0 : i32
    %dma_wait3A_69 = tpu.memref_slice %arg11[%dma_wait3A_67, %dma_wait3A_68] : memref<10240x128xf32, #tpu.memory_space<vmem_shared>> -> memref<10240x128xf32, #tpu.memory_space<vmem_shared>>
    tpu.wait_indirect_dma semaphore(%arg14 : memref<!tpu.dma_semaphore, #tpu.memory_space<semaphore_mem>>) src(%arg9 : memref<128x128xf32, #tpu.memory_space<vmem>>) dst(%dma_wait3A_69 : memref<10240x128xf32, #tpu.memory_space<vmem_shared>>)
    %barrier3A_70 = arith.constant 0 : index
    tpu.barrier barrier_id(%barrier3A_70)
    "tpu.region"() ({
      %run_scoped3A = tpu.sem_alloc : memref<!tpu.dma_semaphore, #tpu.memory_space<semaphore_mem>>
      %dma_start3A_71 = arith.constant 0 : i32
      %dma_start3A_72 = tpu.memref_slice %arg7[%arg0, %mul3A_2, %dma_start3A_71] : memref<2x10240x128xf32, #tpu.memory_space<hbm>> -> memref<1x640x128xf32, #tpu.memory_space<hbm>>
      %dma_start3A_73 = tpu.memref_squeeze %dma_start3A_72 : memref<1x640x128xf32, #tpu.memory_space<hbm>> -> memref<640x128xf32, #tpu.memory_space<hbm>>
      %dma_start3A_74 = arith.constant 0 : i32
      %dma_start3A_75 = tpu.memref_slice %arg11[%mul3A_2, %dma_start3A_74] : memref<10240x128xf32, #tpu.memory_space<vmem_shared>> -> memref<640x128xf32, #tpu.memory_space<vmem_shared>>
      tpu.enqueue_dma source(%dma_start3A_75 : memref<640x128xf32, #tpu.memory_space<vmem_shared>>) target(%dma_start3A_73 : memref<640x128xf32, #tpu.memory_space<hbm>>) target_semaphore(%run_scoped3A : memref<!tpu.dma_semaphore, #tpu.memory_space<semaphore_mem>>)
      %dma_wait3A_76 = arith.constant 0 : i32
      %dma_wait3A_77 = tpu.memref_slice %arg7[%arg0, %mul3A_2, %dma_wait3A_76] : memref<2x10240x128xf32, #tpu.memory_space<hbm>> -> memref<1x640x128xf32, #tpu.memory_space<hbm>>
      %dma_wait3A_78 = tpu.memref_squeeze %dma_wait3A_77 : memref<1x640x128xf32, #tpu.memory_space<hbm>> -> memref<640x128xf32, #tpu.memory_space<hbm>>
      %dma_wait3A_79 = arith.constant 0 : i32
      %dma_wait3A_80 = tpu.memref_slice %arg11[%mul3A_2, %dma_wait3A_79] : memref<10240x128xf32, #tpu.memory_space<vmem_shared>> -> memref<640x128xf32, #tpu.memory_space<vmem_shared>>
      tpu.wait_dma2 semaphore(%run_scoped3A : memref<!tpu.dma_semaphore, #tpu.memory_space<semaphore_mem>>) src(%dma_wait3A_80 : memref<640x128xf32, #tpu.memory_space<vmem_shared>>) dst(%dma_wait3A_78 : memref<640x128xf32, #tpu.memory_space<hbm>>)
      tpu.yield
    }) : () -> ()
    return
  }
}

#map = affine_map<(d0, d1) -> (0, 0)>
#map1 = affine_map<(d0, d1) -> (0, 0, 0)>
module attributes {stable_mosaic.version = 14 : i64} {
  func.func @k(%arg0: i32, %arg1: i32, %arg2: memref<10000x128xf32, #tpu.memory_space<hbm>>, %arg3: memref<10000x256xf32, #tpu.memory_space<hbm>>, %arg4: memref<32x41x128xi32, #tpu.memory_space<hbm>>, %arg5: memref<32x41x128xi32, #tpu.memory_space<hbm>>, %arg6: memref<167936x128xf32, #tpu.memory_space<hbm>>, %arg7: memref<167936x256xf32, #tpu.memory_space<hbm>>, %arg8: memref<41x128xi32, #tpu.memory_space<vmem>>, %arg9: memref<41x128xi32, #tpu.memory_space<vmem>>, %arg10: memref<128x128xf32, #tpu.memory_space<vmem>>, %arg11: memref<128x128xf32, #tpu.memory_space<vmem>>, %arg12: memref<128x256xf32, #tpu.memory_space<vmem>>, %arg13: memref<128x256xf32, #tpu.memory_space<vmem>>, %arg14: memref<!tpu.dma_semaphore, #tpu.memory_space<semaphore_mem>>, %arg15: memref<!tpu.dma_semaphore, #tpu.memory_space<semaphore_mem>>, %arg16: memref<!tpu.dma_semaphore, #tpu.memory_space<semaphore_mem>>, %arg17: memref<!tpu.dma_semaphore, #tpu.memory_space<semaphore_mem>>) attributes {dimension_semantics = [#tpu.dimension_semantics<core_parallel>, #tpu.dimension_semantics<subcore_parallel>], iteration_bounds = array<i64: 2, 16>, scalar_prefetch = 0 : i64, scratch_operands = 10 : i64, tpu.core_type = #tpu.core_type<sc_vector_subcore>, window_params = [{transform_indices = #map}, {transform_indices = #map}, {transform_indices = #map1}, {transform_indices = #map1}, {transform_indices = #map}, {transform_indices = #map}]} {
    %mul3A = arith.constant 2 : i32
    %mul3A_0 = arith.muli %arg1, %mul3A : i32
    %add3A = arith.addi %mul3A_0, %arg0 : i32
    %mul3A_1 = arith.constant 5248 : i32
    %mul3A_2 = arith.muli %add3A, %mul3A_1 : i32
    "tpu.region"() ({
      %run_scoped3A = tpu.sem_alloc : memref<!tpu.dma_semaphore, #tpu.memory_space<semaphore_mem>>
      %dma_start3A_56 = arith.constant 0 : i32
      %dma_start3A_57 = arith.constant 0 : i32
      %dma_start3A_58 = tpu.memref_slice %arg4[%add3A, %dma_start3A_56, %dma_start3A_57] : memref<32x41x128xi32, #tpu.memory_space<hbm>> -> memref<1x41x128xi32, #tpu.memory_space<hbm>>
      %dma_start3A_59 = tpu.memref_squeeze %dma_start3A_58 : memref<1x41x128xi32, #tpu.memory_space<hbm>> -> memref<41x128xi32, #tpu.memory_space<hbm>>
      %dma_start3A_60 = arith.constant 0 : i32
      %dma_start3A_61 = arith.constant 0 : i32
      %dma_start3A_62 = tpu.memref_slice %arg4[%add3A, %dma_start3A_60, %dma_start3A_61] : memref<32x41x128xi32, #tpu.memory_space<hbm>> -> memref<1x41x128xi32, #tpu.memory_space<hbm>>
      %dma_start3A_63 = tpu.memref_squeeze %dma_start3A_62 : memref<1x41x128xi32, #tpu.memory_space<hbm>> -> memref<41x128xi32, #tpu.memory_space<hbm>>
      tpu.enqueue_dma source(%dma_start3A_63 : memref<41x128xi32, #tpu.memory_space<hbm>>) target(%arg8 : memref<41x128xi32, #tpu.memory_space<vmem>>) target_semaphore(%run_scoped3A : memref<!tpu.dma_semaphore, #tpu.memory_space<semaphore_mem>>)
      %dma_wait3A_64 = arith.constant 0 : i32
      %dma_wait3A_65 = arith.constant 0 : i32
      %dma_wait3A_66 = tpu.memref_slice %arg4[%add3A, %dma_wait3A_64, %dma_wait3A_65] : memref<32x41x128xi32, #tpu.memory_space<hbm>> -> memref<1x41x128xi32, #tpu.memory_space<hbm>>
      %dma_wait3A_67 = tpu.memref_squeeze %dma_wait3A_66 : memref<1x41x128xi32, #tpu.memory_space<hbm>> -> memref<41x128xi32, #tpu.memory_space<hbm>>
      %dma_wait3A_68 = arith.constant 0 : i32
      %dma_wait3A_69 = arith.constant 0 : i32
      %dma_wait3A_70 = tpu.memref_slice %arg4[%add3A, %dma_wait3A_68, %dma_wait3A_69] : memref<32x41x128xi32, #tpu.memory_space<hbm>> -> memref<1x41x128xi32, #tpu.memory_space<hbm>>
      %dma_wait3A_71 = tpu.memref_squeeze %dma_wait3A_70 : memref<1x41x128xi32, #tpu.memory_space<hbm>> -> memref<41x128xi32, #tpu.memory_space<hbm>>
      tpu.wait_dma2 semaphore(%run_scoped3A : memref<!tpu.dma_semaphore, #tpu.memory_space<semaphore_mem>>) src(%dma_wait3A_71 : memref<41x128xi32, #tpu.memory_space<hbm>>) dst(%arg8 : memref<41x128xi32, #tpu.memory_space<vmem>>)
      tpu.yield
    }) : () -> ()
    "tpu.region"() ({
      %run_scoped3A = tpu.sem_alloc : memref<!tpu.dma_semaphore, #tpu.memory_space<semaphore_mem>>
      %dma_start3A_56 = arith.constant 0 : i32
      %dma_start3A_57 = arith.constant 0 : i32
      %dma_start3A_58 = tpu.memref_slice %arg5[%add3A, %dma_start3A_56, %dma_start3A_57] : memref<32x41x128xi32, #tpu.memory_space<hbm>> -> memref<1x41x128xi32, #tpu.memory_space<hbm>>
      %dma_start3A_59 = tpu.memref_squeeze %dma_start3A_58 : memref<1x41x128xi32, #tpu.memory_space<hbm>> -> memref<41x128xi32, #tpu.memory_space<hbm>>
      %dma_start3A_60 = arith.constant 0 : i32
      %dma_start3A_61 = arith.constant 0 : i32
      %dma_start3A_62 = tpu.memref_slice %arg5[%add3A, %dma_start3A_60, %dma_start3A_61] : memref<32x41x128xi32, #tpu.memory_space<hbm>> -> memref<1x41x128xi32, #tpu.memory_space<hbm>>
      %dma_start3A_63 = tpu.memref_squeeze %dma_start3A_62 : memref<1x41x128xi32, #tpu.memory_space<hbm>> -> memref<41x128xi32, #tpu.memory_space<hbm>>
      tpu.enqueue_dma source(%dma_start3A_63 : memref<41x128xi32, #tpu.memory_space<hbm>>) target(%arg9 : memref<41x128xi32, #tpu.memory_space<vmem>>) target_semaphore(%run_scoped3A : memref<!tpu.dma_semaphore, #tpu.memory_space<semaphore_mem>>)
      %dma_wait3A_64 = arith.constant 0 : i32
      %dma_wait3A_65 = arith.constant 0 : i32
      %dma_wait3A_66 = tpu.memref_slice %arg5[%add3A, %dma_wait3A_64, %dma_wait3A_65] : memref<32x41x128xi32, #tpu.memory_space<hbm>> -> memref<1x41x128xi32, #tpu.memory_space<hbm>>
      %dma_wait3A_67 = tpu.memref_squeeze %dma_wait3A_66 : memref<1x41x128xi32, #tpu.memory_space<hbm>> -> memref<41x128xi32, #tpu.memory_space<hbm>>
      %dma_wait3A_68 = arith.constant 0 : i32
      %dma_wait3A_69 = arith.constant 0 : i32
      %dma_wait3A_70 = tpu.memref_slice %arg5[%add3A, %dma_wait3A_68, %dma_wait3A_69] : memref<32x41x128xi32, #tpu.memory_space<hbm>> -> memref<1x41x128xi32, #tpu.memory_space<hbm>>
      %dma_wait3A_71 = tpu.memref_squeeze %dma_wait3A_70 : memref<1x41x128xi32, #tpu.memory_space<hbm>> -> memref<41x128xi32, #tpu.memory_space<hbm>>
      tpu.wait_dma2 semaphore(%run_scoped3A : memref<!tpu.dma_semaphore, #tpu.memory_space<semaphore_mem>>) src(%dma_wait3A_71 : memref<41x128xi32, #tpu.memory_space<hbm>>) dst(%arg9 : memref<41x128xi32, #tpu.memory_space<vmem>>)
      tpu.yield
    }) : () -> ()
    %dma_start3A = arith.constant 0 : i32
    %dma_start3A_3 = arith.constant 0 : i32
    %dma_start3A_4 = tpu.memref_slice %arg8[%dma_start3A, %dma_start3A_3] : memref<41x128xi32, #tpu.memory_space<vmem>> -> memref<1x128xi32, #tpu.memory_space<vmem>>
    %dma_start3A_5 = tpu.memref_squeeze %dma_start3A_4 : memref<1x128xi32, #tpu.memory_space<vmem>> -> memref<128xi32, #tpu.memory_space<vmem>>
    %dma_start3A_6 = arith.constant 0 : i32
    %dma_start3A_7 = arith.constant 0 : i32
    %dma_start3A_8 = tpu.memref_slice %arg2[%dma_start3A_6, %dma_start3A_7] : memref<10000x128xf32, #tpu.memory_space<hbm>> -> memref<10000x128xf32, #tpu.memory_space<hbm>>
    tpu.enqueue_indirect_dma source(%dma_start3A_8 : memref<10000x128xf32, #tpu.memory_space<hbm>>) target(%arg10 : memref<128x128xf32, #tpu.memory_space<vmem>>) offsets(%dma_start3A_5 : memref<128xi32, #tpu.memory_space<vmem>>) semaphore(%arg14 : memref<!tpu.dma_semaphore, #tpu.memory_space<semaphore_mem>>)
    %dma_start3A_9 = arith.constant 0 : i32
    %dma_start3A_10 = arith.constant 0 : i32
    %dma_start3A_11 = tpu.memref_slice %arg9[%dma_start3A_9, %dma_start3A_10] : memref<41x128xi32, #tpu.memory_space<vmem>> -> memref<1x128xi32, #tpu.memory_space<vmem>>
    %dma_start3A_12 = tpu.memref_squeeze %dma_start3A_11 : memref<1x128xi32, #tpu.memory_space<vmem>> -> memref<128xi32, #tpu.memory_space<vmem>>
    %dma_start3A_13 = arith.constant 0 : i32
    %dma_start3A_14 = arith.constant 0 : i32
    %dma_start3A_15 = tpu.memref_slice %arg3[%dma_start3A_13, %dma_start3A_14] : memref<10000x256xf32, #tpu.memory_space<hbm>> -> memref<10000x256xf32, #tpu.memory_space<hbm>>
    tpu.enqueue_indirect_dma source(%dma_start3A_15 : memref<10000x256xf32, #tpu.memory_space<hbm>>) target(%arg12 : memref<128x256xf32, #tpu.memory_space<vmem>>) offsets(%dma_start3A_12 : memref<128xi32, #tpu.memory_space<vmem>>) semaphore(%arg14 : memref<!tpu.dma_semaphore, #tpu.memory_space<semaphore_mem>>)
    %scan3A = arith.constant 0 : i32
    %scan3A_16 = arith.constant 0 : i32
    %scan3A_17 = arith.constant 20 : i32
    %scan3A_18 = arith.addi %scan3A_16, %scan3A_17 : i32
    %scan3A_19 = arith.constant 1 : i32
    scf.for %scan3A_56 = %scan3A_16 to %scan3A_18 step %scan3A_19  : i32 {
      %mul3A_57 = arith.constant 2 : i32
      %mul3A_58 = arith.muli %mul3A_57, %scan3A_56 : i32
      %add3A_59 = arith.constant 1 : i32
      %add3A_60 = arith.addi %mul3A_58, %add3A_59 : i32
      %dma_start3A_61 = arith.constant 0 : i32
      %dma_start3A_62 = tpu.memref_slice %arg8[%add3A_60, %dma_start3A_61] : memref<41x128xi32, #tpu.memory_space<vmem>> -> memref<1x128xi32, #tpu.memory_space<vmem>>
      %dma_start3A_63 = tpu.memref_squeeze %dma_start3A_62 : memref<1x128xi32, #tpu.memory_space<vmem>> -> memref<128xi32, #tpu.memory_space<vmem>>
      %dma_start3A_64 = arith.constant 0 : i32
      %dma_start3A_65 = arith.constant 0 : i32
      %dma_start3A_66 = tpu.memref_slice %arg2[%dma_start3A_64, %dma_start3A_65] : memref<10000x128xf32, #tpu.memory_space<hbm>> -> memref<10000x128xf32, #tpu.memory_space<hbm>>
      tpu.enqueue_indirect_dma source(%dma_start3A_66 : memref<10000x128xf32, #tpu.memory_space<hbm>>) target(%arg11 : memref<128x128xf32, #tpu.memory_space<vmem>>) offsets(%dma_start3A_63 : memref<128xi32, #tpu.memory_space<vmem>>) semaphore(%arg15 : memref<!tpu.dma_semaphore, #tpu.memory_space<semaphore_mem>>)
      %dma_start3A_67 = arith.constant 0 : i32
      %dma_start3A_68 = tpu.memref_slice %arg9[%add3A_60, %dma_start3A_67] : memref<41x128xi32, #tpu.memory_space<vmem>> -> memref<1x128xi32, #tpu.memory_space<vmem>>
      %dma_start3A_69 = tpu.memref_squeeze %dma_start3A_68 : memref<1x128xi32, #tpu.memory_space<vmem>> -> memref<128xi32, #tpu.memory_space<vmem>>
      %dma_start3A_70 = arith.constant 0 : i32
      %dma_start3A_71 = arith.constant 0 : i32
      %dma_start3A_72 = tpu.memref_slice %arg3[%dma_start3A_70, %dma_start3A_71] : memref<10000x256xf32, #tpu.memory_space<hbm>> -> memref<10000x256xf32, #tpu.memory_space<hbm>>
      tpu.enqueue_indirect_dma source(%dma_start3A_72 : memref<10000x256xf32, #tpu.memory_space<hbm>>) target(%arg13 : memref<128x256xf32, #tpu.memory_space<vmem>>) offsets(%dma_start3A_69 : memref<128xi32, #tpu.memory_space<vmem>>) semaphore(%arg15 : memref<!tpu.dma_semaphore, #tpu.memory_space<semaphore_mem>>)
      %dma_wait3A_73 = arith.constant 0 : i32
      %dma_wait3A_74 = arith.constant 0 : i32
      %dma_wait3A_75 = tpu.memref_slice %arg8[%dma_wait3A_73, %dma_wait3A_74] : memref<41x128xi32, #tpu.memory_space<vmem>> -> memref<1x128xi32, #tpu.memory_space<vmem>>
      %dma_wait3A_76 = tpu.memref_squeeze %dma_wait3A_75 : memref<1x128xi32, #tpu.memory_space<vmem>> -> memref<128xi32, #tpu.memory_space<vmem>>
      %dma_wait3A_77 = arith.constant 0 : i32
      %dma_wait3A_78 = arith.constant 0 : i32
      %dma_wait3A_79 = tpu.memref_slice %arg2[%dma_wait3A_77, %dma_wait3A_78] : memref<10000x128xf32, #tpu.memory_space<hbm>> -> memref<10000x128xf32, #tpu.memory_space<hbm>>
      tpu.wait_indirect_dma semaphore(%arg14 : memref<!tpu.dma_semaphore, #tpu.memory_space<semaphore_mem>>) src(%dma_wait3A_79 : memref<10000x128xf32, #tpu.memory_space<hbm>>) dst(%arg10 : memref<128x128xf32, #tpu.memory_space<vmem>>)
      %dma_wait3A_80 = arith.constant 0 : i32
      %dma_wait3A_81 = arith.constant 0 : i32
      %dma_wait3A_82 = tpu.memref_slice %arg9[%dma_wait3A_80, %dma_wait3A_81] : memref<41x128xi32, #tpu.memory_space<vmem>> -> memref<1x128xi32, #tpu.memory_space<vmem>>
      %dma_wait3A_83 = tpu.memref_squeeze %dma_wait3A_82 : memref<1x128xi32, #tpu.memory_space<vmem>> -> memref<128xi32, #tpu.memory_space<vmem>>
      %dma_wait3A_84 = arith.constant 0 : i32
      %dma_wait3A_85 = arith.constant 0 : i32
      %dma_wait3A_86 = tpu.memref_slice %arg3[%dma_wait3A_84, %dma_wait3A_85] : memref<10000x256xf32, #tpu.memory_space<hbm>> -> memref<10000x256xf32, #tpu.memory_space<hbm>>
      tpu.wait_indirect_dma semaphore(%arg14 : memref<!tpu.dma_semaphore, #tpu.memory_space<semaphore_mem>>) src(%dma_wait3A_86 : memref<10000x256xf32, #tpu.memory_space<hbm>>) dst(%arg12 : memref<128x256xf32, #tpu.memory_space<vmem>>)
      %mul3A_87 = arith.constant 128 : i32
      %mul3A_88 = arith.muli %mul3A_58, %mul3A_87 : i32
      %add3A_89 = arith.addi %mul3A_2, %mul3A_88 : i32
      %dma_start3A_90 = arith.constant 0 : i32
      %dma_start3A_91 = tpu.memref_slice %arg6[%add3A_89, %dma_start3A_90] : memref<167936x128xf32, #tpu.memory_space<hbm>> -> memref<128x128xf32, #tpu.memory_space<hbm>>
      %dma_start3A_92 = arith.constant 0 : i32
      %dma_start3A_93 = tpu.memref_slice %arg6[%add3A_89, %dma_start3A_92] : memref<167936x128xf32, #tpu.memory_space<hbm>> -> memref<128x128xf32, #tpu.memory_space<hbm>>
      tpu.enqueue_dma source(%arg10 : memref<128x128xf32, #tpu.memory_space<vmem>>) target(%dma_start3A_93 : memref<128x128xf32, #tpu.memory_space<hbm>>) target_semaphore(%arg16 : memref<!tpu.dma_semaphore, #tpu.memory_space<semaphore_mem>>)
      %dma_start3A_94 = arith.constant 0 : i32
      %dma_start3A_95 = tpu.memref_slice %arg7[%add3A_89, %dma_start3A_94] : memref<167936x256xf32, #tpu.memory_space<hbm>> -> memref<128x256xf32, #tpu.memory_space<hbm>>
      %dma_start3A_96 = arith.constant 0 : i32
      %dma_start3A_97 = tpu.memref_slice %arg7[%add3A_89, %dma_start3A_96] : memref<167936x256xf32, #tpu.memory_space<hbm>> -> memref<128x256xf32, #tpu.memory_space<hbm>>
      tpu.enqueue_dma source(%arg12 : memref<128x256xf32, #tpu.memory_space<vmem>>) target(%dma_start3A_97 : memref<128x256xf32, #tpu.memory_space<hbm>>) target_semaphore(%arg16 : memref<!tpu.dma_semaphore, #tpu.memory_space<semaphore_mem>>)
      %dma_wait3A_98 = arith.constant 0 : i32
      %dma_wait3A_99 = arith.constant 0 : i32
      %dma_wait3A_100 = tpu.memref_slice %arg8[%dma_wait3A_98, %dma_wait3A_99] : memref<41x128xi32, #tpu.memory_space<vmem>> -> memref<1x128xi32, #tpu.memory_space<vmem>>
      %dma_wait3A_101 = tpu.memref_squeeze %dma_wait3A_100 : memref<1x128xi32, #tpu.memory_space<vmem>> -> memref<128xi32, #tpu.memory_space<vmem>>
      %dma_wait3A_102 = arith.constant 0 : i32
      %dma_wait3A_103 = arith.constant 0 : i32
      %dma_wait3A_104 = tpu.memref_slice %arg2[%dma_wait3A_102, %dma_wait3A_103] : memref<10000x128xf32, #tpu.memory_space<hbm>> -> memref<10000x128xf32, #tpu.memory_space<hbm>>
      tpu.wait_indirect_dma semaphore(%arg15 : memref<!tpu.dma_semaphore, #tpu.memory_space<semaphore_mem>>) src(%dma_wait3A_104 : memref<10000x128xf32, #tpu.memory_space<hbm>>) dst(%arg11 : memref<128x128xf32, #tpu.memory_space<vmem>>)
      %dma_wait3A_105 = arith.constant 0 : i32
      %dma_wait3A_106 = arith.constant 0 : i32
      %dma_wait3A_107 = tpu.memref_slice %arg9[%dma_wait3A_105, %dma_wait3A_106] : memref<41x128xi32, #tpu.memory_space<vmem>> -> memref<1x128xi32, #tpu.memory_space<vmem>>
      %dma_wait3A_108 = tpu.memref_squeeze %dma_wait3A_107 : memref<1x128xi32, #tpu.memory_space<vmem>> -> memref<128xi32, #tpu.memory_space<vmem>>
      %dma_wait3A_109 = arith.constant 0 : i32
      %dma_wait3A_110 = arith.constant 0 : i32
      %dma_wait3A_111 = tpu.memref_slice %arg3[%dma_wait3A_109, %dma_wait3A_110] : memref<10000x256xf32, #tpu.memory_space<hbm>> -> memref<10000x256xf32, #tpu.memory_space<hbm>>
      tpu.wait_indirect_dma semaphore(%arg15 : memref<!tpu.dma_semaphore, #tpu.memory_space<semaphore_mem>>) src(%dma_wait3A_111 : memref<10000x256xf32, #tpu.memory_space<hbm>>) dst(%arg13 : memref<128x256xf32, #tpu.memory_space<vmem>>)
      %add3A_112 = arith.constant 1 : i32
      %add3A_113 = arith.addi %mul3A_58, %add3A_112 : i32
      %mul3A_114 = arith.constant 128 : i32
      %mul3A_115 = arith.muli %add3A_113, %mul3A_114 : i32
      %add3A_116 = arith.addi %mul3A_2, %mul3A_115 : i32
      %dma_start3A_117 = arith.constant 0 : i32
      %dma_start3A_118 = tpu.memref_slice %arg6[%add3A_116, %dma_start3A_117] : memref<167936x128xf32, #tpu.memory_space<hbm>> -> memref<128x128xf32, #tpu.memory_space<hbm>>
      %dma_start3A_119 = arith.constant 0 : i32
      %dma_start3A_120 = tpu.memref_slice %arg6[%add3A_116, %dma_start3A_119] : memref<167936x128xf32, #tpu.memory_space<hbm>> -> memref<128x128xf32, #tpu.memory_space<hbm>>
      tpu.enqueue_dma source(%arg11 : memref<128x128xf32, #tpu.memory_space<vmem>>) target(%dma_start3A_120 : memref<128x128xf32, #tpu.memory_space<hbm>>) target_semaphore(%arg17 : memref<!tpu.dma_semaphore, #tpu.memory_space<semaphore_mem>>)
      %dma_start3A_121 = arith.constant 0 : i32
      %dma_start3A_122 = tpu.memref_slice %arg7[%add3A_116, %dma_start3A_121] : memref<167936x256xf32, #tpu.memory_space<hbm>> -> memref<128x256xf32, #tpu.memory_space<hbm>>
      %dma_start3A_123 = arith.constant 0 : i32
      %dma_start3A_124 = tpu.memref_slice %arg7[%add3A_116, %dma_start3A_123] : memref<167936x256xf32, #tpu.memory_space<hbm>> -> memref<128x256xf32, #tpu.memory_space<hbm>>
      tpu.enqueue_dma source(%arg13 : memref<128x256xf32, #tpu.memory_space<vmem>>) target(%dma_start3A_124 : memref<128x256xf32, #tpu.memory_space<hbm>>) target_semaphore(%arg17 : memref<!tpu.dma_semaphore, #tpu.memory_space<semaphore_mem>>)
      %dma_wait3A_125 = arith.constant 0 : i32
      %dma_wait3A_126 = arith.constant 0 : i32
      %dma_wait3A_127 = tpu.memref_slice %arg6[%dma_wait3A_125, %dma_wait3A_126] : memref<167936x128xf32, #tpu.memory_space<hbm>> -> memref<128x128xf32, #tpu.memory_space<hbm>>
      %dma_wait3A_128 = arith.constant 0 : i32
      %dma_wait3A_129 = arith.constant 0 : i32
      %dma_wait3A_130 = tpu.memref_slice %arg6[%dma_wait3A_128, %dma_wait3A_129] : memref<167936x128xf32, #tpu.memory_space<hbm>> -> memref<128x128xf32, #tpu.memory_space<hbm>>
      tpu.wait_dma2 semaphore(%arg16 : memref<!tpu.dma_semaphore, #tpu.memory_space<semaphore_mem>>) src(%arg10 : memref<128x128xf32, #tpu.memory_space<vmem>>) dst(%dma_wait3A_130 : memref<128x128xf32, #tpu.memory_space<hbm>>)
      %dma_wait3A_131 = arith.constant 0 : i32
      %dma_wait3A_132 = arith.constant 0 : i32
      %dma_wait3A_133 = tpu.memref_slice %arg7[%dma_wait3A_131, %dma_wait3A_132] : memref<167936x256xf32, #tpu.memory_space<hbm>> -> memref<128x256xf32, #tpu.memory_space<hbm>>
      %dma_wait3A_134 = arith.constant 0 : i32
      %dma_wait3A_135 = arith.constant 0 : i32
      %dma_wait3A_136 = tpu.memref_slice %arg7[%dma_wait3A_134, %dma_wait3A_135] : memref<167936x256xf32, #tpu.memory_space<hbm>> -> memref<128x256xf32, #tpu.memory_space<hbm>>
      tpu.wait_dma2 semaphore(%arg16 : memref<!tpu.dma_semaphore, #tpu.memory_space<semaphore_mem>>) src(%arg12 : memref<128x256xf32, #tpu.memory_space<vmem>>) dst(%dma_wait3A_136 : memref<128x256xf32, #tpu.memory_space<hbm>>)
      %add3A_137 = arith.constant 2 : i32
      %add3A_138 = arith.addi %mul3A_58, %add3A_137 : i32
      %dma_start3A_139 = arith.constant 0 : i32
      %dma_start3A_140 = tpu.memref_slice %arg8[%add3A_138, %dma_start3A_139] : memref<41x128xi32, #tpu.memory_space<vmem>> -> memref<1x128xi32, #tpu.memory_space<vmem>>
      %dma_start3A_141 = tpu.memref_squeeze %dma_start3A_140 : memref<1x128xi32, #tpu.memory_space<vmem>> -> memref<128xi32, #tpu.memory_space<vmem>>
      %dma_start3A_142 = arith.constant 0 : i32
      %dma_start3A_143 = arith.constant 0 : i32
      %dma_start3A_144 = tpu.memref_slice %arg2[%dma_start3A_142, %dma_start3A_143] : memref<10000x128xf32, #tpu.memory_space<hbm>> -> memref<10000x128xf32, #tpu.memory_space<hbm>>
      tpu.enqueue_indirect_dma source(%dma_start3A_144 : memref<10000x128xf32, #tpu.memory_space<hbm>>) target(%arg10 : memref<128x128xf32, #tpu.memory_space<vmem>>) offsets(%dma_start3A_141 : memref<128xi32, #tpu.memory_space<vmem>>) semaphore(%arg14 : memref<!tpu.dma_semaphore, #tpu.memory_space<semaphore_mem>>)
      %dma_start3A_145 = arith.constant 0 : i32
      %dma_start3A_146 = tpu.memref_slice %arg9[%add3A_138, %dma_start3A_145] : memref<41x128xi32, #tpu.memory_space<vmem>> -> memref<1x128xi32, #tpu.memory_space<vmem>>
      %dma_start3A_147 = tpu.memref_squeeze %dma_start3A_146 : memref<1x128xi32, #tpu.memory_space<vmem>> -> memref<128xi32, #tpu.memory_space<vmem>>
      %dma_start3A_148 = arith.constant 0 : i32
      %dma_start3A_149 = arith.constant 0 : i32
      %dma_start3A_150 = tpu.memref_slice %arg3[%dma_start3A_148, %dma_start3A_149] : memref<10000x256xf32, #tpu.memory_space<hbm>> -> memref<10000x256xf32, #tpu.memory_space<hbm>>
      tpu.enqueue_indirect_dma source(%dma_start3A_150 : memref<10000x256xf32, #tpu.memory_space<hbm>>) target(%arg12 : memref<128x256xf32, #tpu.memory_space<vmem>>) offsets(%dma_start3A_147 : memref<128xi32, #tpu.memory_space<vmem>>) semaphore(%arg14 : memref<!tpu.dma_semaphore, #tpu.memory_space<semaphore_mem>>)
      %dma_wait3A_151 = arith.constant 0 : i32
      %dma_wait3A_152 = arith.constant 0 : i32
      %dma_wait3A_153 = tpu.memref_slice %arg6[%dma_wait3A_151, %dma_wait3A_152] : memref<167936x128xf32, #tpu.memory_space<hbm>> -> memref<128x128xf32, #tpu.memory_space<hbm>>
      %dma_wait3A_154 = arith.constant 0 : i32
      %dma_wait3A_155 = arith.constant 0 : i32
      %dma_wait3A_156 = tpu.memref_slice %arg6[%dma_wait3A_154, %dma_wait3A_155] : memref<167936x128xf32, #tpu.memory_space<hbm>> -> memref<128x128xf32, #tpu.memory_space<hbm>>
      tpu.wait_dma2 semaphore(%arg17 : memref<!tpu.dma_semaphore, #tpu.memory_space<semaphore_mem>>) src(%arg11 : memref<128x128xf32, #tpu.memory_space<vmem>>) dst(%dma_wait3A_156 : memref<128x128xf32, #tpu.memory_space<hbm>>)
      %dma_wait3A_157 = arith.constant 0 : i32
      %dma_wait3A_158 = arith.constant 0 : i32
      %dma_wait3A_159 = tpu.memref_slice %arg7[%dma_wait3A_157, %dma_wait3A_158] : memref<167936x256xf32, #tpu.memory_space<hbm>> -> memref<128x256xf32, #tpu.memory_space<hbm>>
      %dma_wait3A_160 = arith.constant 0 : i32
      %dma_wait3A_161 = arith.constant 0 : i32
      %dma_wait3A_162 = tpu.memref_slice %arg7[%dma_wait3A_160, %dma_wait3A_161] : memref<167936x256xf32, #tpu.memory_space<hbm>> -> memref<128x256xf32, #tpu.memory_space<hbm>>
      tpu.wait_dma2 semaphore(%arg17 : memref<!tpu.dma_semaphore, #tpu.memory_space<semaphore_mem>>) src(%arg13 : memref<128x256xf32, #tpu.memory_space<vmem>>) dst(%dma_wait3A_162 : memref<128x256xf32, #tpu.memory_space<hbm>>)
    }
    %scan3A_20 = arith.constant 20 : i32
    %dma_wait3A = arith.constant 0 : i32
    %dma_wait3A_21 = arith.constant 0 : i32
    %dma_wait3A_22 = tpu.memref_slice %arg8[%dma_wait3A, %dma_wait3A_21] : memref<41x128xi32, #tpu.memory_space<vmem>> -> memref<1x128xi32, #tpu.memory_space<vmem>>
    %dma_wait3A_23 = tpu.memref_squeeze %dma_wait3A_22 : memref<1x128xi32, #tpu.memory_space<vmem>> -> memref<128xi32, #tpu.memory_space<vmem>>
    %dma_wait3A_24 = arith.constant 0 : i32
    %dma_wait3A_25 = arith.constant 0 : i32
    %dma_wait3A_26 = tpu.memref_slice %arg2[%dma_wait3A_24, %dma_wait3A_25] : memref<10000x128xf32, #tpu.memory_space<hbm>> -> memref<10000x128xf32, #tpu.memory_space<hbm>>
    tpu.wait_indirect_dma semaphore(%arg14 : memref<!tpu.dma_semaphore, #tpu.memory_space<semaphore_mem>>) src(%dma_wait3A_26 : memref<10000x128xf32, #tpu.memory_space<hbm>>) dst(%arg10 : memref<128x128xf32, #tpu.memory_space<vmem>>)
    %dma_wait3A_27 = arith.constant 0 : i32
    %dma_wait3A_28 = arith.constant 0 : i32
    %dma_wait3A_29 = tpu.memref_slice %arg9[%dma_wait3A_27, %dma_wait3A_28] : memref<41x128xi32, #tpu.memory_space<vmem>> -> memref<1x128xi32, #tpu.memory_space<vmem>>
    %dma_wait3A_30 = tpu.memref_squeeze %dma_wait3A_29 : memref<1x128xi32, #tpu.memory_space<vmem>> -> memref<128xi32, #tpu.memory_space<vmem>>
    %dma_wait3A_31 = arith.constant 0 : i32
    %dma_wait3A_32 = arith.constant 0 : i32
    %dma_wait3A_33 = tpu.memref_slice %arg3[%dma_wait3A_31, %dma_wait3A_32] : memref<10000x256xf32, #tpu.memory_space<hbm>> -> memref<10000x256xf32, #tpu.memory_space<hbm>>
    tpu.wait_indirect_dma semaphore(%arg14 : memref<!tpu.dma_semaphore, #tpu.memory_space<semaphore_mem>>) src(%dma_wait3A_33 : memref<10000x256xf32, #tpu.memory_space<hbm>>) dst(%arg12 : memref<128x256xf32, #tpu.memory_space<vmem>>)
    %add3A_34 = arith.constant 5120 : i32
    %add3A_35 = arith.addi %mul3A_2, %add3A_34 : i32
    %dma_start3A_36 = arith.constant 0 : i32
    %dma_start3A_37 = tpu.memref_slice %arg6[%add3A_35, %dma_start3A_36] : memref<167936x128xf32, #tpu.memory_space<hbm>> -> memref<128x128xf32, #tpu.memory_space<hbm>>
    %dma_start3A_38 = arith.constant 0 : i32
    %dma_start3A_39 = tpu.memref_slice %arg6[%add3A_35, %dma_start3A_38] : memref<167936x128xf32, #tpu.memory_space<hbm>> -> memref<128x128xf32, #tpu.memory_space<hbm>>
    tpu.enqueue_dma source(%arg10 : memref<128x128xf32, #tpu.memory_space<vmem>>) target(%dma_start3A_39 : memref<128x128xf32, #tpu.memory_space<hbm>>) target_semaphore(%arg16 : memref<!tpu.dma_semaphore, #tpu.memory_space<semaphore_mem>>)
    %dma_start3A_40 = arith.constant 0 : i32
    %dma_start3A_41 = tpu.memref_slice %arg7[%add3A_35, %dma_start3A_40] : memref<167936x256xf32, #tpu.memory_space<hbm>> -> memref<128x256xf32, #tpu.memory_space<hbm>>
    %dma_start3A_42 = arith.constant 0 : i32
    %dma_start3A_43 = tpu.memref_slice %arg7[%add3A_35, %dma_start3A_42] : memref<167936x256xf32, #tpu.memory_space<hbm>> -> memref<128x256xf32, #tpu.memory_space<hbm>>
    tpu.enqueue_dma source(%arg12 : memref<128x256xf32, #tpu.memory_space<vmem>>) target(%dma_start3A_43 : memref<128x256xf32, #tpu.memory_space<hbm>>) target_semaphore(%arg16 : memref<!tpu.dma_semaphore, #tpu.memory_space<semaphore_mem>>)
    %dma_wait3A_44 = arith.constant 0 : i32
    %dma_wait3A_45 = arith.constant 0 : i32
    %dma_wait3A_46 = tpu.memref_slice %arg6[%dma_wait3A_44, %dma_wait3A_45] : memref<167936x128xf32, #tpu.memory_space<hbm>> -> memref<128x128xf32, #tpu.memory_space<hbm>>
    %dma_wait3A_47 = arith.constant 0 : i32
    %dma_wait3A_48 = arith.constant 0 : i32
    %dma_wait3A_49 = tpu.memref_slice %arg6[%dma_wait3A_47, %dma_wait3A_48] : memref<167936x128xf32, #tpu.memory_space<hbm>> -> memref<128x128xf32, #tpu.memory_space<hbm>>
    tpu.wait_dma2 semaphore(%arg16 : memref<!tpu.dma_semaphore, #tpu.memory_space<semaphore_mem>>) src(%arg10 : memref<128x128xf32, #tpu.memory_space<vmem>>) dst(%dma_wait3A_49 : memref<128x128xf32, #tpu.memory_space<hbm>>)
    %dma_wait3A_50 = arith.constant 0 : i32
    %dma_wait3A_51 = arith.constant 0 : i32
    %dma_wait3A_52 = tpu.memref_slice %arg7[%dma_wait3A_50, %dma_wait3A_51] : memref<167936x256xf32, #tpu.memory_space<hbm>> -> memref<128x256xf32, #tpu.memory_space<hbm>>
    %dma_wait3A_53 = arith.constant 0 : i32
    %dma_wait3A_54 = arith.constant 0 : i32
    %dma_wait3A_55 = tpu.memref_slice %arg7[%dma_wait3A_53, %dma_wait3A_54] : memref<167936x256xf32, #tpu.memory_space<hbm>> -> memref<128x256xf32, #tpu.memory_space<hbm>>
    tpu.wait_dma2 semaphore(%arg16 : memref<!tpu.dma_semaphore, #tpu.memory_space<semaphore_mem>>) src(%arg12 : memref<128x256xf32, #tpu.memory_space<vmem>>) dst(%dma_wait3A_55 : memref<128x256xf32, #tpu.memory_space<hbm>>)
    return
  }
}

#map = affine_map<(d0, d1) -> (0, 0)>
#map1 = affine_map<(d0, d1) -> (0, 0, 0)>
module attributes {stable_mosaic.version = 14 : i64} {
  func.func @k(%arg0: i32, %arg1: i32, %arg2: memref<167936x128xf32, #tpu.memory_space<hbm>>, %arg3: memref<167936x128xf32, #tpu.memory_space<hbm>>, %arg4: memref<32x41x128xi32, #tpu.memory_space<hbm>>, %arg5: memref<640x128xf32, #tpu.memory_space<hbm>>, %arg6: memref<2x10240x128xf32, #tpu.memory_space<hbm>>, %arg7: memref<2x10240x128xf32, #tpu.memory_space<hbm>>, %arg8: memref<41x128xi32, #tpu.memory_space<vmem>>, %arg9: memref<128x128xf32, #tpu.memory_space<vmem>>, %arg10: memref<128x128xf32, #tpu.memory_space<vmem>>, %arg11: memref<10240x128xf32, #tpu.memory_space<vmem_shared>>, %arg12: memref<!tpu.dma_semaphore, #tpu.memory_space<semaphore_mem>>, %arg13: memref<!tpu.dma_semaphore, #tpu.memory_space<semaphore_mem>>, %arg14: memref<!tpu.dma_semaphore, #tpu.memory_space<semaphore_mem>>, %arg15: memref<!tpu.dma_semaphore, #tpu.memory_space<semaphore_mem>>) attributes {dimension_semantics = [#tpu.dimension_semantics<core_parallel>, #tpu.dimension_semantics<subcore_parallel>], iteration_bounds = array<i64: 2, 16>, scalar_prefetch = 0 : i64, scratch_operands = 8 : i64, tpu.core_type = #tpu.core_type<sc_vector_subcore>, window_params = [{transform_indices = #map}, {transform_indices = #map}, {transform_indices = #map1}, {transform_indices = #map}, {transform_indices = #map1}, {transform_indices = #map1}]} {
    %mul3A = arith.constant 2 : i32
    %mul3A_0 = arith.muli %arg1, %mul3A : i32
    %add3A = arith.addi %mul3A_0, %arg0 : i32
    %mul3A_1 = arith.constant 640 : i32
    %mul3A_2 = arith.muli %arg1, %mul3A_1 : i32
    "tpu.region"() ({
      %run_scoped3A = tpu.sem_alloc : memref<!tpu.dma_semaphore, #tpu.memory_space<semaphore_mem>>
      %dma_start3A_71 = arith.constant 0 : i32
      %dma_start3A_72 = arith.constant 0 : i32
      %dma_start3A_73 = tpu.memref_slice %arg4[%add3A, %dma_start3A_71, %dma_start3A_72] : memref<32x41x128xi32, #tpu.memory_space<hbm>> -> memref<1x41x128xi32, #tpu.memory_space<hbm>>
      %dma_start3A_74 = tpu.memref_squeeze %dma_start3A_73 : memref<1x41x128xi32, #tpu.memory_space<hbm>> -> memref<41x128xi32, #tpu.memory_space<hbm>>
      %dma_start3A_75 = arith.constant 0 : i32
      %dma_start3A_76 = arith.constant 0 : i32
      %dma_start3A_77 = tpu.memref_slice %arg4[%add3A, %dma_start3A_75, %dma_start3A_76] : memref<32x41x128xi32, #tpu.memory_space<hbm>> -> memref<1x41x128xi32, #tpu.memory_space<hbm>>
      %dma_start3A_78 = tpu.memref_squeeze %dma_start3A_77 : memref<1x41x128xi32, #tpu.memory_space<hbm>> -> memref<41x128xi32, #tpu.memory_space<hbm>>
      tpu.enqueue_dma source(%dma_start3A_78 : memref<41x128xi32, #tpu.memory_space<hbm>>) target(%arg8 : memref<41x128xi32, #tpu.memory_space<vmem>>) target_semaphore(%run_scoped3A : memref<!tpu.dma_semaphore, #tpu.memory_space<semaphore_mem>>)
      %dma_wait3A_79 = arith.constant 0 : i32
      %dma_wait3A_80 = arith.constant 0 : i32
      %dma_wait3A_81 = tpu.memref_slice %arg4[%add3A, %dma_wait3A_79, %dma_wait3A_80] : memref<32x41x128xi32, #tpu.memory_space<hbm>> -> memref<1x41x128xi32, #tpu.memory_space<hbm>>
      %dma_wait3A_82 = tpu.memref_squeeze %dma_wait3A_81 : memref<1x41x128xi32, #tpu.memory_space<hbm>> -> memref<41x128xi32, #tpu.memory_space<hbm>>
      %dma_wait3A_83 = arith.constant 0 : i32
      %dma_wait3A_84 = arith.constant 0 : i32
      %dma_wait3A_85 = tpu.memref_slice %arg4[%add3A, %dma_wait3A_83, %dma_wait3A_84] : memref<32x41x128xi32, #tpu.memory_space<hbm>> -> memref<1x41x128xi32, #tpu.memory_space<hbm>>
      %dma_wait3A_86 = tpu.memref_squeeze %dma_wait3A_85 : memref<1x41x128xi32, #tpu.memory_space<hbm>> -> memref<41x128xi32, #tpu.memory_space<hbm>>
      tpu.wait_dma2 semaphore(%run_scoped3A : memref<!tpu.dma_semaphore, #tpu.memory_space<semaphore_mem>>) src(%dma_wait3A_86 : memref<41x128xi32, #tpu.memory_space<hbm>>) dst(%arg8 : memref<41x128xi32, #tpu.memory_space<vmem>>)
      tpu.yield
    }) : () -> ()
    "tpu.region"() ({
      %run_scoped3A = tpu.sem_alloc : memref<!tpu.dma_semaphore, #tpu.memory_space<semaphore_mem>>
      %dma_start3A_71 = arith.constant 0 : i32
      %dma_start3A_72 = tpu.memref_slice %arg11[%mul3A_2, %dma_start3A_71] : memref<10240x128xf32, #tpu.memory_space<vmem_shared>> -> memref<640x128xf32, #tpu.memory_space<vmem_shared>>
      tpu.enqueue_dma source(%arg5 : memref<640x128xf32, #tpu.memory_space<hbm>>) target(%dma_start3A_72 : memref<640x128xf32, #tpu.memory_space<vmem_shared>>) target_semaphore(%run_scoped3A : memref<!tpu.dma_semaphore, #tpu.memory_space<semaphore_mem>>)
      %dma_wait3A_73 = arith.constant 0 : i32
      %dma_wait3A_74 = tpu.memref_slice %arg11[%mul3A_2, %dma_wait3A_73] : memref<10240x128xf32, #tpu.memory_space<vmem_shared>> -> memref<640x128xf32, #tpu.memory_space<vmem_shared>>
      tpu.wait_dma2 semaphore(%run_scoped3A : memref<!tpu.dma_semaphore, #tpu.memory_space<semaphore_mem>>) src(%arg5 : memref<640x128xf32, #tpu.memory_space<hbm>>) dst(%dma_wait3A_74 : memref<640x128xf32, #tpu.memory_space<vmem_shared>>)
      tpu.yield
    }) : () -> ()
    %barrier3A = arith.constant 0 : index
    tpu.barrier barrier_id(%barrier3A)
    %mul3A_3 = arith.constant 5248 : i32
    %mul3A_4 = arith.muli %add3A, %mul3A_3 : i32
    %add3A_5 = arith.constant 0 : i32
    %add3A_6 = arith.addi %mul3A_4, %add3A_5 : i32
    %dma_start3A = arith.constant 0 : i32
    %dma_start3A_7 = tpu.memref_slice %arg2[%add3A_6, %dma_start3A] : memref<167936x128xf32, #tpu.memory_space<hbm>> -> memref<128x128xf32, #tpu.memory_space<hbm>>
    %dma_start3A_8 = arith.constant 0 : i32
    %dma_start3A_9 = tpu.memref_slice %arg2[%add3A_6, %dma_start3A_8] : memref<167936x128xf32, #tpu.memory_space<hbm>> -> memref<128x128xf32, #tpu.memory_space<hbm>>
    tpu.enqueue_dma source(%dma_start3A_9 : memref<128x128xf32, #tpu.memory_space<hbm>>) target(%arg9 : memref<128x128xf32, #tpu.memory_space<vmem>>) target_semaphore(%arg12 : memref<!tpu.dma_semaphore, #tpu.memory_space<semaphore_mem>>)
    %scan3A = arith.constant 0 : i32
    %scan3A_10 = arith.constant 0 : i32
    %scan3A_11 = arith.constant 20 : i32
    %scan3A_12 = arith.addi %scan3A_10, %scan3A_11 : i32
    %scan3A_13 = arith.constant 1 : i32
    scf.for %scan3A_71 = %scan3A_10 to %scan3A_12 step %scan3A_13  : i32 {
      %mul3A_72 = arith.constant 2 : i32
      %mul3A_73 = arith.muli %mul3A_72, %scan3A_71 : i32
      %add3A_74 = arith.constant 1 : i32
      %add3A_75 = arith.addi %mul3A_73, %add3A_74 : i32
      %mul3A_76 = arith.constant 5248 : i32
      %mul3A_77 = arith.muli %add3A, %mul3A_76 : i32
      %mul3A_78 = arith.constant 128 : i32
      %mul3A_79 = arith.muli %add3A_75, %mul3A_78 : i32
      %add3A_80 = arith.addi %mul3A_77, %mul3A_79 : i32
      %dma_start3A_81 = arith.constant 0 : i32
      %dma_start3A_82 = tpu.memref_slice %arg2[%add3A_80, %dma_start3A_81] : memref<167936x128xf32, #tpu.memory_space<hbm>> -> memref<128x128xf32, #tpu.memory_space<hbm>>
      %dma_start3A_83 = arith.constant 0 : i32
      %dma_start3A_84 = tpu.memref_slice %arg2[%add3A_80, %dma_start3A_83] : memref<167936x128xf32, #tpu.memory_space<hbm>> -> memref<128x128xf32, #tpu.memory_space<hbm>>
      tpu.enqueue_dma source(%dma_start3A_84 : memref<128x128xf32, #tpu.memory_space<hbm>>) target(%arg10 : memref<128x128xf32, #tpu.memory_space<vmem>>) target_semaphore(%arg13 : memref<!tpu.dma_semaphore, #tpu.memory_space<semaphore_mem>>)
      %dma_wait3A_85 = arith.constant 0 : i32
      %dma_wait3A_86 = arith.constant 0 : i32
      %dma_wait3A_87 = tpu.memref_slice %arg2[%dma_wait3A_85, %dma_wait3A_86] : memref<167936x128xf32, #tpu.memory_space<hbm>> -> memref<128x128xf32, #tpu.memory_space<hbm>>
      %dma_wait3A_88 = arith.constant 0 : i32
      %dma_wait3A_89 = arith.constant 0 : i32
      %dma_wait3A_90 = tpu.memref_slice %arg2[%dma_wait3A_88, %dma_wait3A_89] : memref<167936x128xf32, #tpu.memory_space<hbm>> -> memref<128x128xf32, #tpu.memory_space<hbm>>
      tpu.wait_dma2 semaphore(%arg12 : memref<!tpu.dma_semaphore, #tpu.memory_space<semaphore_mem>>) src(%dma_wait3A_90 : memref<128x128xf32, #tpu.memory_space<hbm>>) dst(%arg9 : memref<128x128xf32, #tpu.memory_space<vmem>>)
      %dma_start3A_91 = arith.constant 0 : i32
      %dma_start3A_92 = tpu.memref_slice %arg8[%mul3A_73, %dma_start3A_91] : memref<41x128xi32, #tpu.memory_space<vmem>> -> memref<1x128xi32, #tpu.memory_space<vmem>>
      %dma_start3A_93 = tpu.memref_squeeze %dma_start3A_92 : memref<1x128xi32, #tpu.memory_space<vmem>> -> memref<128xi32, #tpu.memory_space<vmem>>
      %dma_start3A_94 = arith.constant 0 : i32
      %dma_start3A_95 = arith.constant 0 : i32
      %dma_start3A_96 = tpu.memref_slice %arg11[%dma_start3A_94, %dma_start3A_95] : memref<10240x128xf32, #tpu.memory_space<vmem_shared>> -> memref<10240x128xf32, #tpu.memory_space<vmem_shared>>
      tpu.enqueue_indirect_dma source(%arg9 : memref<128x128xf32, #tpu.memory_space<vmem>>) target(%dma_start3A_96 : memref<10240x128xf32, #tpu.memory_space<vmem_shared>>) offsets(%dma_start3A_93 : memref<128xi32, #tpu.memory_space<vmem>>) semaphore(%arg14 : memref<!tpu.dma_semaphore, #tpu.memory_space<semaphore_mem>>) {add = true}
      %dma_wait3A_97 = arith.constant 0 : i32
      %dma_wait3A_98 = arith.constant 0 : i32
      %dma_wait3A_99 = tpu.memref_slice %arg2[%dma_wait3A_97, %dma_wait3A_98] : memref<167936x128xf32, #tpu.memory_space<hbm>> -> memref<128x128xf32, #tpu.memory_space<hbm>>
      %dma_wait3A_100 = arith.constant 0 : i32
      %dma_wait3A_101 = arith.constant 0 : i32
      %dma_wait3A_102 = tpu.memref_slice %arg2[%dma_wait3A_100, %dma_wait3A_101] : memref<167936x128xf32, #tpu.memory_space<hbm>> -> memref<128x128xf32, #tpu.memory_space<hbm>>
      tpu.wait_dma2 semaphore(%arg13 : memref<!tpu.dma_semaphore, #tpu.memory_space<semaphore_mem>>) src(%dma_wait3A_102 : memref<128x128xf32, #tpu.memory_space<hbm>>) dst(%arg10 : memref<128x128xf32, #tpu.memory_space<vmem>>)
      %add3A_103 = arith.constant 1 : i32
      %add3A_104 = arith.addi %mul3A_73, %add3A_103 : i32
      %dma_start3A_105 = arith.constant 0 : i32
      %dma_start3A_106 = tpu.memref_slice %arg8[%add3A_104, %dma_start3A_105] : memref<41x128xi32, #tpu.memory_space<vmem>> -> memref<1x128xi32, #tpu.memory_space<vmem>>
      %dma_start3A_107 = tpu.memref_squeeze %dma_start3A_106 : memref<1x128xi32, #tpu.memory_space<vmem>> -> memref<128xi32, #tpu.memory_space<vmem>>
      %dma_start3A_108 = arith.constant 0 : i32
      %dma_start3A_109 = arith.constant 0 : i32
      %dma_start3A_110 = tpu.memref_slice %arg11[%dma_start3A_108, %dma_start3A_109] : memref<10240x128xf32, #tpu.memory_space<vmem_shared>> -> memref<10240x128xf32, #tpu.memory_space<vmem_shared>>
      tpu.enqueue_indirect_dma source(%arg10 : memref<128x128xf32, #tpu.memory_space<vmem>>) target(%dma_start3A_110 : memref<10240x128xf32, #tpu.memory_space<vmem_shared>>) offsets(%dma_start3A_107 : memref<128xi32, #tpu.memory_space<vmem>>) semaphore(%arg15 : memref<!tpu.dma_semaphore, #tpu.memory_space<semaphore_mem>>) {add = true}
      %dma_wait3A_111 = arith.constant 0 : i32
      %dma_wait3A_112 = arith.constant 0 : i32
      %dma_wait3A_113 = tpu.memref_slice %arg8[%dma_wait3A_111, %dma_wait3A_112] : memref<41x128xi32, #tpu.memory_space<vmem>> -> memref<1x128xi32, #tpu.memory_space<vmem>>
      %dma_wait3A_114 = tpu.memref_squeeze %dma_wait3A_113 : memref<1x128xi32, #tpu.memory_space<vmem>> -> memref<128xi32, #tpu.memory_space<vmem>>
      %dma_wait3A_115 = arith.constant 0 : i32
      %dma_wait3A_116 = arith.constant 0 : i32
      %dma_wait3A_117 = tpu.memref_slice %arg11[%dma_wait3A_115, %dma_wait3A_116] : memref<10240x128xf32, #tpu.memory_space<vmem_shared>> -> memref<10240x128xf32, #tpu.memory_space<vmem_shared>>
      tpu.wait_indirect_dma semaphore(%arg14 : memref<!tpu.dma_semaphore, #tpu.memory_space<semaphore_mem>>) src(%arg9 : memref<128x128xf32, #tpu.memory_space<vmem>>) dst(%dma_wait3A_117 : memref<10240x128xf32, #tpu.memory_space<vmem_shared>>)
      %add3A_118 = arith.constant 2 : i32
      %add3A_119 = arith.addi %mul3A_73, %add3A_118 : i32
      %mul3A_120 = arith.constant 5248 : i32
      %mul3A_121 = arith.muli %add3A, %mul3A_120 : i32
      %mul3A_122 = arith.constant 128 : i32
      %mul3A_123 = arith.muli %add3A_119, %mul3A_122 : i32
      %add3A_124 = arith.addi %mul3A_121, %mul3A_123 : i32
      %dma_start3A_125 = arith.constant 0 : i32
      %dma_start3A_126 = tpu.memref_slice %arg2[%add3A_124, %dma_start3A_125] : memref<167936x128xf32, #tpu.memory_space<hbm>> -> memref<128x128xf32, #tpu.memory_space<hbm>>
      %dma_start3A_127 = arith.constant 0 : i32
      %dma_start3A_128 = tpu.memref_slice %arg2[%add3A_124, %dma_start3A_127] : memref<167936x128xf32, #tpu.memory_space<hbm>> -> memref<128x128xf32, #tpu.memory_space<hbm>>
      tpu.enqueue_dma source(%dma_start3A_128 : memref<128x128xf32, #tpu.memory_space<hbm>>) target(%arg9 : memref<128x128xf32, #tpu.memory_space<vmem>>) target_semaphore(%arg12 : memref<!tpu.dma_semaphore, #tpu.memory_space<semaphore_mem>>)
      %dma_wait3A_129 = arith.constant 0 : i32
      %dma_wait3A_130 = arith.constant 0 : i32
      %dma_wait3A_131 = tpu.memref_slice %arg8[%dma_wait3A_129, %dma_wait3A_130] : memref<41x128xi32, #tpu.memory_space<vmem>> -> memref<1x128xi32, #tpu.memory_space<vmem>>
      %dma_wait3A_132 = tpu.memref_squeeze %dma_wait3A_131 : memref<1x128xi32, #tpu.memory_space<vmem>> -> memref<128xi32, #tpu.memory_space<vmem>>
      %dma_wait3A_133 = arith.constant 0 : i32
      %dma_wait3A_134 = arith.constant 0 : i32
      %dma_wait3A_135 = tpu.memref_slice %arg11[%dma_wait3A_133, %dma_wait3A_134] : memref<10240x128xf32, #tpu.memory_space<vmem_shared>> -> memref<10240x128xf32, #tpu.memory_space<vmem_shared>>
      tpu.wait_indirect_dma semaphore(%arg15 : memref<!tpu.dma_semaphore, #tpu.memory_space<semaphore_mem>>) src(%arg10 : memref<128x128xf32, #tpu.memory_space<vmem>>) dst(%dma_wait3A_135 : memref<10240x128xf32, #tpu.memory_space<vmem_shared>>)
    }
    %scan3A_14 = arith.constant 20 : i32
    %dma_wait3A = arith.constant 0 : i32
    %dma_wait3A_15 = arith.constant 0 : i32
    %dma_wait3A_16 = tpu.memref_slice %arg2[%dma_wait3A, %dma_wait3A_15] : memref<167936x128xf32, #tpu.memory_space<hbm>> -> memref<128x128xf32, #tpu.memory_space<hbm>>
    %dma_wait3A_17 = arith.constant 0 : i32
    %dma_wait3A_18 = arith.constant 0 : i32
    %dma_wait3A_19 = tpu.memref_slice %arg2[%dma_wait3A_17, %dma_wait3A_18] : memref<167936x128xf32, #tpu.memory_space<hbm>> -> memref<128x128xf32, #tpu.memory_space<hbm>>
    tpu.wait_dma2 semaphore(%arg12 : memref<!tpu.dma_semaphore, #tpu.memory_space<semaphore_mem>>) src(%dma_wait3A_19 : memref<128x128xf32, #tpu.memory_space<hbm>>) dst(%arg9 : memref<128x128xf32, #tpu.memory_space<vmem>>)
    %dma_start3A_20 = arith.constant 40 : i32
    %dma_start3A_21 = arith.constant 0 : i32
    %dma_start3A_22 = tpu.memref_slice %arg8[%dma_start3A_20, %dma_start3A_21] : memref<41x128xi32, #tpu.memory_space<vmem>> -> memref<1x128xi32, #tpu.memory_space<vmem>>
    %dma_start3A_23 = tpu.memref_squeeze %dma_start3A_22 : memref<1x128xi32, #tpu.memory_space<vmem>> -> memref<128xi32, #tpu.memory_space<vmem>>
    %dma_start3A_24 = arith.constant 0 : i32
    %dma_start3A_25 = arith.constant 0 : i32
    %dma_start3A_26 = tpu.memref_slice %arg11[%dma_start3A_24, %dma_start3A_25] : memref<10240x128xf32, #tpu.memory_space<vmem_shared>> -> memref<10240x128xf32, #tpu.memory_space<vmem_shared>>
    tpu.enqueue_indirect_dma source(%arg9 : memref<128x128xf32, #tpu.memory_space<vmem>>) target(%dma_start3A_26 : memref<10240x128xf32, #tpu.memory_space<vmem_shared>>) offsets(%dma_start3A_23 : memref<128xi32, #tpu.memory_space<vmem>>) semaphore(%arg14 : memref<!tpu.dma_semaphore, #tpu.memory_space<semaphore_mem>>) {add = true}
    %dma_wait3A_27 = arith.constant 0 : i32
    %dma_wait3A_28 = arith.constant 0 : i32
    %dma_wait3A_29 = tpu.memref_slice %arg8[%dma_wait3A_27, %dma_wait3A_28] : memref<41x128xi32, #tpu.memory_space<vmem>> -> memref<1x128xi32, #tpu.memory_space<vmem>>
    %dma_wait3A_30 = tpu.memref_squeeze %dma_wait3A_29 : memref<1x128xi32, #tpu.memory_space<vmem>> -> memref<128xi32, #tpu.memory_space<vmem>>
    %dma_wait3A_31 = arith.constant 0 : i32
    %dma_wait3A_32 = arith.constant 0 : i32
    %dma_wait3A_33 = tpu.memref_slice %arg11[%dma_wait3A_31, %dma_wait3A_32] : memref<10240x128xf32, #tpu.memory_space<vmem_shared>> -> memref<10240x128xf32, #tpu.memory_space<vmem_shared>>
    tpu.wait_indirect_dma semaphore(%arg14 : memref<!tpu.dma_semaphore, #tpu.memory_space<semaphore_mem>>) src(%arg9 : memref<128x128xf32, #tpu.memory_space<vmem>>) dst(%dma_wait3A_33 : memref<10240x128xf32, #tpu.memory_space<vmem_shared>>)
    %barrier3A_34 = arith.constant 0 : index
    tpu.barrier barrier_id(%barrier3A_34)
    "tpu.region"() ({
      %run_scoped3A = tpu.sem_alloc : memref<!tpu.dma_semaphore, #tpu.memory_space<semaphore_mem>>
      %dma_start3A_71 = arith.constant 0 : i32
      %dma_start3A_72 = tpu.memref_slice %arg6[%arg0, %mul3A_2, %dma_start3A_71] : memref<2x10240x128xf32, #tpu.memory_space<hbm>> -> memref<1x640x128xf32, #tpu.memory_space<hbm>>
      %dma_start3A_73 = tpu.memref_squeeze %dma_start3A_72 : memref<1x640x128xf32, #tpu.memory_space<hbm>> -> memref<640x128xf32, #tpu.memory_space<hbm>>
      %dma_start3A_74 = arith.constant 0 : i32
      %dma_start3A_75 = tpu.memref_slice %arg11[%mul3A_2, %dma_start3A_74] : memref<10240x128xf32, #tpu.memory_space<vmem_shared>> -> memref<640x128xf32, #tpu.memory_space<vmem_shared>>
      tpu.enqueue_dma source(%dma_start3A_75 : memref<640x128xf32, #tpu.memory_space<vmem_shared>>) target(%dma_start3A_73 : memref<640x128xf32, #tpu.memory_space<hbm>>) target_semaphore(%run_scoped3A : memref<!tpu.dma_semaphore, #tpu.memory_space<semaphore_mem>>)
      %dma_wait3A_76 = arith.constant 0 : i32
      %dma_wait3A_77 = tpu.memref_slice %arg6[%arg0, %mul3A_2, %dma_wait3A_76] : memref<2x10240x128xf32, #tpu.memory_space<hbm>> -> memref<1x640x128xf32, #tpu.memory_space<hbm>>
      %dma_wait3A_78 = tpu.memref_squeeze %dma_wait3A_77 : memref<1x640x128xf32, #tpu.memory_space<hbm>> -> memref<640x128xf32, #tpu.memory_space<hbm>>
      %dma_wait3A_79 = arith.constant 0 : i32
      %dma_wait3A_80 = tpu.memref_slice %arg11[%mul3A_2, %dma_wait3A_79] : memref<10240x128xf32, #tpu.memory_space<vmem_shared>> -> memref<640x128xf32, #tpu.memory_space<vmem_shared>>
      tpu.wait_dma2 semaphore(%run_scoped3A : memref<!tpu.dma_semaphore, #tpu.memory_space<semaphore_mem>>) src(%dma_wait3A_80 : memref<640x128xf32, #tpu.memory_space<vmem_shared>>) dst(%dma_wait3A_78 : memref<640x128xf32, #tpu.memory_space<hbm>>)
      tpu.yield
    }) : () -> ()
    "tpu.region"() ({
      %run_scoped3A = tpu.sem_alloc : memref<!tpu.dma_semaphore, #tpu.memory_space<semaphore_mem>>
      %dma_start3A_71 = arith.constant 0 : i32
      %dma_start3A_72 = tpu.memref_slice %arg11[%mul3A_2, %dma_start3A_71] : memref<10240x128xf32, #tpu.memory_space<vmem_shared>> -> memref<640x128xf32, #tpu.memory_space<vmem_shared>>
      tpu.enqueue_dma source(%arg5 : memref<640x128xf32, #tpu.memory_space<hbm>>) target(%dma_start3A_72 : memref<640x128xf32, #tpu.memory_space<vmem_shared>>) target_semaphore(%run_scoped3A : memref<!tpu.dma_semaphore, #tpu.memory_space<semaphore_mem>>)
      %dma_wait3A_73 = arith.constant 0 : i32
      %dma_wait3A_74 = tpu.memref_slice %arg11[%mul3A_2, %dma_wait3A_73] : memref<10240x128xf32, #tpu.memory_space<vmem_shared>> -> memref<640x128xf32, #tpu.memory_space<vmem_shared>>
      tpu.wait_dma2 semaphore(%run_scoped3A : memref<!tpu.dma_semaphore, #tpu.memory_space<semaphore_mem>>) src(%arg5 : memref<640x128xf32, #tpu.memory_space<hbm>>) dst(%dma_wait3A_74 : memref<640x128xf32, #tpu.memory_space<vmem_shared>>)
      tpu.yield
    }) : () -> ()
    %barrier3A_35 = arith.constant 0 : index
    tpu.barrier barrier_id(%barrier3A_35)
    %mul3A_36 = arith.constant 5248 : i32
    %mul3A_37 = arith.muli %add3A, %mul3A_36 : i32
    %add3A_38 = arith.constant 0 : i32
    %add3A_39 = arith.addi %mul3A_37, %add3A_38 : i32
    %dma_start3A_40 = arith.constant 0 : i32
    %dma_start3A_41 = tpu.memref_slice %arg3[%add3A_39, %dma_start3A_40] : memref<167936x128xf32, #tpu.memory_space<hbm>> -> memref<128x128xf32, #tpu.memory_space<hbm>>
    %dma_start3A_42 = arith.constant 0 : i32
    %dma_start3A_43 = tpu.memref_slice %arg3[%add3A_39, %dma_start3A_42] : memref<167936x128xf32, #tpu.memory_space<hbm>> -> memref<128x128xf32, #tpu.memory_space<hbm>>
    tpu.enqueue_dma source(%dma_start3A_43 : memref<128x128xf32, #tpu.memory_space<hbm>>) target(%arg9 : memref<128x128xf32, #tpu.memory_space<vmem>>) target_semaphore(%arg12 : memref<!tpu.dma_semaphore, #tpu.memory_space<semaphore_mem>>)
    %scan3A_44 = arith.constant 0 : i32
    %scan3A_45 = arith.constant 0 : i32
    %scan3A_46 = arith.constant 20 : i32
    %scan3A_47 = arith.addi %scan3A_45, %scan3A_46 : i32
    %scan3A_48 = arith.constant 1 : i32
    scf.for %scan3A_71 = %scan3A_45 to %scan3A_47 step %scan3A_48  : i32 {
      %mul3A_72 = arith.constant 2 : i32
      %mul3A_73 = arith.muli %mul3A_72, %scan3A_71 : i32
      %add3A_74 = arith.constant 1 : i32
      %add3A_75 = arith.addi %mul3A_73, %add3A_74 : i32
      %mul3A_76 = arith.constant 5248 : i32
      %mul3A_77 = arith.muli %add3A, %mul3A_76 : i32
      %mul3A_78 = arith.constant 128 : i32
      %mul3A_79 = arith.muli %add3A_75, %mul3A_78 : i32
      %add3A_80 = arith.addi %mul3A_77, %mul3A_79 : i32
      %dma_start3A_81 = arith.constant 0 : i32
      %dma_start3A_82 = tpu.memref_slice %arg3[%add3A_80, %dma_start3A_81] : memref<167936x128xf32, #tpu.memory_space<hbm>> -> memref<128x128xf32, #tpu.memory_space<hbm>>
      %dma_start3A_83 = arith.constant 0 : i32
      %dma_start3A_84 = tpu.memref_slice %arg3[%add3A_80, %dma_start3A_83] : memref<167936x128xf32, #tpu.memory_space<hbm>> -> memref<128x128xf32, #tpu.memory_space<hbm>>
      tpu.enqueue_dma source(%dma_start3A_84 : memref<128x128xf32, #tpu.memory_space<hbm>>) target(%arg10 : memref<128x128xf32, #tpu.memory_space<vmem>>) target_semaphore(%arg13 : memref<!tpu.dma_semaphore, #tpu.memory_space<semaphore_mem>>)
      %dma_wait3A_85 = arith.constant 0 : i32
      %dma_wait3A_86 = arith.constant 0 : i32
      %dma_wait3A_87 = tpu.memref_slice %arg3[%dma_wait3A_85, %dma_wait3A_86] : memref<167936x128xf32, #tpu.memory_space<hbm>> -> memref<128x128xf32, #tpu.memory_space<hbm>>
      %dma_wait3A_88 = arith.constant 0 : i32
      %dma_wait3A_89 = arith.constant 0 : i32
      %dma_wait3A_90 = tpu.memref_slice %arg3[%dma_wait3A_88, %dma_wait3A_89] : memref<167936x128xf32, #tpu.memory_space<hbm>> -> memref<128x128xf32, #tpu.memory_space<hbm>>
      tpu.wait_dma2 semaphore(%arg12 : memref<!tpu.dma_semaphore, #tpu.memory_space<semaphore_mem>>) src(%dma_wait3A_90 : memref<128x128xf32, #tpu.memory_space<hbm>>) dst(%arg9 : memref<128x128xf32, #tpu.memory_space<vmem>>)
      %dma_start3A_91 = arith.constant 0 : i32
      %dma_start3A_92 = tpu.memref_slice %arg8[%mul3A_73, %dma_start3A_91] : memref<41x128xi32, #tpu.memory_space<vmem>> -> memref<1x128xi32, #tpu.memory_space<vmem>>
      %dma_start3A_93 = tpu.memref_squeeze %dma_start3A_92 : memref<1x128xi32, #tpu.memory_space<vmem>> -> memref<128xi32, #tpu.memory_space<vmem>>
      %dma_start3A_94 = arith.constant 0 : i32
      %dma_start3A_95 = arith.constant 0 : i32
      %dma_start3A_96 = tpu.memref_slice %arg11[%dma_start3A_94, %dma_start3A_95] : memref<10240x128xf32, #tpu.memory_space<vmem_shared>> -> memref<10240x128xf32, #tpu.memory_space<vmem_shared>>
      tpu.enqueue_indirect_dma source(%arg9 : memref<128x128xf32, #tpu.memory_space<vmem>>) target(%dma_start3A_96 : memref<10240x128xf32, #tpu.memory_space<vmem_shared>>) offsets(%dma_start3A_93 : memref<128xi32, #tpu.memory_space<vmem>>) semaphore(%arg14 : memref<!tpu.dma_semaphore, #tpu.memory_space<semaphore_mem>>) {add = true}
      %dma_wait3A_97 = arith.constant 0 : i32
      %dma_wait3A_98 = arith.constant 0 : i32
      %dma_wait3A_99 = tpu.memref_slice %arg3[%dma_wait3A_97, %dma_wait3A_98] : memref<167936x128xf32, #tpu.memory_space<hbm>> -> memref<128x128xf32, #tpu.memory_space<hbm>>
      %dma_wait3A_100 = arith.constant 0 : i32
      %dma_wait3A_101 = arith.constant 0 : i32
      %dma_wait3A_102 = tpu.memref_slice %arg3[%dma_wait3A_100, %dma_wait3A_101] : memref<167936x128xf32, #tpu.memory_space<hbm>> -> memref<128x128xf32, #tpu.memory_space<hbm>>
      tpu.wait_dma2 semaphore(%arg13 : memref<!tpu.dma_semaphore, #tpu.memory_space<semaphore_mem>>) src(%dma_wait3A_102 : memref<128x128xf32, #tpu.memory_space<hbm>>) dst(%arg10 : memref<128x128xf32, #tpu.memory_space<vmem>>)
      %add3A_103 = arith.constant 1 : i32
      %add3A_104 = arith.addi %mul3A_73, %add3A_103 : i32
      %dma_start3A_105 = arith.constant 0 : i32
      %dma_start3A_106 = tpu.memref_slice %arg8[%add3A_104, %dma_start3A_105] : memref<41x128xi32, #tpu.memory_space<vmem>> -> memref<1x128xi32, #tpu.memory_space<vmem>>
      %dma_start3A_107 = tpu.memref_squeeze %dma_start3A_106 : memref<1x128xi32, #tpu.memory_space<vmem>> -> memref<128xi32, #tpu.memory_space<vmem>>
      %dma_start3A_108 = arith.constant 0 : i32
      %dma_start3A_109 = arith.constant 0 : i32
      %dma_start3A_110 = tpu.memref_slice %arg11[%dma_start3A_108, %dma_start3A_109] : memref<10240x128xf32, #tpu.memory_space<vmem_shared>> -> memref<10240x128xf32, #tpu.memory_space<vmem_shared>>
      tpu.enqueue_indirect_dma source(%arg10 : memref<128x128xf32, #tpu.memory_space<vmem>>) target(%dma_start3A_110 : memref<10240x128xf32, #tpu.memory_space<vmem_shared>>) offsets(%dma_start3A_107 : memref<128xi32, #tpu.memory_space<vmem>>) semaphore(%arg15 : memref<!tpu.dma_semaphore, #tpu.memory_space<semaphore_mem>>) {add = true}
      %dma_wait3A_111 = arith.constant 0 : i32
      %dma_wait3A_112 = arith.constant 0 : i32
      %dma_wait3A_113 = tpu.memref_slice %arg8[%dma_wait3A_111, %dma_wait3A_112] : memref<41x128xi32, #tpu.memory_space<vmem>> -> memref<1x128xi32, #tpu.memory_space<vmem>>
      %dma_wait3A_114 = tpu.memref_squeeze %dma_wait3A_113 : memref<1x128xi32, #tpu.memory_space<vmem>> -> memref<128xi32, #tpu.memory_space<vmem>>
      %dma_wait3A_115 = arith.constant 0 : i32
      %dma_wait3A_116 = arith.constant 0 : i32
      %dma_wait3A_117 = tpu.memref_slice %arg11[%dma_wait3A_115, %dma_wait3A_116] : memref<10240x128xf32, #tpu.memory_space<vmem_shared>> -> memref<10240x128xf32, #tpu.memory_space<vmem_shared>>
      tpu.wait_indirect_dma semaphore(%arg14 : memref<!tpu.dma_semaphore, #tpu.memory_space<semaphore_mem>>) src(%arg9 : memref<128x128xf32, #tpu.memory_space<vmem>>) dst(%dma_wait3A_117 : memref<10240x128xf32, #tpu.memory_space<vmem_shared>>)
      %add3A_118 = arith.constant 2 : i32
      %add3A_119 = arith.addi %mul3A_73, %add3A_118 : i32
      %mul3A_120 = arith.constant 5248 : i32
      %mul3A_121 = arith.muli %add3A, %mul3A_120 : i32
      %mul3A_122 = arith.constant 128 : i32
      %mul3A_123 = arith.muli %add3A_119, %mul3A_122 : i32
      %add3A_124 = arith.addi %mul3A_121, %mul3A_123 : i32
      %dma_start3A_125 = arith.constant 0 : i32
      %dma_start3A_126 = tpu.memref_slice %arg3[%add3A_124, %dma_start3A_125] : memref<167936x128xf32, #tpu.memory_space<hbm>> -> memref<128x128xf32, #tpu.memory_space<hbm>>
      %dma_start3A_127 = arith.constant 0 : i32
      %dma_start3A_128 = tpu.memref_slice %arg3[%add3A_124, %dma_start3A_127] : memref<167936x128xf32, #tpu.memory_space<hbm>> -> memref<128x128xf32, #tpu.memory_space<hbm>>
      tpu.enqueue_dma source(%dma_start3A_128 : memref<128x128xf32, #tpu.memory_space<hbm>>) target(%arg9 : memref<128x128xf32, #tpu.memory_space<vmem>>) target_semaphore(%arg12 : memref<!tpu.dma_semaphore, #tpu.memory_space<semaphore_mem>>)
      %dma_wait3A_129 = arith.constant 0 : i32
      %dma_wait3A_130 = arith.constant 0 : i32
      %dma_wait3A_131 = tpu.memref_slice %arg8[%dma_wait3A_129, %dma_wait3A_130] : memref<41x128xi32, #tpu.memory_space<vmem>> -> memref<1x128xi32, #tpu.memory_space<vmem>>
      %dma_wait3A_132 = tpu.memref_squeeze %dma_wait3A_131 : memref<1x128xi32, #tpu.memory_space<vmem>> -> memref<128xi32, #tpu.memory_space<vmem>>
      %dma_wait3A_133 = arith.constant 0 : i32
      %dma_wait3A_134 = arith.constant 0 : i32
      %dma_wait3A_135 = tpu.memref_slice %arg11[%dma_wait3A_133, %dma_wait3A_134] : memref<10240x128xf32, #tpu.memory_space<vmem_shared>> -> memref<10240x128xf32, #tpu.memory_space<vmem_shared>>
      tpu.wait_indirect_dma semaphore(%arg15 : memref<!tpu.dma_semaphore, #tpu.memory_space<semaphore_mem>>) src(%arg10 : memref<128x128xf32, #tpu.memory_space<vmem>>) dst(%dma_wait3A_135 : memref<10240x128xf32, #tpu.memory_space<vmem_shared>>)
    }
    %scan3A_49 = arith.constant 20 : i32
    %dma_wait3A_50 = arith.constant 0 : i32
    %dma_wait3A_51 = arith.constant 0 : i32
    %dma_wait3A_52 = tpu.memref_slice %arg3[%dma_wait3A_50, %dma_wait3A_51] : memref<167936x128xf32, #tpu.memory_space<hbm>> -> memref<128x128xf32, #tpu.memory_space<hbm>>
    %dma_wait3A_53 = arith.constant 0 : i32
    %dma_wait3A_54 = arith.constant 0 : i32
    %dma_wait3A_55 = tpu.memref_slice %arg3[%dma_wait3A_53, %dma_wait3A_54] : memref<167936x128xf32, #tpu.memory_space<hbm>> -> memref<128x128xf32, #tpu.memory_space<hbm>>
    tpu.wait_dma2 semaphore(%arg12 : memref<!tpu.dma_semaphore, #tpu.memory_space<semaphore_mem>>) src(%dma_wait3A_55 : memref<128x128xf32, #tpu.memory_space<hbm>>) dst(%arg9 : memref<128x128xf32, #tpu.memory_space<vmem>>)
    %dma_start3A_56 = arith.constant 40 : i32
    %dma_start3A_57 = arith.constant 0 : i32
    %dma_start3A_58 = tpu.memref_slice %arg8[%dma_start3A_56, %dma_start3A_57] : memref<41x128xi32, #tpu.memory_space<vmem>> -> memref<1x128xi32, #tpu.memory_space<vmem>>
    %dma_start3A_59 = tpu.memref_squeeze %dma_start3A_58 : memref<1x128xi32, #tpu.memory_space<vmem>> -> memref<128xi32, #tpu.memory_space<vmem>>
    %dma_start3A_60 = arith.constant 0 : i32
    %dma_start3A_61 = arith.constant 0 : i32
    %dma_start3A_62 = tpu.memref_slice %arg11[%dma_start3A_60, %dma_start3A_61] : memref<10240x128xf32, #tpu.memory_space<vmem_shared>> -> memref<10240x128xf32, #tpu.memory_space<vmem_shared>>
    tpu.enqueue_indirect_dma source(%arg9 : memref<128x128xf32, #tpu.memory_space<vmem>>) target(%dma_start3A_62 : memref<10240x128xf32, #tpu.memory_space<vmem_shared>>) offsets(%dma_start3A_59 : memref<128xi32, #tpu.memory_space<vmem>>) semaphore(%arg14 : memref<!tpu.dma_semaphore, #tpu.memory_space<semaphore_mem>>) {add = true}
    %dma_wait3A_63 = arith.constant 0 : i32
    %dma_wait3A_64 = arith.constant 0 : i32
    %dma_wait3A_65 = tpu.memref_slice %arg8[%dma_wait3A_63, %dma_wait3A_64] : memref<41x128xi32, #tpu.memory_space<vmem>> -> memref<1x128xi32, #tpu.memory_space<vmem>>
    %dma_wait3A_66 = tpu.memref_squeeze %dma_wait3A_65 : memref<1x128xi32, #tpu.memory_space<vmem>> -> memref<128xi32, #tpu.memory_space<vmem>>
    %dma_wait3A_67 = arith.constant 0 : i32
    %dma_wait3A_68 = arith.constant 0 : i32
    %dma_wait3A_69 = tpu.memref_slice %arg11[%dma_wait3A_67, %dma_wait3A_68] : memref<10240x128xf32, #tpu.memory_space<vmem_shared>> -> memref<10240x128xf32, #tpu.memory_space<vmem_shared>>
    tpu.wait_indirect_dma semaphore(%arg14 : memref<!tpu.dma_semaphore, #tpu.memory_space<semaphore_mem>>) src(%arg9 : memref<128x128xf32, #tpu.memory_space<vmem>>) dst(%dma_wait3A_69 : memref<10240x128xf32, #tpu.memory_space<vmem_shared>>)
    %barrier3A_70 = arith.constant 0 : index
    tpu.barrier barrier_id(%barrier3A_70)
    "tpu.region"() ({
      %run_scoped3A = tpu.sem_alloc : memref<!tpu.dma_semaphore, #tpu.memory_space<semaphore_mem>>
      %dma_start3A_71 = arith.constant 0 : i32
      %dma_start3A_72 = tpu.memref_slice %arg7[%arg0, %mul3A_2, %dma_start3A_71] : memref<2x10240x128xf32, #tpu.memory_space<hbm>> -> memref<1x640x128xf32, #tpu.memory_space<hbm>>
      %dma_start3A_73 = tpu.memref_squeeze %dma_start3A_72 : memref<1x640x128xf32, #tpu.memory_space<hbm>> -> memref<640x128xf32, #tpu.memory_space<hbm>>
      %dma_start3A_74 = arith.constant 0 : i32
      %dma_start3A_75 = tpu.memref_slice %arg11[%mul3A_2, %dma_start3A_74] : memref<10240x128xf32, #tpu.memory_space<vmem_shared>> -> memref<640x128xf32, #tpu.memory_space<vmem_shared>>
      tpu.enqueue_dma source(%dma_start3A_75 : memref<640x128xf32, #tpu.memory_space<vmem_shared>>) target(%dma_start3A_73 : memref<640x128xf32, #tpu.memory_space<hbm>>) target_semaphore(%run_scoped3A : memref<!tpu.dma_semaphore, #tpu.memory_space<semaphore_mem>>)
      %dma_wait3A_76 = arith.constant 0 : i32
      %dma_wait3A_77 = tpu.memref_slice %arg7[%arg0, %mul3A_2, %dma_wait3A_76] : memref<2x10240x128xf32, #tpu.memory_space<hbm>> -> memref<1x640x128xf32, #tpu.memory_space<hbm>>
      %dma_wait3A_78 = tpu.memref_squeeze %dma_wait3A_77 : memref<1x640x128xf32, #tpu.memory_space<hbm>> -> memref<640x128xf32, #tpu.memory_space<hbm>>
      %dma_wait3A_79 = arith.constant 0 : i32
      %dma_wait3A_80 = tpu.memref_slice %arg11[%mul3A_2, %dma_wait3A_79] : memref<10240x128xf32, #tpu.memory_space<vmem_shared>> -> memref<640x128xf32, #tpu.memory_space<vmem_shared>>
      tpu.wait_dma2 semaphore(%run_scoped3A : memref<!tpu.dma_semaphore, #tpu.memory_space<semaphore_mem>>) src(%dma_wait3A_80 : memref<640x128xf32, #tpu.memory_space<vmem_shared>>) dst(%dma_wait3A_78 : memref<640x128xf32, #tpu.memory_space<hbm>>)
      tpu.yield
    }) : () -> ()
    return
  }
}

#map = affine_map<(d0, d1) -> (0, 0)>
#map1 = affine_map<(d0, d1) -> (0, 0, 0)>
module attributes {stable_mosaic.version = 14 : i64} {
  func.func @k(%arg0: i32, %arg1: i32, %arg2: memref<323584x128xf32, #tpu.memory_space<hbm>>, %arg3: memref<323584x128xf32, #tpu.memory_space<hbm>>, %arg4: memref<32x79x128xi32, #tpu.memory_space<hbm>>, %arg5: memref<640x128xf32, #tpu.memory_space<hbm>>, %arg6: memref<2x10240x128xf32, #tpu.memory_space<hbm>>, %arg7: memref<2x10240x128xf32, #tpu.memory_space<hbm>>, %arg8: memref<79x128xi32, #tpu.memory_space<vmem>>, %arg9: memref<128x128xf32, #tpu.memory_space<vmem>>, %arg10: memref<128x128xf32, #tpu.memory_space<vmem>>, %arg11: memref<10240x128xf32, #tpu.memory_space<vmem_shared>>, %arg12: memref<!tpu.dma_semaphore, #tpu.memory_space<semaphore_mem>>, %arg13: memref<!tpu.dma_semaphore, #tpu.memory_space<semaphore_mem>>, %arg14: memref<!tpu.dma_semaphore, #tpu.memory_space<semaphore_mem>>, %arg15: memref<!tpu.dma_semaphore, #tpu.memory_space<semaphore_mem>>) attributes {dimension_semantics = [#tpu.dimension_semantics<core_parallel>, #tpu.dimension_semantics<subcore_parallel>], iteration_bounds = array<i64: 2, 16>, scalar_prefetch = 0 : i64, scratch_operands = 8 : i64, tpu.core_type = #tpu.core_type<sc_vector_subcore>, window_params = [{transform_indices = #map}, {transform_indices = #map}, {transform_indices = #map1}, {transform_indices = #map}, {transform_indices = #map1}, {transform_indices = #map1}]} {
    %mul3A = arith.constant 2 : i32
    %mul3A_0 = arith.muli %arg1, %mul3A : i32
    %add3A = arith.addi %mul3A_0, %arg0 : i32
    %mul3A_1 = arith.constant 640 : i32
    %mul3A_2 = arith.muli %arg1, %mul3A_1 : i32
    "tpu.region"() ({
      %run_scoped3A = tpu.sem_alloc : memref<!tpu.dma_semaphore, #tpu.memory_space<semaphore_mem>>
      %dma_start3A_71 = arith.constant 0 : i32
      %dma_start3A_72 = arith.constant 0 : i32
      %dma_start3A_73 = tpu.memref_slice %arg4[%add3A, %dma_start3A_71, %dma_start3A_72] : memref<32x79x128xi32, #tpu.memory_space<hbm>> -> memref<1x79x128xi32, #tpu.memory_space<hbm>>
      %dma_start3A_74 = tpu.memref_squeeze %dma_start3A_73 : memref<1x79x128xi32, #tpu.memory_space<hbm>> -> memref<79x128xi32, #tpu.memory_space<hbm>>
      %dma_start3A_75 = arith.constant 0 : i32
      %dma_start3A_76 = arith.constant 0 : i32
      %dma_start3A_77 = tpu.memref_slice %arg4[%add3A, %dma_start3A_75, %dma_start3A_76] : memref<32x79x128xi32, #tpu.memory_space<hbm>> -> memref<1x79x128xi32, #tpu.memory_space<hbm>>
      %dma_start3A_78 = tpu.memref_squeeze %dma_start3A_77 : memref<1x79x128xi32, #tpu.memory_space<hbm>> -> memref<79x128xi32, #tpu.memory_space<hbm>>
      tpu.enqueue_dma source(%dma_start3A_78 : memref<79x128xi32, #tpu.memory_space<hbm>>) target(%arg8 : memref<79x128xi32, #tpu.memory_space<vmem>>) target_semaphore(%run_scoped3A : memref<!tpu.dma_semaphore, #tpu.memory_space<semaphore_mem>>)
      %dma_wait3A_79 = arith.constant 0 : i32
      %dma_wait3A_80 = arith.constant 0 : i32
      %dma_wait3A_81 = tpu.memref_slice %arg4[%add3A, %dma_wait3A_79, %dma_wait3A_80] : memref<32x79x128xi32, #tpu.memory_space<hbm>> -> memref<1x79x128xi32, #tpu.memory_space<hbm>>
      %dma_wait3A_82 = tpu.memref_squeeze %dma_wait3A_81 : memref<1x79x128xi32, #tpu.memory_space<hbm>> -> memref<79x128xi32, #tpu.memory_space<hbm>>
      %dma_wait3A_83 = arith.constant 0 : i32
      %dma_wait3A_84 = arith.constant 0 : i32
      %dma_wait3A_85 = tpu.memref_slice %arg4[%add3A, %dma_wait3A_83, %dma_wait3A_84] : memref<32x79x128xi32, #tpu.memory_space<hbm>> -> memref<1x79x128xi32, #tpu.memory_space<hbm>>
      %dma_wait3A_86 = tpu.memref_squeeze %dma_wait3A_85 : memref<1x79x128xi32, #tpu.memory_space<hbm>> -> memref<79x128xi32, #tpu.memory_space<hbm>>
      tpu.wait_dma2 semaphore(%run_scoped3A : memref<!tpu.dma_semaphore, #tpu.memory_space<semaphore_mem>>) src(%dma_wait3A_86 : memref<79x128xi32, #tpu.memory_space<hbm>>) dst(%arg8 : memref<79x128xi32, #tpu.memory_space<vmem>>)
      tpu.yield
    }) : () -> ()
    "tpu.region"() ({
      %run_scoped3A = tpu.sem_alloc : memref<!tpu.dma_semaphore, #tpu.memory_space<semaphore_mem>>
      %dma_start3A_71 = arith.constant 0 : i32
      %dma_start3A_72 = tpu.memref_slice %arg11[%mul3A_2, %dma_start3A_71] : memref<10240x128xf32, #tpu.memory_space<vmem_shared>> -> memref<640x128xf32, #tpu.memory_space<vmem_shared>>
      tpu.enqueue_dma source(%arg5 : memref<640x128xf32, #tpu.memory_space<hbm>>) target(%dma_start3A_72 : memref<640x128xf32, #tpu.memory_space<vmem_shared>>) target_semaphore(%run_scoped3A : memref<!tpu.dma_semaphore, #tpu.memory_space<semaphore_mem>>)
      %dma_wait3A_73 = arith.constant 0 : i32
      %dma_wait3A_74 = tpu.memref_slice %arg11[%mul3A_2, %dma_wait3A_73] : memref<10240x128xf32, #tpu.memory_space<vmem_shared>> -> memref<640x128xf32, #tpu.memory_space<vmem_shared>>
      tpu.wait_dma2 semaphore(%run_scoped3A : memref<!tpu.dma_semaphore, #tpu.memory_space<semaphore_mem>>) src(%arg5 : memref<640x128xf32, #tpu.memory_space<hbm>>) dst(%dma_wait3A_74 : memref<640x128xf32, #tpu.memory_space<vmem_shared>>)
      tpu.yield
    }) : () -> ()
    %barrier3A = arith.constant 0 : index
    tpu.barrier barrier_id(%barrier3A)
    %mul3A_3 = arith.constant 10112 : i32
    %mul3A_4 = arith.muli %add3A, %mul3A_3 : i32
    %add3A_5 = arith.constant 0 : i32
    %add3A_6 = arith.addi %mul3A_4, %add3A_5 : i32
    %dma_start3A = arith.constant 0 : i32
    %dma_start3A_7 = tpu.memref_slice %arg2[%add3A_6, %dma_start3A] : memref<323584x128xf32, #tpu.memory_space<hbm>> -> memref<128x128xf32, #tpu.memory_space<hbm>>
    %dma_start3A_8 = arith.constant 0 : i32
    %dma_start3A_9 = tpu.memref_slice %arg2[%add3A_6, %dma_start3A_8] : memref<323584x128xf32, #tpu.memory_space<hbm>> -> memref<128x128xf32, #tpu.memory_space<hbm>>
    tpu.enqueue_dma source(%dma_start3A_9 : memref<128x128xf32, #tpu.memory_space<hbm>>) target(%arg9 : memref<128x128xf32, #tpu.memory_space<vmem>>) target_semaphore(%arg12 : memref<!tpu.dma_semaphore, #tpu.memory_space<semaphore_mem>>)
    %scan3A = arith.constant 0 : i32
    %scan3A_10 = arith.constant 0 : i32
    %scan3A_11 = arith.constant 39 : i32
    %scan3A_12 = arith.addi %scan3A_10, %scan3A_11 : i32
    %scan3A_13 = arith.constant 1 : i32
    scf.for %scan3A_71 = %scan3A_10 to %scan3A_12 step %scan3A_13  : i32 {
      %mul3A_72 = arith.constant 2 : i32
      %mul3A_73 = arith.muli %mul3A_72, %scan3A_71 : i32
      %add3A_74 = arith.constant 1 : i32
      %add3A_75 = arith.addi %mul3A_73, %add3A_74 : i32
      %mul3A_76 = arith.constant 10112 : i32
      %mul3A_77 = arith.muli %add3A, %mul3A_76 : i32
      %mul3A_78 = arith.constant 128 : i32
      %mul3A_79 = arith.muli %add3A_75, %mul3A_78 : i32
      %add3A_80 = arith.addi %mul3A_77, %mul3A_79 : i32
      %dma_start3A_81 = arith.constant 0 : i32
      %dma_start3A_82 = tpu.memref_slice %arg2[%add3A_80, %dma_start3A_81] : memref<323584x128xf32, #tpu.memory_space<hbm>> -> memref<128x128xf32, #tpu.memory_space<hbm>>
      %dma_start3A_83 = arith.constant 0 : i32
      %dma_start3A_84 = tpu.memref_slice %arg2[%add3A_80, %dma_start3A_83] : memref<323584x128xf32, #tpu.memory_space<hbm>> -> memref<128x128xf32, #tpu.memory_space<hbm>>
      tpu.enqueue_dma source(%dma_start3A_84 : memref<128x128xf32, #tpu.memory_space<hbm>>) target(%arg10 : memref<128x128xf32, #tpu.memory_space<vmem>>) target_semaphore(%arg13 : memref<!tpu.dma_semaphore, #tpu.memory_space<semaphore_mem>>)
      %dma_wait3A_85 = arith.constant 0 : i32
      %dma_wait3A_86 = arith.constant 0 : i32
      %dma_wait3A_87 = tpu.memref_slice %arg2[%dma_wait3A_85, %dma_wait3A_86] : memref<323584x128xf32, #tpu.memory_space<hbm>> -> memref<128x128xf32, #tpu.memory_space<hbm>>
      %dma_wait3A_88 = arith.constant 0 : i32
      %dma_wait3A_89 = arith.constant 0 : i32
      %dma_wait3A_90 = tpu.memref_slice %arg2[%dma_wait3A_88, %dma_wait3A_89] : memref<323584x128xf32, #tpu.memory_space<hbm>> -> memref<128x128xf32, #tpu.memory_space<hbm>>
      tpu.wait_dma2 semaphore(%arg12 : memref<!tpu.dma_semaphore, #tpu.memory_space<semaphore_mem>>) src(%dma_wait3A_90 : memref<128x128xf32, #tpu.memory_space<hbm>>) dst(%arg9 : memref<128x128xf32, #tpu.memory_space<vmem>>)
      %dma_start3A_91 = arith.constant 0 : i32
      %dma_start3A_92 = tpu.memref_slice %arg8[%mul3A_73, %dma_start3A_91] : memref<79x128xi32, #tpu.memory_space<vmem>> -> memref<1x128xi32, #tpu.memory_space<vmem>>
      %dma_start3A_93 = tpu.memref_squeeze %dma_start3A_92 : memref<1x128xi32, #tpu.memory_space<vmem>> -> memref<128xi32, #tpu.memory_space<vmem>>
      %dma_start3A_94 = arith.constant 0 : i32
      %dma_start3A_95 = arith.constant 0 : i32
      %dma_start3A_96 = tpu.memref_slice %arg11[%dma_start3A_94, %dma_start3A_95] : memref<10240x128xf32, #tpu.memory_space<vmem_shared>> -> memref<10240x128xf32, #tpu.memory_space<vmem_shared>>
      tpu.enqueue_indirect_dma source(%arg9 : memref<128x128xf32, #tpu.memory_space<vmem>>) target(%dma_start3A_96 : memref<10240x128xf32, #tpu.memory_space<vmem_shared>>) offsets(%dma_start3A_93 : memref<128xi32, #tpu.memory_space<vmem>>) semaphore(%arg14 : memref<!tpu.dma_semaphore, #tpu.memory_space<semaphore_mem>>) {add = true}
      %dma_wait3A_97 = arith.constant 0 : i32
      %dma_wait3A_98 = arith.constant 0 : i32
      %dma_wait3A_99 = tpu.memref_slice %arg2[%dma_wait3A_97, %dma_wait3A_98] : memref<323584x128xf32, #tpu.memory_space<hbm>> -> memref<128x128xf32, #tpu.memory_space<hbm>>
      %dma_wait3A_100 = arith.constant 0 : i32
      %dma_wait3A_101 = arith.constant 0 : i32
      %dma_wait3A_102 = tpu.memref_slice %arg2[%dma_wait3A_100, %dma_wait3A_101] : memref<323584x128xf32, #tpu.memory_space<hbm>> -> memref<128x128xf32, #tpu.memory_space<hbm>>
      tpu.wait_dma2 semaphore(%arg13 : memref<!tpu.dma_semaphore, #tpu.memory_space<semaphore_mem>>) src(%dma_wait3A_102 : memref<128x128xf32, #tpu.memory_space<hbm>>) dst(%arg10 : memref<128x128xf32, #tpu.memory_space<vmem>>)
      %add3A_103 = arith.constant 1 : i32
      %add3A_104 = arith.addi %mul3A_73, %add3A_103 : i32
      %dma_start3A_105 = arith.constant 0 : i32
      %dma_start3A_106 = tpu.memref_slice %arg8[%add3A_104, %dma_start3A_105] : memref<79x128xi32, #tpu.memory_space<vmem>> -> memref<1x128xi32, #tpu.memory_space<vmem>>
      %dma_start3A_107 = tpu.memref_squeeze %dma_start3A_106 : memref<1x128xi32, #tpu.memory_space<vmem>> -> memref<128xi32, #tpu.memory_space<vmem>>
      %dma_start3A_108 = arith.constant 0 : i32
      %dma_start3A_109 = arith.constant 0 : i32
      %dma_start3A_110 = tpu.memref_slice %arg11[%dma_start3A_108, %dma_start3A_109] : memref<10240x128xf32, #tpu.memory_space<vmem_shared>> -> memref<10240x128xf32, #tpu.memory_space<vmem_shared>>
      tpu.enqueue_indirect_dma source(%arg10 : memref<128x128xf32, #tpu.memory_space<vmem>>) target(%dma_start3A_110 : memref<10240x128xf32, #tpu.memory_space<vmem_shared>>) offsets(%dma_start3A_107 : memref<128xi32, #tpu.memory_space<vmem>>) semaphore(%arg15 : memref<!tpu.dma_semaphore, #tpu.memory_space<semaphore_mem>>) {add = true}
      %dma_wait3A_111 = arith.constant 0 : i32
      %dma_wait3A_112 = arith.constant 0 : i32
      %dma_wait3A_113 = tpu.memref_slice %arg8[%dma_wait3A_111, %dma_wait3A_112] : memref<79x128xi32, #tpu.memory_space<vmem>> -> memref<1x128xi32, #tpu.memory_space<vmem>>
      %dma_wait3A_114 = tpu.memref_squeeze %dma_wait3A_113 : memref<1x128xi32, #tpu.memory_space<vmem>> -> memref<128xi32, #tpu.memory_space<vmem>>
      %dma_wait3A_115 = arith.constant 0 : i32
      %dma_wait3A_116 = arith.constant 0 : i32
      %dma_wait3A_117 = tpu.memref_slice %arg11[%dma_wait3A_115, %dma_wait3A_116] : memref<10240x128xf32, #tpu.memory_space<vmem_shared>> -> memref<10240x128xf32, #tpu.memory_space<vmem_shared>>
      tpu.wait_indirect_dma semaphore(%arg14 : memref<!tpu.dma_semaphore, #tpu.memory_space<semaphore_mem>>) src(%arg9 : memref<128x128xf32, #tpu.memory_space<vmem>>) dst(%dma_wait3A_117 : memref<10240x128xf32, #tpu.memory_space<vmem_shared>>)
      %add3A_118 = arith.constant 2 : i32
      %add3A_119 = arith.addi %mul3A_73, %add3A_118 : i32
      %mul3A_120 = arith.constant 10112 : i32
      %mul3A_121 = arith.muli %add3A, %mul3A_120 : i32
      %mul3A_122 = arith.constant 128 : i32
      %mul3A_123 = arith.muli %add3A_119, %mul3A_122 : i32
      %add3A_124 = arith.addi %mul3A_121, %mul3A_123 : i32
      %dma_start3A_125 = arith.constant 0 : i32
      %dma_start3A_126 = tpu.memref_slice %arg2[%add3A_124, %dma_start3A_125] : memref<323584x128xf32, #tpu.memory_space<hbm>> -> memref<128x128xf32, #tpu.memory_space<hbm>>
      %dma_start3A_127 = arith.constant 0 : i32
      %dma_start3A_128 = tpu.memref_slice %arg2[%add3A_124, %dma_start3A_127] : memref<323584x128xf32, #tpu.memory_space<hbm>> -> memref<128x128xf32, #tpu.memory_space<hbm>>
      tpu.enqueue_dma source(%dma_start3A_128 : memref<128x128xf32, #tpu.memory_space<hbm>>) target(%arg9 : memref<128x128xf32, #tpu.memory_space<vmem>>) target_semaphore(%arg12 : memref<!tpu.dma_semaphore, #tpu.memory_space<semaphore_mem>>)
      %dma_wait3A_129 = arith.constant 0 : i32
      %dma_wait3A_130 = arith.constant 0 : i32
      %dma_wait3A_131 = tpu.memref_slice %arg8[%dma_wait3A_129, %dma_wait3A_130] : memref<79x128xi32, #tpu.memory_space<vmem>> -> memref<1x128xi32, #tpu.memory_space<vmem>>
      %dma_wait3A_132 = tpu.memref_squeeze %dma_wait3A_131 : memref<1x128xi32, #tpu.memory_space<vmem>> -> memref<128xi32, #tpu.memory_space<vmem>>
      %dma_wait3A_133 = arith.constant 0 : i32
      %dma_wait3A_134 = arith.constant 0 : i32
      %dma_wait3A_135 = tpu.memref_slice %arg11[%dma_wait3A_133, %dma_wait3A_134] : memref<10240x128xf32, #tpu.memory_space<vmem_shared>> -> memref<10240x128xf32, #tpu.memory_space<vmem_shared>>
      tpu.wait_indirect_dma semaphore(%arg15 : memref<!tpu.dma_semaphore, #tpu.memory_space<semaphore_mem>>) src(%arg10 : memref<128x128xf32, #tpu.memory_space<vmem>>) dst(%dma_wait3A_135 : memref<10240x128xf32, #tpu.memory_space<vmem_shared>>)
    }
    %scan3A_14 = arith.constant 39 : i32
    %dma_wait3A = arith.constant 0 : i32
    %dma_wait3A_15 = arith.constant 0 : i32
    %dma_wait3A_16 = tpu.memref_slice %arg2[%dma_wait3A, %dma_wait3A_15] : memref<323584x128xf32, #tpu.memory_space<hbm>> -> memref<128x128xf32, #tpu.memory_space<hbm>>
    %dma_wait3A_17 = arith.constant 0 : i32
    %dma_wait3A_18 = arith.constant 0 : i32
    %dma_wait3A_19 = tpu.memref_slice %arg2[%dma_wait3A_17, %dma_wait3A_18] : memref<323584x128xf32, #tpu.memory_space<hbm>> -> memref<128x128xf32, #tpu.memory_space<hbm>>
    tpu.wait_dma2 semaphore(%arg12 : memref<!tpu.dma_semaphore, #tpu.memory_space<semaphore_mem>>) src(%dma_wait3A_19 : memref<128x128xf32, #tpu.memory_space<hbm>>) dst(%arg9 : memref<128x128xf32, #tpu.memory_space<vmem>>)
    %dma_start3A_20 = arith.constant 78 : i32
    %dma_start3A_21 = arith.constant 0 : i32
    %dma_start3A_22 = tpu.memref_slice %arg8[%dma_start3A_20, %dma_start3A_21] : memref<79x128xi32, #tpu.memory_space<vmem>> -> memref<1x128xi32, #tpu.memory_space<vmem>>
    %dma_start3A_23 = tpu.memref_squeeze %dma_start3A_22 : memref<1x128xi32, #tpu.memory_space<vmem>> -> memref<128xi32, #tpu.memory_space<vmem>>
    %dma_start3A_24 = arith.constant 0 : i32
    %dma_start3A_25 = arith.constant 0 : i32
    %dma_start3A_26 = tpu.memref_slice %arg11[%dma_start3A_24, %dma_start3A_25] : memref<10240x128xf32, #tpu.memory_space<vmem_shared>> -> memref<10240x128xf32, #tpu.memory_space<vmem_shared>>
    tpu.enqueue_indirect_dma source(%arg9 : memref<128x128xf32, #tpu.memory_space<vmem>>) target(%dma_start3A_26 : memref<10240x128xf32, #tpu.memory_space<vmem_shared>>) offsets(%dma_start3A_23 : memref<128xi32, #tpu.memory_space<vmem>>) semaphore(%arg14 : memref<!tpu.dma_semaphore, #tpu.memory_space<semaphore_mem>>) {add = true}
    %dma_wait3A_27 = arith.constant 0 : i32
    %dma_wait3A_28 = arith.constant 0 : i32
    %dma_wait3A_29 = tpu.memref_slice %arg8[%dma_wait3A_27, %dma_wait3A_28] : memref<79x128xi32, #tpu.memory_space<vmem>> -> memref<1x128xi32, #tpu.memory_space<vmem>>
    %dma_wait3A_30 = tpu.memref_squeeze %dma_wait3A_29 : memref<1x128xi32, #tpu.memory_space<vmem>> -> memref<128xi32, #tpu.memory_space<vmem>>
    %dma_wait3A_31 = arith.constant 0 : i32
    %dma_wait3A_32 = arith.constant 0 : i32
    %dma_wait3A_33 = tpu.memref_slice %arg11[%dma_wait3A_31, %dma_wait3A_32] : memref<10240x128xf32, #tpu.memory_space<vmem_shared>> -> memref<10240x128xf32, #tpu.memory_space<vmem_shared>>
    tpu.wait_indirect_dma semaphore(%arg14 : memref<!tpu.dma_semaphore, #tpu.memory_space<semaphore_mem>>) src(%arg9 : memref<128x128xf32, #tpu.memory_space<vmem>>) dst(%dma_wait3A_33 : memref<10240x128xf32, #tpu.memory_space<vmem_shared>>)
    %barrier3A_34 = arith.constant 0 : index
    tpu.barrier barrier_id(%barrier3A_34)
    "tpu.region"() ({
      %run_scoped3A = tpu.sem_alloc : memref<!tpu.dma_semaphore, #tpu.memory_space<semaphore_mem>>
      %dma_start3A_71 = arith.constant 0 : i32
      %dma_start3A_72 = tpu.memref_slice %arg6[%arg0, %mul3A_2, %dma_start3A_71] : memref<2x10240x128xf32, #tpu.memory_space<hbm>> -> memref<1x640x128xf32, #tpu.memory_space<hbm>>
      %dma_start3A_73 = tpu.memref_squeeze %dma_start3A_72 : memref<1x640x128xf32, #tpu.memory_space<hbm>> -> memref<640x128xf32, #tpu.memory_space<hbm>>
      %dma_start3A_74 = arith.constant 0 : i32
      %dma_start3A_75 = tpu.memref_slice %arg11[%mul3A_2, %dma_start3A_74] : memref<10240x128xf32, #tpu.memory_space<vmem_shared>> -> memref<640x128xf32, #tpu.memory_space<vmem_shared>>
      tpu.enqueue_dma source(%dma_start3A_75 : memref<640x128xf32, #tpu.memory_space<vmem_shared>>) target(%dma_start3A_73 : memref<640x128xf32, #tpu.memory_space<hbm>>) target_semaphore(%run_scoped3A : memref<!tpu.dma_semaphore, #tpu.memory_space<semaphore_mem>>)
      %dma_wait3A_76 = arith.constant 0 : i32
      %dma_wait3A_77 = tpu.memref_slice %arg6[%arg0, %mul3A_2, %dma_wait3A_76] : memref<2x10240x128xf32, #tpu.memory_space<hbm>> -> memref<1x640x128xf32, #tpu.memory_space<hbm>>
      %dma_wait3A_78 = tpu.memref_squeeze %dma_wait3A_77 : memref<1x640x128xf32, #tpu.memory_space<hbm>> -> memref<640x128xf32, #tpu.memory_space<hbm>>
      %dma_wait3A_79 = arith.constant 0 : i32
      %dma_wait3A_80 = tpu.memref_slice %arg11[%mul3A_2, %dma_wait3A_79] : memref<10240x128xf32, #tpu.memory_space<vmem_shared>> -> memref<640x128xf32, #tpu.memory_space<vmem_shared>>
      tpu.wait_dma2 semaphore(%run_scoped3A : memref<!tpu.dma_semaphore, #tpu.memory_space<semaphore_mem>>) src(%dma_wait3A_80 : memref<640x128xf32, #tpu.memory_space<vmem_shared>>) dst(%dma_wait3A_78 : memref<640x128xf32, #tpu.memory_space<hbm>>)
      tpu.yield
    }) : () -> ()
    "tpu.region"() ({
      %run_scoped3A = tpu.sem_alloc : memref<!tpu.dma_semaphore, #tpu.memory_space<semaphore_mem>>
      %dma_start3A_71 = arith.constant 0 : i32
      %dma_start3A_72 = tpu.memref_slice %arg11[%mul3A_2, %dma_start3A_71] : memref<10240x128xf32, #tpu.memory_space<vmem_shared>> -> memref<640x128xf32, #tpu.memory_space<vmem_shared>>
      tpu.enqueue_dma source(%arg5 : memref<640x128xf32, #tpu.memory_space<hbm>>) target(%dma_start3A_72 : memref<640x128xf32, #tpu.memory_space<vmem_shared>>) target_semaphore(%run_scoped3A : memref<!tpu.dma_semaphore, #tpu.memory_space<semaphore_mem>>)
      %dma_wait3A_73 = arith.constant 0 : i32
      %dma_wait3A_74 = tpu.memref_slice %arg11[%mul3A_2, %dma_wait3A_73] : memref<10240x128xf32, #tpu.memory_space<vmem_shared>> -> memref<640x128xf32, #tpu.memory_space<vmem_shared>>
      tpu.wait_dma2 semaphore(%run_scoped3A : memref<!tpu.dma_semaphore, #tpu.memory_space<semaphore_mem>>) src(%arg5 : memref<640x128xf32, #tpu.memory_space<hbm>>) dst(%dma_wait3A_74 : memref<640x128xf32, #tpu.memory_space<vmem_shared>>)
      tpu.yield
    }) : () -> ()
    %barrier3A_35 = arith.constant 0 : index
    tpu.barrier barrier_id(%barrier3A_35)
    %mul3A_36 = arith.constant 10112 : i32
    %mul3A_37 = arith.muli %add3A, %mul3A_36 : i32
    %add3A_38 = arith.constant 0 : i32
    %add3A_39 = arith.addi %mul3A_37, %add3A_38 : i32
    %dma_start3A_40 = arith.constant 0 : i32
    %dma_start3A_41 = tpu.memref_slice %arg3[%add3A_39, %dma_start3A_40] : memref<323584x128xf32, #tpu.memory_space<hbm>> -> memref<128x128xf32, #tpu.memory_space<hbm>>
    %dma_start3A_42 = arith.constant 0 : i32
    %dma_start3A_43 = tpu.memref_slice %arg3[%add3A_39, %dma_start3A_42] : memref<323584x128xf32, #tpu.memory_space<hbm>> -> memref<128x128xf32, #tpu.memory_space<hbm>>
    tpu.enqueue_dma source(%dma_start3A_43 : memref<128x128xf32, #tpu.memory_space<hbm>>) target(%arg9 : memref<128x128xf32, #tpu.memory_space<vmem>>) target_semaphore(%arg12 : memref<!tpu.dma_semaphore, #tpu.memory_space<semaphore_mem>>)
    %scan3A_44 = arith.constant 0 : i32
    %scan3A_45 = arith.constant 0 : i32
    %scan3A_46 = arith.constant 39 : i32
    %scan3A_47 = arith.addi %scan3A_45, %scan3A_46 : i32
    %scan3A_48 = arith.constant 1 : i32
    scf.for %scan3A_71 = %scan3A_45 to %scan3A_47 step %scan3A_48  : i32 {
      %mul3A_72 = arith.constant 2 : i32
      %mul3A_73 = arith.muli %mul3A_72, %scan3A_71 : i32
      %add3A_74 = arith.constant 1 : i32
      %add3A_75 = arith.addi %mul3A_73, %add3A_74 : i32
      %mul3A_76 = arith.constant 10112 : i32
      %mul3A_77 = arith.muli %add3A, %mul3A_76 : i32
      %mul3A_78 = arith.constant 128 : i32
      %mul3A_79 = arith.muli %add3A_75, %mul3A_78 : i32
      %add3A_80 = arith.addi %mul3A_77, %mul3A_79 : i32
      %dma_start3A_81 = arith.constant 0 : i32
      %dma_start3A_82 = tpu.memref_slice %arg3[%add3A_80, %dma_start3A_81] : memref<323584x128xf32, #tpu.memory_space<hbm>> -> memref<128x128xf32, #tpu.memory_space<hbm>>
      %dma_start3A_83 = arith.constant 0 : i32
      %dma_start3A_84 = tpu.memref_slice %arg3[%add3A_80, %dma_start3A_83] : memref<323584x128xf32, #tpu.memory_space<hbm>> -> memref<128x128xf32, #tpu.memory_space<hbm>>
      tpu.enqueue_dma source(%dma_start3A_84 : memref<128x128xf32, #tpu.memory_space<hbm>>) target(%arg10 : memref<128x128xf32, #tpu.memory_space<vmem>>) target_semaphore(%arg13 : memref<!tpu.dma_semaphore, #tpu.memory_space<semaphore_mem>>)
      %dma_wait3A_85 = arith.constant 0 : i32
      %dma_wait3A_86 = arith.constant 0 : i32
      %dma_wait3A_87 = tpu.memref_slice %arg3[%dma_wait3A_85, %dma_wait3A_86] : memref<323584x128xf32, #tpu.memory_space<hbm>> -> memref<128x128xf32, #tpu.memory_space<hbm>>
      %dma_wait3A_88 = arith.constant 0 : i32
      %dma_wait3A_89 = arith.constant 0 : i32
      %dma_wait3A_90 = tpu.memref_slice %arg3[%dma_wait3A_88, %dma_wait3A_89] : memref<323584x128xf32, #tpu.memory_space<hbm>> -> memref<128x128xf32, #tpu.memory_space<hbm>>
      tpu.wait_dma2 semaphore(%arg12 : memref<!tpu.dma_semaphore, #tpu.memory_space<semaphore_mem>>) src(%dma_wait3A_90 : memref<128x128xf32, #tpu.memory_space<hbm>>) dst(%arg9 : memref<128x128xf32, #tpu.memory_space<vmem>>)
      %dma_start3A_91 = arith.constant 0 : i32
      %dma_start3A_92 = tpu.memref_slice %arg8[%mul3A_73, %dma_start3A_91] : memref<79x128xi32, #tpu.memory_space<vmem>> -> memref<1x128xi32, #tpu.memory_space<vmem>>
      %dma_start3A_93 = tpu.memref_squeeze %dma_start3A_92 : memref<1x128xi32, #tpu.memory_space<vmem>> -> memref<128xi32, #tpu.memory_space<vmem>>
      %dma_start3A_94 = arith.constant 0 : i32
      %dma_start3A_95 = arith.constant 0 : i32
      %dma_start3A_96 = tpu.memref_slice %arg11[%dma_start3A_94, %dma_start3A_95] : memref<10240x128xf32, #tpu.memory_space<vmem_shared>> -> memref<10240x128xf32, #tpu.memory_space<vmem_shared>>
      tpu.enqueue_indirect_dma source(%arg9 : memref<128x128xf32, #tpu.memory_space<vmem>>) target(%dma_start3A_96 : memref<10240x128xf32, #tpu.memory_space<vmem_shared>>) offsets(%dma_start3A_93 : memref<128xi32, #tpu.memory_space<vmem>>) semaphore(%arg14 : memref<!tpu.dma_semaphore, #tpu.memory_space<semaphore_mem>>) {add = true}
      %dma_wait3A_97 = arith.constant 0 : i32
      %dma_wait3A_98 = arith.constant 0 : i32
      %dma_wait3A_99 = tpu.memref_slice %arg3[%dma_wait3A_97, %dma_wait3A_98] : memref<323584x128xf32, #tpu.memory_space<hbm>> -> memref<128x128xf32, #tpu.memory_space<hbm>>
      %dma_wait3A_100 = arith.constant 0 : i32
      %dma_wait3A_101 = arith.constant 0 : i32
      %dma_wait3A_102 = tpu.memref_slice %arg3[%dma_wait3A_100, %dma_wait3A_101] : memref<323584x128xf32, #tpu.memory_space<hbm>> -> memref<128x128xf32, #tpu.memory_space<hbm>>
      tpu.wait_dma2 semaphore(%arg13 : memref<!tpu.dma_semaphore, #tpu.memory_space<semaphore_mem>>) src(%dma_wait3A_102 : memref<128x128xf32, #tpu.memory_space<hbm>>) dst(%arg10 : memref<128x128xf32, #tpu.memory_space<vmem>>)
      %add3A_103 = arith.constant 1 : i32
      %add3A_104 = arith.addi %mul3A_73, %add3A_103 : i32
      %dma_start3A_105 = arith.constant 0 : i32
      %dma_start3A_106 = tpu.memref_slice %arg8[%add3A_104, %dma_start3A_105] : memref<79x128xi32, #tpu.memory_space<vmem>> -> memref<1x128xi32, #tpu.memory_space<vmem>>
      %dma_start3A_107 = tpu.memref_squeeze %dma_start3A_106 : memref<1x128xi32, #tpu.memory_space<vmem>> -> memref<128xi32, #tpu.memory_space<vmem>>
      %dma_start3A_108 = arith.constant 0 : i32
      %dma_start3A_109 = arith.constant 0 : i32
      %dma_start3A_110 = tpu.memref_slice %arg11[%dma_start3A_108, %dma_start3A_109] : memref<10240x128xf32, #tpu.memory_space<vmem_shared>> -> memref<10240x128xf32, #tpu.memory_space<vmem_shared>>
      tpu.enqueue_indirect_dma source(%arg10 : memref<128x128xf32, #tpu.memory_space<vmem>>) target(%dma_start3A_110 : memref<10240x128xf32, #tpu.memory_space<vmem_shared>>) offsets(%dma_start3A_107 : memref<128xi32, #tpu.memory_space<vmem>>) semaphore(%arg15 : memref<!tpu.dma_semaphore, #tpu.memory_space<semaphore_mem>>) {add = true}
      %dma_wait3A_111 = arith.constant 0 : i32
      %dma_wait3A_112 = arith.constant 0 : i32
      %dma_wait3A_113 = tpu.memref_slice %arg8[%dma_wait3A_111, %dma_wait3A_112] : memref<79x128xi32, #tpu.memory_space<vmem>> -> memref<1x128xi32, #tpu.memory_space<vmem>>
      %dma_wait3A_114 = tpu.memref_squeeze %dma_wait3A_113 : memref<1x128xi32, #tpu.memory_space<vmem>> -> memref<128xi32, #tpu.memory_space<vmem>>
      %dma_wait3A_115 = arith.constant 0 : i32
      %dma_wait3A_116 = arith.constant 0 : i32
      %dma_wait3A_117 = tpu.memref_slice %arg11[%dma_wait3A_115, %dma_wait3A_116] : memref<10240x128xf32, #tpu.memory_space<vmem_shared>> -> memref<10240x128xf32, #tpu.memory_space<vmem_shared>>
      tpu.wait_indirect_dma semaphore(%arg14 : memref<!tpu.dma_semaphore, #tpu.memory_space<semaphore_mem>>) src(%arg9 : memref<128x128xf32, #tpu.memory_space<vmem>>) dst(%dma_wait3A_117 : memref<10240x128xf32, #tpu.memory_space<vmem_shared>>)
      %add3A_118 = arith.constant 2 : i32
      %add3A_119 = arith.addi %mul3A_73, %add3A_118 : i32
      %mul3A_120 = arith.constant 10112 : i32
      %mul3A_121 = arith.muli %add3A, %mul3A_120 : i32
      %mul3A_122 = arith.constant 128 : i32
      %mul3A_123 = arith.muli %add3A_119, %mul3A_122 : i32
      %add3A_124 = arith.addi %mul3A_121, %mul3A_123 : i32
      %dma_start3A_125 = arith.constant 0 : i32
      %dma_start3A_126 = tpu.memref_slice %arg3[%add3A_124, %dma_start3A_125] : memref<323584x128xf32, #tpu.memory_space<hbm>> -> memref<128x128xf32, #tpu.memory_space<hbm>>
      %dma_start3A_127 = arith.constant 0 : i32
      %dma_start3A_128 = tpu.memref_slice %arg3[%add3A_124, %dma_start3A_127] : memref<323584x128xf32, #tpu.memory_space<hbm>> -> memref<128x128xf32, #tpu.memory_space<hbm>>
      tpu.enqueue_dma source(%dma_start3A_128 : memref<128x128xf32, #tpu.memory_space<hbm>>) target(%arg9 : memref<128x128xf32, #tpu.memory_space<vmem>>) target_semaphore(%arg12 : memref<!tpu.dma_semaphore, #tpu.memory_space<semaphore_mem>>)
      %dma_wait3A_129 = arith.constant 0 : i32
      %dma_wait3A_130 = arith.constant 0 : i32
      %dma_wait3A_131 = tpu.memref_slice %arg8[%dma_wait3A_129, %dma_wait3A_130] : memref<79x128xi32, #tpu.memory_space<vmem>> -> memref<1x128xi32, #tpu.memory_space<vmem>>
      %dma_wait3A_132 = tpu.memref_squeeze %dma_wait3A_131 : memref<1x128xi32, #tpu.memory_space<vmem>> -> memref<128xi32, #tpu.memory_space<vmem>>
      %dma_wait3A_133 = arith.constant 0 : i32
      %dma_wait3A_134 = arith.constant 0 : i32
      %dma_wait3A_135 = tpu.memref_slice %arg11[%dma_wait3A_133, %dma_wait3A_134] : memref<10240x128xf32, #tpu.memory_space<vmem_shared>> -> memref<10240x128xf32, #tpu.memory_space<vmem_shared>>
      tpu.wait_indirect_dma semaphore(%arg15 : memref<!tpu.dma_semaphore, #tpu.memory_space<semaphore_mem>>) src(%arg10 : memref<128x128xf32, #tpu.memory_space<vmem>>) dst(%dma_wait3A_135 : memref<10240x128xf32, #tpu.memory_space<vmem_shared>>)
    }
    %scan3A_49 = arith.constant 39 : i32
    %dma_wait3A_50 = arith.constant 0 : i32
    %dma_wait3A_51 = arith.constant 0 : i32
    %dma_wait3A_52 = tpu.memref_slice %arg3[%dma_wait3A_50, %dma_wait3A_51] : memref<323584x128xf32, #tpu.memory_space<hbm>> -> memref<128x128xf32, #tpu.memory_space<hbm>>
    %dma_wait3A_53 = arith.constant 0 : i32
    %dma_wait3A_54 = arith.constant 0 : i32
    %dma_wait3A_55 = tpu.memref_slice %arg3[%dma_wait3A_53, %dma_wait3A_54] : memref<323584x128xf32, #tpu.memory_space<hbm>> -> memref<128x128xf32, #tpu.memory_space<hbm>>
    tpu.wait_dma2 semaphore(%arg12 : memref<!tpu.dma_semaphore, #tpu.memory_space<semaphore_mem>>) src(%dma_wait3A_55 : memref<128x128xf32, #tpu.memory_space<hbm>>) dst(%arg9 : memref<128x128xf32, #tpu.memory_space<vmem>>)
    %dma_start3A_56 = arith.constant 78 : i32
    %dma_start3A_57 = arith.constant 0 : i32
    %dma_start3A_58 = tpu.memref_slice %arg8[%dma_start3A_56, %dma_start3A_57] : memref<79x128xi32, #tpu.memory_space<vmem>> -> memref<1x128xi32, #tpu.memory_space<vmem>>
    %dma_start3A_59 = tpu.memref_squeeze %dma_start3A_58 : memref<1x128xi32, #tpu.memory_space<vmem>> -> memref<128xi32, #tpu.memory_space<vmem>>
    %dma_start3A_60 = arith.constant 0 : i32
    %dma_start3A_61 = arith.constant 0 : i32
    %dma_start3A_62 = tpu.memref_slice %arg11[%dma_start3A_60, %dma_start3A_61] : memref<10240x128xf32, #tpu.memory_space<vmem_shared>> -> memref<10240x128xf32, #tpu.memory_space<vmem_shared>>
    tpu.enqueue_indirect_dma source(%arg9 : memref<128x128xf32, #tpu.memory_space<vmem>>) target(%dma_start3A_62 : memref<10240x128xf32, #tpu.memory_space<vmem_shared>>) offsets(%dma_start3A_59 : memref<128xi32, #tpu.memory_space<vmem>>) semaphore(%arg14 : memref<!tpu.dma_semaphore, #tpu.memory_space<semaphore_mem>>) {add = true}
    %dma_wait3A_63 = arith.constant 0 : i32
    %dma_wait3A_64 = arith.constant 0 : i32
    %dma_wait3A_65 = tpu.memref_slice %arg8[%dma_wait3A_63, %dma_wait3A_64] : memref<79x128xi32, #tpu.memory_space<vmem>> -> memref<1x128xi32, #tpu.memory_space<vmem>>
    %dma_wait3A_66 = tpu.memref_squeeze %dma_wait3A_65 : memref<1x128xi32, #tpu.memory_space<vmem>> -> memref<128xi32, #tpu.memory_space<vmem>>
    %dma_wait3A_67 = arith.constant 0 : i32
    %dma_wait3A_68 = arith.constant 0 : i32
    %dma_wait3A_69 = tpu.memref_slice %arg11[%dma_wait3A_67, %dma_wait3A_68] : memref<10240x128xf32, #tpu.memory_space<vmem_shared>> -> memref<10240x128xf32, #tpu.memory_space<vmem_shared>>
    tpu.wait_indirect_dma semaphore(%arg14 : memref<!tpu.dma_semaphore, #tpu.memory_space<semaphore_mem>>) src(%arg9 : memref<128x128xf32, #tpu.memory_space<vmem>>) dst(%dma_wait3A_69 : memref<10240x128xf32, #tpu.memory_space<vmem_shared>>)
    %barrier3A_70 = arith.constant 0 : index
    tpu.barrier barrier_id(%barrier3A_70)
    "tpu.region"() ({
      %run_scoped3A = tpu.sem_alloc : memref<!tpu.dma_semaphore, #tpu.memory_space<semaphore_mem>>
      %dma_start3A_71 = arith.constant 0 : i32
      %dma_start3A_72 = tpu.memref_slice %arg7[%arg0, %mul3A_2, %dma_start3A_71] : memref<2x10240x128xf32, #tpu.memory_space<hbm>> -> memref<1x640x128xf32, #tpu.memory_space<hbm>>
      %dma_start3A_73 = tpu.memref_squeeze %dma_start3A_72 : memref<1x640x128xf32, #tpu.memory_space<hbm>> -> memref<640x128xf32, #tpu.memory_space<hbm>>
      %dma_start3A_74 = arith.constant 0 : i32
      %dma_start3A_75 = tpu.memref_slice %arg11[%mul3A_2, %dma_start3A_74] : memref<10240x128xf32, #tpu.memory_space<vmem_shared>> -> memref<640x128xf32, #tpu.memory_space<vmem_shared>>
      tpu.enqueue_dma source(%dma_start3A_75 : memref<640x128xf32, #tpu.memory_space<vmem_shared>>) target(%dma_start3A_73 : memref<640x128xf32, #tpu.memory_space<hbm>>) target_semaphore(%run_scoped3A : memref<!tpu.dma_semaphore, #tpu.memory_space<semaphore_mem>>)
      %dma_wait3A_76 = arith.constant 0 : i32
      %dma_wait3A_77 = tpu.memref_slice %arg7[%arg0, %mul3A_2, %dma_wait3A_76] : memref<2x10240x128xf32, #tpu.memory_space<hbm>> -> memref<1x640x128xf32, #tpu.memory_space<hbm>>
      %dma_wait3A_78 = tpu.memref_squeeze %dma_wait3A_77 : memref<1x640x128xf32, #tpu.memory_space<hbm>> -> memref<640x128xf32, #tpu.memory_space<hbm>>
      %dma_wait3A_79 = arith.constant 0 : i32
      %dma_wait3A_80 = tpu.memref_slice %arg11[%mul3A_2, %dma_wait3A_79] : memref<10240x128xf32, #tpu.memory_space<vmem_shared>> -> memref<640x128xf32, #tpu.memory_space<vmem_shared>>
      tpu.wait_dma2 semaphore(%run_scoped3A : memref<!tpu.dma_semaphore, #tpu.memory_space<semaphore_mem>>) src(%dma_wait3A_80 : memref<640x128xf32, #tpu.memory_space<vmem_shared>>) dst(%dma_wait3A_78 : memref<640x128xf32, #tpu.memory_space<hbm>>)
      tpu.yield
    }) : () -> ()
    return
  }
}

#map = affine_map<(d0, d1) -> (0, 0)>
#map1 = affine_map<(d0, d1) -> (0, 0, 0)>
module attributes {stable_mosaic.version = 14 : i64} {
  func.func @k(%arg0: i32, %arg1: i32, %arg2: memref<10000x128xf32, #tpu.memory_space<hbm>>, %arg3: memref<10000x256xf32, #tpu.memory_space<hbm>>, %arg4: memref<32x79x128xi32, #tpu.memory_space<hbm>>, %arg5: memref<32x79x128xi32, #tpu.memory_space<hbm>>, %arg6: memref<323584x128xf32, #tpu.memory_space<hbm>>, %arg7: memref<323584x256xf32, #tpu.memory_space<hbm>>, %arg8: memref<79x128xi32, #tpu.memory_space<vmem>>, %arg9: memref<79x128xi32, #tpu.memory_space<vmem>>, %arg10: memref<128x128xf32, #tpu.memory_space<vmem>>, %arg11: memref<128x128xf32, #tpu.memory_space<vmem>>, %arg12: memref<128x256xf32, #tpu.memory_space<vmem>>, %arg13: memref<128x256xf32, #tpu.memory_space<vmem>>, %arg14: memref<!tpu.dma_semaphore, #tpu.memory_space<semaphore_mem>>, %arg15: memref<!tpu.dma_semaphore, #tpu.memory_space<semaphore_mem>>, %arg16: memref<!tpu.dma_semaphore, #tpu.memory_space<semaphore_mem>>, %arg17: memref<!tpu.dma_semaphore, #tpu.memory_space<semaphore_mem>>) attributes {dimension_semantics = [#tpu.dimension_semantics<core_parallel>, #tpu.dimension_semantics<subcore_parallel>], iteration_bounds = array<i64: 2, 16>, scalar_prefetch = 0 : i64, scratch_operands = 10 : i64, tpu.core_type = #tpu.core_type<sc_vector_subcore>, window_params = [{transform_indices = #map}, {transform_indices = #map}, {transform_indices = #map1}, {transform_indices = #map1}, {transform_indices = #map}, {transform_indices = #map}]} {
    %mul3A = arith.constant 2 : i32
    %mul3A_0 = arith.muli %arg1, %mul3A : i32
    %add3A = arith.addi %mul3A_0, %arg0 : i32
    %mul3A_1 = arith.constant 10112 : i32
    %mul3A_2 = arith.muli %add3A, %mul3A_1 : i32
    "tpu.region"() ({
      %run_scoped3A = tpu.sem_alloc : memref<!tpu.dma_semaphore, #tpu.memory_space<semaphore_mem>>
      %dma_start3A_56 = arith.constant 0 : i32
      %dma_start3A_57 = arith.constant 0 : i32
      %dma_start3A_58 = tpu.memref_slice %arg4[%add3A, %dma_start3A_56, %dma_start3A_57] : memref<32x79x128xi32, #tpu.memory_space<hbm>> -> memref<1x79x128xi32, #tpu.memory_space<hbm>>
      %dma_start3A_59 = tpu.memref_squeeze %dma_start3A_58 : memref<1x79x128xi32, #tpu.memory_space<hbm>> -> memref<79x128xi32, #tpu.memory_space<hbm>>
      %dma_start3A_60 = arith.constant 0 : i32
      %dma_start3A_61 = arith.constant 0 : i32
      %dma_start3A_62 = tpu.memref_slice %arg4[%add3A, %dma_start3A_60, %dma_start3A_61] : memref<32x79x128xi32, #tpu.memory_space<hbm>> -> memref<1x79x128xi32, #tpu.memory_space<hbm>>
      %dma_start3A_63 = tpu.memref_squeeze %dma_start3A_62 : memref<1x79x128xi32, #tpu.memory_space<hbm>> -> memref<79x128xi32, #tpu.memory_space<hbm>>
      tpu.enqueue_dma source(%dma_start3A_63 : memref<79x128xi32, #tpu.memory_space<hbm>>) target(%arg8 : memref<79x128xi32, #tpu.memory_space<vmem>>) target_semaphore(%run_scoped3A : memref<!tpu.dma_semaphore, #tpu.memory_space<semaphore_mem>>)
      %dma_wait3A_64 = arith.constant 0 : i32
      %dma_wait3A_65 = arith.constant 0 : i32
      %dma_wait3A_66 = tpu.memref_slice %arg4[%add3A, %dma_wait3A_64, %dma_wait3A_65] : memref<32x79x128xi32, #tpu.memory_space<hbm>> -> memref<1x79x128xi32, #tpu.memory_space<hbm>>
      %dma_wait3A_67 = tpu.memref_squeeze %dma_wait3A_66 : memref<1x79x128xi32, #tpu.memory_space<hbm>> -> memref<79x128xi32, #tpu.memory_space<hbm>>
      %dma_wait3A_68 = arith.constant 0 : i32
      %dma_wait3A_69 = arith.constant 0 : i32
      %dma_wait3A_70 = tpu.memref_slice %arg4[%add3A, %dma_wait3A_68, %dma_wait3A_69] : memref<32x79x128xi32, #tpu.memory_space<hbm>> -> memref<1x79x128xi32, #tpu.memory_space<hbm>>
      %dma_wait3A_71 = tpu.memref_squeeze %dma_wait3A_70 : memref<1x79x128xi32, #tpu.memory_space<hbm>> -> memref<79x128xi32, #tpu.memory_space<hbm>>
      tpu.wait_dma2 semaphore(%run_scoped3A : memref<!tpu.dma_semaphore, #tpu.memory_space<semaphore_mem>>) src(%dma_wait3A_71 : memref<79x128xi32, #tpu.memory_space<hbm>>) dst(%arg8 : memref<79x128xi32, #tpu.memory_space<vmem>>)
      tpu.yield
    }) : () -> ()
    "tpu.region"() ({
      %run_scoped3A = tpu.sem_alloc : memref<!tpu.dma_semaphore, #tpu.memory_space<semaphore_mem>>
      %dma_start3A_56 = arith.constant 0 : i32
      %dma_start3A_57 = arith.constant 0 : i32
      %dma_start3A_58 = tpu.memref_slice %arg5[%add3A, %dma_start3A_56, %dma_start3A_57] : memref<32x79x128xi32, #tpu.memory_space<hbm>> -> memref<1x79x128xi32, #tpu.memory_space<hbm>>
      %dma_start3A_59 = tpu.memref_squeeze %dma_start3A_58 : memref<1x79x128xi32, #tpu.memory_space<hbm>> -> memref<79x128xi32, #tpu.memory_space<hbm>>
      %dma_start3A_60 = arith.constant 0 : i32
      %dma_start3A_61 = arith.constant 0 : i32
      %dma_start3A_62 = tpu.memref_slice %arg5[%add3A, %dma_start3A_60, %dma_start3A_61] : memref<32x79x128xi32, #tpu.memory_space<hbm>> -> memref<1x79x128xi32, #tpu.memory_space<hbm>>
      %dma_start3A_63 = tpu.memref_squeeze %dma_start3A_62 : memref<1x79x128xi32, #tpu.memory_space<hbm>> -> memref<79x128xi32, #tpu.memory_space<hbm>>
      tpu.enqueue_dma source(%dma_start3A_63 : memref<79x128xi32, #tpu.memory_space<hbm>>) target(%arg9 : memref<79x128xi32, #tpu.memory_space<vmem>>) target_semaphore(%run_scoped3A : memref<!tpu.dma_semaphore, #tpu.memory_space<semaphore_mem>>)
      %dma_wait3A_64 = arith.constant 0 : i32
      %dma_wait3A_65 = arith.constant 0 : i32
      %dma_wait3A_66 = tpu.memref_slice %arg5[%add3A, %dma_wait3A_64, %dma_wait3A_65] : memref<32x79x128xi32, #tpu.memory_space<hbm>> -> memref<1x79x128xi32, #tpu.memory_space<hbm>>
      %dma_wait3A_67 = tpu.memref_squeeze %dma_wait3A_66 : memref<1x79x128xi32, #tpu.memory_space<hbm>> -> memref<79x128xi32, #tpu.memory_space<hbm>>
      %dma_wait3A_68 = arith.constant 0 : i32
      %dma_wait3A_69 = arith.constant 0 : i32
      %dma_wait3A_70 = tpu.memref_slice %arg5[%add3A, %dma_wait3A_68, %dma_wait3A_69] : memref<32x79x128xi32, #tpu.memory_space<hbm>> -> memref<1x79x128xi32, #tpu.memory_space<hbm>>
      %dma_wait3A_71 = tpu.memref_squeeze %dma_wait3A_70 : memref<1x79x128xi32, #tpu.memory_space<hbm>> -> memref<79x128xi32, #tpu.memory_space<hbm>>
      tpu.wait_dma2 semaphore(%run_scoped3A : memref<!tpu.dma_semaphore, #tpu.memory_space<semaphore_mem>>) src(%dma_wait3A_71 : memref<79x128xi32, #tpu.memory_space<hbm>>) dst(%arg9 : memref<79x128xi32, #tpu.memory_space<vmem>>)
      tpu.yield
    }) : () -> ()
    %dma_start3A = arith.constant 0 : i32
    %dma_start3A_3 = arith.constant 0 : i32
    %dma_start3A_4 = tpu.memref_slice %arg8[%dma_start3A, %dma_start3A_3] : memref<79x128xi32, #tpu.memory_space<vmem>> -> memref<1x128xi32, #tpu.memory_space<vmem>>
    %dma_start3A_5 = tpu.memref_squeeze %dma_start3A_4 : memref<1x128xi32, #tpu.memory_space<vmem>> -> memref<128xi32, #tpu.memory_space<vmem>>
    %dma_start3A_6 = arith.constant 0 : i32
    %dma_start3A_7 = arith.constant 0 : i32
    %dma_start3A_8 = tpu.memref_slice %arg2[%dma_start3A_6, %dma_start3A_7] : memref<10000x128xf32, #tpu.memory_space<hbm>> -> memref<10000x128xf32, #tpu.memory_space<hbm>>
    tpu.enqueue_indirect_dma source(%dma_start3A_8 : memref<10000x128xf32, #tpu.memory_space<hbm>>) target(%arg10 : memref<128x128xf32, #tpu.memory_space<vmem>>) offsets(%dma_start3A_5 : memref<128xi32, #tpu.memory_space<vmem>>) semaphore(%arg14 : memref<!tpu.dma_semaphore, #tpu.memory_space<semaphore_mem>>)
    %dma_start3A_9 = arith.constant 0 : i32
    %dma_start3A_10 = arith.constant 0 : i32
    %dma_start3A_11 = tpu.memref_slice %arg9[%dma_start3A_9, %dma_start3A_10] : memref<79x128xi32, #tpu.memory_space<vmem>> -> memref<1x128xi32, #tpu.memory_space<vmem>>
    %dma_start3A_12 = tpu.memref_squeeze %dma_start3A_11 : memref<1x128xi32, #tpu.memory_space<vmem>> -> memref<128xi32, #tpu.memory_space<vmem>>
    %dma_start3A_13 = arith.constant 0 : i32
    %dma_start3A_14 = arith.constant 0 : i32
    %dma_start3A_15 = tpu.memref_slice %arg3[%dma_start3A_13, %dma_start3A_14] : memref<10000x256xf32, #tpu.memory_space<hbm>> -> memref<10000x256xf32, #tpu.memory_space<hbm>>
    tpu.enqueue_indirect_dma source(%dma_start3A_15 : memref<10000x256xf32, #tpu.memory_space<hbm>>) target(%arg12 : memref<128x256xf32, #tpu.memory_space<vmem>>) offsets(%dma_start3A_12 : memref<128xi32, #tpu.memory_space<vmem>>) semaphore(%arg14 : memref<!tpu.dma_semaphore, #tpu.memory_space<semaphore_mem>>)
    %scan3A = arith.constant 0 : i32
    %scan3A_16 = arith.constant 0 : i32
    %scan3A_17 = arith.constant 39 : i32
    %scan3A_18 = arith.addi %scan3A_16, %scan3A_17 : i32
    %scan3A_19 = arith.constant 1 : i32
    scf.for %scan3A_56 = %scan3A_16 to %scan3A_18 step %scan3A_19  : i32 {
      %mul3A_57 = arith.constant 2 : i32
      %mul3A_58 = arith.muli %mul3A_57, %scan3A_56 : i32
      %add3A_59 = arith.constant 1 : i32
      %add3A_60 = arith.addi %mul3A_58, %add3A_59 : i32
      %dma_start3A_61 = arith.constant 0 : i32
      %dma_start3A_62 = tpu.memref_slice %arg8[%add3A_60, %dma_start3A_61] : memref<79x128xi32, #tpu.memory_space<vmem>> -> memref<1x128xi32, #tpu.memory_space<vmem>>
      %dma_start3A_63 = tpu.memref_squeeze %dma_start3A_62 : memref<1x128xi32, #tpu.memory_space<vmem>> -> memref<128xi32, #tpu.memory_space<vmem>>
      %dma_start3A_64 = arith.constant 0 : i32
      %dma_start3A_65 = arith.constant 0 : i32
      %dma_start3A_66 = tpu.memref_slice %arg2[%dma_start3A_64, %dma_start3A_65] : memref<10000x128xf32, #tpu.memory_space<hbm>> -> memref<10000x128xf32, #tpu.memory_space<hbm>>
      tpu.enqueue_indirect_dma source(%dma_start3A_66 : memref<10000x128xf32, #tpu.memory_space<hbm>>) target(%arg11 : memref<128x128xf32, #tpu.memory_space<vmem>>) offsets(%dma_start3A_63 : memref<128xi32, #tpu.memory_space<vmem>>) semaphore(%arg15 : memref<!tpu.dma_semaphore, #tpu.memory_space<semaphore_mem>>)
      %dma_start3A_67 = arith.constant 0 : i32
      %dma_start3A_68 = tpu.memref_slice %arg9[%add3A_60, %dma_start3A_67] : memref<79x128xi32, #tpu.memory_space<vmem>> -> memref<1x128xi32, #tpu.memory_space<vmem>>
      %dma_start3A_69 = tpu.memref_squeeze %dma_start3A_68 : memref<1x128xi32, #tpu.memory_space<vmem>> -> memref<128xi32, #tpu.memory_space<vmem>>
      %dma_start3A_70 = arith.constant 0 : i32
      %dma_start3A_71 = arith.constant 0 : i32
      %dma_start3A_72 = tpu.memref_slice %arg3[%dma_start3A_70, %dma_start3A_71] : memref<10000x256xf32, #tpu.memory_space<hbm>> -> memref<10000x256xf32, #tpu.memory_space<hbm>>
      tpu.enqueue_indirect_dma source(%dma_start3A_72 : memref<10000x256xf32, #tpu.memory_space<hbm>>) target(%arg13 : memref<128x256xf32, #tpu.memory_space<vmem>>) offsets(%dma_start3A_69 : memref<128xi32, #tpu.memory_space<vmem>>) semaphore(%arg15 : memref<!tpu.dma_semaphore, #tpu.memory_space<semaphore_mem>>)
      %dma_wait3A_73 = arith.constant 0 : i32
      %dma_wait3A_74 = arith.constant 0 : i32
      %dma_wait3A_75 = tpu.memref_slice %arg8[%dma_wait3A_73, %dma_wait3A_74] : memref<79x128xi32, #tpu.memory_space<vmem>> -> memref<1x128xi32, #tpu.memory_space<vmem>>
      %dma_wait3A_76 = tpu.memref_squeeze %dma_wait3A_75 : memref<1x128xi32, #tpu.memory_space<vmem>> -> memref<128xi32, #tpu.memory_space<vmem>>
      %dma_wait3A_77 = arith.constant 0 : i32
      %dma_wait3A_78 = arith.constant 0 : i32
      %dma_wait3A_79 = tpu.memref_slice %arg2[%dma_wait3A_77, %dma_wait3A_78] : memref<10000x128xf32, #tpu.memory_space<hbm>> -> memref<10000x128xf32, #tpu.memory_space<hbm>>
      tpu.wait_indirect_dma semaphore(%arg14 : memref<!tpu.dma_semaphore, #tpu.memory_space<semaphore_mem>>) src(%dma_wait3A_79 : memref<10000x128xf32, #tpu.memory_space<hbm>>) dst(%arg10 : memref<128x128xf32, #tpu.memory_space<vmem>>)
      %dma_wait3A_80 = arith.constant 0 : i32
      %dma_wait3A_81 = arith.constant 0 : i32
      %dma_wait3A_82 = tpu.memref_slice %arg9[%dma_wait3A_80, %dma_wait3A_81] : memref<79x128xi32, #tpu.memory_space<vmem>> -> memref<1x128xi32, #tpu.memory_space<vmem>>
      %dma_wait3A_83 = tpu.memref_squeeze %dma_wait3A_82 : memref<1x128xi32, #tpu.memory_space<vmem>> -> memref<128xi32, #tpu.memory_space<vmem>>
      %dma_wait3A_84 = arith.constant 0 : i32
      %dma_wait3A_85 = arith.constant 0 : i32
      %dma_wait3A_86 = tpu.memref_slice %arg3[%dma_wait3A_84, %dma_wait3A_85] : memref<10000x256xf32, #tpu.memory_space<hbm>> -> memref<10000x256xf32, #tpu.memory_space<hbm>>
      tpu.wait_indirect_dma semaphore(%arg14 : memref<!tpu.dma_semaphore, #tpu.memory_space<semaphore_mem>>) src(%dma_wait3A_86 : memref<10000x256xf32, #tpu.memory_space<hbm>>) dst(%arg12 : memref<128x256xf32, #tpu.memory_space<vmem>>)
      %mul3A_87 = arith.constant 128 : i32
      %mul3A_88 = arith.muli %mul3A_58, %mul3A_87 : i32
      %add3A_89 = arith.addi %mul3A_2, %mul3A_88 : i32
      %dma_start3A_90 = arith.constant 0 : i32
      %dma_start3A_91 = tpu.memref_slice %arg6[%add3A_89, %dma_start3A_90] : memref<323584x128xf32, #tpu.memory_space<hbm>> -> memref<128x128xf32, #tpu.memory_space<hbm>>
      %dma_start3A_92 = arith.constant 0 : i32
      %dma_start3A_93 = tpu.memref_slice %arg6[%add3A_89, %dma_start3A_92] : memref<323584x128xf32, #tpu.memory_space<hbm>> -> memref<128x128xf32, #tpu.memory_space<hbm>>
      tpu.enqueue_dma source(%arg10 : memref<128x128xf32, #tpu.memory_space<vmem>>) target(%dma_start3A_93 : memref<128x128xf32, #tpu.memory_space<hbm>>) target_semaphore(%arg16 : memref<!tpu.dma_semaphore, #tpu.memory_space<semaphore_mem>>)
      %dma_start3A_94 = arith.constant 0 : i32
      %dma_start3A_95 = tpu.memref_slice %arg7[%add3A_89, %dma_start3A_94] : memref<323584x256xf32, #tpu.memory_space<hbm>> -> memref<128x256xf32, #tpu.memory_space<hbm>>
      %dma_start3A_96 = arith.constant 0 : i32
      %dma_start3A_97 = tpu.memref_slice %arg7[%add3A_89, %dma_start3A_96] : memref<323584x256xf32, #tpu.memory_space<hbm>> -> memref<128x256xf32, #tpu.memory_space<hbm>>
      tpu.enqueue_dma source(%arg12 : memref<128x256xf32, #tpu.memory_space<vmem>>) target(%dma_start3A_97 : memref<128x256xf32, #tpu.memory_space<hbm>>) target_semaphore(%arg16 : memref<!tpu.dma_semaphore, #tpu.memory_space<semaphore_mem>>)
      %dma_wait3A_98 = arith.constant 0 : i32
      %dma_wait3A_99 = arith.constant 0 : i32
      %dma_wait3A_100 = tpu.memref_slice %arg8[%dma_wait3A_98, %dma_wait3A_99] : memref<79x128xi32, #tpu.memory_space<vmem>> -> memref<1x128xi32, #tpu.memory_space<vmem>>
      %dma_wait3A_101 = tpu.memref_squeeze %dma_wait3A_100 : memref<1x128xi32, #tpu.memory_space<vmem>> -> memref<128xi32, #tpu.memory_space<vmem>>
      %dma_wait3A_102 = arith.constant 0 : i32
      %dma_wait3A_103 = arith.constant 0 : i32
      %dma_wait3A_104 = tpu.memref_slice %arg2[%dma_wait3A_102, %dma_wait3A_103] : memref<10000x128xf32, #tpu.memory_space<hbm>> -> memref<10000x128xf32, #tpu.memory_space<hbm>>
      tpu.wait_indirect_dma semaphore(%arg15 : memref<!tpu.dma_semaphore, #tpu.memory_space<semaphore_mem>>) src(%dma_wait3A_104 : memref<10000x128xf32, #tpu.memory_space<hbm>>) dst(%arg11 : memref<128x128xf32, #tpu.memory_space<vmem>>)
      %dma_wait3A_105 = arith.constant 0 : i32
      %dma_wait3A_106 = arith.constant 0 : i32
      %dma_wait3A_107 = tpu.memref_slice %arg9[%dma_wait3A_105, %dma_wait3A_106] : memref<79x128xi32, #tpu.memory_space<vmem>> -> memref<1x128xi32, #tpu.memory_space<vmem>>
      %dma_wait3A_108 = tpu.memref_squeeze %dma_wait3A_107 : memref<1x128xi32, #tpu.memory_space<vmem>> -> memref<128xi32, #tpu.memory_space<vmem>>
      %dma_wait3A_109 = arith.constant 0 : i32
      %dma_wait3A_110 = arith.constant 0 : i32
      %dma_wait3A_111 = tpu.memref_slice %arg3[%dma_wait3A_109, %dma_wait3A_110] : memref<10000x256xf32, #tpu.memory_space<hbm>> -> memref<10000x256xf32, #tpu.memory_space<hbm>>
      tpu.wait_indirect_dma semaphore(%arg15 : memref<!tpu.dma_semaphore, #tpu.memory_space<semaphore_mem>>) src(%dma_wait3A_111 : memref<10000x256xf32, #tpu.memory_space<hbm>>) dst(%arg13 : memref<128x256xf32, #tpu.memory_space<vmem>>)
      %add3A_112 = arith.constant 1 : i32
      %add3A_113 = arith.addi %mul3A_58, %add3A_112 : i32
      %mul3A_114 = arith.constant 128 : i32
      %mul3A_115 = arith.muli %add3A_113, %mul3A_114 : i32
      %add3A_116 = arith.addi %mul3A_2, %mul3A_115 : i32
      %dma_start3A_117 = arith.constant 0 : i32
      %dma_start3A_118 = tpu.memref_slice %arg6[%add3A_116, %dma_start3A_117] : memref<323584x128xf32, #tpu.memory_space<hbm>> -> memref<128x128xf32, #tpu.memory_space<hbm>>
      %dma_start3A_119 = arith.constant 0 : i32
      %dma_start3A_120 = tpu.memref_slice %arg6[%add3A_116, %dma_start3A_119] : memref<323584x128xf32, #tpu.memory_space<hbm>> -> memref<128x128xf32, #tpu.memory_space<hbm>>
      tpu.enqueue_dma source(%arg11 : memref<128x128xf32, #tpu.memory_space<vmem>>) target(%dma_start3A_120 : memref<128x128xf32, #tpu.memory_space<hbm>>) target_semaphore(%arg17 : memref<!tpu.dma_semaphore, #tpu.memory_space<semaphore_mem>>)
      %dma_start3A_121 = arith.constant 0 : i32
      %dma_start3A_122 = tpu.memref_slice %arg7[%add3A_116, %dma_start3A_121] : memref<323584x256xf32, #tpu.memory_space<hbm>> -> memref<128x256xf32, #tpu.memory_space<hbm>>
      %dma_start3A_123 = arith.constant 0 : i32
      %dma_start3A_124 = tpu.memref_slice %arg7[%add3A_116, %dma_start3A_123] : memref<323584x256xf32, #tpu.memory_space<hbm>> -> memref<128x256xf32, #tpu.memory_space<hbm>>
      tpu.enqueue_dma source(%arg13 : memref<128x256xf32, #tpu.memory_space<vmem>>) target(%dma_start3A_124 : memref<128x256xf32, #tpu.memory_space<hbm>>) target_semaphore(%arg17 : memref<!tpu.dma_semaphore, #tpu.memory_space<semaphore_mem>>)
      %dma_wait3A_125 = arith.constant 0 : i32
      %dma_wait3A_126 = arith.constant 0 : i32
      %dma_wait3A_127 = tpu.memref_slice %arg6[%dma_wait3A_125, %dma_wait3A_126] : memref<323584x128xf32, #tpu.memory_space<hbm>> -> memref<128x128xf32, #tpu.memory_space<hbm>>
      %dma_wait3A_128 = arith.constant 0 : i32
      %dma_wait3A_129 = arith.constant 0 : i32
      %dma_wait3A_130 = tpu.memref_slice %arg6[%dma_wait3A_128, %dma_wait3A_129] : memref<323584x128xf32, #tpu.memory_space<hbm>> -> memref<128x128xf32, #tpu.memory_space<hbm>>
      tpu.wait_dma2 semaphore(%arg16 : memref<!tpu.dma_semaphore, #tpu.memory_space<semaphore_mem>>) src(%arg10 : memref<128x128xf32, #tpu.memory_space<vmem>>) dst(%dma_wait3A_130 : memref<128x128xf32, #tpu.memory_space<hbm>>)
      %dma_wait3A_131 = arith.constant 0 : i32
      %dma_wait3A_132 = arith.constant 0 : i32
      %dma_wait3A_133 = tpu.memref_slice %arg7[%dma_wait3A_131, %dma_wait3A_132] : memref<323584x256xf32, #tpu.memory_space<hbm>> -> memref<128x256xf32, #tpu.memory_space<hbm>>
      %dma_wait3A_134 = arith.constant 0 : i32
      %dma_wait3A_135 = arith.constant 0 : i32
      %dma_wait3A_136 = tpu.memref_slice %arg7[%dma_wait3A_134, %dma_wait3A_135] : memref<323584x256xf32, #tpu.memory_space<hbm>> -> memref<128x256xf32, #tpu.memory_space<hbm>>
      tpu.wait_dma2 semaphore(%arg16 : memref<!tpu.dma_semaphore, #tpu.memory_space<semaphore_mem>>) src(%arg12 : memref<128x256xf32, #tpu.memory_space<vmem>>) dst(%dma_wait3A_136 : memref<128x256xf32, #tpu.memory_space<hbm>>)
      %add3A_137 = arith.constant 2 : i32
      %add3A_138 = arith.addi %mul3A_58, %add3A_137 : i32
      %dma_start3A_139 = arith.constant 0 : i32
      %dma_start3A_140 = tpu.memref_slice %arg8[%add3A_138, %dma_start3A_139] : memref<79x128xi32, #tpu.memory_space<vmem>> -> memref<1x128xi32, #tpu.memory_space<vmem>>
      %dma_start3A_141 = tpu.memref_squeeze %dma_start3A_140 : memref<1x128xi32, #tpu.memory_space<vmem>> -> memref<128xi32, #tpu.memory_space<vmem>>
      %dma_start3A_142 = arith.constant 0 : i32
      %dma_start3A_143 = arith.constant 0 : i32
      %dma_start3A_144 = tpu.memref_slice %arg2[%dma_start3A_142, %dma_start3A_143] : memref<10000x128xf32, #tpu.memory_space<hbm>> -> memref<10000x128xf32, #tpu.memory_space<hbm>>
      tpu.enqueue_indirect_dma source(%dma_start3A_144 : memref<10000x128xf32, #tpu.memory_space<hbm>>) target(%arg10 : memref<128x128xf32, #tpu.memory_space<vmem>>) offsets(%dma_start3A_141 : memref<128xi32, #tpu.memory_space<vmem>>) semaphore(%arg14 : memref<!tpu.dma_semaphore, #tpu.memory_space<semaphore_mem>>)
      %dma_start3A_145 = arith.constant 0 : i32
      %dma_start3A_146 = tpu.memref_slice %arg9[%add3A_138, %dma_start3A_145] : memref<79x128xi32, #tpu.memory_space<vmem>> -> memref<1x128xi32, #tpu.memory_space<vmem>>
      %dma_start3A_147 = tpu.memref_squeeze %dma_start3A_146 : memref<1x128xi32, #tpu.memory_space<vmem>> -> memref<128xi32, #tpu.memory_space<vmem>>
      %dma_start3A_148 = arith.constant 0 : i32
      %dma_start3A_149 = arith.constant 0 : i32
      %dma_start3A_150 = tpu.memref_slice %arg3[%dma_start3A_148, %dma_start3A_149] : memref<10000x256xf32, #tpu.memory_space<hbm>> -> memref<10000x256xf32, #tpu.memory_space<hbm>>
      tpu.enqueue_indirect_dma source(%dma_start3A_150 : memref<10000x256xf32, #tpu.memory_space<hbm>>) target(%arg12 : memref<128x256xf32, #tpu.memory_space<vmem>>) offsets(%dma_start3A_147 : memref<128xi32, #tpu.memory_space<vmem>>) semaphore(%arg14 : memref<!tpu.dma_semaphore, #tpu.memory_space<semaphore_mem>>)
      %dma_wait3A_151 = arith.constant 0 : i32
      %dma_wait3A_152 = arith.constant 0 : i32
      %dma_wait3A_153 = tpu.memref_slice %arg6[%dma_wait3A_151, %dma_wait3A_152] : memref<323584x128xf32, #tpu.memory_space<hbm>> -> memref<128x128xf32, #tpu.memory_space<hbm>>
      %dma_wait3A_154 = arith.constant 0 : i32
      %dma_wait3A_155 = arith.constant 0 : i32
      %dma_wait3A_156 = tpu.memref_slice %arg6[%dma_wait3A_154, %dma_wait3A_155] : memref<323584x128xf32, #tpu.memory_space<hbm>> -> memref<128x128xf32, #tpu.memory_space<hbm>>
      tpu.wait_dma2 semaphore(%arg17 : memref<!tpu.dma_semaphore, #tpu.memory_space<semaphore_mem>>) src(%arg11 : memref<128x128xf32, #tpu.memory_space<vmem>>) dst(%dma_wait3A_156 : memref<128x128xf32, #tpu.memory_space<hbm>>)
      %dma_wait3A_157 = arith.constant 0 : i32
      %dma_wait3A_158 = arith.constant 0 : i32
      %dma_wait3A_159 = tpu.memref_slice %arg7[%dma_wait3A_157, %dma_wait3A_158] : memref<323584x256xf32, #tpu.memory_space<hbm>> -> memref<128x256xf32, #tpu.memory_space<hbm>>
      %dma_wait3A_160 = arith.constant 0 : i32
      %dma_wait3A_161 = arith.constant 0 : i32
      %dma_wait3A_162 = tpu.memref_slice %arg7[%dma_wait3A_160, %dma_wait3A_161] : memref<323584x256xf32, #tpu.memory_space<hbm>> -> memref<128x256xf32, #tpu.memory_space<hbm>>
      tpu.wait_dma2 semaphore(%arg17 : memref<!tpu.dma_semaphore, #tpu.memory_space<semaphore_mem>>) src(%arg13 : memref<128x256xf32, #tpu.memory_space<vmem>>) dst(%dma_wait3A_162 : memref<128x256xf32, #tpu.memory_space<hbm>>)
    }
    %scan3A_20 = arith.constant 39 : i32
    %dma_wait3A = arith.constant 0 : i32
    %dma_wait3A_21 = arith.constant 0 : i32
    %dma_wait3A_22 = tpu.memref_slice %arg8[%dma_wait3A, %dma_wait3A_21] : memref<79x128xi32, #tpu.memory_space<vmem>> -> memref<1x128xi32, #tpu.memory_space<vmem>>
    %dma_wait3A_23 = tpu.memref_squeeze %dma_wait3A_22 : memref<1x128xi32, #tpu.memory_space<vmem>> -> memref<128xi32, #tpu.memory_space<vmem>>
    %dma_wait3A_24 = arith.constant 0 : i32
    %dma_wait3A_25 = arith.constant 0 : i32
    %dma_wait3A_26 = tpu.memref_slice %arg2[%dma_wait3A_24, %dma_wait3A_25] : memref<10000x128xf32, #tpu.memory_space<hbm>> -> memref<10000x128xf32, #tpu.memory_space<hbm>>
    tpu.wait_indirect_dma semaphore(%arg14 : memref<!tpu.dma_semaphore, #tpu.memory_space<semaphore_mem>>) src(%dma_wait3A_26 : memref<10000x128xf32, #tpu.memory_space<hbm>>) dst(%arg10 : memref<128x128xf32, #tpu.memory_space<vmem>>)
    %dma_wait3A_27 = arith.constant 0 : i32
    %dma_wait3A_28 = arith.constant 0 : i32
    %dma_wait3A_29 = tpu.memref_slice %arg9[%dma_wait3A_27, %dma_wait3A_28] : memref<79x128xi32, #tpu.memory_space<vmem>> -> memref<1x128xi32, #tpu.memory_space<vmem>>
    %dma_wait3A_30 = tpu.memref_squeeze %dma_wait3A_29 : memref<1x128xi32, #tpu.memory_space<vmem>> -> memref<128xi32, #tpu.memory_space<vmem>>
    %dma_wait3A_31 = arith.constant 0 : i32
    %dma_wait3A_32 = arith.constant 0 : i32
    %dma_wait3A_33 = tpu.memref_slice %arg3[%dma_wait3A_31, %dma_wait3A_32] : memref<10000x256xf32, #tpu.memory_space<hbm>> -> memref<10000x256xf32, #tpu.memory_space<hbm>>
    tpu.wait_indirect_dma semaphore(%arg14 : memref<!tpu.dma_semaphore, #tpu.memory_space<semaphore_mem>>) src(%dma_wait3A_33 : memref<10000x256xf32, #tpu.memory_space<hbm>>) dst(%arg12 : memref<128x256xf32, #tpu.memory_space<vmem>>)
    %add3A_34 = arith.constant 9984 : i32
    %add3A_35 = arith.addi %mul3A_2, %add3A_34 : i32
    %dma_start3A_36 = arith.constant 0 : i32
    %dma_start3A_37 = tpu.memref_slice %arg6[%add3A_35, %dma_start3A_36] : memref<323584x128xf32, #tpu.memory_space<hbm>> -> memref<128x128xf32, #tpu.memory_space<hbm>>
    %dma_start3A_38 = arith.constant 0 : i32
    %dma_start3A_39 = tpu.memref_slice %arg6[%add3A_35, %dma_start3A_38] : memref<323584x128xf32, #tpu.memory_space<hbm>> -> memref<128x128xf32, #tpu.memory_space<hbm>>
    tpu.enqueue_dma source(%arg10 : memref<128x128xf32, #tpu.memory_space<vmem>>) target(%dma_start3A_39 : memref<128x128xf32, #tpu.memory_space<hbm>>) target_semaphore(%arg16 : memref<!tpu.dma_semaphore, #tpu.memory_space<semaphore_mem>>)
    %dma_start3A_40 = arith.constant 0 : i32
    %dma_start3A_41 = tpu.memref_slice %arg7[%add3A_35, %dma_start3A_40] : memref<323584x256xf32, #tpu.memory_space<hbm>> -> memref<128x256xf32, #tpu.memory_space<hbm>>
    %dma_start3A_42 = arith.constant 0 : i32
    %dma_start3A_43 = tpu.memref_slice %arg7[%add3A_35, %dma_start3A_42] : memref<323584x256xf32, #tpu.memory_space<hbm>> -> memref<128x256xf32, #tpu.memory_space<hbm>>
    tpu.enqueue_dma source(%arg12 : memref<128x256xf32, #tpu.memory_space<vmem>>) target(%dma_start3A_43 : memref<128x256xf32, #tpu.memory_space<hbm>>) target_semaphore(%arg16 : memref<!tpu.dma_semaphore, #tpu.memory_space<semaphore_mem>>)
    %dma_wait3A_44 = arith.constant 0 : i32
    %dma_wait3A_45 = arith.constant 0 : i32
    %dma_wait3A_46 = tpu.memref_slice %arg6[%dma_wait3A_44, %dma_wait3A_45] : memref<323584x128xf32, #tpu.memory_space<hbm>> -> memref<128x128xf32, #tpu.memory_space<hbm>>
    %dma_wait3A_47 = arith.constant 0 : i32
    %dma_wait3A_48 = arith.constant 0 : i32
    %dma_wait3A_49 = tpu.memref_slice %arg6[%dma_wait3A_47, %dma_wait3A_48] : memref<323584x128xf32, #tpu.memory_space<hbm>> -> memref<128x128xf32, #tpu.memory_space<hbm>>
    tpu.wait_dma2 semaphore(%arg16 : memref<!tpu.dma_semaphore, #tpu.memory_space<semaphore_mem>>) src(%arg10 : memref<128x128xf32, #tpu.memory_space<vmem>>) dst(%dma_wait3A_49 : memref<128x128xf32, #tpu.memory_space<hbm>>)
    %dma_wait3A_50 = arith.constant 0 : i32
    %dma_wait3A_51 = arith.constant 0 : i32
    %dma_wait3A_52 = tpu.memref_slice %arg7[%dma_wait3A_50, %dma_wait3A_51] : memref<323584x256xf32, #tpu.memory_space<hbm>> -> memref<128x256xf32, #tpu.memory_space<hbm>>
    %dma_wait3A_53 = arith.constant 0 : i32
    %dma_wait3A_54 = arith.constant 0 : i32
    %dma_wait3A_55 = tpu.memref_slice %arg7[%dma_wait3A_53, %dma_wait3A_54] : memref<323584x256xf32, #tpu.memory_space<hbm>> -> memref<128x256xf32, #tpu.memory_space<hbm>>
    tpu.wait_dma2 semaphore(%arg16 : memref<!tpu.dma_semaphore, #tpu.memory_space<semaphore_mem>>) src(%arg12 : memref<128x256xf32, #tpu.memory_space<vmem>>) dst(%dma_wait3A_55 : memref<128x256xf32, #tpu.memory_space<hbm>>)
    return
  }
}

module attributes {stable_mosaic.version = 14 : i64} {
  func.func @body(%arg0: i32, %arg1: memref<1000x128xf32, #tpu.memory_space<vmem>>, %arg2: memref<1000x128xf32, #tpu.memory_space<vmem>>, %arg3: memref<128x128xf32, #tpu.memory_space<vmem>>, %arg4: memref<1x128xf32, #tpu.memory_space<vmem>>, %arg5: memref<128x128xf32, #tpu.memory_space<vmem>>, %arg6: memref<128x128xf32, #tpu.memory_space<vmem>>, %arg7: memref<1x128xf32, #tpu.memory_space<vmem>>, %arg8: memref<1x128xf32, #tpu.memory_space<vmem>>, %arg9: memref<1x128xf32, #tpu.memory_space<vmem>>, %arg10: memref<1x128xf32, #tpu.memory_space<vmem>>, %arg11: memref<1x128xf32, #tpu.memory_space<vmem>>, %arg12: memref<1000x128xf32, #tpu.memory_space<vmem>>, %arg13: memref<1000x256xf32, #tpu.memory_space<vmem>>) attributes {dimension_semantics = [#tpu.dimension_semantics<arbitrary>], iteration_bounds = array<i64: 10>, scalar_prefetch = 0 : i64, scratch_operands = 0 : i64, tpu.core_type = #tpu.core_type<tc>, window_params = [{transform_indices = @transform_0, window_bounds = array<i64: 1000, 128>}, {transform_indices = @transform_1, window_bounds = array<i64: 1000, 128>}, {pipeline_mode = #tpu.pipeline_mode<synchronous>, transform_indices = @transform_2, window_bounds = array<i64: 128, 128>}, {pipeline_mode = #tpu.pipeline_mode<synchronous>, transform_indices = @transform_3, window_bounds = array<i64: 1, 128>}, {pipeline_mode = #tpu.pipeline_mode<synchronous>, transform_indices = @transform_4, window_bounds = array<i64: 128, 128>}, {pipeline_mode = #tpu.pipeline_mode<synchronous>, transform_indices = @transform_5, window_bounds = array<i64: 128, 128>}, {pipeline_mode = #tpu.pipeline_mode<synchronous>, transform_indices = @transform_6, window_bounds = array<i64: 1, 128>}, {pipeline_mode = #tpu.pipeline_mode<synchronous>, transform_indices = @transform_7, window_bounds = array<i64: 1, 128>}, {pipeline_mode = #tpu.pipeline_mode<synchronous>, transform_indices = @transform_8, window_bounds = array<i64: 1, 128>}, {pipeline_mode = #tpu.pipeline_mode<synchronous>, transform_indices = @transform_9, window_bounds = array<i64: 1, 128>}, {pipeline_mode = #tpu.pipeline_mode<synchronous>, transform_indices = @transform_10, window_bounds = array<i64: 1, 128>}, {transform_indices = @transform_11, window_bounds = array<i64: 1000, 128>}, {transform_indices = @transform_12, window_bounds = array<i64: 1000, 256>}]} {
    %get3A = arith.constant 0 : index
    %get3A_0 = arith.constant 0 : index
    %get3A_1 = vector.load %arg1[%get3A, %get3A_0] : memref<1000x128xf32, #tpu.memory_space<vmem>>, vector<1000x128xf32>
    %get3A_2 = arith.constant 0 : index
    %get3A_3 = arith.constant 0 : index
    %get3A_4 = vector.load %arg8[%get3A_2, %get3A_3] : memref<1x128xf32, #tpu.memory_space<vmem>>, vector<1x128xf32>
    %get3A_5 = arith.constant 0 : index
    %get3A_6 = arith.constant 0 : index
    %get3A_7 = vector.load %arg9[%get3A_5, %get3A_6] : memref<1x128xf32, #tpu.memory_space<vmem>>, vector<1x128xf32>
    %reduce_sum3A = arith.constant dense<0.000000e+00> : vector<1000xf32>
    %reduce_sum3A_8 = vector.multi_reduction <add>, %get3A_1, %reduce_sum3A [1] : vector<1000x128xf32> to vector<1000xf32>
    %broadcast_in_dim3A = vector.shape_cast %reduce_sum3A_8 : vector<1000xf32> to vector<1000x1xf32>
    %div3A = arith.constant 1.280000e+02 : f32
    %div3A_9 = vector.broadcast %div3A : f32 to vector<1000x1xf32>
    %div3A_10 = arith.divf %broadcast_in_dim3A, %div3A_9 : vector<1000x1xf32>
    %sub3A = vector.broadcast %div3A_10 : vector<1000x1xf32> to vector<1000x128xf32>
    %sub3A_11 = arith.subf %get3A_1, %sub3A : vector<1000x128xf32>
    %integer_pow3A = arith.mulf %sub3A_11, %sub3A_11 : vector<1000x128xf32>
    %reduce_sum3A_12 = arith.constant dense<0.000000e+00> : vector<1000xf32>
    %reduce_sum3A_13 = vector.multi_reduction <add>, %integer_pow3A, %reduce_sum3A_12 [1] : vector<1000x128xf32> to vector<1000xf32>
    %broadcast_in_dim3A_14 = vector.shape_cast %reduce_sum3A_13 : vector<1000xf32> to vector<1000x1xf32>
    %div3A_15 = arith.constant 1.280000e+02 : f32
    %div3A_16 = vector.broadcast %div3A_15 : f32 to vector<1000x1xf32>
    %div3A_17 = arith.divf %broadcast_in_dim3A_14, %div3A_16 : vector<1000x1xf32>
    %sub3A_18 = vector.broadcast %div3A_10 : vector<1000x1xf32> to vector<1000x128xf32>
    %sub3A_19 = arith.subf %get3A_1, %sub3A_18 : vector<1000x128xf32>
    %add3A = arith.constant 9.99999974E-6 : f32
    %add3A_20 = vector.broadcast %add3A : f32 to vector<1000x1xf32>
    %add3A_21 = arith.addf %div3A_17, %add3A_20 : vector<1000x1xf32>
    %sqrt3A = math.sqrt %add3A_21 : vector<1000x1xf32>
    %div3A_22 = vector.broadcast %sqrt3A : vector<1000x1xf32> to vector<1000x128xf32>
    %div3A_23 = arith.divf %sub3A_19, %div3A_22 : vector<1000x128xf32>
    %mul3A = vector.broadcast %get3A_4 : vector<1x128xf32> to vector<1000x128xf32>
    %mul3A_24 = arith.mulf %div3A_23, %mul3A : vector<1000x128xf32>
    %add3A_25 = vector.broadcast %get3A_7 : vector<1x128xf32> to vector<1000x128xf32>
    %add3A_26 = arith.addf %mul3A_24, %add3A_25 : vector<1000x128xf32>
    %get3A_27 = arith.constant 0 : index
    %get3A_28 = arith.constant 0 : index
    %get3A_29 = vector.load %arg2[%get3A_27, %get3A_28] : memref<1000x128xf32, #tpu.memory_space<vmem>>, vector<1000x128xf32>
    %get3A_30 = arith.constant 0 : index
    %get3A_31 = arith.constant 0 : index
    %get3A_32 = vector.load %arg10[%get3A_30, %get3A_31] : memref<1x128xf32, #tpu.memory_space<vmem>>, vector<1x128xf32>
    %get3A_33 = arith.constant 0 : index
    %get3A_34 = arith.constant 0 : index
    %get3A_35 = vector.load %arg11[%get3A_33, %get3A_34] : memref<1x128xf32, #tpu.memory_space<vmem>>, vector<1x128xf32>
    %reduce_sum3A_36 = arith.constant dense<0.000000e+00> : vector<1000xf32>
    %reduce_sum3A_37 = vector.multi_reduction <add>, %get3A_29, %reduce_sum3A_36 [1] : vector<1000x128xf32> to vector<1000xf32>
    %broadcast_in_dim3A_38 = vector.shape_cast %reduce_sum3A_37 : vector<1000xf32> to vector<1000x1xf32>
    %div3A_39 = arith.constant 1.280000e+02 : f32
    %div3A_40 = vector.broadcast %div3A_39 : f32 to vector<1000x1xf32>
    %div3A_41 = arith.divf %broadcast_in_dim3A_38, %div3A_40 : vector<1000x1xf32>
    %sub3A_42 = vector.broadcast %div3A_41 : vector<1000x1xf32> to vector<1000x128xf32>
    %sub3A_43 = arith.subf %get3A_29, %sub3A_42 : vector<1000x128xf32>
    %integer_pow3A_44 = arith.mulf %sub3A_43, %sub3A_43 : vector<1000x128xf32>
    %reduce_sum3A_45 = arith.constant dense<0.000000e+00> : vector<1000xf32>
    %reduce_sum3A_46 = vector.multi_reduction <add>, %integer_pow3A_44, %reduce_sum3A_45 [1] : vector<1000x128xf32> to vector<1000xf32>
    %broadcast_in_dim3A_47 = vector.shape_cast %reduce_sum3A_46 : vector<1000xf32> to vector<1000x1xf32>
    %div3A_48 = arith.constant 1.280000e+02 : f32
    %div3A_49 = vector.broadcast %div3A_48 : f32 to vector<1000x1xf32>
    %div3A_50 = arith.divf %broadcast_in_dim3A_47, %div3A_49 : vector<1000x1xf32>
    %sub3A_51 = vector.broadcast %div3A_41 : vector<1000x1xf32> to vector<1000x128xf32>
    %sub3A_52 = arith.subf %get3A_29, %sub3A_51 : vector<1000x128xf32>
    %add3A_53 = arith.constant 9.99999974E-6 : f32
    %add3A_54 = vector.broadcast %add3A_53 : f32 to vector<1000x1xf32>
    %add3A_55 = arith.addf %div3A_50, %add3A_54 : vector<1000x1xf32>
    %sqrt3A_56 = math.sqrt %add3A_55 : vector<1000x1xf32>
    %div3A_57 = vector.broadcast %sqrt3A_56 : vector<1000x1xf32> to vector<1000x128xf32>
    %div3A_58 = arith.divf %sub3A_52, %div3A_57 : vector<1000x128xf32>
    %mul3A_59 = vector.broadcast %get3A_32 : vector<1x128xf32> to vector<1000x128xf32>
    %mul3A_60 = arith.mulf %div3A_58, %mul3A_59 : vector<1000x128xf32>
    %add3A_61 = vector.broadcast %get3A_35 : vector<1x128xf32> to vector<1000x128xf32>
    %add3A_62 = arith.addf %mul3A_60, %add3A_61 : vector<1000x128xf32>
    %get3A_63 = arith.constant 0 : index
    %get3A_64 = arith.constant 0 : index
    %get3A_65 = vector.load %arg3[%get3A_63, %get3A_64] : memref<128x128xf32, #tpu.memory_space<vmem>>, vector<128x128xf32>
    %dot_general3A = arith.constant dense<0.000000e+00> : vector<1000x128xf32>
    %dot_general3A_66 = tpu.matmul %add3A_62, %get3A_65, %dot_general3A {dimension_numbers = #tpu.dot_dimension_numbers<[1], [0], [0], [1], [0, 0, 1, 1], [], []>, transpose_lhs_hint = false} : vector<1000x128xf32>, vector<128x128xf32>, vector<1000x128xf32> -> vector<1000x128xf32>
    %get3A_67 = arith.constant 0 : index
    %get3A_68 = arith.constant 0 : index
    %get3A_69 = vector.load %arg4[%get3A_67, %get3A_68] : memref<1x128xf32, #tpu.memory_space<vmem>>, vector<1x128xf32>
    %add3A_70 = vector.broadcast %get3A_69 : vector<1x128xf32> to vector<1000x128xf32>
    %add3A_71 = arith.addf %dot_general3A_66, %add3A_70 : vector<1000x128xf32>
    %swap3A = arith.constant 0 : index
    %swap3A_72 = arith.constant 0 : index
    %swap3A_73 = vector.load %arg12[%swap3A, %swap3A_72] : memref<1000x128xf32, #tpu.memory_space<vmem>>, vector<1000x128xf32>
    tpu.vector_store %arg12[%swap3A, %swap3A_72], %add3A_71 {strides = array<i32>} : memref<1000x128xf32, #tpu.memory_space<vmem>>, vector<1000x128xf32>,
    %get3A_74 = arith.constant 0 : index
    %get3A_75 = arith.constant 0 : index
    %get3A_76 = vector.load %arg5[%get3A_74, %get3A_75] : memref<128x128xf32, #tpu.memory_space<vmem>>, vector<128x128xf32>
    %dot_general3A_77 = arith.constant dense<0.000000e+00> : vector<1000x128xf32>
    %dot_general3A_78 = tpu.matmul %add3A_26, %get3A_76, %dot_general3A_77 {dimension_numbers = #tpu.dot_dimension_numbers<[1], [0], [0], [1], [0, 0, 1, 1], [], []>, transpose_lhs_hint = false} : vector<1000x128xf32>, vector<128x128xf32>, vector<1000x128xf32> -> vector<1000x128xf32>
    %get3A_79 = arith.constant 0 : index
    %get3A_80 = arith.constant 0 : index
    %get3A_81 = vector.load %arg6[%get3A_79, %get3A_80] : memref<128x128xf32, #tpu.memory_space<vmem>>, vector<128x128xf32>
    %dot_general3A_82 = arith.constant dense<0.000000e+00> : vector<1000x128xf32>
    %dot_general3A_83 = tpu.matmul %add3A_26, %get3A_81, %dot_general3A_82 {dimension_numbers = #tpu.dot_dimension_numbers<[1], [0], [0], [1], [0, 0, 1, 1], [], []>, transpose_lhs_hint = false} : vector<1000x128xf32>, vector<128x128xf32>, vector<1000x128xf32> -> vector<1000x128xf32>
    %get3A_84 = arith.constant 0 : index
    %get3A_85 = arith.constant 0 : index
    %get3A_86 = vector.load %arg7[%get3A_84, %get3A_85] : memref<1x128xf32, #tpu.memory_space<vmem>>, vector<1x128xf32>
    %add3A_87 = vector.broadcast %get3A_86 : vector<1x128xf32> to vector<1000x128xf32>
    %add3A_88 = arith.addf %dot_general3A_83, %add3A_87 : vector<1000x128xf32>
    %concatenate3A = tpu.concatenate %dot_general3A_78, %add3A_88 in 1 : vector<1000x128xf32>, vector<1000x128xf32> -> vector<1000x256xf32>
    %swap3A_89 = arith.constant 0 : index
    %swap3A_90 = arith.constant 0 : index
    %swap3A_91 = vector.load %arg13[%swap3A_89, %swap3A_90] : memref<1000x256xf32, #tpu.memory_space<vmem>>, vector<1000x256xf32>
    tpu.vector_store %arg13[%swap3A_89, %swap3A_90], %concatenate3A {strides = array<i32>} : memref<1000x256xf32, #tpu.memory_space<vmem>>, vector<1000x256xf32>,
    return
  }
  func.func @transform_0(%arg0: i32) -> (i32, i32) {
    %c0_i32 = arith.constant 0 : i32
    %c0_i32_0 = arith.constant 0 : i32
    return %arg0, %c0_i32 : i32, i32
  }
  func.func @transform_1(%arg0: i32) -> (i32, i32) {
    %c0_i32 = arith.constant 0 : i32
    %c0_i32_0 = arith.constant 0 : i32
    return %arg0, %c0_i32 : i32, i32
  }
  func.func @transform_2(%arg0: i32) -> (i32, i32) {
    %c0_i32 = arith.constant 0 : i32
    %c0_i32_0 = arith.constant 0 : i32
    %c0_i32_1 = arith.constant 0 : i32
    return %c0_i32, %c0_i32_0 : i32, i32
  }
  func.func @transform_3(%arg0: i32) -> (i32, i32) {
    %c0_i32 = arith.constant 0 : i32
    %c0_i32_0 = arith.constant 0 : i32
    %c0_i32_1 = arith.constant 0 : i32
    return %c0_i32, %c0_i32_0 : i32, i32
  }
  func.func @transform_4(%arg0: i32) -> (i32, i32) {
    %c0_i32 = arith.constant 0 : i32
    %c0_i32_0 = arith.constant 0 : i32
    %c0_i32_1 = arith.constant 0 : i32
    return %c0_i32, %c0_i32_0 : i32, i32
  }
  func.func @transform_5(%arg0: i32) -> (i32, i32) {
    %c0_i32 = arith.constant 0 : i32
    %c0_i32_0 = arith.constant 0 : i32
    %c0_i32_1 = arith.constant 0 : i32
    return %c0_i32, %c0_i32_0 : i32, i32
  }
  func.func @transform_6(%arg0: i32) -> (i32, i32) {
    %c0_i32 = arith.constant 0 : i32
    %c0_i32_0 = arith.constant 0 : i32
    %c0_i32_1 = arith.constant 0 : i32
    return %c0_i32, %c0_i32_0 : i32, i32
  }
  func.func @transform_7(%arg0: i32) -> (i32, i32) {
    %c0_i32 = arith.constant 0 : i32
    %c0_i32_0 = arith.constant 0 : i32
    %c0_i32_1 = arith.constant 0 : i32
    return %c0_i32, %c0_i32_0 : i32, i32
  }
  func.func @transform_8(%arg0: i32) -> (i32, i32) {
    %c0_i32 = arith.constant 0 : i32
    %c0_i32_0 = arith.constant 0 : i32
    %c0_i32_1 = arith.constant 0 : i32
    return %c0_i32, %c0_i32_0 : i32, i32
  }
  func.func @transform_9(%arg0: i32) -> (i32, i32) {
    %c0_i32 = arith.constant 0 : i32
    %c0_i32_0 = arith.constant 0 : i32
    %c0_i32_1 = arith.constant 0 : i32
    return %c0_i32, %c0_i32_0 : i32, i32
  }
  func.func @transform_10(%arg0: i32) -> (i32, i32) {
    %c0_i32 = arith.constant 0 : i32
    %c0_i32_0 = arith.constant 0 : i32
    %c0_i32_1 = arith.constant 0 : i32
    return %c0_i32, %c0_i32_0 : i32, i32
  }
  func.func @transform_11(%arg0: i32) -> (i32, i32) {
    %c0_i32 = arith.constant 0 : i32
    %c0_i32_0 = arith.constant 0 : i32
    return %arg0, %c0_i32 : i32, i32
  }
  func.func @transform_12(%arg0: i32) -> (i32, i32) {
    %c0_i32 = arith.constant 0 : i32
    %c0_i32_0 = arith.constant 0 : i32
    return %arg0, %c0_i32 : i32, i32
  }
}

module attributes {stable_mosaic.version = 14 : i64} {
  func.func @body(%arg0: i32, %arg1: memref<2048x128xf32, #tpu.memory_space<vmem>>, %arg2: memref<2048x256xf32, #tpu.memory_space<vmem>>, %arg3: memref<2048x16xf32, #tpu.memory_space<vmem>>, %arg4: memref<16x128xf32, #tpu.memory_space<vmem>>, %arg5: memref<16x128xf32, #tpu.memory_space<vmem>>, %arg6: memref<1x128xf32, #tpu.memory_space<vmem>>, %arg7: memref<1x16xf32, #tpu.memory_space<vmem>>, %arg8: memref<1x16xf32, #tpu.memory_space<vmem>>, %arg9: memref<128x8xf32, #tpu.memory_space<vmem>>, %arg10: memref<8x128xf32, #tpu.memory_space<vmem>>, %arg11: memref<2048x128xf32, #tpu.memory_space<vmem>>, %arg12: memref<2048x128xf32, #tpu.memory_space<vmem>>) attributes {dimension_semantics = [#tpu.dimension_semantics<arbitrary>], iteration_bounds = array<i64: 158>, scalar_prefetch = 0 : i64, scratch_operands = 0 : i64, tpu.core_type = #tpu.core_type<tc>, window_params = [{transform_indices = @transform_0, window_bounds = array<i64: 2048, 128>}, {transform_indices = @transform_1, window_bounds = array<i64: 2048, 256>}, {transform_indices = @transform_2, window_bounds = array<i64: 2048, 16>}, {pipeline_mode = #tpu.pipeline_mode<synchronous>, transform_indices = @transform_3, window_bounds = array<i64: 16, 128>}, {pipeline_mode = #tpu.pipeline_mode<synchronous>, transform_indices = @transform_4, window_bounds = array<i64: 16, 128>}, {pipeline_mode = #tpu.pipeline_mode<synchronous>, transform_indices = @transform_5, window_bounds = array<i64: 1, 128>}, {pipeline_mode = #tpu.pipeline_mode<synchronous>, transform_indices = @transform_6, window_bounds = array<i64: 1, 16>}, {pipeline_mode = #tpu.pipeline_mode<synchronous>, transform_indices = @transform_7, window_bounds = array<i64: 1, 16>}, {pipeline_mode = #tpu.pipeline_mode<synchronous>, transform_indices = @transform_8, window_bounds = array<i64: 128, 8>}, {pipeline_mode = #tpu.pipeline_mode<synchronous>, transform_indices = @transform_9, window_bounds = array<i64: 8, 128>}, {transform_indices = @transform_10, window_bounds = array<i64: 2048, 128>}, {transform_indices = @transform_11, window_bounds = array<i64: 2048, 128>}]} {
    %get3A = arith.constant 0 : index
    %get3A_0 = arith.constant 0 : index
    %get3A_1 = vector.load %arg2[%get3A, %get3A_0] : memref<2048x256xf32, #tpu.memory_space<vmem>>, vector<2048x256xf32>
    %slice3A = vector.extract_strided_slice %get3A_1 {offsets = [0, 0], sizes = [2048, 128], strides = [1, 1]} : vector<2048x256xf32> to vector<2048x128xf32>
    %slice3A_2 = vector.extract_strided_slice %get3A_1 {offsets = [0, 128], sizes = [2048, 128], strides = [1, 1]} : vector<2048x256xf32> to vector<2048x128xf32>
    %get3A_3 = arith.constant 0 : index
    %get3A_4 = arith.constant 0 : index
    %get3A_5 = vector.load %arg3[%get3A_3, %get3A_4] : memref<2048x16xf32, #tpu.memory_space<vmem>>, vector<2048x16xf32>
    %get3A_6 = arith.constant 0 : index
    %get3A_7 = arith.constant 0 : index
    %get3A_8 = vector.load %arg7[%get3A_6, %get3A_7] : memref<1x16xf32, #tpu.memory_space<vmem>>, vector<1x16xf32>
    %get3A_9 = arith.constant 0 : index
    %get3A_10 = arith.constant 0 : index
    %get3A_11 = vector.load %arg8[%get3A_9, %get3A_10] : memref<1x16xf32, #tpu.memory_space<vmem>>, vector<1x16xf32>
    %reduce_sum3A = arith.constant dense<0.000000e+00> : vector<2048xf32>
    %reduce_sum3A_12 = vector.multi_reduction <add>, %get3A_5, %reduce_sum3A [1] : vector<2048x16xf32> to vector<2048xf32>
    %broadcast_in_dim3A = vector.shape_cast %reduce_sum3A_12 : vector<2048xf32> to vector<2048x1xf32>
    %div3A = arith.constant 1.600000e+01 : f32
    %div3A_13 = vector.broadcast %div3A : f32 to vector<2048x1xf32>
    %div3A_14 = arith.divf %broadcast_in_dim3A, %div3A_13 : vector<2048x1xf32>
    %sub3A = vector.broadcast %div3A_14 : vector<2048x1xf32> to vector<2048x16xf32>
    %sub3A_15 = arith.subf %get3A_5, %sub3A : vector<2048x16xf32>
    %integer_pow3A = arith.mulf %sub3A_15, %sub3A_15 : vector<2048x16xf32>
    %reduce_sum3A_16 = arith.constant dense<0.000000e+00> : vector<2048xf32>
    %reduce_sum3A_17 = vector.multi_reduction <add>, %integer_pow3A, %reduce_sum3A_16 [1] : vector<2048x16xf32> to vector<2048xf32>
    %broadcast_in_dim3A_18 = vector.shape_cast %reduce_sum3A_17 : vector<2048xf32> to vector<2048x1xf32>
    %div3A_19 = arith.constant 1.600000e+01 : f32
    %div3A_20 = vector.broadcast %div3A_19 : f32 to vector<2048x1xf32>
    %div3A_21 = arith.divf %broadcast_in_dim3A_18, %div3A_20 : vector<2048x1xf32>
    %sub3A_22 = vector.broadcast %div3A_14 : vector<2048x1xf32> to vector<2048x16xf32>
    %sub3A_23 = arith.subf %get3A_5, %sub3A_22 : vector<2048x16xf32>
    %add3A = arith.constant 9.99999974E-6 : f32
    %add3A_24 = vector.broadcast %add3A : f32 to vector<2048x1xf32>
    %add3A_25 = arith.addf %div3A_21, %add3A_24 : vector<2048x1xf32>
    %sqrt3A = math.sqrt %add3A_25 : vector<2048x1xf32>
    %div3A_26 = vector.broadcast %sqrt3A : vector<2048x1xf32> to vector<2048x16xf32>
    %div3A_27 = arith.divf %sub3A_23, %div3A_26 : vector<2048x16xf32>
    %mul3A = vector.broadcast %get3A_8 : vector<1x16xf32> to vector<2048x16xf32>
    %mul3A_28 = arith.mulf %div3A_27, %mul3A : vector<2048x16xf32>
    %add3A_29 = vector.broadcast %get3A_11 : vector<1x16xf32> to vector<2048x16xf32>
    %add3A_30 = arith.addf %mul3A_28, %add3A_29 : vector<2048x16xf32>
    %get3A_31 = arith.constant 0 : index
    %get3A_32 = arith.constant 0 : index
    %get3A_33 = vector.load %arg4[%get3A_31, %get3A_32] : memref<16x128xf32, #tpu.memory_space<vmem>>, vector<16x128xf32>
    %dot_general3A = arith.constant dense<0.000000e+00> : vector<2048x128xf32>
    %dot_general3A_34 = tpu.matmul %add3A_30, %get3A_33, %dot_general3A {dimension_numbers = #tpu.dot_dimension_numbers<[1], [0], [0], [1], [0, 0, 1, 1], [], []>, transpose_lhs_hint = false} : vector<2048x16xf32>, vector<16x128xf32>, vector<2048x128xf32> -> vector<2048x128xf32>
    %add3A_35 = arith.addf %slice3A, %dot_general3A_34 : vector<2048x128xf32>
    %get3A_36 = arith.constant 0 : index
    %get3A_37 = arith.constant 0 : index
    %get3A_38 = vector.load %arg5[%get3A_36, %get3A_37] : memref<16x128xf32, #tpu.memory_space<vmem>>, vector<16x128xf32>
    %dot_general3A_39 = arith.constant dense<0.000000e+00> : vector<2048x128xf32>
    %dot_general3A_40 = tpu.matmul %add3A_30, %get3A_38, %dot_general3A_39 {dimension_numbers = #tpu.dot_dimension_numbers<[1], [0], [0], [1], [0, 0, 1, 1], [], []>, transpose_lhs_hint = false} : vector<2048x16xf32>, vector<16x128xf32>, vector<2048x128xf32> -> vector<2048x128xf32>
    %add3A_41 = arith.addf %slice3A_2, %dot_general3A_40 : vector<2048x128xf32>
    %get3A_42 = arith.constant 0 : index
    %get3A_43 = arith.constant 0 : index
    %get3A_44 = vector.load %arg6[%get3A_42, %get3A_43] : memref<1x128xf32, #tpu.memory_space<vmem>>, vector<1x128xf32>
    %add3A_45 = vector.broadcast %get3A_44 : vector<1x128xf32> to vector<2048x128xf32>
    %add3A_46 = arith.addf %add3A_41, %add3A_45 : vector<2048x128xf32>
    %get3A_47 = arith.constant 0 : index
    %get3A_48 = arith.constant 0 : index
    %get3A_49 = vector.load %arg1[%get3A_47, %get3A_48] : memref<2048x128xf32, #tpu.memory_space<vmem>>, vector<2048x128xf32>
    %mul3A_50 = arith.mulf %get3A_49, %add3A_35 : vector<2048x128xf32>
    %get3A_51 = arith.constant 0 : index
    %get3A_52 = arith.constant 0 : index
    %get3A_53 = vector.load %arg9[%get3A_51, %get3A_52] : memref<128x8xf32, #tpu.memory_space<vmem>>, vector<128x8xf32>
    %dot_general3A_54 = arith.constant dense<0.000000e+00> : vector<2048x8xf32>
    %dot_general3A_55 = tpu.matmul %mul3A_50, %get3A_53, %dot_general3A_54 {dimension_numbers = #tpu.dot_dimension_numbers<[1], [0], [0], [1], [0, 0, 1, 1], [], []>, transpose_lhs_hint = false} : vector<2048x128xf32>, vector<128x8xf32>, vector<2048x8xf32> -> vector<2048x8xf32>
    %mul3A_56 = arith.constant 2.500000e-01 : f32
    %mul3A_57 = vector.broadcast %mul3A_56 : f32 to vector<2048x8xf32>
    %mul3A_58 = arith.mulf %dot_general3A_55, %mul3A_57 : vector<2048x8xf32>
    %exp3A = math.exp %mul3A_58 : vector<2048x8xf32>
    %get3A_59 = arith.constant 0 : index
    %get3A_60 = arith.constant 0 : index
    %get3A_61 = vector.load %arg10[%get3A_59, %get3A_60] : memref<8x128xf32, #tpu.memory_space<vmem>>, vector<8x128xf32>
    %dot_general3A_62 = arith.constant dense<0.000000e+00> : vector<2048x128xf32>
    %dot_general3A_63 = tpu.matmul %exp3A, %get3A_61, %dot_general3A_62 {dimension_numbers = #tpu.dot_dimension_numbers<[1], [0], [0], [1], [0, 0, 1, 1], [], []>, transpose_lhs_hint = false} : vector<2048x8xf32>, vector<8x128xf32>, vector<2048x128xf32> -> vector<2048x128xf32>
    %mul3A_64 = arith.mulf %add3A_46, %dot_general3A_63 : vector<2048x128xf32>
    %swap3A = arith.constant 0 : index
    %swap3A_65 = arith.constant 0 : index
    %swap3A_66 = vector.load %arg11[%swap3A, %swap3A_65] : memref<2048x128xf32, #tpu.memory_space<vmem>>, vector<2048x128xf32>
    tpu.vector_store %arg11[%swap3A, %swap3A_65], %mul3A_64 {strides = array<i32>} : memref<2048x128xf32, #tpu.memory_space<vmem>>, vector<2048x128xf32>,
    %swap3A_67 = arith.constant 0 : index
    %swap3A_68 = arith.constant 0 : index
    %swap3A_69 = vector.load %arg12[%swap3A_67, %swap3A_68] : memref<2048x128xf32, #tpu.memory_space<vmem>>, vector<2048x128xf32>
    tpu.vector_store %arg12[%swap3A_67, %swap3A_68], %dot_general3A_63 {strides = array<i32>} : memref<2048x128xf32, #tpu.memory_space<vmem>>, vector<2048x128xf32>,
    return
  }
  func.func @transform_0(%arg0: i32) -> (i32, i32) {
    %c0_i32 = arith.constant 0 : i32
    %c0_i32_0 = arith.constant 0 : i32
    return %arg0, %c0_i32 : i32, i32
  }
  func.func @transform_1(%arg0: i32) -> (i32, i32) {
    %c0_i32 = arith.constant 0 : i32
    %c0_i32_0 = arith.constant 0 : i32
    return %arg0, %c0_i32 : i32, i32
  }
  func.func @transform_2(%arg0: i32) -> (i32, i32) {
    %c0_i32 = arith.constant 0 : i32
    %c0_i32_0 = arith.constant 0 : i32
    return %arg0, %c0_i32 : i32, i32
  }
  func.func @transform_3(%arg0: i32) -> (i32, i32) {
    %c0_i32 = arith.constant 0 : i32
    %c0_i32_0 = arith.constant 0 : i32
    %c0_i32_1 = arith.constant 0 : i32
    return %c0_i32, %c0_i32_0 : i32, i32
  }
  func.func @transform_4(%arg0: i32) -> (i32, i32) {
    %c0_i32 = arith.constant 0 : i32
    %c0_i32_0 = arith.constant 0 : i32
    %c0_i32_1 = arith.constant 0 : i32
    return %c0_i32, %c0_i32_0 : i32, i32
  }
  func.func @transform_5(%arg0: i32) -> (i32, i32) {
    %c0_i32 = arith.constant 0 : i32
    %c0_i32_0 = arith.constant 0 : i32
    %c0_i32_1 = arith.constant 0 : i32
    return %c0_i32, %c0_i32_0 : i32, i32
  }
  func.func @transform_6(%arg0: i32) -> (i32, i32) {
    %c0_i32 = arith.constant 0 : i32
    %c0_i32_0 = arith.constant 0 : i32
    %c0_i32_1 = arith.constant 0 : i32
    return %c0_i32, %c0_i32_0 : i32, i32
  }
  func.func @transform_7(%arg0: i32) -> (i32, i32) {
    %c0_i32 = arith.constant 0 : i32
    %c0_i32_0 = arith.constant 0 : i32
    %c0_i32_1 = arith.constant 0 : i32
    return %c0_i32, %c0_i32_0 : i32, i32
  }
  func.func @transform_8(%arg0: i32) -> (i32, i32) {
    %c0_i32 = arith.constant 0 : i32
    %c0_i32_0 = arith.constant 0 : i32
    %c0_i32_1 = arith.constant 0 : i32
    return %c0_i32, %c0_i32_0 : i32, i32
  }
  func.func @transform_9(%arg0: i32) -> (i32, i32) {
    %c0_i32 = arith.constant 0 : i32
    %c0_i32_0 = arith.constant 0 : i32
    %c0_i32_1 = arith.constant 0 : i32
    return %c0_i32, %c0_i32_0 : i32, i32
  }
  func.func @transform_10(%arg0: i32) -> (i32, i32) {
    %c0_i32 = arith.constant 0 : i32
    %c0_i32_0 = arith.constant 0 : i32
    return %arg0, %c0_i32 : i32, i32
  }
  func.func @transform_11(%arg0: i32) -> (i32, i32) {
    %c0_i32 = arith.constant 0 : i32
    %c0_i32_0 = arith.constant 0 : i32
    return %arg0, %c0_i32 : i32, i32
  }
}

module attributes {stable_mosaic.version = 14 : i64} {
  func.func @body(%arg0: i32, %arg1: memref<2048x128xf32, #tpu.memory_space<vmem>>, %arg2: memref<2048x256xf32, #tpu.memory_space<vmem>>, %arg3: memref<128x8xf32, #tpu.memory_space<vmem>>, %arg4: memref<8x128xf32, #tpu.memory_space<vmem>>, %arg5: memref<2048x128xf32, #tpu.memory_space<vmem>>, %arg6: memref<2048x128xf32, #tpu.memory_space<vmem>>) attributes {dimension_semantics = [#tpu.dimension_semantics<arbitrary>], iteration_bounds = array<i64: 82>, scalar_prefetch = 0 : i64, scratch_operands = 0 : i64, tpu.core_type = #tpu.core_type<tc>, window_params = [{transform_indices = @transform_0, window_bounds = array<i64: 2048, 128>}, {transform_indices = @transform_1, window_bounds = array<i64: 2048, 256>}, {pipeline_mode = #tpu.pipeline_mode<synchronous>, transform_indices = @transform_2, window_bounds = array<i64: 128, 8>}, {pipeline_mode = #tpu.pipeline_mode<synchronous>, transform_indices = @transform_3, window_bounds = array<i64: 8, 128>}, {transform_indices = @transform_4, window_bounds = array<i64: 2048, 128>}, {transform_indices = @transform_5, window_bounds = array<i64: 2048, 128>}]} {
    %get3A = arith.constant 0 : index
    %get3A_0 = arith.constant 0 : index
    %get3A_1 = vector.load %arg2[%get3A, %get3A_0] : memref<2048x256xf32, #tpu.memory_space<vmem>>, vector<2048x256xf32>
    %slice3A = vector.extract_strided_slice %get3A_1 {offsets = [0, 0], sizes = [2048, 128], strides = [1, 1]} : vector<2048x256xf32> to vector<2048x128xf32>
    %slice3A_2 = vector.extract_strided_slice %get3A_1 {offsets = [0, 128], sizes = [2048, 128], strides = [1, 1]} : vector<2048x256xf32> to vector<2048x128xf32>
    %get3A_3 = arith.constant 0 : index
    %get3A_4 = arith.constant 0 : index
    %get3A_5 = vector.load %arg1[%get3A_3, %get3A_4] : memref<2048x128xf32, #tpu.memory_space<vmem>>, vector<2048x128xf32>
    %mul3A = arith.mulf %get3A_5, %slice3A : vector<2048x128xf32>
    %get3A_6 = arith.constant 0 : index
    %get3A_7 = arith.constant 0 : index
    %get3A_8 = vector.load %arg3[%get3A_6, %get3A_7] : memref<128x8xf32, #tpu.memory_space<vmem>>, vector<128x8xf32>
    %dot_general3A = arith.constant dense<0.000000e+00> : vector<2048x8xf32>
    %dot_general3A_9 = tpu.matmul %mul3A, %get3A_8, %dot_general3A {dimension_numbers = #tpu.dot_dimension_numbers<[1], [0], [0], [1], [0, 0, 1, 1], [], []>, transpose_lhs_hint = false} : vector<2048x128xf32>, vector<128x8xf32>, vector<2048x8xf32> -> vector<2048x8xf32>
    %mul3A_10 = arith.constant 2.500000e-01 : f32
    %mul3A_11 = vector.broadcast %mul3A_10 : f32 to vector<2048x8xf32>
    %mul3A_12 = arith.mulf %dot_general3A_9, %mul3A_11 : vector<2048x8xf32>
    %exp3A = math.exp %mul3A_12 : vector<2048x8xf32>
    %get3A_13 = arith.constant 0 : index
    %get3A_14 = arith.constant 0 : index
    %get3A_15 = vector.load %arg4[%get3A_13, %get3A_14] : memref<8x128xf32, #tpu.memory_space<vmem>>, vector<8x128xf32>
    %dot_general3A_16 = arith.constant dense<0.000000e+00> : vector<2048x128xf32>
    %dot_general3A_17 = tpu.matmul %exp3A, %get3A_15, %dot_general3A_16 {dimension_numbers = #tpu.dot_dimension_numbers<[1], [0], [0], [1], [0, 0, 1, 1], [], []>, transpose_lhs_hint = false} : vector<2048x8xf32>, vector<8x128xf32>, vector<2048x128xf32> -> vector<2048x128xf32>
    %mul3A_18 = arith.mulf %slice3A_2, %dot_general3A_17 : vector<2048x128xf32>
    %swap3A = arith.constant 0 : index
    %swap3A_19 = arith.constant 0 : index
    %swap3A_20 = vector.load %arg5[%swap3A, %swap3A_19] : memref<2048x128xf32, #tpu.memory_space<vmem>>, vector<2048x128xf32>
    tpu.vector_store %arg5[%swap3A, %swap3A_19], %mul3A_18 {strides = array<i32>} : memref<2048x128xf32, #tpu.memory_space<vmem>>, vector<2048x128xf32>,
    %swap3A_21 = arith.constant 0 : index
    %swap3A_22 = arith.constant 0 : index
    %swap3A_23 = vector.load %arg6[%swap3A_21, %swap3A_22] : memref<2048x128xf32, #tpu.memory_space<vmem>>, vector<2048x128xf32>
    tpu.vector_store %arg6[%swap3A_21, %swap3A_22], %dot_general3A_17 {strides = array<i32>} : memref<2048x128xf32, #tpu.memory_space<vmem>>, vector<2048x128xf32>,
    return
  }
  func.func @transform_0(%arg0: i32) -> (i32, i32) {
    %c0_i32 = arith.constant 0 : i32
    %c0_i32_0 = arith.constant 0 : i32
    return %arg0, %c0_i32 : i32, i32
  }
  func.func @transform_1(%arg0: i32) -> (i32, i32) {
    %c0_i32 = arith.constant 0 : i32
    %c0_i32_0 = arith.constant 0 : i32
    return %arg0, %c0_i32 : i32, i32
  }
  func.func @transform_2(%arg0: i32) -> (i32, i32) {
    %c0_i32 = arith.constant 0 : i32
    %c0_i32_0 = arith.constant 0 : i32
    %c0_i32_1 = arith.constant 0 : i32
    return %c0_i32, %c0_i32_0 : i32, i32
  }
  func.func @transform_3(%arg0: i32) -> (i32, i32) {
    %c0_i32 = arith.constant 0 : i32
    %c0_i32_0 = arith.constant 0 : i32
    %c0_i32_1 = arith.constant 0 : i32
    return %c0_i32, %c0_i32_0 : i32, i32
  }
  func.func @transform_4(%arg0: i32) -> (i32, i32) {
    %c0_i32 = arith.constant 0 : i32
    %c0_i32_0 = arith.constant 0 : i32
    return %arg0, %c0_i32 : i32, i32
  }
  func.func @transform_5(%arg0: i32) -> (i32, i32) {
    %c0_i32 = arith.constant 0 : i32
    %c0_i32_0 = arith.constant 0 : i32
    return %arg0, %c0_i32 : i32, i32
  }
}

module attributes {stable_mosaic.version = 14 : i64} {
  func.func @body(%arg0: i32, %arg1: memref<2x1000x128xf32, #tpu.memory_space<vmem>>, %arg2: memref<2x1000x128xf32, #tpu.memory_space<vmem>>, %arg3: memref<1000x128xf32, #tpu.memory_space<vmem>>, %arg4: memref<256x128xf32, #tpu.memory_space<vmem>>, %arg5: memref<1x128xf32, #tpu.memory_space<vmem>>, %arg6: memref<128x128xf32, #tpu.memory_space<vmem>>, %arg7: memref<1x128xf32, #tpu.memory_space<vmem>>, %arg8: memref<128x128xf32, #tpu.memory_space<vmem>>, %arg9: memref<1x128xf32, #tpu.memory_space<vmem>>, %arg10: memref<1x128xf32, #tpu.memory_space<vmem>>, %arg11: memref<1x128xf32, #tpu.memory_space<vmem>>, %arg12: memref<1x128xf32, #tpu.memory_space<vmem>>, %arg13: memref<1x128xf32, #tpu.memory_space<vmem>>, %arg14: memref<128x256xf32, #tpu.memory_space<vmem>>, %arg15: memref<1x256xf32, #tpu.memory_space<vmem>>, %arg16: memref<256x128xf32, #tpu.memory_space<vmem>>, %arg17: memref<1x128xf32, #tpu.memory_space<vmem>>, %arg18: memref<1x128xf32, #tpu.memory_space<vmem>>, %arg19: memref<1x128xf32, #tpu.memory_space<vmem>>, %arg20: memref<1x128xf32, #tpu.memory_space<vmem>>, %arg21: memref<1x128xf32, #tpu.memory_space<vmem>>, %arg22: memref<1000x128xf32, #tpu.memory_space<vmem>>) attributes {dimension_semantics = [#tpu.dimension_semantics<arbitrary>], iteration_bounds = array<i64: 10>, scalar_prefetch = 0 : i64, scratch_operands = 0 : i64, tpu.core_type = #tpu.core_type<tc>, window_params = [{transform_indices = @transform_0, window_bounds = array<i64: 2, 1000, 128>}, {transform_indices = @transform_1, window_bounds = array<i64: 2, 1000, 128>}, {transform_indices = @transform_2, window_bounds = array<i64: 1000, 128>}, {pipeline_mode = #tpu.pipeline_mode<synchronous>, transform_indices = @transform_3, window_bounds = array<i64: 256, 128>}, {pipeline_mode = #tpu.pipeline_mode<synchronous>, transform_indices = @transform_4, window_bounds = array<i64: 1, 128>}, {pipeline_mode = #tpu.pipeline_mode<synchronous>, transform_indices = @transform_5, window_bounds = array<i64: 128, 128>}, {pipeline_mode = #tpu.pipeline_mode<synchronous>, transform_indices = @transform_6, window_bounds = array<i64: 1, 128>}, {pipeline_mode = #tpu.pipeline_mode<synchronous>, transform_indices = @transform_7, window_bounds = array<i64: 128, 128>}, {pipeline_mode = #tpu.pipeline_mode<synchronous>, transform_indices = @transform_8, window_bounds = array<i64: 1, 128>}, {pipeline_mode = #tpu.pipeline_mode<synchronous>, transform_indices = @transform_9, window_bounds = array<i64: 1, 128>}, {pipeline_mode = #tpu.pipeline_mode<synchronous>, transform_indices = @transform_10, window_bounds = array<i64: 1, 128>}, {pipeline_mode = #tpu.pipeline_mode<synchronous>, transform_indices = @transform_11, window_bounds = array<i64: 1, 128>}, {pipeline_mode = #tpu.pipeline_mode<synchronous>, transform_indices = @transform_12, window_bounds = array<i64: 1, 128>}, {pipeline_mode = #tpu.pipeline_mode<synchronous>, transform_indices = @transform_13, window_bounds = array<i64: 128, 256>}, {pipeline_mode = #tpu.pipeline_mode<synchronous>, transform_indices = @transform_14, window_bounds = array<i64: 1, 256>}, {pipeline_mode = #tpu.pipeline_mode<synchronous>, transform_indices = @transform_15, window_bounds = array<i64: 256, 128>}, {pipeline_mode = #tpu.pipeline_mode<synchronous>, transform_indices = @transform_16, window_bounds = array<i64: 1, 128>}, {pipeline_mode = #tpu.pipeline_mode<synchronous>, transform_indices = @transform_17, window_bounds = array<i64: 1, 128>}, {pipeline_mode = #tpu.pipeline_mode<synchronous>, transform_indices = @transform_18, window_bounds = array<i64: 1, 128>}, {pipeline_mode = #tpu.pipeline_mode<synchronous>, transform_indices = @transform_19, window_bounds = array<i64: 1, 128>}, {pipeline_mode = #tpu.pipeline_mode<synchronous>, transform_indices = @transform_20, window_bounds = array<i64: 1, 128>}, {transform_indices = @transform_21, window_bounds = array<i64: 1000, 128>}]} {
    %get3A = arith.constant 0 : index
    %get3A_0 = arith.constant 0 : index
    %get3A_1 = arith.constant 0 : index
    %get3A_2 = vector.load %arg1[%get3A, %get3A_0, %get3A_1] : memref<2x1000x128xf32, #tpu.memory_space<vmem>>, vector<1x1000x128xf32>
    %get3A_3 = vector.shape_cast %get3A_2 : vector<1x1000x128xf32> to vector<1000x128xf32>
    %get3A_4 = arith.constant 1 : index
    %get3A_5 = arith.constant 0 : index
    %get3A_6 = arith.constant 0 : index
    %get3A_7 = vector.load %arg1[%get3A_4, %get3A_5, %get3A_6] : memref<2x1000x128xf32, #tpu.memory_space<vmem>>, vector<1x1000x128xf32>
    %get3A_8 = vector.shape_cast %get3A_7 : vector<1x1000x128xf32> to vector<1000x128xf32>
    %add3A = arith.addf %get3A_3, %get3A_8 : vector<1000x128xf32>
    %get3A_9 = arith.constant 0 : index
    %get3A_10 = arith.constant 0 : index
    %get3A_11 = arith.constant 0 : index
    %get3A_12 = vector.load %arg2[%get3A_9, %get3A_10, %get3A_11] : memref<2x1000x128xf32, #tpu.memory_space<vmem>>, vector<1x1000x128xf32>
    %get3A_13 = vector.shape_cast %get3A_12 : vector<1x1000x128xf32> to vector<1000x128xf32>
    %get3A_14 = arith.constant 1 : index
    %get3A_15 = arith.constant 0 : index
    %get3A_16 = arith.constant 0 : index
    %get3A_17 = vector.load %arg2[%get3A_14, %get3A_15, %get3A_16] : memref<2x1000x128xf32, #tpu.memory_space<vmem>>, vector<1x1000x128xf32>
    %get3A_18 = vector.shape_cast %get3A_17 : vector<1x1000x128xf32> to vector<1000x128xf32>
    %add3A_19 = arith.addf %get3A_13, %get3A_18 : vector<1000x128xf32>
    %add3A_20 = arith.constant 1.000000e-16 : f32
    %add3A_21 = vector.broadcast %add3A_20 : f32 to vector<1000x128xf32>
    %add3A_22 = arith.addf %add3A_19, %add3A_21 : vector<1000x128xf32>
    %div3A = arith.divf %add3A, %add3A_22 : vector<1000x128xf32>
    %get3A_23 = arith.constant 0 : index
    %get3A_24 = arith.constant 0 : index
    %get3A_25 = vector.load %arg3[%get3A_23, %get3A_24] : memref<1000x128xf32, #tpu.memory_space<vmem>>, vector<1000x128xf32>
    %get3A_26 = arith.constant 0 : index
    %get3A_27 = arith.constant 0 : index
    %get3A_28 = vector.load %arg10[%get3A_26, %get3A_27] : memref<1x128xf32, #tpu.memory_space<vmem>>, vector<1x128xf32>
    %get3A_29 = arith.constant 0 : index
    %get3A_30 = arith.constant 0 : index
    %get3A_31 = vector.load %arg11[%get3A_29, %get3A_30] : memref<1x128xf32, #tpu.memory_space<vmem>>, vector<1x128xf32>
    %reduce_sum3A = arith.constant dense<0.000000e+00> : vector<1000xf32>
    %reduce_sum3A_32 = vector.multi_reduction <add>, %get3A_25, %reduce_sum3A [1] : vector<1000x128xf32> to vector<1000xf32>
    %broadcast_in_dim3A = vector.shape_cast %reduce_sum3A_32 : vector<1000xf32> to vector<1000x1xf32>
    %div3A_33 = arith.constant 1.280000e+02 : f32
    %div3A_34 = vector.broadcast %div3A_33 : f32 to vector<1000x1xf32>
    %div3A_35 = arith.divf %broadcast_in_dim3A, %div3A_34 : vector<1000x1xf32>
    %sub3A = vector.broadcast %div3A_35 : vector<1000x1xf32> to vector<1000x128xf32>
    %sub3A_36 = arith.subf %get3A_25, %sub3A : vector<1000x128xf32>
    %integer_pow3A = arith.mulf %sub3A_36, %sub3A_36 : vector<1000x128xf32>
    %reduce_sum3A_37 = arith.constant dense<0.000000e+00> : vector<1000xf32>
    %reduce_sum3A_38 = vector.multi_reduction <add>, %integer_pow3A, %reduce_sum3A_37 [1] : vector<1000x128xf32> to vector<1000xf32>
    %broadcast_in_dim3A_39 = vector.shape_cast %reduce_sum3A_38 : vector<1000xf32> to vector<1000x1xf32>
    %div3A_40 = arith.constant 1.280000e+02 : f32
    %div3A_41 = vector.broadcast %div3A_40 : f32 to vector<1000x1xf32>
    %div3A_42 = arith.divf %broadcast_in_dim3A_39, %div3A_41 : vector<1000x1xf32>
    %sub3A_43 = vector.broadcast %div3A_35 : vector<1000x1xf32> to vector<1000x128xf32>
    %sub3A_44 = arith.subf %get3A_25, %sub3A_43 : vector<1000x128xf32>
    %add3A_45 = arith.constant 9.99999974E-6 : f32
    %add3A_46 = vector.broadcast %add3A_45 : f32 to vector<1000x1xf32>
    %add3A_47 = arith.addf %div3A_42, %add3A_46 : vector<1000x1xf32>
    %sqrt3A = math.sqrt %add3A_47 : vector<1000x1xf32>
    %div3A_48 = vector.broadcast %sqrt3A : vector<1000x1xf32> to vector<1000x128xf32>
    %div3A_49 = arith.divf %sub3A_44, %div3A_48 : vector<1000x128xf32>
    %mul3A = vector.broadcast %get3A_28 : vector<1x128xf32> to vector<1000x128xf32>
    %mul3A_50 = arith.mulf %div3A_49, %mul3A : vector<1000x128xf32>
    %add3A_51 = vector.broadcast %get3A_31 : vector<1x128xf32> to vector<1000x128xf32>
    %add3A_52 = arith.addf %mul3A_50, %add3A_51 : vector<1000x128xf32>
    %get3A_53 = arith.constant 0 : index
    %get3A_54 = arith.constant 0 : index
    %get3A_55 = vector.load %arg4[%get3A_53, %get3A_54] : memref<256x128xf32, #tpu.memory_space<vmem>>, vector<128x128xf32>
    %dot_general3A = arith.constant dense<0.000000e+00> : vector<1000x128xf32>
    %dot_general3A_56 = tpu.matmul %div3A, %get3A_55, %dot_general3A {dimension_numbers = #tpu.dot_dimension_numbers<[1], [0], [0], [1], [0, 0, 1, 1], [], []>, transpose_lhs_hint = false} : vector<1000x128xf32>, vector<128x128xf32>, vector<1000x128xf32> -> vector<1000x128xf32>
    %get3A_57 = arith.constant 128 : index
    %get3A_58 = arith.constant 0 : index
    %get3A_59 = vector.load %arg4[%get3A_57, %get3A_58] : memref<256x128xf32, #tpu.memory_space<vmem>>, vector<128x128xf32>
    %dot_general3A_60 = arith.constant dense<0.000000e+00> : vector<1000x128xf32>
    %dot_general3A_61 = tpu.matmul %add3A_52, %get3A_59, %dot_general3A_60 {dimension_numbers = #tpu.dot_dimension_numbers<[1], [0], [0], [1], [0, 0, 1, 1], [], []>, transpose_lhs_hint = false} : vector<1000x128xf32>, vector<128x128xf32>, vector<1000x128xf32> -> vector<1000x128xf32>
    %add3A_62 = arith.addf %dot_general3A_56, %dot_general3A_61 : vector<1000x128xf32>
    %get3A_63 = arith.constant 0 : index
    %get3A_64 = arith.constant 0 : index
    %get3A_65 = vector.load %arg5[%get3A_63, %get3A_64] : memref<1x128xf32, #tpu.memory_space<vmem>>, vector<1x128xf32>
    %add3A_66 = vector.broadcast %get3A_65 : vector<1x128xf32> to vector<1000x128xf32>
    %add3A_67 = arith.addf %add3A_62, %add3A_66 : vector<1000x128xf32>
    %logistic3A = arith.negf %add3A_67 : vector<1000x128xf32>
    %logistic3A_68 = math.exp %logistic3A : vector<1000x128xf32>
    %logistic3A_69 = arith.constant 1.000000e+00 : f32
    %logistic3A_70 = vector.broadcast %logistic3A_69 : f32 to vector<1000x128xf32>
    %logistic3A_71 = arith.addf %logistic3A_70, %logistic3A_68 : vector<1000x128xf32>
    %logistic3A_72 = arith.divf %logistic3A_70, %logistic3A_71 : vector<1000x128xf32>
    %get3A_73 = arith.constant 0 : index
    %get3A_74 = arith.constant 0 : index
    %get3A_75 = vector.load %arg6[%get3A_73, %get3A_74] : memref<128x128xf32, #tpu.memory_space<vmem>>, vector<128x128xf32>
    %dot_general3A_76 = arith.constant dense<0.000000e+00> : vector<1000x128xf32>
    %dot_general3A_77 = tpu.matmul %add3A_52, %get3A_75, %dot_general3A_76 {dimension_numbers = #tpu.dot_dimension_numbers<[1], [0], [0], [1], [0, 0, 1, 1], [], []>, transpose_lhs_hint = false} : vector<1000x128xf32>, vector<128x128xf32>, vector<1000x128xf32> -> vector<1000x128xf32>
    %get3A_78 = arith.constant 0 : index
    %get3A_79 = arith.constant 0 : index
    %get3A_80 = vector.load %arg7[%get3A_78, %get3A_79] : memref<1x128xf32, #tpu.memory_space<vmem>>, vector<1x128xf32>
    %add3A_81 = vector.broadcast %get3A_80 : vector<1x128xf32> to vector<1000x128xf32>
    %add3A_82 = arith.addf %dot_general3A_77, %add3A_81 : vector<1000x128xf32>
    %sub3A_83 = arith.subf %add3A_82, %div3A : vector<1000x128xf32>
    %mul3A_84 = arith.mulf %logistic3A_72, %sub3A_83 : vector<1000x128xf32>
    %add3A_85 = arith.addf %div3A, %mul3A_84 : vector<1000x128xf32>
    %get3A_86 = arith.constant 0 : index
    %get3A_87 = arith.constant 0 : index
    %get3A_88 = vector.load %arg8[%get3A_86, %get3A_87] : memref<128x128xf32, #tpu.memory_space<vmem>>, vector<128x128xf32>
    %dot_general3A_89 = arith.constant dense<0.000000e+00> : vector<1000x128xf32>
    %dot_general3A_90 = tpu.matmul %add3A_85, %get3A_88, %dot_general3A_89 {dimension_numbers = #tpu.dot_dimension_numbers<[1], [0], [0], [1], [0, 0, 1, 1], [], []>, transpose_lhs_hint = false} : vector<1000x128xf32>, vector<128x128xf32>, vector<1000x128xf32> -> vector<1000x128xf32>
    %get3A_91 = arith.constant 0 : index
    %get3A_92 = arith.constant 0 : index
    %get3A_93 = vector.load %arg9[%get3A_91, %get3A_92] : memref<1x128xf32, #tpu.memory_space<vmem>>, vector<1x128xf32>
    %add3A_94 = vector.broadcast %get3A_93 : vector<1x128xf32> to vector<1000x128xf32>
    %add3A_95 = arith.addf %dot_general3A_90, %add3A_94 : vector<1000x128xf32>
    %get3A_96 = arith.constant 0 : index
    %get3A_97 = arith.constant 0 : index
    %get3A_98 = vector.load %arg12[%get3A_96, %get3A_97] : memref<1x128xf32, #tpu.memory_space<vmem>>, vector<1x128xf32>
    %get3A_99 = arith.constant 0 : index
    %get3A_100 = arith.constant 0 : index
    %get3A_101 = vector.load %arg13[%get3A_99, %get3A_100] : memref<1x128xf32, #tpu.memory_space<vmem>>, vector<1x128xf32>
    %reduce_sum3A_102 = arith.constant dense<0.000000e+00> : vector<1000xf32>
    %reduce_sum3A_103 = vector.multi_reduction <add>, %add3A_95, %reduce_sum3A_102 [1] : vector<1000x128xf32> to vector<1000xf32>
    %broadcast_in_dim3A_104 = vector.shape_cast %reduce_sum3A_103 : vector<1000xf32> to vector<1000x1xf32>
    %div3A_105 = arith.constant 1.280000e+02 : f32
    %div3A_106 = vector.broadcast %div3A_105 : f32 to vector<1000x1xf32>
    %div3A_107 = arith.divf %broadcast_in_dim3A_104, %div3A_106 : vector<1000x1xf32>
    %sub3A_108 = vector.broadcast %div3A_107 : vector<1000x1xf32> to vector<1000x128xf32>
    %sub3A_109 = arith.subf %add3A_95, %sub3A_108 : vector<1000x128xf32>
    %integer_pow3A_110 = arith.mulf %sub3A_109, %sub3A_109 : vector<1000x128xf32>
    %reduce_sum3A_111 = arith.constant dense<0.000000e+00> : vector<1000xf32>
    %reduce_sum3A_112 = vector.multi_reduction <add>, %integer_pow3A_110, %reduce_sum3A_111 [1] : vector<1000x128xf32> to vector<1000xf32>
    %broadcast_in_dim3A_113 = vector.shape_cast %reduce_sum3A_112 : vector<1000xf32> to vector<1000x1xf32>
    %div3A_114 = arith.constant 1.280000e+02 : f32
    %div3A_115 = vector.broadcast %div3A_114 : f32 to vector<1000x1xf32>
    %div3A_116 = arith.divf %broadcast_in_dim3A_113, %div3A_115 : vector<1000x1xf32>
    %sub3A_117 = vector.broadcast %div3A_107 : vector<1000x1xf32> to vector<1000x128xf32>
    %sub3A_118 = arith.subf %add3A_95, %sub3A_117 : vector<1000x128xf32>
    %add3A_119 = arith.constant 9.99999974E-6 : f32
    %add3A_120 = vector.broadcast %add3A_119 : f32 to vector<1000x1xf32>
    %add3A_121 = arith.addf %div3A_116, %add3A_120 : vector<1000x1xf32>
    %sqrt3A_122 = math.sqrt %add3A_121 : vector<1000x1xf32>
    %div3A_123 = vector.broadcast %sqrt3A_122 : vector<1000x1xf32> to vector<1000x128xf32>
    %div3A_124 = arith.divf %sub3A_118, %div3A_123 : vector<1000x128xf32>
    %mul3A_125 = vector.broadcast %get3A_98 : vector<1x128xf32> to vector<1000x128xf32>
    %mul3A_126 = arith.mulf %div3A_124, %mul3A_125 : vector<1000x128xf32>
    %add3A_127 = vector.broadcast %get3A_101 : vector<1x128xf32> to vector<1000x128xf32>
    %add3A_128 = arith.addf %mul3A_126, %add3A_127 : vector<1000x128xf32>
    %add3A_129 = arith.addf %get3A_25, %add3A_128 : vector<1000x128xf32>
    %get3A_130 = arith.constant 0 : index
    %get3A_131 = arith.constant 0 : index
    %get3A_132 = vector.load %arg18[%get3A_130, %get3A_131] : memref<1x128xf32, #tpu.memory_space<vmem>>, vector<1x128xf32>
    %get3A_133 = arith.constant 0 : index
    %get3A_134 = arith.constant 0 : index
    %get3A_135 = vector.load %arg19[%get3A_133, %get3A_134] : memref<1x128xf32, #tpu.memory_space<vmem>>, vector<1x128xf32>
    %reduce_sum3A_136 = arith.constant dense<0.000000e+00> : vector<1000xf32>
    %reduce_sum3A_137 = vector.multi_reduction <add>, %add3A_129, %reduce_sum3A_136 [1] : vector<1000x128xf32> to vector<1000xf32>
    %broadcast_in_dim3A_138 = vector.shape_cast %reduce_sum3A_137 : vector<1000xf32> to vector<1000x1xf32>
    %div3A_139 = arith.constant 1.280000e+02 : f32
    %div3A_140 = vector.broadcast %div3A_139 : f32 to vector<1000x1xf32>
    %div3A_141 = arith.divf %broadcast_in_dim3A_138, %div3A_140 : vector<1000x1xf32>
    %sub3A_142 = vector.broadcast %div3A_141 : vector<1000x1xf32> to vector<1000x128xf32>
    %sub3A_143 = arith.subf %add3A_129, %sub3A_142 : vector<1000x128xf32>
    %integer_pow3A_144 = arith.mulf %sub3A_143, %sub3A_143 : vector<1000x128xf32>
    %reduce_sum3A_145 = arith.constant dense<0.000000e+00> : vector<1000xf32>
    %reduce_sum3A_146 = vector.multi_reduction <add>, %integer_pow3A_144, %reduce_sum3A_145 [1] : vector<1000x128xf32> to vector<1000xf32>
    %broadcast_in_dim3A_147 = vector.shape_cast %reduce_sum3A_146 : vector<1000xf32> to vector<1000x1xf32>
    %div3A_148 = arith.constant 1.280000e+02 : f32
    %div3A_149 = vector.broadcast %div3A_148 : f32 to vector<1000x1xf32>
    %div3A_150 = arith.divf %broadcast_in_dim3A_147, %div3A_149 : vector<1000x1xf32>
    %sub3A_151 = vector.broadcast %div3A_141 : vector<1000x1xf32> to vector<1000x128xf32>
    %sub3A_152 = arith.subf %add3A_129, %sub3A_151 : vector<1000x128xf32>
    %add3A_153 = arith.constant 9.99999974E-6 : f32
    %add3A_154 = vector.broadcast %add3A_153 : f32 to vector<1000x1xf32>
    %add3A_155 = arith.addf %div3A_150, %add3A_154 : vector<1000x1xf32>
    %sqrt3A_156 = math.sqrt %add3A_155 : vector<1000x1xf32>
    %div3A_157 = vector.broadcast %sqrt3A_156 : vector<1000x1xf32> to vector<1000x128xf32>
    %div3A_158 = arith.divf %sub3A_152, %div3A_157 : vector<1000x128xf32>
    %mul3A_159 = vector.broadcast %get3A_132 : vector<1x128xf32> to vector<1000x128xf32>
    %mul3A_160 = arith.mulf %div3A_158, %mul3A_159 : vector<1000x128xf32>
    %add3A_161 = vector.broadcast %get3A_135 : vector<1x128xf32> to vector<1000x128xf32>
    %add3A_162 = arith.addf %mul3A_160, %add3A_161 : vector<1000x128xf32>
    %get3A_163 = arith.constant 0 : index
    %get3A_164 = arith.constant 0 : index
    %get3A_165 = vector.load %arg14[%get3A_163, %get3A_164] : memref<128x256xf32, #tpu.memory_space<vmem>>, vector<128x256xf32>
    %dot_general3A_166 = arith.constant dense<0.000000e+00> : vector<1000x256xf32>
    %dot_general3A_167 = tpu.matmul %add3A_162, %get3A_165, %dot_general3A_166 {dimension_numbers = #tpu.dot_dimension_numbers<[1], [0], [0], [1], [0, 0, 1, 1], [], []>, transpose_lhs_hint = false} : vector<1000x128xf32>, vector<128x256xf32>, vector<1000x256xf32> -> vector<1000x256xf32>
    %get3A_168 = arith.constant 0 : index
    %get3A_169 = arith.constant 0 : index
    %get3A_170 = vector.load %arg15[%get3A_168, %get3A_169] : memref<1x256xf32, #tpu.memory_space<vmem>>, vector<1x256xf32>
    %add3A_171 = vector.broadcast %get3A_170 : vector<1x256xf32> to vector<1000x256xf32>
    %add3A_172 = arith.addf %dot_general3A_167, %add3A_171 : vector<1000x256xf32>
    %max3A = arith.constant 0.000000e+00 : f32
    %max3A_173 = vector.broadcast %max3A : f32 to vector<1000x256xf32>
    %max3A_174 = arith.maximumf %add3A_172, %max3A_173 : vector<1000x256xf32>
    %get3A_175 = arith.constant 0 : index
    %get3A_176 = arith.constant 0 : index
    %get3A_177 = vector.load %arg16[%get3A_175, %get3A_176] : memref<256x128xf32, #tpu.memory_space<vmem>>, vector<256x128xf32>
    %dot_general3A_178 = arith.constant dense<0.000000e+00> : vector<1000x128xf32>
    %dot_general3A_179 = tpu.matmul %max3A_174, %get3A_177, %dot_general3A_178 {dimension_numbers = #tpu.dot_dimension_numbers<[1], [0], [0], [1], [0, 0, 1, 1], [], []>, transpose_lhs_hint = false} : vector<1000x256xf32>, vector<256x128xf32>, vector<1000x128xf32> -> vector<1000x128xf32>
    %get3A_180 = arith.constant 0 : index
    %get3A_181 = arith.constant 0 : index
    %get3A_182 = vector.load %arg17[%get3A_180, %get3A_181] : memref<1x128xf32, #tpu.memory_space<vmem>>, vector<1x128xf32>
    %add3A_183 = vector.broadcast %get3A_182 : vector<1x128xf32> to vector<1000x128xf32>
    %add3A_184 = arith.addf %dot_general3A_179, %add3A_183 : vector<1000x128xf32>
    %get3A_185 = arith.constant 0 : index
    %get3A_186 = arith.constant 0 : index
    %get3A_187 = vector.load %arg20[%get3A_185, %get3A_186] : memref<1x128xf32, #tpu.memory_space<vmem>>, vector<1x128xf32>
    %get3A_188 = arith.constant 0 : index
    %get3A_189 = arith.constant 0 : index
    %get3A_190 = vector.load %arg21[%get3A_188, %get3A_189] : memref<1x128xf32, #tpu.memory_space<vmem>>, vector<1x128xf32>
    %reduce_sum3A_191 = arith.constant dense<0.000000e+00> : vector<1000xf32>
    %reduce_sum3A_192 = vector.multi_reduction <add>, %add3A_184, %reduce_sum3A_191 [1] : vector<1000x128xf32> to vector<1000xf32>
    %broadcast_in_dim3A_193 = vector.shape_cast %reduce_sum3A_192 : vector<1000xf32> to vector<1000x1xf32>
    %div3A_194 = arith.constant 1.280000e+02 : f32
    %div3A_195 = vector.broadcast %div3A_194 : f32 to vector<1000x1xf32>
    %div3A_196 = arith.divf %broadcast_in_dim3A_193, %div3A_195 : vector<1000x1xf32>
    %sub3A_197 = vector.broadcast %div3A_196 : vector<1000x1xf32> to vector<1000x128xf32>
    %sub3A_198 = arith.subf %add3A_184, %sub3A_197 : vector<1000x128xf32>
    %integer_pow3A_199 = arith.mulf %sub3A_198, %sub3A_198 : vector<1000x128xf32>
    %reduce_sum3A_200 = arith.constant dense<0.000000e+00> : vector<1000xf32>
    %reduce_sum3A_201 = vector.multi_reduction <add>, %integer_pow3A_199, %reduce_sum3A_200 [1] : vector<1000x128xf32> to vector<1000xf32>
    %broadcast_in_dim3A_202 = vector.shape_cast %reduce_sum3A_201 : vector<1000xf32> to vector<1000x1xf32>
    %div3A_203 = arith.constant 1.280000e+02 : f32
    %div3A_204 = vector.broadcast %div3A_203 : f32 to vector<1000x1xf32>
    %div3A_205 = arith.divf %broadcast_in_dim3A_202, %div3A_204 : vector<1000x1xf32>
    %sub3A_206 = vector.broadcast %div3A_196 : vector<1000x1xf32> to vector<1000x128xf32>
    %sub3A_207 = arith.subf %add3A_184, %sub3A_206 : vector<1000x128xf32>
    %add3A_208 = arith.constant 9.99999974E-6 : f32
    %add3A_209 = vector.broadcast %add3A_208 : f32 to vector<1000x1xf32>
    %add3A_210 = arith.addf %div3A_205, %add3A_209 : vector<1000x1xf32>
    %sqrt3A_211 = math.sqrt %add3A_210 : vector<1000x1xf32>
    %div3A_212 = vector.broadcast %sqrt3A_211 : vector<1000x1xf32> to vector<1000x128xf32>
    %div3A_213 = arith.divf %sub3A_207, %div3A_212 : vector<1000x128xf32>
    %mul3A_214 = vector.broadcast %get3A_187 : vector<1x128xf32> to vector<1000x128xf32>
    %mul3A_215 = arith.mulf %div3A_213, %mul3A_214 : vector<1000x128xf32>
    %add3A_216 = vector.broadcast %get3A_190 : vector<1x128xf32> to vector<1000x128xf32>
    %add3A_217 = arith.addf %mul3A_215, %add3A_216 : vector<1000x128xf32>
    %add3A_218 = arith.addf %add3A_129, %add3A_217 : vector<1000x128xf32>
    %swap3A = arith.constant 0 : index
    %swap3A_219 = arith.constant 0 : index
    %swap3A_220 = vector.load %arg22[%swap3A, %swap3A_219] : memref<1000x128xf32, #tpu.memory_space<vmem>>, vector<1000x128xf32>
    tpu.vector_store %arg22[%swap3A, %swap3A_219], %add3A_218 {strides = array<i32>} : memref<1000x128xf32, #tpu.memory_space<vmem>>, vector<1000x128xf32>,
    return
  }
  func.func @transform_0(%arg0: i32) -> (i32, i32, i32) {
    %c0_i32 = arith.constant 0 : i32
    %c0_i32_0 = arith.constant 0 : i32
    %c0_i32_1 = arith.constant 0 : i32
    return %c0_i32, %arg0, %c0_i32_0 : i32, i32, i32
  }
  func.func @transform_1(%arg0: i32) -> (i32, i32, i32) {
    %c0_i32 = arith.constant 0 : i32
    %c0_i32_0 = arith.constant 0 : i32
    %c0_i32_1 = arith.constant 0 : i32
    return %c0_i32, %arg0, %c0_i32_0 : i32, i32, i32
  }
  func.func @transform_2(%arg0: i32) -> (i32, i32) {
    %c0_i32 = arith.constant 0 : i32
    %c0_i32_0 = arith.constant 0 : i32
    return %arg0, %c0_i32 : i32, i32
  }
  func.func @transform_3(%arg0: i32) -> (i32, i32) {
    %c0_i32 = arith.constant 0 : i32
    %c0_i32_0 = arith.constant 0 : i32
    %c0_i32_1 = arith.constant 0 : i32
    return %c0_i32, %c0_i32_0 : i32, i32
  }
  func.func @transform_4(%arg0: i32) -> (i32, i32) {
    %c0_i32 = arith.constant 0 : i32
    %c0_i32_0 = arith.constant 0 : i32
    %c0_i32_1 = arith.constant 0 : i32
    return %c0_i32, %c0_i32_0 : i32, i32
  }
  func.func @transform_5(%arg0: i32) -> (i32, i32) {
    %c0_i32 = arith.constant 0 : i32
    %c0_i32_0 = arith.constant 0 : i32
    %c0_i32_1 = arith.constant 0 : i32
    return %c0_i32, %c0_i32_0 : i32, i32
  }
  func.func @transform_6(%arg0: i32) -> (i32, i32) {
    %c0_i32 = arith.constant 0 : i32
    %c0_i32_0 = arith.constant 0 : i32
    %c0_i32_1 = arith.constant 0 : i32
    return %c0_i32, %c0_i32_0 : i32, i32
  }
  func.func @transform_7(%arg0: i32) -> (i32, i32) {
    %c0_i32 = arith.constant 0 : i32
    %c0_i32_0 = arith.constant 0 : i32
    %c0_i32_1 = arith.constant 0 : i32
    return %c0_i32, %c0_i32_0 : i32, i32
  }
  func.func @transform_8(%arg0: i32) -> (i32, i32) {
    %c0_i32 = arith.constant 0 : i32
    %c0_i32_0 = arith.constant 0 : i32
    %c0_i32_1 = arith.constant 0 : i32
    return %c0_i32, %c0_i32_0 : i32, i32
  }
  func.func @transform_9(%arg0: i32) -> (i32, i32) {
    %c0_i32 = arith.constant 0 : i32
    %c0_i32_0 = arith.constant 0 : i32
    %c0_i32_1 = arith.constant 0 : i32
    return %c0_i32, %c0_i32_0 : i32, i32
  }
  func.func @transform_10(%arg0: i32) -> (i32, i32) {
    %c0_i32 = arith.constant 0 : i32
    %c0_i32_0 = arith.constant 0 : i32
    %c0_i32_1 = arith.constant 0 : i32
    return %c0_i32, %c0_i32_0 : i32, i32
  }
  func.func @transform_11(%arg0: i32) -> (i32, i32) {
    %c0_i32 = arith.constant 0 : i32
    %c0_i32_0 = arith.constant 0 : i32
    %c0_i32_1 = arith.constant 0 : i32
    return %c0_i32, %c0_i32_0 : i32, i32
  }
  func.func @transform_12(%arg0: i32) -> (i32, i32) {
    %c0_i32 = arith.constant 0 : i32
    %c0_i32_0 = arith.constant 0 : i32
    %c0_i32_1 = arith.constant 0 : i32
    return %c0_i32, %c0_i32_0 : i32, i32
  }
  func.func @transform_13(%arg0: i32) -> (i32, i32) {
    %c0_i32 = arith.constant 0 : i32
    %c0_i32_0 = arith.constant 0 : i32
    %c0_i32_1 = arith.constant 0 : i32
    return %c0_i32, %c0_i32_0 : i32, i32
  }
  func.func @transform_14(%arg0: i32) -> (i32, i32) {
    %c0_i32 = arith.constant 0 : i32
    %c0_i32_0 = arith.constant 0 : i32
    %c0_i32_1 = arith.constant 0 : i32
    return %c0_i32, %c0_i32_0 : i32, i32
  }
  func.func @transform_15(%arg0: i32) -> (i32, i32) {
    %c0_i32 = arith.constant 0 : i32
    %c0_i32_0 = arith.constant 0 : i32
    %c0_i32_1 = arith.constant 0 : i32
    return %c0_i32, %c0_i32_0 : i32, i32
  }
  func.func @transform_16(%arg0: i32) -> (i32, i32) {
    %c0_i32 = arith.constant 0 : i32
    %c0_i32_0 = arith.constant 0 : i32
    %c0_i32_1 = arith.constant 0 : i32
    return %c0_i32, %c0_i32_0 : i32, i32
  }
  func.func @transform_17(%arg0: i32) -> (i32, i32) {
    %c0_i32 = arith.constant 0 : i32
    %c0_i32_0 = arith.constant 0 : i32
    %c0_i32_1 = arith.constant 0 : i32
    return %c0_i32, %c0_i32_0 : i32, i32
  }
  func.func @transform_18(%arg0: i32) -> (i32, i32) {
    %c0_i32 = arith.constant 0 : i32
    %c0_i32_0 = arith.constant 0 : i32
    %c0_i32_1 = arith.constant 0 : i32
    return %c0_i32, %c0_i32_0 : i32, i32
  }
  func.func @transform_19(%arg0: i32) -> (i32, i32) {
    %c0_i32 = arith.constant 0 : i32
    %c0_i32_0 = arith.constant 0 : i32
    %c0_i32_1 = arith.constant 0 : i32
    return %c0_i32, %c0_i32_0 : i32, i32
  }
  func.func @transform_20(%arg0: i32) -> (i32, i32) {
    %c0_i32 = arith.constant 0 : i32
    %c0_i32_0 = arith.constant 0 : i32
    %c0_i32_1 = arith.constant 0 : i32
    return %c0_i32, %c0_i32_0 : i32, i32
  }
  func.func @transform_21(%arg0: i32) -> (i32, i32) {
    %c0_i32 = arith.constant 0 : i32
    %c0_i32_0 = arith.constant 0 : i32
    return %arg0, %c0_i32 : i32, i32
  }
}

module attributes {stable_mosaic.version = 14 : i64} {
  func.func @body(%arg0: i32, %arg1: memref<2x1000x128xf32, #tpu.memory_space<vmem>>, %arg2: memref<2x1000x128xf32, #tpu.memory_space<vmem>>, %arg3: memref<1000x128xf32, #tpu.memory_space<vmem>>, %arg4: memref<256x128xf32, #tpu.memory_space<vmem>>, %arg5: memref<1x128xf32, #tpu.memory_space<vmem>>, %arg6: memref<128x128xf32, #tpu.memory_space<vmem>>, %arg7: memref<1x128xf32, #tpu.memory_space<vmem>>, %arg8: memref<128x128xf32, #tpu.memory_space<vmem>>, %arg9: memref<1x128xf32, #tpu.memory_space<vmem>>, %arg10: memref<1x128xf32, #tpu.memory_space<vmem>>, %arg11: memref<1x128xf32, #tpu.memory_space<vmem>>, %arg12: memref<1x128xf32, #tpu.memory_space<vmem>>, %arg13: memref<1x128xf32, #tpu.memory_space<vmem>>, %arg14: memref<128x256xf32, #tpu.memory_space<vmem>>, %arg15: memref<1x256xf32, #tpu.memory_space<vmem>>, %arg16: memref<256x128xf32, #tpu.memory_space<vmem>>, %arg17: memref<1x128xf32, #tpu.memory_space<vmem>>, %arg18: memref<1x128xf32, #tpu.memory_space<vmem>>, %arg19: memref<1x128xf32, #tpu.memory_space<vmem>>, %arg20: memref<1x128xf32, #tpu.memory_space<vmem>>, %arg21: memref<1x128xf32, #tpu.memory_space<vmem>>, %arg22: memref<1000x128xf32, #tpu.memory_space<vmem>>) attributes {dimension_semantics = [#tpu.dimension_semantics<arbitrary>], iteration_bounds = array<i64: 10>, scalar_prefetch = 0 : i64, scratch_operands = 0 : i64, tpu.core_type = #tpu.core_type<tc>, window_params = [{transform_indices = @transform_0, window_bounds = array<i64: 2, 1000, 128>}, {transform_indices = @transform_1, window_bounds = array<i64: 2, 1000, 128>}, {transform_indices = @transform_2, window_bounds = array<i64: 1000, 128>}, {pipeline_mode = #tpu.pipeline_mode<synchronous>, transform_indices = @transform_3, window_bounds = array<i64: 256, 128>}, {pipeline_mode = #tpu.pipeline_mode<synchronous>, transform_indices = @transform_4, window_bounds = array<i64: 1, 128>}, {pipeline_mode = #tpu.pipeline_mode<synchronous>, transform_indices = @transform_5, window_bounds = array<i64: 128, 128>}, {pipeline_mode = #tpu.pipeline_mode<synchronous>, transform_indices = @transform_6, window_bounds = array<i64: 1, 128>}, {pipeline_mode = #tpu.pipeline_mode<synchronous>, transform_indices = @transform_7, window_bounds = array<i64: 128, 128>}, {pipeline_mode = #tpu.pipeline_mode<synchronous>, transform_indices = @transform_8, window_bounds = array<i64: 1, 128>}, {pipeline_mode = #tpu.pipeline_mode<synchronous>, transform_indices = @transform_9, window_bounds = array<i64: 1, 128>}, {pipeline_mode = #tpu.pipeline_mode<synchronous>, transform_indices = @transform_10, window_bounds = array<i64: 1, 128>}, {pipeline_mode = #tpu.pipeline_mode<synchronous>, transform_indices = @transform_11, window_bounds = array<i64: 1, 128>}, {pipeline_mode = #tpu.pipeline_mode<synchronous>, transform_indices = @transform_12, window_bounds = array<i64: 1, 128>}, {pipeline_mode = #tpu.pipeline_mode<synchronous>, transform_indices = @transform_13, window_bounds = array<i64: 128, 256>}, {pipeline_mode = #tpu.pipeline_mode<synchronous>, transform_indices = @transform_14, window_bounds = array<i64: 1, 256>}, {pipeline_mode = #tpu.pipeline_mode<synchronous>, transform_indices = @transform_15, window_bounds = array<i64: 256, 128>}, {pipeline_mode = #tpu.pipeline_mode<synchronous>, transform_indices = @transform_16, window_bounds = array<i64: 1, 128>}, {pipeline_mode = #tpu.pipeline_mode<synchronous>, transform_indices = @transform_17, window_bounds = array<i64: 1, 128>}, {pipeline_mode = #tpu.pipeline_mode<synchronous>, transform_indices = @transform_18, window_bounds = array<i64: 1, 128>}, {pipeline_mode = #tpu.pipeline_mode<synchronous>, transform_indices = @transform_19, window_bounds = array<i64: 1, 128>}, {pipeline_mode = #tpu.pipeline_mode<synchronous>, transform_indices = @transform_20, window_bounds = array<i64: 1, 128>}, {transform_indices = @transform_21, window_bounds = array<i64: 1000, 128>}]} {
    %get3A = arith.constant 0 : index
    %get3A_0 = arith.constant 0 : index
    %get3A_1 = arith.constant 0 : index
    %get3A_2 = vector.load %arg1[%get3A, %get3A_0, %get3A_1] : memref<2x1000x128xf32, #tpu.memory_space<vmem>>, vector<1x1000x128xf32>
    %get3A_3 = vector.shape_cast %get3A_2 : vector<1x1000x128xf32> to vector<1000x128xf32>
    %get3A_4 = arith.constant 1 : index
    %get3A_5 = arith.constant 0 : index
    %get3A_6 = arith.constant 0 : index
    %get3A_7 = vector.load %arg1[%get3A_4, %get3A_5, %get3A_6] : memref<2x1000x128xf32, #tpu.memory_space<vmem>>, vector<1x1000x128xf32>
    %get3A_8 = vector.shape_cast %get3A_7 : vector<1x1000x128xf32> to vector<1000x128xf32>
    %add3A = arith.addf %get3A_3, %get3A_8 : vector<1000x128xf32>
    %get3A_9 = arith.constant 0 : index
    %get3A_10 = arith.constant 0 : index
    %get3A_11 = arith.constant 0 : index
    %get3A_12 = vector.load %arg2[%get3A_9, %get3A_10, %get3A_11] : memref<2x1000x128xf32, #tpu.memory_space<vmem>>, vector<1x1000x128xf32>
    %get3A_13 = vector.shape_cast %get3A_12 : vector<1x1000x128xf32> to vector<1000x128xf32>
    %get3A_14 = arith.constant 1 : index
    %get3A_15 = arith.constant 0 : index
    %get3A_16 = arith.constant 0 : index
    %get3A_17 = vector.load %arg2[%get3A_14, %get3A_15, %get3A_16] : memref<2x1000x128xf32, #tpu.memory_space<vmem>>, vector<1x1000x128xf32>
    %get3A_18 = vector.shape_cast %get3A_17 : vector<1x1000x128xf32> to vector<1000x128xf32>
    %add3A_19 = arith.addf %get3A_13, %get3A_18 : vector<1000x128xf32>
    %add3A_20 = arith.constant 1.000000e-16 : f32
    %add3A_21 = vector.broadcast %add3A_20 : f32 to vector<1000x128xf32>
    %add3A_22 = arith.addf %add3A_19, %add3A_21 : vector<1000x128xf32>
    %div3A = arith.divf %add3A, %add3A_22 : vector<1000x128xf32>
    %get3A_23 = arith.constant 0 : index
    %get3A_24 = arith.constant 0 : index
    %get3A_25 = vector.load %arg3[%get3A_23, %get3A_24] : memref<1000x128xf32, #tpu.memory_space<vmem>>, vector<1000x128xf32>
    %get3A_26 = arith.constant 0 : index
    %get3A_27 = arith.constant 0 : index
    %get3A_28 = vector.load %arg10[%get3A_26, %get3A_27] : memref<1x128xf32, #tpu.memory_space<vmem>>, vector<1x128xf32>
    %get3A_29 = arith.constant 0 : index
    %get3A_30 = arith.constant 0 : index
    %get3A_31 = vector.load %arg11[%get3A_29, %get3A_30] : memref<1x128xf32, #tpu.memory_space<vmem>>, vector<1x128xf32>
    %reduce_sum3A = arith.constant dense<0.000000e+00> : vector<1000xf32>
    %reduce_sum3A_32 = vector.multi_reduction <add>, %get3A_25, %reduce_sum3A [1] : vector<1000x128xf32> to vector<1000xf32>
    %broadcast_in_dim3A = vector.shape_cast %reduce_sum3A_32 : vector<1000xf32> to vector<1000x1xf32>
    %div3A_33 = arith.constant 1.280000e+02 : f32
    %div3A_34 = vector.broadcast %div3A_33 : f32 to vector<1000x1xf32>
    %div3A_35 = arith.divf %broadcast_in_dim3A, %div3A_34 : vector<1000x1xf32>
    %sub3A = vector.broadcast %div3A_35 : vector<1000x1xf32> to vector<1000x128xf32>
    %sub3A_36 = arith.subf %get3A_25, %sub3A : vector<1000x128xf32>
    %integer_pow3A = arith.mulf %sub3A_36, %sub3A_36 : vector<1000x128xf32>
    %reduce_sum3A_37 = arith.constant dense<0.000000e+00> : vector<1000xf32>
    %reduce_sum3A_38 = vector.multi_reduction <add>, %integer_pow3A, %reduce_sum3A_37 [1] : vector<1000x128xf32> to vector<1000xf32>
    %broadcast_in_dim3A_39 = vector.shape_cast %reduce_sum3A_38 : vector<1000xf32> to vector<1000x1xf32>
    %div3A_40 = arith.constant 1.280000e+02 : f32
    %div3A_41 = vector.broadcast %div3A_40 : f32 to vector<1000x1xf32>
    %div3A_42 = arith.divf %broadcast_in_dim3A_39, %div3A_41 : vector<1000x1xf32>
    %sub3A_43 = vector.broadcast %div3A_35 : vector<1000x1xf32> to vector<1000x128xf32>
    %sub3A_44 = arith.subf %get3A_25, %sub3A_43 : vector<1000x128xf32>
    %add3A_45 = arith.constant 9.99999974E-6 : f32
    %add3A_46 = vector.broadcast %add3A_45 : f32 to vector<1000x1xf32>
    %add3A_47 = arith.addf %div3A_42, %add3A_46 : vector<1000x1xf32>
    %sqrt3A = math.sqrt %add3A_47 : vector<1000x1xf32>
    %div3A_48 = vector.broadcast %sqrt3A : vector<1000x1xf32> to vector<1000x128xf32>
    %div3A_49 = arith.divf %sub3A_44, %div3A_48 : vector<1000x128xf32>
    %mul3A = vector.broadcast %get3A_28 : vector<1x128xf32> to vector<1000x128xf32>
    %mul3A_50 = arith.mulf %div3A_49, %mul3A : vector<1000x128xf32>
    %add3A_51 = vector.broadcast %get3A_31 : vector<1x128xf32> to vector<1000x128xf32>
    %add3A_52 = arith.addf %mul3A_50, %add3A_51 : vector<1000x128xf32>
    %get3A_53 = arith.constant 0 : index
    %get3A_54 = arith.constant 0 : index
    %get3A_55 = vector.load %arg4[%get3A_53, %get3A_54] : memref<256x128xf32, #tpu.memory_space<vmem>>, vector<128x128xf32>
    %dot_general3A = arith.constant dense<0.000000e+00> : vector<1000x128xf32>
    %dot_general3A_56 = tpu.matmul %div3A, %get3A_55, %dot_general3A {dimension_numbers = #tpu.dot_dimension_numbers<[1], [0], [0], [1], [0, 0, 1, 1], [], []>, transpose_lhs_hint = false} : vector<1000x128xf32>, vector<128x128xf32>, vector<1000x128xf32> -> vector<1000x128xf32>
    %get3A_57 = arith.constant 128 : index
    %get3A_58 = arith.constant 0 : index
    %get3A_59 = vector.load %arg4[%get3A_57, %get3A_58] : memref<256x128xf32, #tpu.memory_space<vmem>>, vector<128x128xf32>
    %dot_general3A_60 = arith.constant dense<0.000000e+00> : vector<1000x128xf32>
    %dot_general3A_61 = tpu.matmul %add3A_52, %get3A_59, %dot_general3A_60 {dimension_numbers = #tpu.dot_dimension_numbers<[1], [0], [0], [1], [0, 0, 1, 1], [], []>, transpose_lhs_hint = false} : vector<1000x128xf32>, vector<128x128xf32>, vector<1000x128xf32> -> vector<1000x128xf32>
    %add3A_62 = arith.addf %dot_general3A_56, %dot_general3A_61 : vector<1000x128xf32>
    %get3A_63 = arith.constant 0 : index
    %get3A_64 = arith.constant 0 : index
    %get3A_65 = vector.load %arg5[%get3A_63, %get3A_64] : memref<1x128xf32, #tpu.memory_space<vmem>>, vector<1x128xf32>
    %add3A_66 = vector.broadcast %get3A_65 : vector<1x128xf32> to vector<1000x128xf32>
    %add3A_67 = arith.addf %add3A_62, %add3A_66 : vector<1000x128xf32>
    %logistic3A = arith.negf %add3A_67 : vector<1000x128xf32>
    %logistic3A_68 = math.exp %logistic3A : vector<1000x128xf32>
    %logistic3A_69 = arith.constant 1.000000e+00 : f32
    %logistic3A_70 = vector.broadcast %logistic3A_69 : f32 to vector<1000x128xf32>
    %logistic3A_71 = arith.addf %logistic3A_70, %logistic3A_68 : vector<1000x128xf32>
    %logistic3A_72 = arith.divf %logistic3A_70, %logistic3A_71 : vector<1000x128xf32>
    %get3A_73 = arith.constant 0 : index
    %get3A_74 = arith.constant 0 : index
    %get3A_75 = vector.load %arg6[%get3A_73, %get3A_74] : memref<128x128xf32, #tpu.memory_space<vmem>>, vector<128x128xf32>
    %dot_general3A_76 = arith.constant dense<0.000000e+00> : vector<1000x128xf32>
    %dot_general3A_77 = tpu.matmul %add3A_52, %get3A_75, %dot_general3A_76 {dimension_numbers = #tpu.dot_dimension_numbers<[1], [0], [0], [1], [0, 0, 1, 1], [], []>, transpose_lhs_hint = false} : vector<1000x128xf32>, vector<128x128xf32>, vector<1000x128xf32> -> vector<1000x128xf32>
    %get3A_78 = arith.constant 0 : index
    %get3A_79 = arith.constant 0 : index
    %get3A_80 = vector.load %arg7[%get3A_78, %get3A_79] : memref<1x128xf32, #tpu.memory_space<vmem>>, vector<1x128xf32>
    %add3A_81 = vector.broadcast %get3A_80 : vector<1x128xf32> to vector<1000x128xf32>
    %add3A_82 = arith.addf %dot_general3A_77, %add3A_81 : vector<1000x128xf32>
    %sub3A_83 = arith.subf %add3A_82, %div3A : vector<1000x128xf32>
    %mul3A_84 = arith.mulf %logistic3A_72, %sub3A_83 : vector<1000x128xf32>
    %add3A_85 = arith.addf %div3A, %mul3A_84 : vector<1000x128xf32>
    %get3A_86 = arith.constant 0 : index
    %get3A_87 = arith.constant 0 : index
    %get3A_88 = vector.load %arg8[%get3A_86, %get3A_87] : memref<128x128xf32, #tpu.memory_space<vmem>>, vector<128x128xf32>
    %dot_general3A_89 = arith.constant dense<0.000000e+00> : vector<1000x128xf32>
    %dot_general3A_90 = tpu.matmul %add3A_85, %get3A_88, %dot_general3A_89 {dimension_numbers = #tpu.dot_dimension_numbers<[1], [0], [0], [1], [0, 0, 1, 1], [], []>, transpose_lhs_hint = false} : vector<1000x128xf32>, vector<128x128xf32>, vector<1000x128xf32> -> vector<1000x128xf32>
    %get3A_91 = arith.constant 0 : index
    %get3A_92 = arith.constant 0 : index
    %get3A_93 = vector.load %arg9[%get3A_91, %get3A_92] : memref<1x128xf32, #tpu.memory_space<vmem>>, vector<1x128xf32>
    %add3A_94 = vector.broadcast %get3A_93 : vector<1x128xf32> to vector<1000x128xf32>
    %add3A_95 = arith.addf %dot_general3A_90, %add3A_94 : vector<1000x128xf32>
    %get3A_96 = arith.constant 0 : index
    %get3A_97 = arith.constant 0 : index
    %get3A_98 = vector.load %arg12[%get3A_96, %get3A_97] : memref<1x128xf32, #tpu.memory_space<vmem>>, vector<1x128xf32>
    %get3A_99 = arith.constant 0 : index
    %get3A_100 = arith.constant 0 : index
    %get3A_101 = vector.load %arg13[%get3A_99, %get3A_100] : memref<1x128xf32, #tpu.memory_space<vmem>>, vector<1x128xf32>
    %reduce_sum3A_102 = arith.constant dense<0.000000e+00> : vector<1000xf32>
    %reduce_sum3A_103 = vector.multi_reduction <add>, %add3A_95, %reduce_sum3A_102 [1] : vector<1000x128xf32> to vector<1000xf32>
    %broadcast_in_dim3A_104 = vector.shape_cast %reduce_sum3A_103 : vector<1000xf32> to vector<1000x1xf32>
    %div3A_105 = arith.constant 1.280000e+02 : f32
    %div3A_106 = vector.broadcast %div3A_105 : f32 to vector<1000x1xf32>
    %div3A_107 = arith.divf %broadcast_in_dim3A_104, %div3A_106 : vector<1000x1xf32>
    %sub3A_108 = vector.broadcast %div3A_107 : vector<1000x1xf32> to vector<1000x128xf32>
    %sub3A_109 = arith.subf %add3A_95, %sub3A_108 : vector<1000x128xf32>
    %integer_pow3A_110 = arith.mulf %sub3A_109, %sub3A_109 : vector<1000x128xf32>
    %reduce_sum3A_111 = arith.constant dense<0.000000e+00> : vector<1000xf32>
    %reduce_sum3A_112 = vector.multi_reduction <add>, %integer_pow3A_110, %reduce_sum3A_111 [1] : vector<1000x128xf32> to vector<1000xf32>
    %broadcast_in_dim3A_113 = vector.shape_cast %reduce_sum3A_112 : vector<1000xf32> to vector<1000x1xf32>
    %div3A_114 = arith.constant 1.280000e+02 : f32
    %div3A_115 = vector.broadcast %div3A_114 : f32 to vector<1000x1xf32>
    %div3A_116 = arith.divf %broadcast_in_dim3A_113, %div3A_115 : vector<1000x1xf32>
    %sub3A_117 = vector.broadcast %div3A_107 : vector<1000x1xf32> to vector<1000x128xf32>
    %sub3A_118 = arith.subf %add3A_95, %sub3A_117 : vector<1000x128xf32>
    %add3A_119 = arith.constant 9.99999974E-6 : f32
    %add3A_120 = vector.broadcast %add3A_119 : f32 to vector<1000x1xf32>
    %add3A_121 = arith.addf %div3A_116, %add3A_120 : vector<1000x1xf32>
    %sqrt3A_122 = math.sqrt %add3A_121 : vector<1000x1xf32>
    %div3A_123 = vector.broadcast %sqrt3A_122 : vector<1000x1xf32> to vector<1000x128xf32>
    %div3A_124 = arith.divf %sub3A_118, %div3A_123 : vector<1000x128xf32>
    %mul3A_125 = vector.broadcast %get3A_98 : vector<1x128xf32> to vector<1000x128xf32>
    %mul3A_126 = arith.mulf %div3A_124, %mul3A_125 : vector<1000x128xf32>
    %add3A_127 = vector.broadcast %get3A_101 : vector<1x128xf32> to vector<1000x128xf32>
    %add3A_128 = arith.addf %mul3A_126, %add3A_127 : vector<1000x128xf32>
    %add3A_129 = arith.addf %get3A_25, %add3A_128 : vector<1000x128xf32>
    %get3A_130 = arith.constant 0 : index
    %get3A_131 = arith.constant 0 : index
    %get3A_132 = vector.load %arg18[%get3A_130, %get3A_131] : memref<1x128xf32, #tpu.memory_space<vmem>>, vector<1x128xf32>
    %get3A_133 = arith.constant 0 : index
    %get3A_134 = arith.constant 0 : index
    %get3A_135 = vector.load %arg19[%get3A_133, %get3A_134] : memref<1x128xf32, #tpu.memory_space<vmem>>, vector<1x128xf32>
    %reduce_sum3A_136 = arith.constant dense<0.000000e+00> : vector<1000xf32>
    %reduce_sum3A_137 = vector.multi_reduction <add>, %add3A_129, %reduce_sum3A_136 [1] : vector<1000x128xf32> to vector<1000xf32>
    %broadcast_in_dim3A_138 = vector.shape_cast %reduce_sum3A_137 : vector<1000xf32> to vector<1000x1xf32>
    %div3A_139 = arith.constant 1.280000e+02 : f32
    %div3A_140 = vector.broadcast %div3A_139 : f32 to vector<1000x1xf32>
    %div3A_141 = arith.divf %broadcast_in_dim3A_138, %div3A_140 : vector<1000x1xf32>
    %sub3A_142 = vector.broadcast %div3A_141 : vector<1000x1xf32> to vector<1000x128xf32>
    %sub3A_143 = arith.subf %add3A_129, %sub3A_142 : vector<1000x128xf32>
    %integer_pow3A_144 = arith.mulf %sub3A_143, %sub3A_143 : vector<1000x128xf32>
    %reduce_sum3A_145 = arith.constant dense<0.000000e+00> : vector<1000xf32>
    %reduce_sum3A_146 = vector.multi_reduction <add>, %integer_pow3A_144, %reduce_sum3A_145 [1] : vector<1000x128xf32> to vector<1000xf32>
    %broadcast_in_dim3A_147 = vector.shape_cast %reduce_sum3A_146 : vector<1000xf32> to vector<1000x1xf32>
    %div3A_148 = arith.constant 1.280000e+02 : f32
    %div3A_149 = vector.broadcast %div3A_148 : f32 to vector<1000x1xf32>
    %div3A_150 = arith.divf %broadcast_in_dim3A_147, %div3A_149 : vector<1000x1xf32>
    %sub3A_151 = vector.broadcast %div3A_141 : vector<1000x1xf32> to vector<1000x128xf32>
    %sub3A_152 = arith.subf %add3A_129, %sub3A_151 : vector<1000x128xf32>
    %add3A_153 = arith.constant 9.99999974E-6 : f32
    %add3A_154 = vector.broadcast %add3A_153 : f32 to vector<1000x1xf32>
    %add3A_155 = arith.addf %div3A_150, %add3A_154 : vector<1000x1xf32>
    %sqrt3A_156 = math.sqrt %add3A_155 : vector<1000x1xf32>
    %div3A_157 = vector.broadcast %sqrt3A_156 : vector<1000x1xf32> to vector<1000x128xf32>
    %div3A_158 = arith.divf %sub3A_152, %div3A_157 : vector<1000x128xf32>
    %mul3A_159 = vector.broadcast %get3A_132 : vector<1x128xf32> to vector<1000x128xf32>
    %mul3A_160 = arith.mulf %div3A_158, %mul3A_159 : vector<1000x128xf32>
    %add3A_161 = vector.broadcast %get3A_135 : vector<1x128xf32> to vector<1000x128xf32>
    %add3A_162 = arith.addf %mul3A_160, %add3A_161 : vector<1000x128xf32>
    %get3A_163 = arith.constant 0 : index
    %get3A_164 = arith.constant 0 : index
    %get3A_165 = vector.load %arg14[%get3A_163, %get3A_164] : memref<128x256xf32, #tpu.memory_space<vmem>>, vector<128x256xf32>
    %dot_general3A_166 = arith.constant dense<0.000000e+00> : vector<1000x256xf32>
    %dot_general3A_167 = tpu.matmul %add3A_162, %get3A_165, %dot_general3A_166 {dimension_numbers = #tpu.dot_dimension_numbers<[1], [0], [0], [1], [0, 0, 1, 1], [], []>, transpose_lhs_hint = false} : vector<1000x128xf32>, vector<128x256xf32>, vector<1000x256xf32> -> vector<1000x256xf32>
    %get3A_168 = arith.constant 0 : index
    %get3A_169 = arith.constant 0 : index
    %get3A_170 = vector.load %arg15[%get3A_168, %get3A_169] : memref<1x256xf32, #tpu.memory_space<vmem>>, vector<1x256xf32>
    %add3A_171 = vector.broadcast %get3A_170 : vector<1x256xf32> to vector<1000x256xf32>
    %add3A_172 = arith.addf %dot_general3A_167, %add3A_171 : vector<1000x256xf32>
    %max3A = arith.constant 0.000000e+00 : f32
    %max3A_173 = vector.broadcast %max3A : f32 to vector<1000x256xf32>
    %max3A_174 = arith.maximumf %add3A_172, %max3A_173 : vector<1000x256xf32>
    %get3A_175 = arith.constant 0 : index
    %get3A_176 = arith.constant 0 : index
    %get3A_177 = vector.load %arg16[%get3A_175, %get3A_176] : memref<256x128xf32, #tpu.memory_space<vmem>>, vector<256x128xf32>
    %dot_general3A_178 = arith.constant dense<0.000000e+00> : vector<1000x128xf32>
    %dot_general3A_179 = tpu.matmul %max3A_174, %get3A_177, %dot_general3A_178 {dimension_numbers = #tpu.dot_dimension_numbers<[1], [0], [0], [1], [0, 0, 1, 1], [], []>, transpose_lhs_hint = false} : vector<1000x256xf32>, vector<256x128xf32>, vector<1000x128xf32> -> vector<1000x128xf32>
    %get3A_180 = arith.constant 0 : index
    %get3A_181 = arith.constant 0 : index
    %get3A_182 = vector.load %arg17[%get3A_180, %get3A_181] : memref<1x128xf32, #tpu.memory_space<vmem>>, vector<1x128xf32>
    %add3A_183 = vector.broadcast %get3A_182 : vector<1x128xf32> to vector<1000x128xf32>
    %add3A_184 = arith.addf %dot_general3A_179, %add3A_183 : vector<1000x128xf32>
    %get3A_185 = arith.constant 0 : index
    %get3A_186 = arith.constant 0 : index
    %get3A_187 = vector.load %arg20[%get3A_185, %get3A_186] : memref<1x128xf32, #tpu.memory_space<vmem>>, vector<1x128xf32>
    %get3A_188 = arith.constant 0 : index
    %get3A_189 = arith.constant 0 : index
    %get3A_190 = vector.load %arg21[%get3A_188, %get3A_189] : memref<1x128xf32, #tpu.memory_space<vmem>>, vector<1x128xf32>
    %reduce_sum3A_191 = arith.constant dense<0.000000e+00> : vector<1000xf32>
    %reduce_sum3A_192 = vector.multi_reduction <add>, %add3A_184, %reduce_sum3A_191 [1] : vector<1000x128xf32> to vector<1000xf32>
    %broadcast_in_dim3A_193 = vector.shape_cast %reduce_sum3A_192 : vector<1000xf32> to vector<1000x1xf32>
    %div3A_194 = arith.constant 1.280000e+02 : f32
    %div3A_195 = vector.broadcast %div3A_194 : f32 to vector<1000x1xf32>
    %div3A_196 = arith.divf %broadcast_in_dim3A_193, %div3A_195 : vector<1000x1xf32>
    %sub3A_197 = vector.broadcast %div3A_196 : vector<1000x1xf32> to vector<1000x128xf32>
    %sub3A_198 = arith.subf %add3A_184, %sub3A_197 : vector<1000x128xf32>
    %integer_pow3A_199 = arith.mulf %sub3A_198, %sub3A_198 : vector<1000x128xf32>
    %reduce_sum3A_200 = arith.constant dense<0.000000e+00> : vector<1000xf32>
    %reduce_sum3A_201 = vector.multi_reduction <add>, %integer_pow3A_199, %reduce_sum3A_200 [1] : vector<1000x128xf32> to vector<1000xf32>
    %broadcast_in_dim3A_202 = vector.shape_cast %reduce_sum3A_201 : vector<1000xf32> to vector<1000x1xf32>
    %div3A_203 = arith.constant 1.280000e+02 : f32
    %div3A_204 = vector.broadcast %div3A_203 : f32 to vector<1000x1xf32>
    %div3A_205 = arith.divf %broadcast_in_dim3A_202, %div3A_204 : vector<1000x1xf32>
    %sub3A_206 = vector.broadcast %div3A_196 : vector<1000x1xf32> to vector<1000x128xf32>
    %sub3A_207 = arith.subf %add3A_184, %sub3A_206 : vector<1000x128xf32>
    %add3A_208 = arith.constant 9.99999974E-6 : f32
    %add3A_209 = vector.broadcast %add3A_208 : f32 to vector<1000x1xf32>
    %add3A_210 = arith.addf %div3A_205, %add3A_209 : vector<1000x1xf32>
    %sqrt3A_211 = math.sqrt %add3A_210 : vector<1000x1xf32>
    %div3A_212 = vector.broadcast %sqrt3A_211 : vector<1000x1xf32> to vector<1000x128xf32>
    %div3A_213 = arith.divf %sub3A_207, %div3A_212 : vector<1000x128xf32>
    %mul3A_214 = vector.broadcast %get3A_187 : vector<1x128xf32> to vector<1000x128xf32>
    %mul3A_215 = arith.mulf %div3A_213, %mul3A_214 : vector<1000x128xf32>
    %add3A_216 = vector.broadcast %get3A_190 : vector<1x128xf32> to vector<1000x128xf32>
    %add3A_217 = arith.addf %mul3A_215, %add3A_216 : vector<1000x128xf32>
    %add3A_218 = arith.addf %add3A_129, %add3A_217 : vector<1000x128xf32>
    %swap3A = arith.constant 0 : index
    %swap3A_219 = arith.constant 0 : index
    %swap3A_220 = vector.load %arg22[%swap3A, %swap3A_219] : memref<1000x128xf32, #tpu.memory_space<vmem>>, vector<1000x128xf32>
    tpu.vector_store %arg22[%swap3A, %swap3A_219], %add3A_218 {strides = array<i32>} : memref<1000x128xf32, #tpu.memory_space<vmem>>, vector<1000x128xf32>,
    return
  }
  func.func @transform_0(%arg0: i32) -> (i32, i32, i32) {
    %c0_i32 = arith.constant 0 : i32
    %c0_i32_0 = arith.constant 0 : i32
    %c0_i32_1 = arith.constant 0 : i32
    return %c0_i32, %arg0, %c0_i32_0 : i32, i32, i32
  }
  func.func @transform_1(%arg0: i32) -> (i32, i32, i32) {
    %c0_i32 = arith.constant 0 : i32
    %c0_i32_0 = arith.constant 0 : i32
    %c0_i32_1 = arith.constant 0 : i32
    return %c0_i32, %arg0, %c0_i32_0 : i32, i32, i32
  }
  func.func @transform_2(%arg0: i32) -> (i32, i32) {
    %c0_i32 = arith.constant 0 : i32
    %c0_i32_0 = arith.constant 0 : i32
    return %arg0, %c0_i32 : i32, i32
  }
  func.func @transform_3(%arg0: i32) -> (i32, i32) {
    %c0_i32 = arith.constant 0 : i32
    %c0_i32_0 = arith.constant 0 : i32
    %c0_i32_1 = arith.constant 0 : i32
    return %c0_i32, %c0_i32_0 : i32, i32
  }
  func.func @transform_4(%arg0: i32) -> (i32, i32) {
    %c0_i32 = arith.constant 0 : i32
    %c0_i32_0 = arith.constant 0 : i32
    %c0_i32_1 = arith.constant 0 : i32
    return %c0_i32, %c0_i32_0 : i32, i32
  }
  func.func @transform_5(%arg0: i32) -> (i32, i32) {
    %c0_i32 = arith.constant 0 : i32
    %c0_i32_0 = arith.constant 0 : i32
    %c0_i32_1 = arith.constant 0 : i32
    return %c0_i32, %c0_i32_0 : i32, i32
  }
  func.func @transform_6(%arg0: i32) -> (i32, i32) {
    %c0_i32 = arith.constant 0 : i32
    %c0_i32_0 = arith.constant 0 : i32
    %c0_i32_1 = arith.constant 0 : i32
    return %c0_i32, %c0_i32_0 : i32, i32
  }
  func.func @transform_7(%arg0: i32) -> (i32, i32) {
    %c0_i32 = arith.constant 0 : i32
    %c0_i32_0 = arith.constant 0 : i32
    %c0_i32_1 = arith.constant 0 : i32
    return %c0_i32, %c0_i32_0 : i32, i32
  }
  func.func @transform_8(%arg0: i32) -> (i32, i32) {
    %c0_i32 = arith.constant 0 : i32
    %c0_i32_0 = arith.constant 0 : i32
    %c0_i32_1 = arith.constant 0 : i32
    return %c0_i32, %c0_i32_0 : i32, i32
  }
  func.func @transform_9(%arg0: i32) -> (i32, i32) {
    %c0_i32 = arith.constant 0 : i32
    %c0_i32_0 = arith.constant 0 : i32
    %c0_i32_1 = arith.constant 0 : i32
    return %c0_i32, %c0_i32_0 : i32, i32
  }
  func.func @transform_10(%arg0: i32) -> (i32, i32) {
    %c0_i32 = arith.constant 0 : i32
    %c0_i32_0 = arith.constant 0 : i32
    %c0_i32_1 = arith.constant 0 : i32
    return %c0_i32, %c0_i32_0 : i32, i32
  }
  func.func @transform_11(%arg0: i32) -> (i32, i32) {
    %c0_i32 = arith.constant 0 : i32
    %c0_i32_0 = arith.constant 0 : i32
    %c0_i32_1 = arith.constant 0 : i32
    return %c0_i32, %c0_i32_0 : i32, i32
  }
  func.func @transform_12(%arg0: i32) -> (i32, i32) {
    %c0_i32 = arith.constant 0 : i32
    %c0_i32_0 = arith.constant 0 : i32
    %c0_i32_1 = arith.constant 0 : i32
    return %c0_i32, %c0_i32_0 : i32, i32
  }
  func.func @transform_13(%arg0: i32) -> (i32, i32) {
    %c0_i32 = arith.constant 0 : i32
    %c0_i32_0 = arith.constant 0 : i32
    %c0_i32_1 = arith.constant 0 : i32
    return %c0_i32, %c0_i32_0 : i32, i32
  }
  func.func @transform_14(%arg0: i32) -> (i32, i32) {
    %c0_i32 = arith.constant 0 : i32
    %c0_i32_0 = arith.constant 0 : i32
    %c0_i32_1 = arith.constant 0 : i32
    return %c0_i32, %c0_i32_0 : i32, i32
  }
  func.func @transform_15(%arg0: i32) -> (i32, i32) {
    %c0_i32 = arith.constant 0 : i32
    %c0_i32_0 = arith.constant 0 : i32
    %c0_i32_1 = arith.constant 0 : i32
    return %c0_i32, %c0_i32_0 : i32, i32
  }
  func.func @transform_16(%arg0: i32) -> (i32, i32) {
    %c0_i32 = arith.constant 0 : i32
    %c0_i32_0 = arith.constant 0 : i32
    %c0_i32_1 = arith.constant 0 : i32
    return %c0_i32, %c0_i32_0 : i32, i32
  }
  func.func @transform_17(%arg0: i32) -> (i32, i32) {
    %c0_i32 = arith.constant 0 : i32
    %c0_i32_0 = arith.constant 0 : i32
    %c0_i32_1 = arith.constant 0 : i32
    return %c0_i32, %c0_i32_0 : i32, i32
  }
  func.func @transform_18(%arg0: i32) -> (i32, i32) {
    %c0_i32 = arith.constant 0 : i32
    %c0_i32_0 = arith.constant 0 : i32
    %c0_i32_1 = arith.constant 0 : i32
    return %c0_i32, %c0_i32_0 : i32, i32
  }
  func.func @transform_19(%arg0: i32) -> (i32, i32) {
    %c0_i32 = arith.constant 0 : i32
    %c0_i32_0 = arith.constant 0 : i32
    %c0_i32_1 = arith.constant 0 : i32
    return %c0_i32, %c0_i32_0 : i32, i32
  }
  func.func @transform_20(%arg0: i32) -> (i32, i32) {
    %c0_i32 = arith.constant 0 : i32
    %c0_i32_0 = arith.constant 0 : i32
    %c0_i32_1 = arith.constant 0 : i32
    return %c0_i32, %c0_i32_0 : i32, i32
  }
  func.func @transform_21(%arg0: i32) -> (i32, i32) {
    %c0_i32 = arith.constant 0 : i32
    %c0_i32_0 = arith.constant 0 : i32
    return %arg0, %c0_i32 : i32, i32
  }
}

module attributes {stable_mosaic.version = 14 : i64} {
  func.func @body(%arg0: i32, %arg1: memref<1000x128xf32, #tpu.memory_space<vmem>>, %arg2: memref<1000x128xf32, #tpu.memory_space<vmem>>, %arg3: memref<128x128xf32, #tpu.memory_space<vmem>>, %arg4: memref<1x128xf32, #tpu.memory_space<vmem>>, %arg5: memref<128x128xf32, #tpu.memory_space<vmem>>, %arg6: memref<128x128xf32, #tpu.memory_space<vmem>>, %arg7: memref<1x128xf32, #tpu.memory_space<vmem>>, %arg8: memref<1x128xf32, #tpu.memory_space<vmem>>, %arg9: memref<1x128xf32, #tpu.memory_space<vmem>>, %arg10: memref<1x128xf32, #tpu.memory_space<vmem>>, %arg11: memref<1x128xf32, #tpu.memory_space<vmem>>, %arg12: memref<1000x128xf32, #tpu.memory_space<vmem>>, %arg13: memref<1000x256xf32, #tpu.memory_space<vmem>>) attributes {dimension_semantics = [#tpu.dimension_semantics<arbitrary>], iteration_bounds = array<i64: 10>, scalar_prefetch = 0 : i64, scratch_operands = 0 : i64, tpu.core_type = #tpu.core_type<tc>, window_params = [{transform_indices = @transform_0, window_bounds = array<i64: 1000, 128>}, {transform_indices = @transform_1, window_bounds = array<i64: 1000, 128>}, {pipeline_mode = #tpu.pipeline_mode<synchronous>, transform_indices = @transform_2, window_bounds = array<i64: 128, 128>}, {pipeline_mode = #tpu.pipeline_mode<synchronous>, transform_indices = @transform_3, window_bounds = array<i64: 1, 128>}, {pipeline_mode = #tpu.pipeline_mode<synchronous>, transform_indices = @transform_4, window_bounds = array<i64: 128, 128>}, {pipeline_mode = #tpu.pipeline_mode<synchronous>, transform_indices = @transform_5, window_bounds = array<i64: 128, 128>}, {pipeline_mode = #tpu.pipeline_mode<synchronous>, transform_indices = @transform_6, window_bounds = array<i64: 1, 128>}, {pipeline_mode = #tpu.pipeline_mode<synchronous>, transform_indices = @transform_7, window_bounds = array<i64: 1, 128>}, {pipeline_mode = #tpu.pipeline_mode<synchronous>, transform_indices = @transform_8, window_bounds = array<i64: 1, 128>}, {pipeline_mode = #tpu.pipeline_mode<synchronous>, transform_indices = @transform_9, window_bounds = array<i64: 1, 128>}, {pipeline_mode = #tpu.pipeline_mode<synchronous>, transform_indices = @transform_10, window_bounds = array<i64: 1, 128>}, {transform_indices = @transform_11, window_bounds = array<i64: 1000, 128>}, {transform_indices = @transform_12, window_bounds = array<i64: 1000, 256>}]} {
    %get3A = arith.constant 0 : index
    %get3A_0 = arith.constant 0 : index
    %get3A_1 = vector.load %arg1[%get3A, %get3A_0] : memref<1000x128xf32, #tpu.memory_space<vmem>>, vector<1000x128xf32>
    %get3A_2 = arith.constant 0 : index
    %get3A_3 = arith.constant 0 : index
    %get3A_4 = vector.load %arg8[%get3A_2, %get3A_3] : memref<1x128xf32, #tpu.memory_space<vmem>>, vector<1x128xf32>
    %get3A_5 = arith.constant 0 : index
    %get3A_6 = arith.constant 0 : index
    %get3A_7 = vector.load %arg9[%get3A_5, %get3A_6] : memref<1x128xf32, #tpu.memory_space<vmem>>, vector<1x128xf32>
    %reduce_sum3A = arith.constant dense<0.000000e+00> : vector<1000xf32>
    %reduce_sum3A_8 = vector.multi_reduction <add>, %get3A_1, %reduce_sum3A [1] : vector<1000x128xf32> to vector<1000xf32>
    %broadcast_in_dim3A = vector.shape_cast %reduce_sum3A_8 : vector<1000xf32> to vector<1000x1xf32>
    %div3A = arith.constant 1.280000e+02 : f32
    %div3A_9 = vector.broadcast %div3A : f32 to vector<1000x1xf32>
    %div3A_10 = arith.divf %broadcast_in_dim3A, %div3A_9 : vector<1000x1xf32>
    %sub3A = vector.broadcast %div3A_10 : vector<1000x1xf32> to vector<1000x128xf32>
    %sub3A_11 = arith.subf %get3A_1, %sub3A : vector<1000x128xf32>
    %integer_pow3A = arith.mulf %sub3A_11, %sub3A_11 : vector<1000x128xf32>
    %reduce_sum3A_12 = arith.constant dense<0.000000e+00> : vector<1000xf32>
    %reduce_sum3A_13 = vector.multi_reduction <add>, %integer_pow3A, %reduce_sum3A_12 [1] : vector<1000x128xf32> to vector<1000xf32>
    %broadcast_in_dim3A_14 = vector.shape_cast %reduce_sum3A_13 : vector<1000xf32> to vector<1000x1xf32>
    %div3A_15 = arith.constant 1.280000e+02 : f32
    %div3A_16 = vector.broadcast %div3A_15 : f32 to vector<1000x1xf32>
    %div3A_17 = arith.divf %broadcast_in_dim3A_14, %div3A_16 : vector<1000x1xf32>
    %sub3A_18 = vector.broadcast %div3A_10 : vector<1000x1xf32> to vector<1000x128xf32>
    %sub3A_19 = arith.subf %get3A_1, %sub3A_18 : vector<1000x128xf32>
    %add3A = arith.constant 9.99999974E-6 : f32
    %add3A_20 = vector.broadcast %add3A : f32 to vector<1000x1xf32>
    %add3A_21 = arith.addf %div3A_17, %add3A_20 : vector<1000x1xf32>
    %sqrt3A = math.sqrt %add3A_21 : vector<1000x1xf32>
    %div3A_22 = vector.broadcast %sqrt3A : vector<1000x1xf32> to vector<1000x128xf32>
    %div3A_23 = arith.divf %sub3A_19, %div3A_22 : vector<1000x128xf32>
    %mul3A = vector.broadcast %get3A_4 : vector<1x128xf32> to vector<1000x128xf32>
    %mul3A_24 = arith.mulf %div3A_23, %mul3A : vector<1000x128xf32>
    %add3A_25 = vector.broadcast %get3A_7 : vector<1x128xf32> to vector<1000x128xf32>
    %add3A_26 = arith.addf %mul3A_24, %add3A_25 : vector<1000x128xf32>
    %get3A_27 = arith.constant 0 : index
    %get3A_28 = arith.constant 0 : index
    %get3A_29 = vector.load %arg2[%get3A_27, %get3A_28] : memref<1000x128xf32, #tpu.memory_space<vmem>>, vector<1000x128xf32>
    %get3A_30 = arith.constant 0 : index
    %get3A_31 = arith.constant 0 : index
    %get3A_32 = vector.load %arg10[%get3A_30, %get3A_31] : memref<1x128xf32, #tpu.memory_space<vmem>>, vector<1x128xf32>
    %get3A_33 = arith.constant 0 : index
    %get3A_34 = arith.constant 0 : index
    %get3A_35 = vector.load %arg11[%get3A_33, %get3A_34] : memref<1x128xf32, #tpu.memory_space<vmem>>, vector<1x128xf32>
    %reduce_sum3A_36 = arith.constant dense<0.000000e+00> : vector<1000xf32>
    %reduce_sum3A_37 = vector.multi_reduction <add>, %get3A_29, %reduce_sum3A_36 [1] : vector<1000x128xf32> to vector<1000xf32>
    %broadcast_in_dim3A_38 = vector.shape_cast %reduce_sum3A_37 : vector<1000xf32> to vector<1000x1xf32>
    %div3A_39 = arith.constant 1.280000e+02 : f32
    %div3A_40 = vector.broadcast %div3A_39 : f32 to vector<1000x1xf32>
    %div3A_41 = arith.divf %broadcast_in_dim3A_38, %div3A_40 : vector<1000x1xf32>
    %sub3A_42 = vector.broadcast %div3A_41 : vector<1000x1xf32> to vector<1000x128xf32>
    %sub3A_43 = arith.subf %get3A_29, %sub3A_42 : vector<1000x128xf32>
    %integer_pow3A_44 = arith.mulf %sub3A_43, %sub3A_43 : vector<1000x128xf32>
    %reduce_sum3A_45 = arith.constant dense<0.000000e+00> : vector<1000xf32>
    %reduce_sum3A_46 = vector.multi_reduction <add>, %integer_pow3A_44, %reduce_sum3A_45 [1] : vector<1000x128xf32> to vector<1000xf32>
    %broadcast_in_dim3A_47 = vector.shape_cast %reduce_sum3A_46 : vector<1000xf32> to vector<1000x1xf32>
    %div3A_48 = arith.constant 1.280000e+02 : f32
    %div3A_49 = vector.broadcast %div3A_48 : f32 to vector<1000x1xf32>
    %div3A_50 = arith.divf %broadcast_in_dim3A_47, %div3A_49 : vector<1000x1xf32>
    %sub3A_51 = vector.broadcast %div3A_41 : vector<1000x1xf32> to vector<1000x128xf32>
    %sub3A_52 = arith.subf %get3A_29, %sub3A_51 : vector<1000x128xf32>
    %add3A_53 = arith.constant 9.99999974E-6 : f32
    %add3A_54 = vector.broadcast %add3A_53 : f32 to vector<1000x1xf32>
    %add3A_55 = arith.addf %div3A_50, %add3A_54 : vector<1000x1xf32>
    %sqrt3A_56 = math.sqrt %add3A_55 : vector<1000x1xf32>
    %div3A_57 = vector.broadcast %sqrt3A_56 : vector<1000x1xf32> to vector<1000x128xf32>
    %div3A_58 = arith.divf %sub3A_52, %div3A_57 : vector<1000x128xf32>
    %mul3A_59 = vector.broadcast %get3A_32 : vector<1x128xf32> to vector<1000x128xf32>
    %mul3A_60 = arith.mulf %div3A_58, %mul3A_59 : vector<1000x128xf32>
    %add3A_61 = vector.broadcast %get3A_35 : vector<1x128xf32> to vector<1000x128xf32>
    %add3A_62 = arith.addf %mul3A_60, %add3A_61 : vector<1000x128xf32>
    %get3A_63 = arith.constant 0 : index
    %get3A_64 = arith.constant 0 : index
    %get3A_65 = vector.load %arg3[%get3A_63, %get3A_64] : memref<128x128xf32, #tpu.memory_space<vmem>>, vector<128x128xf32>
    %dot_general3A = arith.constant dense<0.000000e+00> : vector<1000x128xf32>
    %dot_general3A_66 = tpu.matmul %add3A_62, %get3A_65, %dot_general3A {dimension_numbers = #tpu.dot_dimension_numbers<[1], [0], [0], [1], [0, 0, 1, 1], [], []>, transpose_lhs_hint = false} : vector<1000x128xf32>, vector<128x128xf32>, vector<1000x128xf32> -> vector<1000x128xf32>
    %get3A_67 = arith.constant 0 : index
    %get3A_68 = arith.constant 0 : index
    %get3A_69 = vector.load %arg4[%get3A_67, %get3A_68] : memref<1x128xf32, #tpu.memory_space<vmem>>, vector<1x128xf32>
    %add3A_70 = vector.broadcast %get3A_69 : vector<1x128xf32> to vector<1000x128xf32>
    %add3A_71 = arith.addf %dot_general3A_66, %add3A_70 : vector<1000x128xf32>
    %swap3A = arith.constant 0 : index
    %swap3A_72 = arith.constant 0 : index
    %swap3A_73 = vector.load %arg12[%swap3A, %swap3A_72] : memref<1000x128xf32, #tpu.memory_space<vmem>>, vector<1000x128xf32>
    tpu.vector_store %arg12[%swap3A, %swap3A_72], %add3A_71 {strides = array<i32>} : memref<1000x128xf32, #tpu.memory_space<vmem>>, vector<1000x128xf32>,
    %get3A_74 = arith.constant 0 : index
    %get3A_75 = arith.constant 0 : index
    %get3A_76 = vector.load %arg5[%get3A_74, %get3A_75] : memref<128x128xf32, #tpu.memory_space<vmem>>, vector<128x128xf32>
    %dot_general3A_77 = arith.constant dense<0.000000e+00> : vector<1000x128xf32>
    %dot_general3A_78 = tpu.matmul %add3A_26, %get3A_76, %dot_general3A_77 {dimension_numbers = #tpu.dot_dimension_numbers<[1], [0], [0], [1], [0, 0, 1, 1], [], []>, transpose_lhs_hint = false} : vector<1000x128xf32>, vector<128x128xf32>, vector<1000x128xf32> -> vector<1000x128xf32>
    %get3A_79 = arith.constant 0 : index
    %get3A_80 = arith.constant 0 : index
    %get3A_81 = vector.load %arg6[%get3A_79, %get3A_80] : memref<128x128xf32, #tpu.memory_space<vmem>>, vector<128x128xf32>
    %dot_general3A_82 = arith.constant dense<0.000000e+00> : vector<1000x128xf32>
    %dot_general3A_83 = tpu.matmul %add3A_26, %get3A_81, %dot_general3A_82 {dimension_numbers = #tpu.dot_dimension_numbers<[1], [0], [0], [1], [0, 0, 1, 1], [], []>, transpose_lhs_hint = false} : vector<1000x128xf32>, vector<128x128xf32>, vector<1000x128xf32> -> vector<1000x128xf32>
    %get3A_84 = arith.constant 0 : index
    %get3A_85 = arith.constant 0 : index
    %get3A_86 = vector.load %arg7[%get3A_84, %get3A_85] : memref<1x128xf32, #tpu.memory_space<vmem>>, vector<1x128xf32>
    %add3A_87 = vector.broadcast %get3A_86 : vector<1x128xf32> to vector<1000x128xf32>
    %add3A_88 = arith.addf %dot_general3A_83, %add3A_87 : vector<1000x128xf32>
    %concatenate3A = tpu.concatenate %dot_general3A_78, %add3A_88 in 1 : vector<1000x128xf32>, vector<1000x128xf32> -> vector<1000x256xf32>
    %swap3A_89 = arith.constant 0 : index
    %swap3A_90 = arith.constant 0 : index
    %swap3A_91 = vector.load %arg13[%swap3A_89, %swap3A_90] : memref<1000x256xf32, #tpu.memory_space<vmem>>, vector<1000x256xf32>
    tpu.vector_store %arg13[%swap3A_89, %swap3A_90], %concatenate3A {strides = array<i32>} : memref<1000x256xf32, #tpu.memory_space<vmem>>, vector<1000x256xf32>,
    return
  }
  func.func @transform_0(%arg0: i32) -> (i32, i32) {
    %c0_i32 = arith.constant 0 : i32
    %c0_i32_0 = arith.constant 0 : i32
    return %arg0, %c0_i32 : i32, i32
  }
  func.func @transform_1(%arg0: i32) -> (i32, i32) {
    %c0_i32 = arith.constant 0 : i32
    %c0_i32_0 = arith.constant 0 : i32
    return %arg0, %c0_i32 : i32, i32
  }
  func.func @transform_2(%arg0: i32) -> (i32, i32) {
    %c0_i32 = arith.constant 0 : i32
    %c0_i32_0 = arith.constant 0 : i32
    %c0_i32_1 = arith.constant 0 : i32
    return %c0_i32, %c0_i32_0 : i32, i32
  }
  func.func @transform_3(%arg0: i32) -> (i32, i32) {
    %c0_i32 = arith.constant 0 : i32
    %c0_i32_0 = arith.constant 0 : i32
    %c0_i32_1 = arith.constant 0 : i32
    return %c0_i32, %c0_i32_0 : i32, i32
  }
  func.func @transform_4(%arg0: i32) -> (i32, i32) {
    %c0_i32 = arith.constant 0 : i32
    %c0_i32_0 = arith.constant 0 : i32
    %c0_i32_1 = arith.constant 0 : i32
    return %c0_i32, %c0_i32_0 : i32, i32
  }
  func.func @transform_5(%arg0: i32) -> (i32, i32) {
    %c0_i32 = arith.constant 0 : i32
    %c0_i32_0 = arith.constant 0 : i32
    %c0_i32_1 = arith.constant 0 : i32
    return %c0_i32, %c0_i32_0 : i32, i32
  }
  func.func @transform_6(%arg0: i32) -> (i32, i32) {
    %c0_i32 = arith.constant 0 : i32
    %c0_i32_0 = arith.constant 0 : i32
    %c0_i32_1 = arith.constant 0 : i32
    return %c0_i32, %c0_i32_0 : i32, i32
  }
  func.func @transform_7(%arg0: i32) -> (i32, i32) {
    %c0_i32 = arith.constant 0 : i32
    %c0_i32_0 = arith.constant 0 : i32
    %c0_i32_1 = arith.constant 0 : i32
    return %c0_i32, %c0_i32_0 : i32, i32
  }
  func.func @transform_8(%arg0: i32) -> (i32, i32) {
    %c0_i32 = arith.constant 0 : i32
    %c0_i32_0 = arith.constant 0 : i32
    %c0_i32_1 = arith.constant 0 : i32
    return %c0_i32, %c0_i32_0 : i32, i32
  }
  func.func @transform_9(%arg0: i32) -> (i32, i32) {
    %c0_i32 = arith.constant 0 : i32
    %c0_i32_0 = arith.constant 0 : i32
    %c0_i32_1 = arith.constant 0 : i32
    return %c0_i32, %c0_i32_0 : i32, i32
  }
  func.func @transform_10(%arg0: i32) -> (i32, i32) {
    %c0_i32 = arith.constant 0 : i32
    %c0_i32_0 = arith.constant 0 : i32
    %c0_i32_1 = arith.constant 0 : i32
    return %c0_i32, %c0_i32_0 : i32, i32
  }
  func.func @transform_11(%arg0: i32) -> (i32, i32) {
    %c0_i32 = arith.constant 0 : i32
    %c0_i32_0 = arith.constant 0 : i32
    return %arg0, %c0_i32 : i32, i32
  }
  func.func @transform_12(%arg0: i32) -> (i32, i32) {
    %c0_i32 = arith.constant 0 : i32
    %c0_i32_0 = arith.constant 0 : i32
    return %arg0, %c0_i32 : i32, i32
  }
}

module attributes {stable_mosaic.version = 14 : i64} {
  func.func @body(%arg0: i32, %arg1: memref<2048x128xf32, #tpu.memory_space<vmem>>, %arg2: memref<2048x256xf32, #tpu.memory_space<vmem>>, %arg3: memref<128x8xf32, #tpu.memory_space<vmem>>, %arg4: memref<8x128xf32, #tpu.memory_space<vmem>>, %arg5: memref<2048x128xf32, #tpu.memory_space<vmem>>, %arg6: memref<2048x128xf32, #tpu.memory_space<vmem>>) attributes {dimension_semantics = [#tpu.dimension_semantics<arbitrary>], iteration_bounds = array<i64: 158>, scalar_prefetch = 0 : i64, scratch_operands = 0 : i64, tpu.core_type = #tpu.core_type<tc>, window_params = [{transform_indices = @transform_0, window_bounds = array<i64: 2048, 128>}, {transform_indices = @transform_1, window_bounds = array<i64: 2048, 256>}, {pipeline_mode = #tpu.pipeline_mode<synchronous>, transform_indices = @transform_2, window_bounds = array<i64: 128, 8>}, {pipeline_mode = #tpu.pipeline_mode<synchronous>, transform_indices = @transform_3, window_bounds = array<i64: 8, 128>}, {transform_indices = @transform_4, window_bounds = array<i64: 2048, 128>}, {transform_indices = @transform_5, window_bounds = array<i64: 2048, 128>}]} {
    %get3A = arith.constant 0 : index
    %get3A_0 = arith.constant 0 : index
    %get3A_1 = vector.load %arg2[%get3A, %get3A_0] : memref<2048x256xf32, #tpu.memory_space<vmem>>, vector<2048x256xf32>
    %slice3A = vector.extract_strided_slice %get3A_1 {offsets = [0, 0], sizes = [2048, 128], strides = [1, 1]} : vector<2048x256xf32> to vector<2048x128xf32>
    %slice3A_2 = vector.extract_strided_slice %get3A_1 {offsets = [0, 128], sizes = [2048, 128], strides = [1, 1]} : vector<2048x256xf32> to vector<2048x128xf32>
    %get3A_3 = arith.constant 0 : index
    %get3A_4 = arith.constant 0 : index
    %get3A_5 = vector.load %arg1[%get3A_3, %get3A_4] : memref<2048x128xf32, #tpu.memory_space<vmem>>, vector<2048x128xf32>
    %mul3A = arith.mulf %get3A_5, %slice3A : vector<2048x128xf32>
    %get3A_6 = arith.constant 0 : index
    %get3A_7 = arith.constant 0 : index
    %get3A_8 = vector.load %arg3[%get3A_6, %get3A_7] : memref<128x8xf32, #tpu.memory_space<vmem>>, vector<128x8xf32>
    %dot_general3A = arith.constant dense<0.000000e+00> : vector<2048x8xf32>
    %dot_general3A_9 = tpu.matmul %mul3A, %get3A_8, %dot_general3A {dimension_numbers = #tpu.dot_dimension_numbers<[1], [0], [0], [1], [0, 0, 1, 1], [], []>, transpose_lhs_hint = false} : vector<2048x128xf32>, vector<128x8xf32>, vector<2048x8xf32> -> vector<2048x8xf32>
    %mul3A_10 = arith.constant 2.500000e-01 : f32
    %mul3A_11 = vector.broadcast %mul3A_10 : f32 to vector<2048x8xf32>
    %mul3A_12 = arith.mulf %dot_general3A_9, %mul3A_11 : vector<2048x8xf32>
    %exp3A = math.exp %mul3A_12 : vector<2048x8xf32>
    %get3A_13 = arith.constant 0 : index
    %get3A_14 = arith.constant 0 : index
    %get3A_15 = vector.load %arg4[%get3A_13, %get3A_14] : memref<8x128xf32, #tpu.memory_space<vmem>>, vector<8x128xf32>
    %dot_general3A_16 = arith.constant dense<0.000000e+00> : vector<2048x128xf32>
    %dot_general3A_17 = tpu.matmul %exp3A, %get3A_15, %dot_general3A_16 {dimension_numbers = #tpu.dot_dimension_numbers<[1], [0], [0], [1], [0, 0, 1, 1], [], []>, transpose_lhs_hint = false} : vector<2048x8xf32>, vector<8x128xf32>, vector<2048x128xf32> -> vector<2048x128xf32>
    %mul3A_18 = arith.mulf %slice3A_2, %dot_general3A_17 : vector<2048x128xf32>
    %swap3A = arith.constant 0 : index
    %swap3A_19 = arith.constant 0 : index
    %swap3A_20 = vector.load %arg5[%swap3A, %swap3A_19] : memref<2048x128xf32, #tpu.memory_space<vmem>>, vector<2048x128xf32>
    tpu.vector_store %arg5[%swap3A, %swap3A_19], %mul3A_18 {strides = array<i32>} : memref<2048x128xf32, #tpu.memory_space<vmem>>, vector<2048x128xf32>,
    %swap3A_21 = arith.constant 0 : index
    %swap3A_22 = arith.constant 0 : index
    %swap3A_23 = vector.load %arg6[%swap3A_21, %swap3A_22] : memref<2048x128xf32, #tpu.memory_space<vmem>>, vector<2048x128xf32>
    tpu.vector_store %arg6[%swap3A_21, %swap3A_22], %dot_general3A_17 {strides = array<i32>} : memref<2048x128xf32, #tpu.memory_space<vmem>>, vector<2048x128xf32>,
    return
  }
  func.func @transform_0(%arg0: i32) -> (i32, i32) {
    %c0_i32 = arith.constant 0 : i32
    %c0_i32_0 = arith.constant 0 : i32
    return %arg0, %c0_i32 : i32, i32
  }
  func.func @transform_1(%arg0: i32) -> (i32, i32) {
    %c0_i32 = arith.constant 0 : i32
    %c0_i32_0 = arith.constant 0 : i32
    return %arg0, %c0_i32 : i32, i32
  }
  func.func @transform_2(%arg0: i32) -> (i32, i32) {
    %c0_i32 = arith.constant 0 : i32
    %c0_i32_0 = arith.constant 0 : i32
    %c0_i32_1 = arith.constant 0 : i32
    return %c0_i32, %c0_i32_0 : i32, i32
  }
  func.func @transform_3(%arg0: i32) -> (i32, i32) {
    %c0_i32 = arith.constant 0 : i32
    %c0_i32_0 = arith.constant 0 : i32
    %c0_i32_1 = arith.constant 0 : i32
    return %c0_i32, %c0_i32_0 : i32, i32
  }
  func.func @transform_4(%arg0: i32) -> (i32, i32) {
    %c0_i32 = arith.constant 0 : i32
    %c0_i32_0 = arith.constant 0 : i32
    return %arg0, %c0_i32 : i32, i32
  }
  func.func @transform_5(%arg0: i32) -> (i32, i32) {
    %c0_i32 = arith.constant 0 : i32
    %c0_i32_0 = arith.constant 0 : i32
    return %arg0, %c0_i32 : i32, i32
  }
}

</mosaic_0001>

<sc_bundles>
// kernel: kernel.17.cloned.1.call-start
scs
__scs_entry_jumppad:
0x0: {  	(pc) =	sbr.rel $0x88, $3  }
0x1: {  	(tag) =	ssettag $0x0;
	lr =	simm.s32 $0x1  }
0x2: {  	[smem:$0x3F4F] =	sst lr;
	_ =	strace $0xD0000000  }
0x3: {  	_ = 	snop  }
0x4: {  	_ = 	snop  }
0x5: {  	_ = 	snop  }
0x6: {  	_ = 	snop  }
0x7: {  	_ = 	snop  }
__scs_overlays_trampoline_lowered:
0x8: {  	[smem:$0x3F5E] =	sst s0  }
0x9: {  	[smem:$0x3F5F] =	sst s1  }
0xa: {  	[smem:$0x3F60] =	sst s2  }
0xb: {  	[smem:$0x3F61] =	sst s3  }
0xc: {  	[smem:$0x3F62] =	sst s4  }
0xd: {  	[smem:$0x3F63] =	sst s5  }
0xe: {  	[smem:$0x3F64] =	sst s6  }
0xf: {  	[smem:$0x3F65] =	sst s7  }
0x10: {  	[smem:$0x3F66] =	sst s8  }
0x11: {  	[smem:$0x3F67] =	sst s9;
	s0 =	simm.s32 @!p0 $0x0  }
0x12: {  	s1 =	sld [smem:$0x3F4D];
	s0 =	simm.s32 @p0 $0x1  }
0x13: {  	[smem:$0x3F68] =	sst s0;
	s0 =	simm.s32 @!p1 $0x0  }
0x14: {  	s2 =	sld [smem:$0x3F4C];
	s0 =	simm.s32 @p1 $0x1  }
0x15: {  	[smem:$0x3F69] =	sst s0;
	s0 =	simm.s32 @!p2 $0x0  }
0x16: {  	s3 =	sld [smem:$0x3FDB];
	s0 =	simm.s32 @p2 $0x1  }
0x17: {  	s4 =	simm.s32 $0x1BF5;
	[smem:$0x3F6B] =	sst s0  }
0x18: {  	s0 =	sld [smem:$0x3F4E];
	_ =	swait.ge [sflag:s4], $0x0  }
0x19: {  	s7 =	sld [smem:$0x3F4F]  }
0x1a: {  	s8 =	sadd.s32 $0xFFFFE003, lr  }
0x1b: {  	s9 =	sadd.s32 $0xFFFFFEF7, lr;
	s5 =	simm.s32 $0xFFFFFFFF;
	p2 =	slt.u32 s8, $0xFFFFF086  }
0x1c: {  	p1 =	slt.u32 s9, $0xF7A;
	s5 =	simm.s32 @!p2 $0x0  }
0x1d: {  	s5 =	simm.s32 @p1 $0x1;
	p0 =	seq.s32 s7, s2  }
0x1e: {  	s7 =	smul.u32 @!p0 $0xF7A, s2;
	p2 =	seq.s32 @!p0 s5, $0x0  }
0x1f: {  	s9 =	smul.u32 $0xF7A, s1;
	s8 =	simm.s32 @!p0 $0x1BF5;
	p2 =	por !p2, p0  }
0x20: {  	[sflag:s8] =	ssyncset.s32 @!p0 $0xFFFFF086;
	s6 =	sadd.s32 @!p0 s3, s7;
	s7 =	simm.s32 @!p0 $0x108  }
0x21: {  	s3 =	sadd.s32 s3, s9;
	s6 =	sadd.s32 @!p0 $0x88, s6;
	s7 =	simm.s32 @p2 $0x1082  }
0x22: {  	[simem:s7], [sflag:s8] =	dma.local @!p0 [hbm:s6], $0xF7A  }
0x23: {  	s9 =	sor.u32 $0xD0000000, s2;
	s6 =	simm.s32 $0x108;
	_ =	swait.ge @!p0 [sflag:s8], $0x0  }
0x24: {  	s3 =	sadd.s32 $0x88, s3;
	s6 =	simm.s32 @!p1 $0x1082;
	[sflag:s4] =	ssyncset.s32 $0xFFFFF086  }
0x25: {  	[simem:s6], [sflag:s4] =	dma.local [hbm:s3], $0xF7A  }
0x26: {  	[smem:$0x3F4F] =	sst s1;
	(tag) =	ssettag s2;
	_ =	strace s9  }
0x27: {  	s1 =	sld [smem:$0x3F5F]  }
0x28: {  	s2 =	sld [smem:$0x3F60]  }
0x29: {  	s4 =	sld [smem:$0x3F62]  }
0x2a: {  	p0 =	seq.s32 s5, $0x0;
	s5 =	sld [smem:$0x3F63]  }
0x2b: {  	s6 =	sld [smem:$0x3F64]  }
0x2c: {  	s7 =	sld [smem:$0x3F65]  }
0x2d: {  	s3 =	simm.s32 $0x108;
	s8 =	sld [smem:$0x3F66]  }
0x2e: {  	s3 =	simm.s32 @!p0 $0x1082;
	s9 =	sld [smem:$0x3F67]  }
0x2f: {  	lr =	sadd.s32 s0, s3;
	s0 =	sld [smem:$0x3F5E]  }
0x30: {  	s3 =	sld [smem:$0x3F61]  }
0x31: {  	[smem:$0x3F6A] =	sst s10  }
0x32: {  	s10 =	sld [smem:$0x3F68];
	_ =	sdelay $0x3  }
0x33: {  	p0 =	seq.s32 s10, $0x1;
	s10 =	sld [smem:$0x3F6A];
	_ =	sdelay $0x3  }
0x34: {  	[smem:$0x3F6A] =	sst s10  }
0x35: {  	s10 =	sld [smem:$0x3F69];
	_ =	sdelay $0x3  }
0x36: {  	p1 =	seq.s32 s10, $0x1;
	s10 =	sld [smem:$0x3F6A];
	_ =	sdelay $0x3  }
0x37: {  	[smem:$0x3F6A] =	sst s10  }
0x38: {  	s10 =	sld [smem:$0x3F6B]  }
0x39: {  	_ = 	snop;
	(pc) =	sbr.ind lr, $3  }
0x3a: {  	_ = 	snop  }
0x3b: {  	_ = 	snop  }
0x3c: {  	p2 =	seq.s32 s10, $0x1;
	s10 =	sld [smem:$0x3F6A]  }
0x3d: {  	_ =	shalt  }
0x3e: {  	_ =	shalt  }
0x3f: {  	_ =	shalt  }
0x40: {  	_ =	shalt  }
0x41: {  	_ =	shalt  }
0x42: {  	_ =	shalt  }
0x43: {  	_ =	shalt  }
0x44: {  	_ =	shalt  }
0x45: {  	_ =	shalt  }
0x46: {  	_ =	shalt  }
0x47: {  	_ =	shalt  }
0x48: {  	_ =	shalt  }
0x49: {  	_ =	shalt  }
0x4a: {  	_ =	shalt  }
0x4b: {  	_ =	shalt  }
0x4c: {  	_ =	shalt  }
0x4d: {  	_ =	shalt  }
0x4e: {  	_ =	shalt  }
0x4f: {  	_ =	shalt  }
0x50: {  	_ =	shalt  }
0x51: {  	_ =	shalt  }
0x52: {  	_ =	shalt  }
0x53: {  	_ =	shalt  }
0x54: {  	_ =	shalt  }
0x55: {  	_ =	shalt  }
0x56: {  	_ =	shalt  }
0x57: {  	_ =	shalt  }
0x58: {  	_ =	shalt  }
0x59: {  	_ =	shalt  }
0x5a: {  	_ =	shalt  }
0x5b: {  	_ =	shalt  }
0x5c: {  	_ =	shalt  }
0x5d: {  	_ =	shalt  }
0x5e: {  	_ =	shalt  }
0x5f: {  	_ =	shalt  }
0x60: {  	_ =	shalt  }
0x61: {  	_ =	shalt  }
0x62: {  	_ =	shalt  }
0x63: {  	_ =	shalt  }
0x64: {  	_ =	shalt  }
0x65: {  	_ =	shalt  }
0x66: {  	_ =	shalt  }
0x67: {  	_ =	shalt  }
0x68: {  	_ =	shalt  }
0x69: {  	_ =	shalt  }
0x6a: {  	_ =	shalt  }
0x6b: {  	_ =	shalt  }
0x6c: {  	_ =	shalt  }
0x6d: {  	_ =	shalt  }
0x6e: {  	_ =	shalt  }
0x6f: {  	_ =	shalt  }
0x70: {  	_ =	shalt  }
0x71: {  	_ =	shalt  }
0x72: {  	_ =	shalt  }
0x73: {  	_ =	shalt  }
0x74: {  	_ =	shalt  }
0x75: {  	_ =	shalt  }
0x76: {  	_ =	shalt  }
0x77: {  	_ =	shalt  }
0x78: {  	_ =	shalt  }
0x79: {  	_ =	shalt  }
0x7a: {  	_ =	shalt  }
0x7b: {  	_ =	shalt  }
0x7c: {  	_ =	shalt  }
0x7d: {  	_ =	shalt  }
0x7e: {  	_ =	shalt  }
0x7f: {  	_ =	shalt  }
0x80: {  	_ =	shalt  }
0x81: {  	_ =	shalt  }
0x82: {  	_ =	shalt  }
0x83: {  	_ =	shalt  }
0x84: {  	_ =	shalt  }
0x85: {  	_ =	shalt  }
0x86: {  	_ =	shalt  }
0x87: {  	_ =	shalt  }
.Lfunc_end0:
.L_simem_size_0:
called_computation_lowered:
.L_overlay_start_0:
0x88: {  	s2 =	sld [smem:$0x3FD9]  }
0x89: {  	s3 =	sld [smem:$0x3FFE];
	_ =	sdelay $0x1  }
0x8a: {  	s1 =	srdreg.scid  }
0x8b: {  	s0 =	sand.u32 $0x1, s1  }
0x8c: {  	s14 =	sshll.u32 s0, $0xA;
	s2 =	sadd.s32 s3, s2  }
0x8d: {  	s2 =	sadd.s32 s2, s14  }
0x8e: {  	[smem:$0x3F76] =	sst s2  }
0x8f: {  	_ = 	snop  }
0x90: {  	s2 =	sld [smem:$0x3FD0];
	_ =	sdelay $0x2  }
0x91: {  	s15 =	simm.s32 $0xB;
	s4 =	simm.s32 $0x10  }
0x92: {  	[smem:s4], [sflag:s15] =	dma.local [hbm:s2], $0x1  }
0x93: {  	_ =	swait.eq [sflag:s15], $0x1  }
0x94: {  	[sflag:s15] =	ssyncset.done $0x0  }
0x95: {  	[sflag:s15] =	ssyncadd.s32 $0xFFFFFFFF  }
0x96: {  	s16 =	sld [smem:$0x10];
	(tm) =	ssettm $0x1  }
0x97: {  	s17 =	sld [smem:$0x3FFB];
	_ =	sdelay $0x3  }
0x98: {  	_ =	strace s17  }
0x99: {  	s3 =	sld [smem:$0x3FFC];
	_ =	sdelay $0x3  }
0x9a: {  	_ =	strace s3  }
0x9b: {  	s3 =	sld [smem:$0x3FFD];
	_ =	sdelay $0x3  }
0x9c: {  	_ =	strace s3  }
0x9d: {  	_ =	strace $0x8FFFFFFF  }
0x9e: {  	s18 =	sld [smem:$0x3FDB];
	_ =	sdelay $0x1  }
0x9f: {  	s19 =	simm.s32 $_scs_section_size  }
0xa0: {  	s5 =	simm.s32 $_size__tile_overlayer_lowered;
	s6 =	simm.s32 $_tile_overlayer_lowered  }
0xa1: {  	s22 =	simm.s32 $0x1BFF;
	s21 =	sshll.u32 s6, $0x1;
	s3 =	sadd.s32 s19, s18  }
0xa2: {  	s7 =	simm.s32 $0x0;
	s20 =	sshll.u32 s5, $0x1;
	s5 =	sadd.s32 s21, s3  }
0xa3: {  	[timem:s7], [sflag:s22] =	dma.local [hbm:s5], s20  }
0xa4: {  	_ =	swait.ge [sflag:s22], s20  }
0xa5: {  	s4 =	ssub.s32 $0x0, s20;
	[sflag:s22] =	ssyncset.done $0x0  }
0xa6: {  	[sflag:s22] =	ssyncadd.s32 s4;
	_ =	sdelay $0x1  }
0xa7: {  	s23 =	simm.s32 $0x1B8B  }
0xa8: {  	_ =	swait.ge [sflag:s23], $0x1  }
0xa9: {  	[sflag:s23] =	ssyncset.done $0x0  }
0xaa: {  	s25 =	simm.s32 $0x1B8E;
	s24 =	sld [smem:$0x3FFE];
	[sflag:s23] =	ssyncadd.s32 $0xFFFFFFFF  }
0xab: {  	s26 =	simm.s32 $execute0_lowered;
	[smem:$0x3FD2] =	sst s25  }
0xac: {  	s5 =	sshll.u32 s26, $0x1;
	_ =	strace $0x80000046;
	[dreg:$0x1] =	wrdreg $0xFFFFFFFF  }
0xad: {  	s28 =	simm.s32 $_size_execute0_lowered;
	s3 =	sadd.s32 s3, s5;
	[dreg:$0x0] =	wrdreg $0x0  }
0xae: {  	s5 =	sshll.u32 s28, $0x1;
	[dreg:$0x2] =	wrdreg s3  }
0xaf: {  	[dreg:$0x3] =	wrdreg s5  }
0xb0: {  	[dreg:$0x4] =	wrdreg $0xC0  }
0xb1: {  	_ =	task [dreg:s7], $0x5FFFF  }
0xb2: {  	[dreg:$0x1] =	wrdreg $0xFFFFFFFF  }
0xb3: {  	[dreg:$0x0] =	wrdreg $0x60  }
0xb4: {  	[dreg:$0x2] =	wrdreg s16  }
0xb5: {  	[dreg:$0x3] =	wrdreg s24  }
0xb6: {  	[dreg:$0x4] =	wrdreg $0x9  }
0xb7: {  	_ =	task.clear_ibuf [dreg:s7], $0x5FFFF;
	_ =	strace $0x90000046  }
0xb8: {  	s29 =	simm.s32 $0x9;
	_ =	strace $0x80000048  }
0xb9: {  	_ =	swait.ge [sflag:s29], $0x1  }
0xba: {  	[sflag:s29] =	ssyncadd.s32 $0xFFFFFFFF  }
0xbb: {  	_ =	strace $0x90000048  }
0xbc: {  	_ =	sfence  }
0xbd: {  	s30 =	sld [smem:$0x0];
	_ =	sdelay $0x2  }
0xbe: {  	s31 =	sshll.u32 s1, $0xD;
	s1 =	sshrl.u32 s1, $0x2  }
0xbf: {  	s3 =	sand.u32 $0x4000, s31;
	s1 =	sadd.s32 s1, s30  }
0xc0: {  	s0 =	sor.u32 s3, s0;
	s1 =	sshll.u32 s1, $0x11  }
0xc1: {  	s0 =	sor.u32 s1, s0  }
0xc2: {  	s0 =	sadd.s32 $0x8F2B, s0  }
0xc3: {  	[sflag:s0] =	ssyncadd.remote.s32 $0x1  }
0xc4: {  	_ =	sfence.sel $0xFFFF  }
0xc5: {  	[dreg:$0x0] =	wrdreg $0xFFFFFFFF;
	(pc) =	sbr.abs _section_cstart, $3  }
0xc6: {  	[dreg:$0x1] =	wrdreg $0xFFFFFFFF  }
0xc7: {  	_ =	task.clear_ibuf [dreg:s7], $0x2FFFF;
	_ =	strace $0x9FFFFFFF  }
0xc8: {  	(tm) =	ssettm $0x7FFFFFFF  }
0xc9: {  	_ =	shalt  }
tec
execute0_lowered:
.L_overlay_start_1:
0x0: {  	(tag) =	ssettag $0x1  }
0x1: {  	s2 =	rddreg [dreg:$0x0];
	s0 =	srdreg.scid  }
0x2: {  	s11 =	stileid.u32;
	s1 =	rddreg [dreg:$0x1]  }
0x3: {  	s3 =	simm.s32 $0x0;
	s12 =	simm.s32 $0x15800;
	s13 =	simm.s32 $0x16000  }
0x4: {  	s14 =	simm.s32 $0x16800;
	s15 =	simm.s32 $0x17000;
	s16 =	simm.s32 $0x17800  }
0x5: {  	s17 =	simm.s32 $0x18000;
	s18 =	simm.s32 $0x18800;
	s19 =	simm.s32 $0x19000  }
0x6: {  	s20 =	simm.s32 $0x19800;
	s21 =	simm.s32 $0x1A000;
	s22 =	simm.s32 $0x1A800  }
0x7: {  	s23 =	simm.s32 $0x1B000;
	s28 =	simm.s32 $0x12800;
	[smem:$0x7FF] =	sst s3  }
0x8: {  	s29 =	simm.s32 $0x13000;
	_ =	strace $0x80000047;
	[dreg:$0x3] =	wrdreg s12  }
0x9: {  	s30 =	simm.s32 $0x13800;
	s31 =	simm.s32 $0x14000;
	[dreg:$0x4] =	wrdreg s13  }
0xa: {  	s0 =	sand.u32 $0x1, s0;
	s4 =	sshll.u32 s11, $0x1;
	[dreg:$0x5] =	wrdreg s14  }
0xb: {  	s8 =	sadd.s32 $0x74000, s1;
	s25 =	smul.u32 $0x9E000, s11;
	[dreg:$0x6] =	wrdreg s15  }
0xc: {  	s5 =	sor.u32 s0, s4;
	s4 =	sadd.s32 $0x25E00, s1;
	[dreg:$0x7] =	wrdreg s16  }
0xd: {  	s7 =	ssub.s32 $0x2, s0;
	s10 =	smul.u32 $0x4F000, s0;
	[dreg:$0x8] =	wrdreg s17  }
0xe: {  	s0 =	smul.u32 $0x27800, s0;
	s14 =	simm.s32 $0x80;
	[dreg:$0x9] =	wrdreg s18  }
0xf: {  	s15 =	simm.s32 $0x5000;
	s16 =	simm.s32 $0xD000;
	[dreg:$0xa] =	wrdreg s19  }
0x10: {  	s17 =	simm.s32 $0xD800;
	s18 =	simm.s32 $0xE000;
	[dreg:$0xb] =	wrdreg s20  }
0x11: {  	s19 =	simm.s32 $0xE800;
	s20 =	simm.s32 $0xF000;
	[dreg:$0xc] =	wrdreg s21  }
0x12: {  	s21 =	simm.s32 $0xF800;
	[dreg:$0xd] =	wrdreg s22;
	s22 =	simm.s32 $0x10000  }
0x13: {  	[dreg:$0xe] =	wrdreg s23;
	s23 =	simm.s32 $0x10800;
	s6 =	smul.u32 $0x500, s5  }
0x14: {  	s13 =	simm.s32 $0x15000;
	s9 =	sshrl.u32 s7, $0x1;
	s5 =	smul.u32 $0x2780, s5  }
0x15: {  	s7 =	ssub.s32 s7, s9;
	s6 =	sadd.s32 s6, s1;
	s1 =	sadd.s32 $0x564000, s1  }
0x16: {  	s5 =	sadd.s32 $0x2700, s5;
	s7 =	smax.u32 s7, $0x1;
	s24 =	sadd.s32 $0x11E00, s6  }
0x17: {  	s6 =	sadd.s32 $0x1BE00, s6;
	s26 =	sshll.u32 s5, $0x4;
	[dreg:$0x16] =	wrdreg s7  }
0x18: {  	s5 =	sshll.u32 s5, $0x5;
	s7 =	simm.s32 $0x3;
	[dreg:$0x12] =	wrdreg s24  }
0x19: {  	[dreg:$0x13] =	wrdreg s6;
	s9 =	sadd.s32 s8, s26;
	s5 =	sadd.s32 s1, s5  }
0x1a: {  	s1 =	sadd.s32 s25, s1;
	s24 =	simm.s32 $0x1B800;
	[dreg:$0x14] =	wrdreg s9  }
0x1b: {  	s25 =	simm.s32 $0x1C000;
	s26 =	simm.s32 $0x1C800;
	[dreg:$0x15] =	wrdreg s5  }
0x1c: {  	s6 =	simm.s32 $0x2;
	s9 =	smul.u32 $0x4F000, s11;
	[dreg:$0xf] =	wrdreg s24  }
0x1d: {  	s1 =	sadd.s32 s10, s1;
	s24 =	simm.s32 $0x11000;
	[dreg:$0x10] =	wrdreg s25  }
0x1e: {  	[dreg:$0x11] =	wrdreg s26;
	s25 =	simm.s32 $0x11800;
	s26 =	simm.s32 $0x12000  }
0x1f: {  	v2 =	vlaneseq.u32;
	s5 =	simm.s32 $0x1;
	s10 =	simm.s32 $0x0;
	s11 =	sadd.s32 s9, s8  }
0x20: {  	vm0 =	vmmov $0xffff;
	v1 =	vshrl.u32 v2, $0x3;
	[dreg:$0x17] =	wrdreg s1;
	s1 =	simm.s32 $0x14800;
	s0 =	sadd.s32 s0, s11  }
0x21: {  	v0 =	vand.u32 $0x7, v2;
	v2 =	vor.u32 $0x8, v2;
	v1 =	vmul.u32 $0x8, v1;
	s8 =	simm.s32 $0x4;
	[dreg:$0x18] =	wrdreg s0;
	s0 =	simm.s32 $0x9000  }
.LBB2_1:
0x22: {  	[dreg:$0x19] =	wrdreg s10  }
0x23: {  	s9 =	rddreg [dreg:$0x12];
	s10 =	simm.s32 $0x5  }
0x24: {  	[tilespmem:s3], [sflag:$0x5] =	stream.linear.gather [hbm4b:s9+s3], $0x2780, $0x38;
	[tilespmem:$0x1D000] =	vst v63  }
0x25: {  	_ =	swait.ge [sflag:s10], $0x2780  }
0x26: {  	[sflag:s10] =	ssyncset.done $0x0  }
0x27: {  	s11 =	simm.s32 $0x2800;
	s12 =	rddreg [dreg:$0x13];
	[sflag:s10] =	ssyncadd.s32 $0xFFFFD880  }
0x28: {  	[tilespmem:s11], [sflag:$0x5] =	stream.linear.gather [hbm4b:s12+s3], $0x2780, $0x38;
	[tilespmem:$0x1D000] =	vst v63  }
0x29: {  	_ =	swait.ge [sflag:s10], $0x2780  }
0x2a: {  	[sflag:s10] =	ssyncset.done $0x0  }
0x2b: {  	[sflag:s10] =	ssyncadd.s32 $0xFFFFD880  }
0x2c: {  	[tilespmem:s15], [sflag:$0x1] =	stream.indirect.gather [hbm4b:s2+s14], $0x80, s3, s14, $0xb8;
	[tilespmem:$0x1D000] =	vst v63  }
0x2d: {  	v3 =	vld [tilespmem:$0x2800];
	_ =	sdelay $0x4  }
0x2e: {  	v4 =	vshll.u32 v3, $0x1  }
0x2f: {  	v3 =	vand.u32 $0x7, v3;
	v4 =	vand.u32 $0xFFFFFFF0, v4  }
0x30: {  	v3 =	vor.u32 v3, v4  }
0x31: {  	v4 =	vperm.xlane v3, v0;
	_ =	sdelay $0x1  }
0x32: {  	v3 =	vperm.xlane v3, v2;
	v4 =	vadd.s32 v1, v4;
	_ =	sdelay $0x1  }
0x33: {  	v3 =	vadd.s32 v1, v3;
	_ =	sdelay $0x2  }
0x34: {  	[tilespmem:s16], [sflag:$0x1] =	stream.indirect_vreg.gather [hbm4b:s4+s3], $0x80, v4, vm0, $0xb8;
	[tilespmem:$0x1D000] =	vst v63  }
0x35: {  	_ = 	snop  }
0x36: {  	[tilespmem:s17], [sflag:$0x1] =	stream.indirect_vreg.gather [hbm4b:s4+s3], $0x80, v3, vm0, $0xb8;
	[tilespmem:$0x1D000] =	vst v63  }
0x37: {  	v3 =	vld [tilespmem:$0x2810];
	_ =	sdelay $0x4  }
0x38: {  	v57 =	vshll.u32 v3, $0x1  }
0x39: {  	v3 =	vand.u32 $0x7, v3;
	v4 =	vand.u32 $0xFFFFFFF0, v57  }
0x3a: {  	v3 =	vor.u32 v3, v4  }
0x3b: {  	v4 =	vperm.xlane v3, v0;
	_ =	sdelay $0x1  }
0x3c: {  	v3 =	vperm.xlane v3, v2;
	v4 =	vadd.s32 v1, v4;
	_ =	sdelay $0x1  }
0x3d: {  	v3 =	vadd.s32 v1, v3;
	_ =	sdelay $0x2  }
0x3e: {  	[tilespmem:s18], [sflag:$0x1] =	stream.indirect_vreg.gather [hbm4b:s4+s3], $0x80, v4, vm0, $0xb8;
	[tilespmem:$0x1D000] =	vst v63  }
0x3f: {  	_ = 	snop  }
0x40: {  	[tilespmem:s19], [sflag:$0x1] =	stream.indirect_vreg.gather [hbm4b:s4+s3], $0x80, v3, vm0, $0xb8;
	[tilespmem:$0x1D000] =	vst v63  }
0x41: {  	v3 =	vld [tilespmem:$0x2820];
	_ =	sdelay $0x4  }
0x42: {  	v58 =	vshll.u32 v3, $0x1  }
0x43: {  	v3 =	vand.u32 $0x7, v3;
	v4 =	vand.u32 $0xFFFFFFF0, v58  }
0x44: {  	v3 =	vor.u32 v3, v4  }
0x45: {  	v4 =	vperm.xlane v3, v0;
	_ =	sdelay $0x1  }
0x46: {  	v3 =	vperm.xlane v3, v2;
	v4 =	vadd.s32 v1, v4;
	_ =	sdelay $0x1  }
0x47: {  	v3 =	vadd.s32 v1, v3;
	_ =	sdelay $0x2  }
0x48: {  	[tilespmem:s20], [sflag:$0x1] =	stream.indirect_vreg.gather [hbm4b:s4+s3], $0x80, v4, vm0, $0xb8;
	[tilespmem:$0x1D000] =	vst v63  }
0x49: {  	_ = 	snop  }
0x4a: {  	[tilespmem:s21], [sflag:$0x1] =	stream.indirect_vreg.gather [hbm4b:s4+s3], $0x80, v3, vm0, $0xb8;
	[tilespmem:$0x1D000] =	vst v63  }
0x4b: {  	v3 =	vld [tilespmem:$0x2830];
	_ =	sdelay $0x4  }
0x4c: {  	v59 =	vshll.u32 v3, $0x1  }
0x4d: {  	v3 =	vand.u32 $0x7, v3;
	v4 =	vand.u32 $0xFFFFFFF0, v59  }
0x4e: {  	v3 =	vor.u32 v3, v4  }
0x4f: {  	v4 =	vperm.xlane v3, v0;
	_ =	sdelay $0x1  }
0x50: {  	v3 =	vperm.xlane v3, v2;
	v4 =	vadd.s32 v1, v4;
	_ =	sdelay $0x1  }
0x51: {  	v3 =	vadd.s32 v1, v3;
	_ =	sdelay $0x2  }
0x52: {  	[tilespmem:s22], [sflag:$0x1] =	stream.indirect_vreg.gather [hbm4b:s4+s3], $0x80, v4, vm0, $0xb8;
	[tilespmem:$0x1D000] =	vst v63  }
0x53: {  	_ = 	snop  }
0x54: {  	[tilespmem:s23], [sflag:$0x1] =	stream.indirect_vreg.gather [hbm4b:s4+s3], $0x80, v3, vm0, $0xb8;
	[tilespmem:$0x1D000] =	vst v63  }
0x55: {  	v3 =	vld [tilespmem:$0x2840];
	_ =	sdelay $0x4  }
0x56: {  	v60 =	vshll.u32 v3, $0x1  }
0x57: {  	v3 =	vand.u32 $0x7, v3;
	v4 =	vand.u32 $0xFFFFFFF0, v60  }
0x58: {  	v3 =	vor.u32 v3, v4  }
0x59: {  	v4 =	vperm.xlane v3, v0;
	_ =	sdelay $0x1  }
0x5a: {  	v3 =	vperm.xlane v3, v2;
	v4 =	vadd.s32 v1, v4;
	_ =	sdelay $0x1  }
0x5b: {  	v3 =	vadd.s32 v1, v3;
	_ =	sdelay $0x2  }
0x5c: {  	[tilespmem:s24], [sflag:$0x1] =	stream.indirect_vreg.gather [hbm4b:s4+s3], $0x80, v4, vm0, $0xb8;
	[tilespmem:$0x1D000] =	vst v63  }
0x5d: {  	_ = 	snop  }
0x5e: {  	[tilespmem:s25], [sflag:$0x1] =	stream.indirect_vreg.gather [hbm4b:s4+s3], $0x80, v3, vm0, $0xb8;
	[tilespmem:$0x1D000] =	vst v63  }
0x5f: {  	v3 =	vld [tilespmem:$0x2850];
	_ =	sdelay $0x4  }
0x60: {  	v61 =	vshll.u32 v3, $0x1  }
0x61: {  	v3 =	vand.u32 $0x7, v3;
	v4 =	vand.u32 $0xFFFFFFF0, v61  }
0x62: {  	v3 =	vor.u32 v3, v4  }
0x63: {  	v4 =	vperm.xlane v3, v0;
	_ =	sdelay $0x1  }
0x64: {  	v3 =	vperm.xlane v3, v2;
	v4 =	vadd.s32 v1, v4;
	_ =	sdelay $0x1  }
0x65: {  	v3 =	vadd.s32 v1, v3;
	_ =	sdelay $0x2  }
0x66: {  	[tilespmem:s26], [sflag:$0x1] =	stream.indirect_vreg.gather [hbm4b:s4+s3], $0x80, v4, vm0, $0xb8;
	[tilespmem:$0x1D000] =	vst v63  }
0x67: {  	_ = 	snop  }
0x68: {  	[tilespmem:s28], [sflag:$0x1] =	stream.indirect_vreg.gather [hbm4b:s4+s3], $0x80, v3, vm0, $0xb8;
	[tilespmem:$0x1D000] =	vst v63  }
0x69: {  	v3 =	vld [tilespmem:$0x2860];
	_ =	sdelay $0x4  }
0x6a: {  	v62 =	vshll.u32 v3, $0x1  }
0x6b: {  	v3 =	vand.u32 $0x7, v3;
	v4 =	vand.u32 $0xFFFFFFF0, v62  }
0x6c: {  	v3 =	vor.u32 v3, v4  }
0x6d: {  	v4 =	vperm.xlane v3, v0;
	_ =	sdelay $0x1  }
0x6e: {  	v3 =	vperm.xlane v3, v2;
	v4 =	vadd.s32 v1, v4;
	_ =	sdelay $0x1  }
0x6f: {  	v3 =	vadd.s32 v1, v3;
	_ =	sdelay $0x2  }
0x70: {  	[tilespmem:s29], [sflag:$0x1] =	stream.indirect_vreg.gather [hbm4b:s4+s3], $0x80, v4, vm0, $0xb8;
	[tilespmem:$0x1D000] =	vst v63  }
0x71: {  	_ = 	snop  }
0x72: {  	[tilespmem:s30], [sflag:$0x1] =	stream.indirect_vreg.gather [hbm4b:s4+s3], $0x80, v3, vm0, $0xb8;
	[tilespmem:$0x1D000] =	vst v63  }
0x73: {  	v3 =	vld [tilespmem:$0x2870];
	_ =	sdelay $0x4  }
0x74: {  	v63 =	vshll.u32 v3, $0x1  }
0x75: {  	v3 =	vand.u32 $0x7, v3;
	v4 =	vand.u32 $0xFFFFFFF0, v63  }
0x76: {  	v3 =	vor.u32 v3, v4  }
0x77: {  	v4 =	vperm.xlane v3, v0;
	_ =	sdelay $0x1  }
0x78: {  	v3 =	vperm.xlane v3, v2;
	v4 =	vadd.s32 v1, v4;
	_ =	sdelay $0x1  }
0x79: {  	v3 =	vadd.s32 v1, v3;
	_ =	sdelay $0x1  }
0x7a: {  	s11 =	rddreg [dreg:$0x18]  }
0x7b: {  	[tilespmem:s31], [sflag:$0x1] =	stream.indirect_vreg.gather [hbm4b:s4+s3], $0x80, v4, vm0, $0xb8;
	[tilespmem:$0x1D000] =	vst v63  }
0x7c: {  	s12 =	simm.s32 $0x0;
	s10 =	rddreg [dreg:$0x17]  }
0x7d: {  	[tilespmem:s1], [sflag:$0x1] =	stream.indirect_vreg.gather [hbm4b:s4+s3], $0x80, v3, vm0, $0xb8;
	[tilespmem:$0x1D000] =	vst v63  }
.LBB2_2:
0x7e: {  	s9 =	sshra.s32 s12, $0x2  }
0x7f: {  	s17 =	sadd.s32 $0x80, s9  }
0x80: {  	[tilespmem:s0], [sflag:$0x2] =	stream.indirect.gather [hbm4b:s2+s14], $0x80, s17, s14, $0xb8;
	[tilespmem:$0x1D000] =	vst v63  }
0x81: {  	v3 =	vld [tilespmem:s9+$0x2880];
	_ =	sdelay $0x4  }
0x82: {  	v4 =	vshll.u32 v3, $0x1  }
0x83: {  	v3 =	vand.u32 $0x7, v3;
	v4 =	vand.u32 $0xFFFFFFF0, v4  }
0x84: {  	v3 =	vor.u32 v3, v4  }
0x85: {  	v4 =	vperm.xlane v3, v0;
	_ =	sdelay $0x1  }
0x86: {  	v3 =	vperm.xlane v3, v2;
	v4 =	vadd.s32 v1, v4;
	_ =	sdelay $0x1  }
0x87: {  	v3 =	vadd.s32 v1, v3;
	_ =	sdelay $0x2  }
0x88: {  	[tilespmem:s13], [sflag:$0x2] =	stream.indirect_vreg.gather [hbm4b:s4+s3], $0x80, v4, vm0, $0xb8;
	[tilespmem:$0x1D000] =	vst v63  }
0x89: {  	s18 =	rddreg [dreg:$0x3]  }
0x8a: {  	[tilespmem:s18], [sflag:$0x2] =	stream.indirect_vreg.gather [hbm4b:s4+s3], $0x80, v3, vm0, $0xb8;
	[tilespmem:$0x1D000] =	vst v63  }
0x8b: {  	v3 =	vld [tilespmem:s9+$0x2890];
	_ =	sdelay $0x4  }
0x8c: {  	v49 =	vshll.u32 v3, $0x1  }
0x8d: {  	v3 =	vand.u32 $0x7, v3;
	v4 =	vand.u32 $0xFFFFFFF0, v49  }
0x8e: {  	v3 =	vor.u32 v3, v4  }
0x8f: {  	v4 =	vperm.xlane v3, v0;
	_ =	sdelay $0x1  }
0x90: {  	v3 =	vperm.xlane v3, v2;
	v4 =	vadd.s32 v1, v4;
	_ =	sdelay $0x1  }
0x91: {  	v3 =	vadd.s32 v1, v3;
	_ =	sdelay $0x1  }
0x92: {  	s17 =	rddreg [dreg:$0x4]  }
0x93: {  	[tilespmem:s17], [sflag:$0x2] =	stream.indirect_vreg.gather [hbm4b:s4+s3], $0x80, v4, vm0, $0xb8;
	[tilespmem:$0x1D000] =	vst v63  }
0x94: {  	s18 =	rddreg [dreg:$0x5]  }
0x95: {  	[tilespmem:s18], [sflag:$0x2] =	stream.indirect_vreg.gather [hbm4b:s4+s3], $0x80, v3, vm0, $0xb8;
	[tilespmem:$0x1D000] =	vst v63  }
0x96: {  	v3 =	vld [tilespmem:s9+$0x28A0];
	_ =	sdelay $0x4  }
0x97: {  	v50 =	vshll.u32 v3, $0x1  }
0x98: {  	v3 =	vand.u32 $0x7, v3;
	v4 =	vand.u32 $0xFFFFFFF0, v50  }
0x99: {  	v3 =	vor.u32 v3, v4  }
0x9a: {  	v4 =	vperm.xlane v3, v0;
	_ =	sdelay $0x1  }
0x9b: {  	v3 =	vperm.xlane v3, v2;
	v4 =	vadd.s32 v1, v4;
	_ =	sdelay $0x1  }
0x9c: {  	v3 =	vadd.s32 v1, v3;
	_ =	sdelay $0x1  }
0x9d: {  	s17 =	rddreg [dreg:$0x6]  }
0x9e: {  	[tilespmem:s17], [sflag:$0x2] =	stream.indirect_vreg.gather [hbm4b:s4+s3], $0x80, v4, vm0, $0xb8;
	[tilespmem:$0x1D000] =	vst v63  }
0x9f: {  	s18 =	rddreg [dreg:$0x7]  }
0xa0: {  	[tilespmem:s18], [sflag:$0x2] =	stream.indirect_vreg.gather [hbm4b:s4+s3], $0x80, v3, vm0, $0xb8;
	[tilespmem:$0x1D000] =	vst v63  }
0xa1: {  	v3 =	vld [tilespmem:s9+$0x28B0];
	_ =	sdelay $0x4  }
0xa2: {  	v51 =	vshll.u32 v3, $0x1  }
0xa3: {  	v3 =	vand.u32 $0x7, v3;
	v4 =	vand.u32 $0xFFFFFFF0, v51  }
0xa4: {  	v3 =	vor.u32 v3, v4  }
0xa5: {  	v4 =	vperm.xlane v3, v0;
	_ =	sdelay $0x1  }
0xa6: {  	v3 =	vperm.xlane v3, v2;
	v4 =	vadd.s32 v1, v4;
	_ =	sdelay $0x1  }
0xa7: {  	v3 =	vadd.s32 v1, v3;
	_ =	sdelay $0x1  }
0xa8: {  	s17 =	rddreg [dreg:$0x8]  }
0xa9: {  	[tilespmem:s17], [sflag:$0x2] =	stream.indirect_vreg.gather [hbm4b:s4+s3], $0x80, v4, vm0, $0xb8;
	[tilespmem:$0x1D000] =	vst v63  }
0xaa: {  	s18 =	rddreg [dreg:$0x9]  }
0xab: {  	[tilespmem:s18], [sflag:$0x2] =	stream.indirect_vreg.gather [hbm4b:s4+s3], $0x80, v3, vm0, $0xb8;
	[tilespmem:$0x1D000] =	vst v63  }
0xac: {  	v3 =	vld [tilespmem:s9+$0x28C0];
	_ =	sdelay $0x4  }
0xad: {  	v52 =	vshll.u32 v3, $0x1  }
0xae: {  	v3 =	vand.u32 $0x7, v3;
	v4 =	vand.u32 $0xFFFFFFF0, v52  }
0xaf: {  	v3 =	vor.u32 v3, v4  }
0xb0: {  	v4 =	vperm.xlane v3, v0;
	_ =	sdelay $0x1  }
0xb1: {  	v3 =	vperm.xlane v3, v2;
	v4 =	vadd.s32 v1, v4;
	_ =	sdelay $0x1  }
0xb2: {  	v3 =	vadd.s32 v1, v3;
	_ =	sdelay $0x1  }
0xb3: {  	s17 =	rddreg [dreg:$0xa]  }
0xb4: {  	[tilespmem:s17], [sflag:$0x2] =	stream.indirect_vreg.gather [hbm4b:s4+s3], $0x80, v4, vm0, $0xb8;
	[tilespmem:$0x1D000] =	vst v63  }
0xb5: {  	s18 =	rddreg [dreg:$0xb]  }
0xb6: {  	[tilespmem:s18], [sflag:$0x2] =	stream.indirect_vreg.gather [hbm4b:s4+s3], $0x80, v3, vm0, $0xb8;
	[tilespmem:$0x1D000] =	vst v63  }
0xb7: {  	v3 =	vld [tilespmem:s9+$0x28D0];
	_ =	sdelay $0x4  }
0xb8: {  	v53 =	vshll.u32 v3, $0x1  }
0xb9: {  	v3 =	vand.u32 $0x7, v3;
	v4 =	vand.u32 $0xFFFFFFF0, v53  }
0xba: {  	v3 =	vor.u32 v3, v4  }
0xbb: {  	v4 =	vperm.xlane v3, v0;
	_ =	sdelay $0x1  }
0xbc: {  	v3 =	vperm.xlane v3, v2;
	v4 =	vadd.s32 v1, v4;
	_ =	sdelay $0x1  }
0xbd: {  	v3 =	vadd.s32 v1, v3;
	_ =	sdelay $0x1  }
0xbe: {  	s17 =	rddreg [dreg:$0xc]  }
0xbf: {  	[tilespmem:s17], [sflag:$0x2] =	stream.indirect_vreg.gather [hbm4b:s4+s3], $0x80, v4, vm0, $0xb8;
	[tilespmem:$0x1D000] =	vst v63  }
0xc0: {  	s18 =	rddreg [dreg:$0xd]  }
0xc1: {  	[tilespmem:s18], [sflag:$0x2] =	stream.indirect_vreg.gather [hbm4b:s4+s3], $0x80, v3, vm0, $0xb8;
	[tilespmem:$0x1D000] =	vst v63  }
0xc2: {  	v3 =	vld [tilespmem:s9+$0x28E0];
	_ =	sdelay $0x4  }
0xc3: {  	v54 =	vshll.u32 v3, $0x1  }
0xc4: {  	v3 =	vand.u32 $0x7, v3;
	v4 =	vand.u32 $0xFFFFFFF0, v54  }
0xc5: {  	v3 =	vor.u32 v3, v4  }
0xc6: {  	v4 =	vperm.xlane v3, v0;
	_ =	sdelay $0x1  }
0xc7: {  	v3 =	vperm.xlane v3, v2;
	v4 =	vadd.s32 v1, v4;
	_ =	sdelay $0x1  }
0xc8: {  	v3 =	vadd.s32 v1, v3;
	_ =	sdelay $0x1  }
0xc9: {  	s17 =	rddreg [dreg:$0xe]  }
0xca: {  	[tilespmem:s17], [sflag:$0x2] =	stream.indirect_vreg.gather [hbm4b:s4+s3], $0x80, v4, vm0, $0xb8;
	[tilespmem:$0x1D000] =	vst v63  }
0xcb: {  	s18 =	rddreg [dreg:$0xf]  }
0xcc: {  	[tilespmem:s18], [sflag:$0x2] =	stream.indirect_vreg.gather [hbm4b:s4+s3], $0x80, v3, vm0, $0xb8;
	[tilespmem:$0x1D000] =	vst v63  }
0xcd: {  	v3 =	vld [tilespmem:s9+$0x28F0];
	_ =	sdelay $0x4  }
0xce: {  	v55 =	vshll.u32 v3, $0x1  }
0xcf: {  	v3 =	vand.u32 $0x7, v3;
	v4 =	vand.u32 $0xFFFFFFF0, v55  }
0xd0: {  	v3 =	vor.u32 v3, v4  }
0xd1: {  	v4 =	vperm.xlane v3, v0;
	_ =	sdelay $0x1  }
0xd2: {  	v3 =	vperm.xlane v3, v2;
	v4 =	vadd.s32 v1, v4;
	_ =	sdelay $0x1  }
0xd3: {  	v3 =	vadd.s32 v1, v3;
	_ =	sdelay $0x1  }
0xd4: {  	s17 =	rddreg [dreg:$0x10]  }
0xd5: {  	[tilespmem:s17], [sflag:$0x2] =	stream.indirect_vreg.gather [hbm4b:s4+s3], $0x80, v4, vm0, $0xb8;
	[tilespmem:$0x1D000] =	vst v63  }
0xd6: {  	s18 =	rddreg [dreg:$0x11]  }
0xd7: {  	[tilespmem:s18], [sflag:$0x2] =	stream.indirect_vreg.gather [hbm4b:s4+s3], $0x80, v3, vm0, $0xb8;
	[tilespmem:$0x1D000] =	vst v63  }
0xd8: {  	_ =	swait.ge [sflag:s5], $0x4000  }
0xd9: {  	[sflag:s5] =	ssyncset.done $0x0  }
0xda: {  	[sflag:s5] =	ssyncadd.s32 $0xFFFFC000  }
0xdb: {  	_ =	swait.ge [sflag:s5], $0x8000  }
0xdc: {  	[sflag:s5] =	ssyncset.done $0x0  }
0xdd: {  	[sflag:s5] =	ssyncadd.s32 $0xFFFF8000  }
0xde: {  	[hbm4b:s11+s3] =	stream.linear.scatter [tilespmem:s15], [sflag:$0x3], $0x4000, $0x38;
	[tilespmem:$0x1D000] =	vst v63  }
0xdf: {  	_ = 	snop  }
0xe0: {  	[hbm4b:s10+s3] =	stream.linear.scatter [tilespmem:s16], [sflag:$0x3], $0x8000, $0x38;
	[tilespmem:$0x1D000] =	vst v63  }
0xe1: {  	_ =	swait.ge [sflag:s6], $0x4000  }
0xe2: {  	[sflag:s6] =	ssyncset.done $0x0  }
0xe3: {  	[sflag:s6] =	ssyncadd.s32 $0xFFFFC000  }
0xe4: {  	_ =	swait.ge [sflag:s6], $0x8000  }
0xe5: {  	[sflag:s6] =	ssyncset.done $0x0  }
0xe6: {  	s17 =	sadd.s32 $0x800, s11;
	[sflag:s6] =	ssyncadd.s32 $0xFFFF8000  }
0xe7: {  	[hbm4b:s17+s3] =	stream.linear.scatter [tilespmem:s0], [sflag:$0x4], $0x4000, $0x38;
	[tilespmem:$0x1D000] =	vst v63  }
0xe8: {  	s17 =	sadd.s32 $0x1000, s10  }
0xe9: {  	[hbm4b:s17+s3] =	stream.linear.scatter [tilespmem:s13], [sflag:$0x4], $0x8000, $0x38;
	[tilespmem:$0x1D000] =	vst v63  }
0xea: {  	_ =	swait.ge [sflag:s7], $0x4000  }
0xeb: {  	[sflag:s7] =	ssyncset.done $0x0  }
0xec: {  	[sflag:s7] =	ssyncadd.s32 $0xFFFFC000  }
0xed: {  	_ =	swait.ge [sflag:s7], $0x8000  }
0xee: {  	[sflag:s7] =	ssyncset.done $0x0  }
0xef: {  	s17 =	sadd.s32 $0x100, s9;
	[sflag:s7] =	ssyncadd.s32 $0xFFFF8000  }
0xf0: {  	[tilespmem:s15], [sflag:$0x1] =	stream.indirect.gather [hbm4b:s2+s14], $0x80, s17, s14, $0xb8;
	[tilespmem:$0x1D000] =	vst v63  }
0xf1: {  	v3 =	vld [tilespmem:s9+$0x2900];
	_ =	sdelay $0x4  }
0xf2: {  	v56 =	vshll.u32 v3, $0x1  }
0xf3: {  	v3 =	vand.u32 $0x7, v3;
	v4 =	vand.u32 $0xFFFFFFF0, v56  }
0xf4: {  	v3 =	vor.u32 v3, v4  }
0xf5: {  	v4 =	vperm.xlane v3, v0;
	_ =	sdelay $0x1  }
0xf6: {  	v3 =	vperm.xlane v3, v2;
	v4 =	vadd.s32 v1, v4;
	_ =	sdelay $0x1  }
0xf7: {  	v3 =	vadd.s32 v1, v3;
	_ =	sdelay $0x2  }
0xf8: {  	[tilespmem:s16], [sflag:$0x1] =	stream.indirect_vreg.gather [hbm4b:s4+s3], $0x80, v4, vm0, $0xb8;
	[tilespmem:$0x1D000] =	vst v63  }
0xf9: {  	s17 =	simm.s32 $0xD800  }
0xfa: {  	[tilespmem:s17], [sflag:$0x1] =	stream.indirect_vreg.gather [hbm4b:s4+s3], $0x80, v3, vm0, $0xb8;
	[tilespmem:$0x1D000] =	vst v63  }
0xfb: {  	v3 =	vld [tilespmem:s9+$0x2910];
	_ =	sdelay $0x4  }
0xfc: {  	v57 =	vshll.u32 v3, $0x1  }
0xfd: {  	v3 =	vand.u32 $0x7, v3;
	v4 =	vand.u32 $0xFFFFFFF0, v57  }
0xfe: {  	v3 =	vor.u32 v3, v4  }
0xff: {  	v4 =	vperm.xlane v3, v0;
	_ =	sdelay $0x1  }
0x100: {  	v3 =	vperm.xlane v3, v2;
	v4 =	vadd.s32 v1, v4;
	_ =	sdelay $0x1  }
0x101: {  	v3 =	vadd.s32 v1, v3;
	_ =	sdelay $0x1  }
0x102: {  	s18 =	simm.s32 $0xE000  }
0x103: {  	[tilespmem:s18], [sflag:$0x1] =	stream.indirect_vreg.gather [hbm4b:s4+s3], $0x80, v4, vm0, $0xb8;
	[tilespmem:$0x1D000] =	vst v63  }
0x104: {  	_ = 	snop  }
0x105: {  	[tilespmem:s19], [sflag:$0x1] =	stream.indirect_vreg.gather [hbm4b:s4+s3], $0x80, v3, vm0, $0xb8;
	[tilespmem:$0x1D000] =	vst v63  }
0x106: {  	v3 =	vld [tilespmem:s9+$0x2920];
	_ =	sdelay $0x4  }
0x107: {  	v58 =	vshll.u32 v3, $0x1  }
0x108: {  	v3 =	vand.u32 $0x7, v3;
	v4 =	vand.u32 $0xFFFFFFF0, v58  }
0x109: {  	v3 =	vor.u32 v3, v4  }
0x10a: {  	v4 =	vperm.xlane v3, v0;
	_ =	sdelay $0x1  }
0x10b: {  	v3 =	vperm.xlane v3, v2;
	v4 =	vadd.s32 v1, v4;
	_ =	sdelay $0x1  }
0x10c: {  	v3 =	vadd.s32 v1, v3;
	_ =	sdelay $0x2  }
0x10d: {  	[tilespmem:s20], [sflag:$0x1] =	stream.indirect_vreg.gather [hbm4b:s4+s3], $0x80, v4, vm0, $0xb8;
	[tilespmem:$0x1D000] =	vst v63  }
0x10e: {  	_ = 	snop  }
0x10f: {  	[tilespmem:s21], [sflag:$0x1] =	stream.indirect_vreg.gather [hbm4b:s4+s3], $0x80, v3, vm0, $0xb8;
	[tilespmem:$0x1D000] =	vst v63  }
0x110: {  	v3 =	vld [tilespmem:s9+$0x2930];
	_ =	sdelay $0x4  }
0x111: {  	v59 =	vshll.u32 v3, $0x1  }
0x112: {  	v3 =	vand.u32 $0x7, v3;
	v4 =	vand.u32 $0xFFFFFFF0, v59  }
0x113: {  	v3 =	vor.u32 v3, v4  }
0x114: {  	v4 =	vperm.xlane v3, v0;
	_ =	sdelay $0x1  }
0x115: {  	v3 =	vperm.xlane v3, v2;
	v4 =	vadd.s32 v1, v4;
	_ =	sdelay $0x1  }
0x116: {  	v3 =	vadd.s32 v1, v3;
	_ =	sdelay $0x2  }
0x117: {  	[tilespmem:s22], [sflag:$0x1] =	stream.indirect_vreg.gather [hbm4b:s4+s3], $0x80, v4, vm0, $0xb8;
	[tilespmem:$0x1D000] =	vst v63  }
0x118: {  	_ = 	snop  }
0x119: {  	[tilespmem:s23], [sflag:$0x1] =	stream.indirect_vreg.gather [hbm4b:s4+s3], $0x80, v3, vm0, $0xb8;
	[tilespmem:$0x1D000] =	vst v63  }
0x11a: {  	v3 =	vld [tilespmem:s9+$0x2940];
	_ =	sdelay $0x4  }
0x11b: {  	v60 =	vshll.u32 v3, $0x1  }
0x11c: {  	v3 =	vand.u32 $0x7, v3;
	v4 =	vand.u32 $0xFFFFFFF0, v60  }
0x11d: {  	v3 =	vor.u32 v3, v4  }
0x11e: {  	v4 =	vperm.xlane v3, v0;
	_ =	sdelay $0x1  }
0x11f: {  	v3 =	vperm.xlane v3, v2;
	v4 =	vadd.s32 v1, v4;
	_ =	sdelay $0x1  }
0x120: {  	v3 =	vadd.s32 v1, v3;
	_ =	sdelay $0x2  }
0x121: {  	[tilespmem:s24], [sflag:$0x1] =	stream.indirect_vreg.gather [hbm4b:s4+s3], $0x80, v4, vm0, $0xb8;
	[tilespmem:$0x1D000] =	vst v63  }
0x122: {  	_ = 	snop  }
0x123: {  	[tilespmem:s25], [sflag:$0x1] =	stream.indirect_vreg.gather [hbm4b:s4+s3], $0x80, v3, vm0, $0xb8;
	[tilespmem:$0x1D000] =	vst v63  }
0x124: {  	v3 =	vld [tilespmem:s9+$0x2950];
	_ =	sdelay $0x4  }
0x125: {  	v61 =	vshll.u32 v3, $0x1  }
0x126: {  	v3 =	vand.u32 $0x7, v3;
	v4 =	vand.u32 $0xFFFFFFF0, v61  }
0x127: {  	v3 =	vor.u32 v3, v4  }
0x128: {  	v4 =	vperm.xlane v3, v0;
	_ =	sdelay $0x1  }
0x129: {  	v3 =	vperm.xlane v3, v2;
	v4 =	vadd.s32 v1, v4;
	_ =	sdelay $0x1  }
0x12a: {  	v3 =	vadd.s32 v1, v3;
	_ =	sdelay $0x2  }
0x12b: {  	[tilespmem:s26], [sflag:$0x1] =	stream.indirect_vreg.gather [hbm4b:s4+s3], $0x80, v4, vm0, $0xb8;
	[tilespmem:$0x1D000] =	vst v63  }
0x12c: {  	_ = 	snop  }
0x12d: {  	[tilespmem:s28], [sflag:$0x1] =	stream.indirect_vreg.gather [hbm4b:s4+s3], $0x80, v3, vm0, $0xb8;
	[tilespmem:$0x1D000] =	vst v63  }
0x12e: {  	v3 =	vld [tilespmem:s9+$0x2960];
	_ =	sdelay $0x4  }
0x12f: {  	v62 =	vshll.u32 v3, $0x1  }
0x130: {  	v3 =	vand.u32 $0x7, v3;
	v4 =	vand.u32 $0xFFFFFFF0, v62  }
0x131: {  	v3 =	vor.u32 v3, v4  }
0x132: {  	v4 =	vperm.xlane v3, v0;
	_ =	sdelay $0x1  }
0x133: {  	v3 =	vperm.xlane v3, v2;
	v4 =	vadd.s32 v1, v4;
	_ =	sdelay $0x1  }
0x134: {  	v3 =	vadd.s32 v1, v3;
	_ =	sdelay $0x2  }
0x135: {  	[tilespmem:s29], [sflag:$0x1] =	stream.indirect_vreg.gather [hbm4b:s4+s3], $0x80, v4, vm0, $0xb8;
	[tilespmem:$0x1D000] =	vst v63  }
0x136: {  	_ = 	snop  }
0x137: {  	[tilespmem:s30], [sflag:$0x1] =	stream.indirect_vreg.gather [hbm4b:s4+s3], $0x80, v3, vm0, $0xb8;
	[tilespmem:$0x1D000] =	vst v63  }
0x138: {  	v3 =	vld [tilespmem:s9+$0x2970];
	_ =	sdelay $0x4  }
0x139: {  	v63 =	vshll.u32 v3, $0x1  }
0x13a: {  	v3 =	vand.u32 $0x7, v3;
	v4 =	vand.u32 $0xFFFFFFF0, v63  }
0x13b: {  	v3 =	vor.u32 v3, v4  }
0x13c: {  	v4 =	vperm.xlane v3, v0;
	_ =	sdelay $0x1  }
0x13d: {  	v3 =	vperm.xlane v3, v2;
	v4 =	vadd.s32 v1, v4;
	_ =	sdelay $0x1  }
0x13e: {  	v3 =	vadd.s32 v1, v3;
	_ =	sdelay $0x2  }
0x13f: {  	[tilespmem:s31], [sflag:$0x1] =	stream.indirect_vreg.gather [hbm4b:s4+s3], $0x80, v4, vm0, $0xb8;
	[tilespmem:$0x1D000] =	vst v63  }
0x140: {  	_ = 	snop  }
0x141: {  	[tilespmem:s1], [sflag:$0x1] =	stream.indirect_vreg.gather [hbm4b:s4+s3], $0x80, v3, vm0, $0xb8;
	[tilespmem:$0x1D000] =	vst v63  }
0x142: {  	p0 =	sne.s32 s12, $0x9800;
	_ =	swait.ge [sflag:s8], $0x4000  }
.Ltmp0:
0x143: {  	[sflag:s8] =	ssyncset.done $0x0;
	(pc) =	sbr.rel @p0 .LBB2_2-.Ltmp0, $4  }
0x144: {  	[sflag:s8] =	ssyncadd.s32 $0xFFFFC000  }
0x145: {  	_ =	swait.ge [sflag:s8], $0x8000  }
0x146: {  	s12 =	sadd.s32 $0x400, s12;
	[sflag:s8] =	ssyncset.done $0x0  }
0x147: {  	s11 =	sadd.s32 $0x1000, s11;
	s10 =	sadd.s32 $0x2000, s10;
	[sflag:s8] =	ssyncadd.s32 $0xFFFF8000  }
0x148: {  	_ =	swait.ge [sflag:s5], $0x4000  }
0x149: {  	[sflag:s5] =	ssyncset.done $0x0  }
0x14a: {  	[sflag:s5] =	ssyncadd.s32 $0xFFFFC000  }
0x14b: {  	_ =	swait.ge [sflag:s5], $0x8000  }
0x14c: {  	[sflag:s5] =	ssyncset.done $0x0  }
0x14d: {  	s9 =	rddreg [dreg:$0x14];
	[sflag:s5] =	ssyncadd.s32 $0xFFFF8000  }
0x14e: {  	[hbm4b:s9+s3] =	stream.linear.scatter [tilespmem:s15], [sflag:$0x3], $0x4000, $0x38;
	[tilespmem:$0x1D000] =	vst v63  }
0x14f: {  	s11 =	rddreg [dreg:$0x15]  }
0x150: {  	[hbm4b:s11+s3] =	stream.linear.scatter [tilespmem:s16], [sflag:$0x3], $0x8000, $0x38;
	[tilespmem:$0x1D000] =	vst v63  }
0x151: {  	_ =	swait.ge [sflag:s7], $0x4000  }
0x152: {  	[sflag:s7] =	ssyncset.done $0x0  }
0x153: {  	[sflag:s7] =	ssyncadd.s32 $0xFFFFC000  }
0x154: {  	_ =	swait.ge [sflag:s7], $0x8000  }
0x155: {  	s10 =	rddreg [dreg:$0x19]  }
0x156: {  	s12 =	rddreg [dreg:$0x16];
	s10 =	sadd.s32 $0x1, s10  }
0x157: {  	p0 =	sne.s32 s10, s12  }
.Ltmp1:
0x158: {  	_ = 	snop;
	(pc) =	sbr.rel @p0 .LBB2_1-.Ltmp1, $3  }
0x159: {  	_ =	sdelay $0x1  }
0x15a: {  	[sflag:s7] =	ssyncset.done $0x0  }
0x15b: {  	[sflag:s7] =	ssyncadd.s32 $0xFFFF8000  }
0x15c: {  	_ =	sfence.sel $0x180000  }
0x15d: {  	[bflag:$0x0] =	sbarrier.arrive $0xFFFF  }
0x15e: {  	_ =	strace $0x90000047  }
0x15f: {  	s0 =	stileid.u32;
	[bflag:$0x2] =	sbarrier.arrive $0xFFFF  }
0x160: {  	p0 =	sne.s32 s0, $0x0;
	s0 =	rddreg [dreg:$0x2]  }
0x161: {  	s0 =	sadd.s32 @!p0 $0x100000, s0  }
0x162: {  	[sflag:s0] =	ssyncadd.tile.s32 @!p0 $0x1;
	_ =	shalt  }
.Lfunc_end2:
_tile_overlayer_lowered:
.L_overlay_start_2:
0x163: {  	(tag) =	ssettag $0x2  }
0x164: {  	s0 =	rddreg [dreg:$0x0];
	s2 =	stileid.u32  }
0x165: {  	s1 =	rddreg [dreg:$0x1];
	p0 =	sne.s32 s2, $0x0  }
0x166: {  	s3 =	rddreg [dreg:$0x2];
	[bflag:$0x3] =	sbarrier.arrive $0xFFFF;
	s2 =	simm.s32 @!p0 $0x1C05  }
0x167: {  	[timem:s3], [sflag:s2] =	dma.local @!p0 [hbm:s0], s1  }
0x168: {  	s0 =	simm.s32 @!p0 $0x5  }
0x169: {  	_ =	swait.ge @!p0 [sflag:s0], s1  }
0x16a: {  	s1 =	ssub.s32 @!p0 $0x0, s1;
	[sflag:s0] =	ssyncset.done @!p0 $0x0  }
0x16b: {  	[sflag:s0] =	ssyncadd.s32 @!p0 s1  }
0x16c: {  	[bflag:$0x3] =	sbarrier.arrive $0xFFFF  }
0x16d: {  	_ =	shalt  }

// kernel: kernel.20.cloned.1.call-start
scs
__scs_entry_jumppad:
0x0: {  	(pc) =	sbr.rel $0x88, $3  }
0x1: {  	(tag) =	ssettag $0x0;
	lr =	simm.s32 $0x1  }
0x2: {  	[smem:$0x3F4F] =	sst lr;
	_ =	strace $0xD0000000  }
0x3: {  	_ = 	snop  }
0x4: {  	_ = 	snop  }
0x5: {  	_ = 	snop  }
0x6: {  	_ = 	snop  }
0x7: {  	_ = 	snop  }
__scs_overlays_trampoline_lowered:
0x8: {  	[smem:$0x3F5E] =	sst s0  }
0x9: {  	[smem:$0x3F5F] =	sst s1  }
0xa: {  	[smem:$0x3F60] =	sst s2  }
0xb: {  	[smem:$0x3F61] =	sst s3  }
0xc: {  	[smem:$0x3F62] =	sst s4  }
0xd: {  	[smem:$0x3F63] =	sst s5  }
0xe: {  	[smem:$0x3F64] =	sst s6  }
0xf: {  	[smem:$0x3F65] =	sst s7  }
0x10: {  	[smem:$0x3F66] =	sst s8  }
0x11: {  	[smem:$0x3F67] =	sst s9;
	s0 =	simm.s32 @!p0 $0x0  }
0x12: {  	s1 =	sld [smem:$0x3F4D];
	s0 =	simm.s32 @p0 $0x1  }
0x13: {  	[smem:$0x3F68] =	sst s0;
	s0 =	simm.s32 @!p1 $0x0  }
0x14: {  	s2 =	sld [smem:$0x3F4C];
	s0 =	simm.s32 @p1 $0x1  }
0x15: {  	[smem:$0x3F69] =	sst s0;
	s0 =	simm.s32 @!p2 $0x0  }
0x16: {  	s3 =	sld [smem:$0x3FDB];
	s0 =	simm.s32 @p2 $0x1  }
0x17: {  	s4 =	simm.s32 $0x1BF5;
	[smem:$0x3F6B] =	sst s0  }
0x18: {  	s0 =	sld [smem:$0x3F4E];
	_ =	swait.ge [sflag:s4], $0x0  }
0x19: {  	s7 =	sld [smem:$0x3F4F]  }
0x1a: {  	s8 =	sadd.s32 $0xFFFFE003, lr  }
0x1b: {  	s9 =	sadd.s32 $0xFFFFFEF7, lr;
	s5 =	simm.s32 $0xFFFFFFFF;
	p2 =	slt.u32 s8, $0xFFFFF086  }
0x1c: {  	p1 =	slt.u32 s9, $0xF7A;
	s5 =	simm.s32 @!p2 $0x0  }
0x1d: {  	s5 =	simm.s32 @p1 $0x1;
	p0 =	seq.s32 s7, s2  }
0x1e: {  	s7 =	smul.u32 @!p0 $0xF7A, s2;
	p2 =	seq.s32 @!p0 s5, $0x0  }
0x1f: {  	s9 =	smul.u32 $0xF7A, s1;
	s8 =	simm.s32 @!p0 $0x1BF5;
	p2 =	por !p2, p0  }
0x20: {  	[sflag:s8] =	ssyncset.s32 @!p0 $0xFFFFF086;
	s6 =	sadd.s32 @!p0 s3, s7;
	s7 =	simm.s32 @!p0 $0x108  }
0x21: {  	s3 =	sadd.s32 s3, s9;
	s6 =	sadd.s32 @!p0 $0x88, s6;
	s7 =	simm.s32 @p2 $0x1082  }
0x22: {  	[simem:s7], [sflag:s8] =	dma.local @!p0 [hbm:s6], $0xF7A  }
0x23: {  	s9 =	sor.u32 $0xD0000000, s2;
	s6 =	simm.s32 $0x108;
	_ =	swait.ge @!p0 [sflag:s8], $0x0  }
0x24: {  	s3 =	sadd.s32 $0x88, s3;
	s6 =	simm.s32 @!p1 $0x1082;
	[sflag:s4] =	ssyncset.s32 $0xFFFFF086  }
0x25: {  	[simem:s6], [sflag:s4] =	dma.local [hbm:s3], $0xF7A  }
0x26: {  	[smem:$0x3F4F] =	sst s1;
	(tag) =	ssettag s2;
	_ =	strace s9  }
0x27: {  	s1 =	sld [smem:$0x3F5F]  }
0x28: {  	s2 =	sld [smem:$0x3F60]  }
0x29: {  	s4 =	sld [smem:$0x3F62]  }
0x2a: {  	p0 =	seq.s32 s5, $0x0;
	s5 =	sld [smem:$0x3F63]  }
0x2b: {  	s6 =	sld [smem:$0x3F64]  }
0x2c: {  	s7 =	sld [smem:$0x3F65]  }
0x2d: {  	s3 =	simm.s32 $0x108;
	s8 =	sld [smem:$0x3F66]  }
0x2e: {  	s3 =	simm.s32 @!p0 $0x1082;
	s9 =	sld [smem:$0x3F67]  }
0x2f: {  	lr =	sadd.s32 s0, s3;
	s0 =	sld [smem:$0x3F5E]  }
0x30: {  	s3 =	sld [smem:$0x3F61]  }
0x31: {  	[smem:$0x3F6A] =	sst s10  }
0x32: {  	s10 =	sld [smem:$0x3F68];
	_ =	sdelay $0x3  }
0x33: {  	p0 =	seq.s32 s10, $0x1;
	s10 =	sld [smem:$0x3F6A];
	_ =	sdelay $0x3  }
0x34: {  	[smem:$0x3F6A] =	sst s10  }
0x35: {  	s10 =	sld [smem:$0x3F69];
	_ =	sdelay $0x3  }
0x36: {  	p1 =	seq.s32 s10, $0x1;
	s10 =	sld [smem:$0x3F6A];
	_ =	sdelay $0x3  }
0x37: {  	[smem:$0x3F6A] =	sst s10  }
0x38: {  	s10 =	sld [smem:$0x3F6B]  }
0x39: {  	_ = 	snop;
	(pc) =	sbr.ind lr, $3  }
0x3a: {  	_ = 	snop  }
0x3b: {  	_ = 	snop  }
0x3c: {  	p2 =	seq.s32 s10, $0x1;
	s10 =	sld [smem:$0x3F6A]  }
0x3d: {  	_ =	shalt  }
0x3e: {  	_ =	shalt  }
0x3f: {  	_ =	shalt  }
0x40: {  	_ =	shalt  }
0x41: {  	_ =	shalt  }
0x42: {  	_ =	shalt  }
0x43: {  	_ =	shalt  }
0x44: {  	_ =	shalt  }
0x45: {  	_ =	shalt  }
0x46: {  	_ =	shalt  }
0x47: {  	_ =	shalt  }
0x48: {  	_ =	shalt  }
0x49: {  	_ =	shalt  }
0x4a: {  	_ =	shalt  }
0x4b: {  	_ =	shalt  }
0x4c: {  	_ =	shalt  }
0x4d: {  	_ =	shalt  }
0x4e: {  	_ =	shalt  }
0x4f: {  	_ =	shalt  }
0x50: {  	_ =	shalt  }
0x51: {  	_ =	shalt  }
0x52: {  	_ =	shalt  }
0x53: {  	_ =	shalt  }
0x54: {  	_ =	shalt  }
0x55: {  	_ =	shalt  }
0x56: {  	_ =	shalt  }
0x57: {  	_ =	shalt  }
0x58: {  	_ =	shalt  }
0x59: {  	_ =	shalt  }
0x5a: {  	_ =	shalt  }
0x5b: {  	_ =	shalt  }
0x5c: {  	_ =	shalt  }
0x5d: {  	_ =	shalt  }
0x5e: {  	_ =	shalt  }
0x5f: {  	_ =	shalt  }
0x60: {  	_ =	shalt  }
0x61: {  	_ =	shalt  }
0x62: {  	_ =	shalt  }
0x63: {  	_ =	shalt  }
0x64: {  	_ =	shalt  }
0x65: {  	_ =	shalt  }
0x66: {  	_ =	shalt  }
0x67: {  	_ =	shalt  }
0x68: {  	_ =	shalt  }
0x69: {  	_ =	shalt  }
0x6a: {  	_ =	shalt  }
0x6b: {  	_ =	shalt  }
0x6c: {  	_ =	shalt  }
0x6d: {  	_ =	shalt  }
0x6e: {  	_ =	shalt  }
0x6f: {  	_ =	shalt  }
0x70: {  	_ =	shalt  }
0x71: {  	_ =	shalt  }
0x72: {  	_ =	shalt  }
0x73: {  	_ =	shalt  }
0x74: {  	_ =	shalt  }
0x75: {  	_ =	shalt  }
0x76: {  	_ =	shalt  }
0x77: {  	_ =	shalt  }
0x78: {  	_ =	shalt  }
0x79: {  	_ =	shalt  }
0x7a: {  	_ =	shalt  }
0x7b: {  	_ =	shalt  }
0x7c: {  	_ =	shalt  }
0x7d: {  	_ =	shalt  }
0x7e: {  	_ =	shalt  }
0x7f: {  	_ =	shalt  }
0x80: {  	_ =	shalt  }
0x81: {  	_ =	shalt  }
0x82: {  	_ =	shalt  }
0x83: {  	_ =	shalt  }
0x84: {  	_ =	shalt  }
0x85: {  	_ =	shalt  }
0x86: {  	_ =	shalt  }
0x87: {  	_ =	shalt  }
.Lfunc_end0:
.L_simem_size_0:
called_computation.1_lowered:
.L_overlay_start_0:
0x88: {  	s2 =	sld [smem:$0x3FD9]  }
0x89: {  	s3 =	sld [smem:$0x3FFE];
	_ =	sdelay $0x1  }
0x8a: {  	s1 =	srdreg.scid  }
0x8b: {  	s0 =	sand.u32 $0x1, s1  }
0x8c: {  	s17 =	sshll.u32 s0, $0xA;
	s2 =	sadd.s32 s3, s2  }
0x8d: {  	s2 =	sadd.s32 s2, s17  }
0x8e: {  	[smem:$0x3F76] =	sst s2  }
0x8f: {  	_ = 	snop  }
0x90: {  	(tm) =	ssettm $0x1  }
0x91: {  	s18 =	sld [smem:$0x3FFB];
	_ =	sdelay $0x3  }
0x92: {  	_ =	strace s18  }
0x93: {  	s2 =	sld [smem:$0x3FFC];
	_ =	sdelay $0x3  }
0x94: {  	_ =	strace s2  }
0x95: {  	s2 =	sld [smem:$0x3FFD];
	_ =	sdelay $0x3  }
0x96: {  	_ =	strace s2  }
0x97: {  	_ =	strace $0x8FFFFFFF  }
0x98: {  	s19 =	sld [smem:$0x3FDB];
	_ =	sdelay $0x1  }
0x99: {  	s20 =	simm.s32 $_scs_section_size  }
0x9a: {  	s4 =	simm.s32 $_size__tile_overlayer_lowered;
	s5 =	simm.s32 $_tile_overlayer_lowered  }
0x9b: {  	s6 =	simm.s32 $0x1BFF;
	s21 =	sshll.u32 s5, $0x1;
	s3 =	sadd.s32 s20, s19  }
0x9c: {  	s22 =	simm.s32 $0x0;
	s4 =	sshll.u32 s4, $0x1;
	s5 =	sadd.s32 s21, s3  }
0x9d: {  	[timem:s22], [sflag:s6] =	dma.local [hbm:s5], s4  }
0x9e: {  	_ =	swait.ge [sflag:s6], s4  }
0x9f: {  	s4 =	ssub.s32 $0x0, s4;
	[sflag:s6] =	ssyncset.done $0x0  }
0xa0: {  	[sflag:s6] =	ssyncadd.s32 s4;
	_ =	sdelay $0x1  }
0xa1: {  	s23 =	simm.s32 $0x1B8B  }
0xa2: {  	_ =	swait.ge [sflag:s23], $0x1  }
0xa3: {  	[sflag:s23] =	ssyncset.done $0x0  }
0xa4: {  	[sflag:s23] =	ssyncadd.s32 $0xFFFFFFFF  }
0xa5: {  	s4 =	sld [smem:$0x0]  }
0xa6: {  	s5 =	sand.u32 $0xFFFFFFFE, s1  }
0xa7: {  	p0 =	sne.s32 s1, s5  }
0xa8: {  	s5 =	sshll.u32 @p0 s5, $0xE  }
0xa9: {  	s5 =	sadd.s32 @p0 $0x11B8D, s5;
	s6 =	sshll.u32 @p0 s4, $0x11  }
0xaa: {  	s5 =	sor.u32 @p0 s6, s5  }
0xab: {  	[sflag:s5] =	ssyncadd.remote.s32 @p0 $0x1;
	_ =	sdelay $0x1  }
0xac: {  	s5 =	simm.s32 @p0 $0x1B8D  }
0xad: {  	_ =	swait.eq @p0 [sflag:s5], $0x1  }
0xae: {  	[sflag:s5] =	ssyncadd.s32 @p0 $0xFFFFFFFF  }
0xaf: {  	s6 =	sshll.u32 @!p0 s1, $0xE  }
0xb0: {  	s6 =	sor.u32 @!p0 $0x4000, s6;
	s5 =	simm.s32 @!p0 $0x1B8D  }
0xb1: {  	s4 =	sshll.u32 @!p0 s4, $0x11;
	s6 =	sadd.s32 @!p0 $0x11B8D, s6;
	_ =	swait.eq @!p0 [sflag:s5], $0x1  }
0xb2: {  	s4 =	sor.u32 @!p0 s4, s6;
	[sflag:s5] =	ssyncadd.s32 @!p0 $0xFFFFFFFF  }
0xb3: {  	s25 =	simm.s32 $0x1B8E;
	s24 =	sld [smem:$0x3FFE];
	[sflag:s4] =	ssyncadd.remote.s32 @!p0 $0x1  }
0xb4: {  	s26 =	simm.s32 $execute0_lowered;
	[smem:$0x3FD2] =	sst s25  }
0xb5: {  	s5 =	sshll.u32 s26, $0x1;
	_ =	strace $0x8000004C;
	[dreg:$0x1] =	wrdreg $0xFFFFFFFF  }
0xb6: {  	s28 =	simm.s32 $_size_execute0_lowered;
	s3 =	sadd.s32 s3, s5;
	[dreg:$0x0] =	wrdreg $0x0  }
0xb7: {  	s5 =	sshll.u32 s28, $0x1;
	[dreg:$0x2] =	wrdreg s3  }
0xb8: {  	[dreg:$0x3] =	wrdreg s5  }
0xb9: {  	[dreg:$0x4] =	wrdreg $0xC0  }
0xba: {  	_ =	task [dreg:s22], $0x5FFFF  }
0xbb: {  	[dreg:$0x1] =	wrdreg $0xFFFFFFFF  }
0xbc: {  	[dreg:$0x0] =	wrdreg $0x60  }
0xbd: {  	[dreg:$0x2] =	wrdreg s24  }
0xbe: {  	[dreg:$0x3] =	wrdreg $0xA8000  }
0xbf: {  	[dreg:$0x4] =	wrdreg $0x9  }
0xc0: {  	_ =	task.clear_ibuf [dreg:s22], $0x5FFFF;
	_ =	strace $0x9000004C  }
0xc1: {  	s29 =	simm.s32 $0x9;
	_ =	strace $0x8000004E  }
0xc2: {  	_ =	swait.ge [sflag:s29], $0x1  }
0xc3: {  	[sflag:s29] =	ssyncadd.s32 $0xFFFFFFFF  }
0xc4: {  	_ =	strace $0x9000004E  }
0xc5: {  	_ =	sfence  }
0xc6: {  	s30 =	sld [smem:$0x0];
	_ =	sdelay $0x2  }
0xc7: {  	s31 =	sshll.u32 s1, $0xD;
	s1 =	sshrl.u32 s1, $0x2  }
0xc8: {  	s4 =	sand.u32 $0x4000, s31;
	s1 =	sadd.s32 s1, s30  }
0xc9: {  	s0 =	sor.u32 s4, s0;
	s1 =	sshll.u32 s1, $0x11  }
0xca: {  	s0 =	sor.u32 s1, s0  }
0xcb: {  	s0 =	sadd.s32 $0x8F2B, s0  }
0xcc: {  	[sflag:s0] =	ssyncadd.remote.s32 $0x1  }
0xcd: {  	_ =	sfence.sel $0xFFFF  }
0xce: {  	[dreg:$0x0] =	wrdreg $0xFFFFFFFF;
	(pc) =	sbr.abs _section_cstart, $3  }
0xcf: {  	[dreg:$0x1] =	wrdreg $0xFFFFFFFF  }
0xd0: {  	_ =	task.clear_ibuf [dreg:s22], $0x2FFFF;
	_ =	strace $0x9FFFFFFF  }
0xd1: {  	(tm) =	ssettm $0x7FFFFFFF  }
tec
execute0_lowered:
.L_overlay_start_1:
0x0: {  	(tag) =	ssettag $0x1  }
0x1: {  	s1 =	srdreg.scid;
	s5 =	rddreg [dreg:$0x0]  }
0x2: {  	s0 =	stileid.u32;
	s2 =	rddreg [dreg:$0x1]  }
0x3: {  	s3 =	simm.s32 $0x0;
	s18 =	simm.s32 $0x1;
	s19 =	simm.s32 $0x80  }
0x4: {  	s20 =	simm.s32 $0x2;
	s21 =	simm.s32 $0x3;
	s8 =	smul.u32 $0x14000, s0  }
0x5: {  	s9 =	sand.u32 $0x1, s1;
	s22 =	sshll.u32 s0, $0x1;
	s13 =	smul.u32 $0x50000, s0  }
0x6: {  	s1 =	rddreg [dreg:$0x2];
	s10 =	sadd.s32 $0x2120200, s5;
	s26 =	smul.u32 $0x4F000, s0  }
0x7: {  	[smem:$0x7FF] =	sst s3;
	s11 =	sadd.s32 $0x2610200, s5;
	s7 =	smul.u32 $0x140000, s9  }
0x8: {  	s31 =	sshll.u32 s0, $0x6;
	s6 =	sor.u32 s9, s22;
	s28 =	smul.u32 $0x27800, s9  }
0x9: {  	_ =	strace $0x8000004D;
	s23 =	ssub.s32 $0x2, s9;
	s4 =	smul.u32 $0x500, s6  }
0xa: {  	s22 =	simm.s32 $0x4;
	s24 =	sshrl.u32 s23, $0x1;
	s15 =	smul.u32 $0x27800, s6  }
0xb: {  	s25 =	sshrl.u32 s13, $0x2;
	s29 =	sadd.s32 s26, s10;
	s7 =	sadd.s32 s8, s7  }
0xc: {  	s16 =	ssub.s32 s23, s24;
	s17 =	sadd.s32 s25, s2;
	s30 =	sadd.s32 s28, s29  }
0xd: {  	s23 =	simm.s32 $0x2700;
	s12 =	sadd.s32 s4, s5;
	s4 =	sadd.s32 $0x174EC00, s5  }
0xe: {  	s7 =	sshrl.u32 s7, $0x3;
	s6 =	sadd.s32 s10, s15;
	s8 =	sadd.s32 s11, s15  }
0xf: {  	s11 =	sadd.s32 s26, s11;
	s10 =	smax.u32 s16, $0x1;
	s15 =	sshrl.u32 s17, $0x3  }
0x10: {  	s16 =	simm.s32 $0x2800;
	s17 =	simm.s32 $0x6800;
	s14 =	sadd.s32 s7, s5  }
0x11: {  	s5 =	sadd.s32 $0x11E00, s12;
	s13 =	sadd.s32 s28, s11;
	s11 =	sadd.s32 $0x1000, s30  }
0x12: {  	s24 =	simm.s32 $0x0;
	s7 =	sadd.s32 $0x1751400, s14;
	s9 =	sadd.s32 $0x17A1400, s14  }
0x13: {  	s12 =	sadd.s32 $0x1000, s13;
	s13 =	simm.s32 $0x5;
	s14 =	sor.u32 $0x1C05, s31  }
.LBB2_1:
0x14: {  	[tilespmem:s3], [sflag:$0x5] =	stream.linear.gather [hbm4b:s5+s3], $0x2780, $0x38;
	[tilespmem:$0x1E800] =	vst v63  }
0x15: {  	_ =	swait.ge [sflag:s13], $0x2780  }
0x16: {  	[sflag:s13] =	ssyncset.done $0x0  }
0x17: {  	[sflag:s13] =	ssyncadd.s32 $0xFFFFD880  }
0x18: {  	[spmem:s15], [sflag:s14] =	dma.local [hbm:s4], $0x2800  }
0x19: {  	_ =	swait.ge [sflag:s13], $0x2800  }
0x1a: {  	[sflag:s13] =	ssyncset.done $0x0  }
0x1b: {  	[sflag:s13] =	ssyncadd.s32 $0xFFFFD800  }
0x1c: {  	[bflag:$0x0] =	sbarrier.arrive $0xFFFF  }
0x1d: {  	[tilespmem:s16], [sflag:$0x1] =	stream.linear.gather [hbm4b:s6+s3], $0x4000, $0x38;
	[tilespmem:$0x1E800] =	vst v63  }
0x1e: {  	s25 =	sadd.s32 $0xFFFFF800, s11  }
0x1f: {  	[tilespmem:s17], [sflag:$0x2] =	stream.linear.gather [hbm4b:s25+s3], $0x4000, $0x38;
	[tilespmem:$0x1E800] =	vst v63  }
0x20: {  	_ =	swait.ge [sflag:s18], $0x4000  }
0x21: {  	[sflag:s18] =	ssyncset.done $0x0  }
0x22: {  	s30 =	simm.s32 $0x0;
	[sflag:s18] =	ssyncadd.s32 $0xFFFFC000  }
0x23: {  	[spmem:s2] =	stream.indirect.scatter.add.f32 [tilespmem:s16], [sflag:$0x3], $0x80, s30, s19, $0xb8;
	[tilespmem:$0x1E800] =	vst v63  }
0x24: {  	_ =	swait.ge [sflag:s20], $0x4000  }
0x25: {  	[sflag:s20] =	ssyncset.done $0x0  }
0x26: {  	s31 =	simm.s32 $0x80;
	[sflag:s20] =	ssyncadd.s32 $0xFFFFC000  }
0x27: {  	[spmem:s2] =	stream.indirect.scatter.add.f32 [tilespmem:s17], [sflag:$0x4], $0x80, s31, s19, $0xb8;
	[tilespmem:$0x1E800] =	vst v63  }
0x28: {  	_ =	swait.ge [sflag:s21], $0x4000  }
0x29: {  	[sflag:s21] =	ssyncset.done $0x0  }
0x2a: {  	[sflag:s21] =	ssyncadd.s32 $0xFFFFC000  }
0x2b: {  	[tilespmem:s16], [sflag:$0x1] =	stream.linear.gather [hbm4b:s11+s3], $0x4000, $0x38;
	[tilespmem:$0x1E800] =	vst v63  }
0x2c: {  	s26 =	simm.s32 $0x400;
	_ =	swait.ge [sflag:s22], $0x4000  }
0x2d: {  	s28 =	simm.s32 $0x800;
	s25 =	sadd.s32 $0x1000, s11;
	[sflag:s22] =	ssyncset.done $0x0  }
.LBB2_2:
0x2e: {  	p0 =	sne.s32 s28, $0x9800;
	s29 =	sadd.s32 $0xFFFFF800, s25;
	[sflag:s22] =	ssyncadd.s32 $0xFFFFC000  }
0x2f: {  	[tilespmem:s17], [sflag:$0x2] =	stream.linear.gather [hbm4b:s29+s3], $0x4000, $0x38;
	[tilespmem:$0x1E800] =	vst v63  }
0x30: {  	s29 =	smov.u32 s28;
	s28 =	sadd.s32 $0x400, s28;
	_ =	swait.ge [sflag:s18], $0x4000  }
0x31: {  	[sflag:s18] =	ssyncset.done $0x0  }
0x32: {  	s30 =	sshra.s32 s26, $0x2;
	s26 =	smov.u32 s29;
	[sflag:s18] =	ssyncadd.s32 $0xFFFFC000  }
0x33: {  	[spmem:s2] =	stream.indirect.scatter.add.f32 [tilespmem:s16], [sflag:$0x3], $0x80, s30, s19, $0xb8;
	[tilespmem:$0x1E800] =	vst v63  }
0x34: {  	_ =	swait.ge [sflag:s20], $0x4000  }
0x35: {  	[sflag:s20] =	ssyncset.done $0x0  }
0x36: {  	s29 =	sadd.s32 $0x80, s30;
	[sflag:s20] =	ssyncadd.s32 $0xFFFFC000  }
0x37: {  	[spmem:s2] =	stream.indirect.scatter.add.f32 [tilespmem:s17], [sflag:$0x4], $0x80, s29, s19, $0xb8;
	[tilespmem:$0x1E800] =	vst v63  }
0x38: {  	_ =	swait.ge [sflag:s21], $0x4000  }
.Ltmp0:
0x39: {  	[sflag:s21] =	ssyncset.done $0x0;
	(pc) =	sbr.rel @p0 .LBB2_2-.Ltmp0, $4  }
0x3a: {  	[sflag:s21] =	ssyncadd.s32 $0xFFFFC000  }
0x3b: {  	[tilespmem:s16], [sflag:$0x1] =	stream.linear.gather [hbm4b:s25+s3], $0x4000, $0x38;
	[tilespmem:$0x1E800] =	vst v63  }
0x3c: {  	_ =	swait.ge [sflag:s22], $0x4000  }
0x3d: {  	s25 =	sadd.s32 $0x1000, s25;
	[sflag:s22] =	ssyncset.done $0x0  }
0x3e: {  	s28 =	sadd.s32 $0xFFFFF800, s25;
	[sflag:s22] =	ssyncadd.s32 $0xFFFFC000  }
0x3f: {  	[tilespmem:s17], [sflag:$0x2] =	stream.linear.gather [hbm4b:s28+s3], $0x4000, $0x38;
	[tilespmem:$0x1E800] =	vst v63  }
0x40: {  	_ =	swait.ge [sflag:s18], $0x4000  }
0x41: {  	[sflag:s18] =	ssyncset.done $0x0  }
0x42: {  	s26 =	sshra.s32 s26, $0x2;
	[sflag:s18] =	ssyncadd.s32 $0xFFFFC000  }
0x43: {  	[spmem:s2] =	stream.indirect.scatter.add.f32 [tilespmem:s16], [sflag:$0x3], $0x80, s26, s19, $0xb8;
	[tilespmem:$0x1E800] =	vst v63  }
0x44: {  	_ =	swait.ge [sflag:s20], $0x4000  }
0x45: {  	[sflag:s20] =	ssyncset.done $0x0  }
0x46: {  	s26 =	sadd.s32 $0x80, s26;
	[sflag:s20] =	ssyncadd.s32 $0xFFFFC000  }
0x47: {  	[spmem:s2] =	stream.indirect.scatter.add.f32 [tilespmem:s17], [sflag:$0x4], $0x80, s26, s19, $0xb8;
	[tilespmem:$0x1E800] =	vst v63  }
0x48: {  	_ =	swait.ge [sflag:s21], $0x4000  }
0x49: {  	[sflag:s21] =	ssyncset.done $0x0  }
0x4a: {  	[sflag:s21] =	ssyncadd.s32 $0xFFFFC000  }
0x4b: {  	[tilespmem:s16], [sflag:$0x1] =	stream.linear.gather [hbm4b:s25+s3], $0x4000, $0x38;
	[tilespmem:$0x1E800] =	vst v63  }
0x4c: {  	_ =	swait.ge [sflag:s22], $0x4000  }
0x4d: {  	[sflag:s22] =	ssyncset.done $0x0  }
0x4e: {  	[sflag:s22] =	ssyncadd.s32 $0xFFFFC000  }
0x4f: {  	_ =	swait.ge [sflag:s18], $0x4000  }
0x50: {  	[sflag:s18] =	ssyncset.done $0x0  }
0x51: {  	[sflag:s18] =	ssyncadd.s32 $0xFFFFC000  }
0x52: {  	[spmem:s2] =	stream.indirect.scatter.add.f32 [tilespmem:s16], [sflag:$0x3], $0x80, s23, s19, $0xb8;
	[tilespmem:$0x1E800] =	vst v63  }
0x53: {  	_ =	swait.ge [sflag:s21], $0x4000  }
0x54: {  	[sflag:s21] =	ssyncset.done $0x0  }
0x55: {  	[sflag:s21] =	ssyncadd.s32 $0xFFFFC000  }
0x56: {  	[bflag:$0x0] =	sbarrier.arrive $0xFFFF  }
0x57: {  	[hbm:s7], [sflag:s14] =	dma.local [spmem:s15], $0x2800  }
0x58: {  	_ =	swait.ge [sflag:s13], $0x2800  }
0x59: {  	[sflag:s13] =	ssyncset.done $0x0  }
0x5a: {  	[sflag:s13] =	ssyncadd.s32 $0xFFFFD800  }
0x5b: {  	[spmem:s15], [sflag:s14] =	dma.local [hbm:s4], $0x2800  }
0x5c: {  	_ =	swait.ge [sflag:s13], $0x2800  }
0x5d: {  	[sflag:s13] =	ssyncset.done $0x0  }
0x5e: {  	[sflag:s13] =	ssyncadd.s32 $0xFFFFD800  }
0x5f: {  	s26 =	simm.s32 $0x0;
	[bflag:$0x0] =	sbarrier.arrive $0xFFFF  }
0x60: {  	[tilespmem:s16], [sflag:$0x1] =	stream.linear.gather [hbm4b:s8+s26], $0x4000, $0x38;
	[tilespmem:$0x1E800] =	vst v63  }
0x61: {  	s29 =	sadd.s32 $0xFFFFF800, s12  }
0x62: {  	[tilespmem:s17], [sflag:$0x2] =	stream.linear.gather [hbm4b:s29+s3], $0x4000, $0x38;
	[tilespmem:$0x1E800] =	vst v63  }
0x63: {  	_ =	swait.ge [sflag:s18], $0x4000  }
0x64: {  	[sflag:s18] =	ssyncset.done $0x0  }
0x65: {  	s30 =	simm.s32 $0x0;
	[sflag:s18] =	ssyncadd.s32 $0xFFFFC000  }
0x66: {  	[spmem:s2] =	stream.indirect.scatter.add.f32 [tilespmem:s16], [sflag:$0x3], $0x80, s30, s19, $0xb8;
	[tilespmem:$0x1E800] =	vst v63  }
0x67: {  	_ =	swait.ge [sflag:s20], $0x4000  }
0x68: {  	[sflag:s20] =	ssyncset.done $0x0  }
0x69: {  	s31 =	simm.s32 $0x80;
	[sflag:s20] =	ssyncadd.s32 $0xFFFFC000  }
0x6a: {  	[spmem:s2] =	stream.indirect.scatter.add.f32 [tilespmem:s17], [sflag:$0x4], $0x80, s31, s19, $0xb8;
	[tilespmem:$0x1E800] =	vst v63  }
0x6b: {  	_ =	swait.ge [sflag:s21], $0x4000  }
0x6c: {  	[sflag:s21] =	ssyncset.done $0x0  }
0x6d: {  	[sflag:s21] =	ssyncadd.s32 $0xFFFFC000  }
0x6e: {  	[tilespmem:s16], [sflag:$0x1] =	stream.linear.gather [hbm4b:s12+s3], $0x4000, $0x38;
	[tilespmem:$0x1E800] =	vst v63  }
0x6f: {  	s28 =	simm.s32 $0x800;
	_ =	swait.ge [sflag:s22], $0x4000  }
0x70: {  	s25 =	sadd.s32 $0x1000, s12;
	s26 =	simm.s32 $0x400;
	[sflag:s22] =	ssyncset.done $0x0  }
.LBB2_4:
0x71: {  	p0 =	sne.s32 s28, $0x9800;
	s29 =	sadd.s32 $0xFFFFF800, s25;
	[sflag:s22] =	ssyncadd.s32 $0xFFFFC000  }
0x72: {  	[tilespmem:s17], [sflag:$0x2] =	stream.linear.gather [hbm4b:s29+s3], $0x4000, $0x38;
	[tilespmem:$0x1E800] =	vst v63  }
0x73: {  	s29 =	smov.u32 s28;
	s28 =	sadd.s32 $0x400, s28;
	_ =	swait.ge [sflag:s18], $0x4000  }
0x74: {  	[sflag:s18] =	ssyncset.done $0x0  }
0x75: {  	s30 =	sshra.s32 s26, $0x2;
	s26 =	smov.u32 s29;
	[sflag:s18] =	ssyncadd.s32 $0xFFFFC000  }
0x76: {  	[spmem:s2] =	stream.indirect.scatter.add.f32 [tilespmem:s16], [sflag:$0x3], $0x80, s30, s19, $0xb8;
	[tilespmem:$0x1E800] =	vst v63  }
0x77: {  	_ =	swait.ge [sflag:s20], $0x4000  }
0x78: {  	[sflag:s20] =	ssyncset.done $0x0  }
0x79: {  	s29 =	sadd.s32 $0x80, s30;
	[sflag:s20] =	ssyncadd.s32 $0xFFFFC000  }
0x7a: {  	[spmem:s2] =	stream.indirect.scatter.add.f32 [tilespmem:s17], [sflag:$0x4], $0x80, s29, s19, $0xb8;
	[tilespmem:$0x1E800] =	vst v63  }
0x7b: {  	_ =	swait.ge [sflag:s21], $0x4000  }
.Ltmp1:
0x7c: {  	[sflag:s21] =	ssyncset.done $0x0;
	(pc) =	sbr.rel @p0 .LBB2_4-.Ltmp1, $4  }
0x7d: {  	[sflag:s21] =	ssyncadd.s32 $0xFFFFC000  }
0x7e: {  	[tilespmem:s16], [sflag:$0x1] =	stream.linear.gather [hbm4b:s25+s3], $0x4000, $0x38;
	[tilespmem:$0x1E800] =	vst v63  }
0x7f: {  	_ =	swait.ge [sflag:s22], $0x4000  }
0x80: {  	s25 =	sadd.s32 $0x1000, s25;
	[sflag:s22] =	ssyncset.done $0x0  }
0x81: {  	s28 =	sadd.s32 $0xFFFFF800, s25;
	[sflag:s22] =	ssyncadd.s32 $0xFFFFC000  }
0x82: {  	[tilespmem:s17], [sflag:$0x2] =	stream.linear.gather [hbm4b:s28+s3], $0x4000, $0x38;
	[tilespmem:$0x1E800] =	vst v63  }
0x83: {  	_ =	swait.ge [sflag:s18], $0x4000  }
0x84: {  	[sflag:s18] =	ssyncset.done $0x0  }
0x85: {  	s26 =	sshra.s32 s26, $0x2;
	[sflag:s18] =	ssyncadd.s32 $0xFFFFC000  }
0x86: {  	[spmem:s2] =	stream.indirect.scatter.add.f32 [tilespmem:s16], [sflag:$0x3], $0x80, s26, s19, $0xb8;
	[tilespmem:$0x1E800] =	vst v63  }
0x87: {  	_ =	swait.ge [sflag:s20], $0x4000  }
0x88: {  	[sflag:s20] =	ssyncset.done $0x0  }
0x89: {  	s26 =	sadd.s32 $0x80, s26;
	[sflag:s20] =	ssyncadd.s32 $0xFFFFC000  }
0x8a: {  	[spmem:s2] =	stream.indirect.scatter.add.f32 [tilespmem:s17], [sflag:$0x4], $0x80, s26, s19, $0xb8;
	[tilespmem:$0x1E800] =	vst v63  }
0x8b: {  	_ =	swait.ge [sflag:s21], $0x4000  }
0x8c: {  	[sflag:s21] =	ssyncset.done $0x0  }
0x8d: {  	[sflag:s21] =	ssyncadd.s32 $0xFFFFC000  }
0x8e: {  	[tilespmem:s16], [sflag:$0x1] =	stream.linear.gather [hbm4b:s25+s3], $0x4000, $0x38;
	[tilespmem:$0x1E800] =	vst v63  }
0x8f: {  	_ =	swait.ge [sflag:s22], $0x4000  }
0x90: {  	[sflag:s22] =	ssyncset.done $0x0  }
0x91: {  	[sflag:s22] =	ssyncadd.s32 $0xFFFFC000  }
0x92: {  	_ =	swait.ge [sflag:s18], $0x4000  }
0x93: {  	[sflag:s18] =	ssyncset.done $0x0  }
0x94: {  	[sflag:s18] =	ssyncadd.s32 $0xFFFFC000  }
0x95: {  	[spmem:s2] =	stream.indirect.scatter.add.f32 [tilespmem:s16], [sflag:$0x3], $0x80, s23, s19, $0xb8;
	[tilespmem:$0x1E800] =	vst v63  }
0x96: {  	_ =	swait.ge [sflag:s21], $0x4000  }
0x97: {  	s24 =	sadd.s32 $0x1, s24;
	[sflag:s21] =	ssyncset.done $0x0  }
0x98: {  	p0 =	sne.s32 s24, s10;
	[sflag:s21] =	ssyncadd.s32 $0xFFFFC000  }
.Ltmp2:
0x99: {  	[bflag:$0x0] =	sbarrier.arrive $0xFFFF;
	(pc) =	sbr.rel @p0 .LBB2_1-.Ltmp2, $4  }
0x9a: {  	[hbm:s9], [sflag:s14] =	dma.local [spmem:s15], $0x2800  }
0x9b: {  	_ =	swait.ge [sflag:s13], $0x2800  }
0x9c: {  	[sflag:s13] =	ssyncset.done $0x0  }
0x9d: {  	[sflag:s13] =	ssyncadd.s32 $0xFFFFD800  }
0x9e: {  	_ =	sfence.sel $0x180000  }
0x9f: {  	[bflag:$0x0] =	sbarrier.arrive $0xFFFF  }
0xa0: {  	p0 =	sne.s32 s0, $0x0;
	_ =	strace $0x9000004D  }
0xa1: {  	s0 =	sadd.s32 @!p0 $0x100000, s1;
	[bflag:$0x2] =	sbarrier.arrive $0xFFFF  }
0xa2: {  	[sflag:s0] =	ssyncadd.tile.s32 @!p0 $0x1;
	_ =	shalt  }
.Lfunc_end2:
_tile_overlayer_lowered:
.L_overlay_start_2:
0xa3: {  	(tag) =	ssettag $0x2  }
0xa4: {  	s0 =	rddreg [dreg:$0x0];
	s2 =	stileid.u32  }
0xa5: {  	s1 =	rddreg [dreg:$0x1];
	p0 =	sne.s32 s2, $0x0  }
0xa6: {  	s3 =	rddreg [dreg:$0x2];
	[bflag:$0x3] =	sbarrier.arrive $0xFFFF;
	s2 =	simm.s32 @!p0 $0x1C05  }
0xa7: {  	[timem:s3], [sflag:s2] =	dma.local @!p0 [hbm:s0], s1  }
0xa8: {  	s0 =	simm.s32 @!p0 $0x5  }
0xa9: {  	_ =	swait.ge @!p0 [sflag:s0], s1  }
0xaa: {  	s1 =	ssub.s32 @!p0 $0x0, s1;
	[sflag:s0] =	ssyncset.done @!p0 $0x0  }
0xab: {  	[sflag:s0] =	ssyncadd.s32 @!p0 s1  }
0xac: {  	[bflag:$0x3] =	sbarrier.arrive $0xFFFF  }
0xad: {  	_ =	shalt  }

// kernel: kernel.23.cloned.1.call-start
scs
__scs_entry_jumppad:
0x0: {  	(pc) =	sbr.rel $0x88, $3  }
0x1: {  	(tag) =	ssettag $0x0;
	lr =	simm.s32 $0x1  }
0x2: {  	[smem:$0x3F4F] =	sst lr;
	_ =	strace $0xD0000000  }
0x3: {  	_ = 	snop  }
0x4: {  	_ = 	snop  }
0x5: {  	_ = 	snop  }
0x6: {  	_ = 	snop  }
0x7: {  	_ = 	snop  }
__scs_overlays_trampoline_lowered:
0x8: {  	[smem:$0x3F5E] =	sst s0  }
0x9: {  	[smem:$0x3F5F] =	sst s1  }
0xa: {  	[smem:$0x3F60] =	sst s2  }
0xb: {  	[smem:$0x3F61] =	sst s3  }
0xc: {  	[smem:$0x3F62] =	sst s4  }
0xd: {  	[smem:$0x3F63] =	sst s5  }
0xe: {  	[smem:$0x3F64] =	sst s6  }
0xf: {  	[smem:$0x3F65] =	sst s7  }
0x10: {  	[smem:$0x3F66] =	sst s8  }
0x11: {  	[smem:$0x3F67] =	sst s9;
	s0 =	simm.s32 @!p0 $0x0  }
0x12: {  	s1 =	sld [smem:$0x3F4D];
	s0 =	simm.s32 @p0 $0x1  }
0x13: {  	[smem:$0x3F68] =	sst s0;
	s0 =	simm.s32 @!p1 $0x0  }
0x14: {  	s2 =	sld [smem:$0x3F4C];
	s0 =	simm.s32 @p1 $0x1  }
0x15: {  	[smem:$0x3F69] =	sst s0;
	s0 =	simm.s32 @!p2 $0x0  }
0x16: {  	s3 =	sld [smem:$0x3FDB];
	s0 =	simm.s32 @p2 $0x1  }
0x17: {  	s4 =	simm.s32 $0x1BF5;
	[smem:$0x3F6B] =	sst s0  }
0x18: {  	s0 =	sld [smem:$0x3F4E];
	_ =	swait.ge [sflag:s4], $0x0  }
0x19: {  	s7 =	sld [smem:$0x3F4F]  }
0x1a: {  	s8 =	sadd.s32 $0xFFFFE003, lr  }
0x1b: {  	s9 =	sadd.s32 $0xFFFFFEF7, lr;
	s5 =	simm.s32 $0xFFFFFFFF;
	p2 =	slt.u32 s8, $0xFFFFF086  }
0x1c: {  	p1 =	slt.u32 s9, $0xF7A;
	s5 =	simm.s32 @!p2 $0x0  }
0x1d: {  	s5 =	simm.s32 @p1 $0x1;
	p0 =	seq.s32 s7, s2  }
0x1e: {  	s7 =	smul.u32 @!p0 $0xF7A, s2;
	p2 =	seq.s32 @!p0 s5, $0x0  }
0x1f: {  	s9 =	smul.u32 $0xF7A, s1;
	s8 =	simm.s32 @!p0 $0x1BF5;
	p2 =	por !p2, p0  }
0x20: {  	[sflag:s8] =	ssyncset.s32 @!p0 $0xFFFFF086;
	s6 =	sadd.s32 @!p0 s3, s7;
	s7 =	simm.s32 @!p0 $0x108  }
0x21: {  	s3 =	sadd.s32 s3, s9;
	s6 =	sadd.s32 @!p0 $0x88, s6;
	s7 =	simm.s32 @p2 $0x1082  }
0x22: {  	[simem:s7], [sflag:s8] =	dma.local @!p0 [hbm:s6], $0xF7A  }
0x23: {  	s9 =	sor.u32 $0xD0000000, s2;
	s6 =	simm.s32 $0x108;
	_ =	swait.ge @!p0 [sflag:s8], $0x0  }
0x24: {  	s3 =	sadd.s32 $0x88, s3;
	s6 =	simm.s32 @!p1 $0x1082;
	[sflag:s4] =	ssyncset.s32 $0xFFFFF086  }
0x25: {  	[simem:s6], [sflag:s4] =	dma.local [hbm:s3], $0xF7A  }
0x26: {  	[smem:$0x3F4F] =	sst s1;
	(tag) =	ssettag s2;
	_ =	strace s9  }
0x27: {  	s1 =	sld [smem:$0x3F5F]  }
0x28: {  	s2 =	sld [smem:$0x3F60]  }
0x29: {  	s4 =	sld [smem:$0x3F62]  }
0x2a: {  	p0 =	seq.s32 s5, $0x0;
	s5 =	sld [smem:$0x3F63]  }
0x2b: {  	s6 =	sld [smem:$0x3F64]  }
0x2c: {  	s7 =	sld [smem:$0x3F65]  }
0x2d: {  	s3 =	simm.s32 $0x108;
	s8 =	sld [smem:$0x3F66]  }
0x2e: {  	s3 =	simm.s32 @!p0 $0x1082;
	s9 =	sld [smem:$0x3F67]  }
0x2f: {  	lr =	sadd.s32 s0, s3;
	s0 =	sld [smem:$0x3F5E]  }
0x30: {  	s3 =	sld [smem:$0x3F61]  }
0x31: {  	[smem:$0x3F6A] =	sst s10  }
0x32: {  	s10 =	sld [smem:$0x3F68];
	_ =	sdelay $0x3  }
0x33: {  	p0 =	seq.s32 s10, $0x1;
	s10 =	sld [smem:$0x3F6A];
	_ =	sdelay $0x3  }
0x34: {  	[smem:$0x3F6A] =	sst s10  }
0x35: {  	s10 =	sld [smem:$0x3F69];
	_ =	sdelay $0x3  }
0x36: {  	p1 =	seq.s32 s10, $0x1;
	s10 =	sld [smem:$0x3F6A];
	_ =	sdelay $0x3  }
0x37: {  	[smem:$0x3F6A] =	sst s10  }
0x38: {  	s10 =	sld [smem:$0x3F6B]  }
0x39: {  	_ = 	snop;
	(pc) =	sbr.ind lr, $3  }
0x3a: {  	_ = 	snop  }
0x3b: {  	_ = 	snop  }
0x3c: {  	p2 =	seq.s32 s10, $0x1;
	s10 =	sld [smem:$0x3F6A]  }
0x3d: {  	_ =	shalt  }
0x3e: {  	_ =	shalt  }
0x3f: {  	_ =	shalt  }
0x40: {  	_ =	shalt  }
0x41: {  	_ =	shalt  }
0x42: {  	_ =	shalt  }
0x43: {  	_ =	shalt  }
0x44: {  	_ =	shalt  }
0x45: {  	_ =	shalt  }
0x46: {  	_ =	shalt  }
0x47: {  	_ =	shalt  }
0x48: {  	_ =	shalt  }
0x49: {  	_ =	shalt  }
0x4a: {  	_ =	shalt  }
0x4b: {  	_ =	shalt  }
0x4c: {  	_ =	shalt  }
0x4d: {  	_ =	shalt  }
0x4e: {  	_ =	shalt  }
0x4f: {  	_ =	shalt  }
0x50: {  	_ =	shalt  }
0x51: {  	_ =	shalt  }
0x52: {  	_ =	shalt  }
0x53: {  	_ =	shalt  }
0x54: {  	_ =	shalt  }
0x55: {  	_ =	shalt  }
0x56: {  	_ =	shalt  }
0x57: {  	_ =	shalt  }
0x58: {  	_ =	shalt  }
0x59: {  	_ =	shalt  }
0x5a: {  	_ =	shalt  }
0x5b: {  	_ =	shalt  }
0x5c: {  	_ =	shalt  }
0x5d: {  	_ =	shalt  }
0x5e: {  	_ =	shalt  }
0x5f: {  	_ =	shalt  }
0x60: {  	_ =	shalt  }
0x61: {  	_ =	shalt  }
0x62: {  	_ =	shalt  }
0x63: {  	_ =	shalt  }
0x64: {  	_ =	shalt  }
0x65: {  	_ =	shalt  }
0x66: {  	_ =	shalt  }
0x67: {  	_ =	shalt  }
0x68: {  	_ =	shalt  }
0x69: {  	_ =	shalt  }
0x6a: {  	_ =	shalt  }
0x6b: {  	_ =	shalt  }
0x6c: {  	_ =	shalt  }
0x6d: {  	_ =	shalt  }
0x6e: {  	_ =	shalt  }
0x6f: {  	_ =	shalt  }
0x70: {  	_ =	shalt  }
0x71: {  	_ =	shalt  }
0x72: {  	_ =	shalt  }
0x73: {  	_ =	shalt  }
0x74: {  	_ =	shalt  }
0x75: {  	_ =	shalt  }
0x76: {  	_ =	shalt  }
0x77: {  	_ =	shalt  }
0x78: {  	_ =	shalt  }
0x79: {  	_ =	shalt  }
0x7a: {  	_ =	shalt  }
0x7b: {  	_ =	shalt  }
0x7c: {  	_ =	shalt  }
0x7d: {  	_ =	shalt  }
0x7e: {  	_ =	shalt  }
0x7f: {  	_ =	shalt  }
0x80: {  	_ =	shalt  }
0x81: {  	_ =	shalt  }
0x82: {  	_ =	shalt  }
0x83: {  	_ =	shalt  }
0x84: {  	_ =	shalt  }
0x85: {  	_ =	shalt  }
0x86: {  	_ =	shalt  }
0x87: {  	_ =	shalt  }
.Lfunc_end0:
.L_simem_size_0:
called_computation.2_lowered:
.L_overlay_start_0:
0x88: {  	s2 =	sld [smem:$0x3FD9]  }
0x89: {  	s3 =	sld [smem:$0x3FFE];
	_ =	sdelay $0x1  }
0x8a: {  	s1 =	srdreg.scid  }
0x8b: {  	s0 =	sand.u32 $0x1, s1  }
0x8c: {  	s15 =	sshll.u32 s0, $0xA;
	s2 =	sadd.s32 s3, s2  }
0x8d: {  	s2 =	sadd.s32 s2, s15  }
0x8e: {  	[smem:$0x3F76] =	sst s2  }
0x8f: {  	_ = 	snop  }
0x90: {  	s2 =	sld [smem:$0x3FD0];
	_ =	sdelay $0x2  }
0x91: {  	s16 =	simm.s32 $0xB;
	s4 =	simm.s32 $0x10  }
0x92: {  	[smem:s4], [sflag:s16] =	dma.local [hbm:s2], $0x1  }
0x93: {  	_ =	swait.eq [sflag:s16], $0x1  }
0x94: {  	[sflag:s16] =	ssyncset.done $0x0  }
0x95: {  	[sflag:s16] =	ssyncadd.s32 $0xFFFFFFFF  }
0x96: {  	s17 =	sld [smem:$0x11];
	(tm) =	ssettm $0x1  }
0x97: {  	s18 =	sld [smem:$0x3FFB];
	_ =	sdelay $0x3  }
0x98: {  	_ =	strace s18  }
0x99: {  	s2 =	sld [smem:$0x3FFC];
	_ =	sdelay $0x3  }
0x9a: {  	_ =	strace s2  }
0x9b: {  	s2 =	sld [smem:$0x3FFD];
	_ =	sdelay $0x3  }
0x9c: {  	_ =	strace s2  }
0x9d: {  	_ =	strace $0x8FFFFFFF  }
0x9e: {  	s19 =	sld [smem:$0x3FDB];
	_ =	sdelay $0x1  }
0x9f: {  	s20 =	simm.s32 $_scs_section_size  }
0xa0: {  	s5 =	simm.s32 $_size__tile_overlayer_lowered;
	s6 =	simm.s32 $_tile_overlayer_lowered  }
0xa1: {  	s7 =	simm.s32 $0x1BFF;
	s21 =	sshll.u32 s6, $0x1;
	s4 =	sadd.s32 s20, s19  }
0xa2: {  	s22 =	simm.s32 $0x0;
	s5 =	sshll.u32 s5, $0x1;
	s6 =	sadd.s32 s21, s4  }
0xa3: {  	[timem:s22], [sflag:s7] =	dma.local [hbm:s6], s5  }
0xa4: {  	_ =	swait.ge [sflag:s7], s5  }
0xa5: {  	s5 =	ssub.s32 $0x0, s5;
	[sflag:s7] =	ssyncset.done $0x0  }
0xa6: {  	[sflag:s7] =	ssyncadd.s32 s5;
	_ =	sdelay $0x1  }
0xa7: {  	s23 =	simm.s32 $0x1B8B  }
0xa8: {  	_ =	swait.ge [sflag:s23], $0x1  }
0xa9: {  	[sflag:s23] =	ssyncset.done $0x0  }
0xaa: {  	[sflag:s23] =	ssyncadd.s32 $0xFFFFFFFF  }
0xab: {  	s5 =	sld [smem:$0x0]  }
0xac: {  	s6 =	sand.u32 $0xFFFFFFFE, s1  }
0xad: {  	p0 =	sne.s32 s1, s6  }
0xae: {  	s6 =	sshll.u32 @p0 s6, $0xE  }
0xaf: {  	s6 =	sadd.s32 @p0 $0x11B8D, s6;
	s7 =	sshll.u32 @p0 s5, $0x11  }
0xb0: {  	s6 =	sor.u32 @p0 s7, s6  }
0xb1: {  	[sflag:s6] =	ssyncadd.remote.s32 @p0 $0x1;
	_ =	sdelay $0x1  }
0xb2: {  	s6 =	simm.s32 @p0 $0x1B8D  }
0xb3: {  	_ =	swait.eq @p0 [sflag:s6], $0x1  }
0xb4: {  	[sflag:s6] =	ssyncadd.s32 @p0 $0xFFFFFFFF  }
0xb5: {  	s7 =	sshll.u32 @!p0 s1, $0xE  }
0xb6: {  	s7 =	sor.u32 @!p0 $0x4000, s7;
	s6 =	simm.s32 @!p0 $0x1B8D  }
0xb7: {  	s5 =	sshll.u32 @!p0 s5, $0x11;
	s7 =	sadd.s32 @!p0 $0x11B8D, s7;
	_ =	swait.eq @!p0 [sflag:s6], $0x1  }
0xb8: {  	s5 =	sor.u32 @!p0 s5, s7;
	[sflag:s6] =	ssyncadd.s32 @!p0 $0xFFFFFFFF  }
0xb9: {  	s25 =	simm.s32 $0x1B8E;
	s24 =	sld [smem:$0x3FFE];
	[sflag:s5] =	ssyncadd.remote.s32 @!p0 $0x1  }
0xba: {  	s26 =	simm.s32 $execute0_lowered;
	[smem:$0x3FD2] =	sst s25  }
0xbb: {  	s6 =	sshll.u32 s26, $0x1;
	_ =	strace $0x80000049;
	[dreg:$0x1] =	wrdreg $0xFFFFFFFF  }
0xbc: {  	s28 =	simm.s32 $_size_execute0_lowered;
	s4 =	sadd.s32 s4, s6;
	[dreg:$0x0] =	wrdreg $0x0  }
0xbd: {  	s6 =	sshll.u32 s28, $0x1;
	[dreg:$0x2] =	wrdreg s4  }
0xbe: {  	[dreg:$0x3] =	wrdreg s6  }
0xbf: {  	[dreg:$0x4] =	wrdreg $0xC0  }
0xc0: {  	_ =	task [dreg:s22], $0x5FFFF  }
0xc1: {  	[dreg:$0x1] =	wrdreg $0xFFFFFFFF  }
0xc2: {  	[dreg:$0x0] =	wrdreg $0x60  }
0xc3: {  	[dreg:$0x2] =	wrdreg s17  }
0xc4: {  	[dreg:$0x3] =	wrdreg s24  }
0xc5: {  	[dreg:$0x4] =	wrdreg $0xA  }
0xc6: {  	_ =	task.clear_ibuf [dreg:s22], $0x5FFFF;
	_ =	strace $0x90000049  }
0xc7: {  	s29 =	simm.s32 $0xA;
	_ =	strace $0x8000004B  }
0xc8: {  	_ =	swait.ge [sflag:s29], $0x1  }
0xc9: {  	[sflag:s29] =	ssyncadd.s32 $0xFFFFFFFF  }
0xca: {  	_ =	strace $0x9000004B  }
0xcb: {  	_ =	sfence  }
0xcc: {  	s30 =	sld [smem:$0x0];
	_ =	sdelay $0x2  }
0xcd: {  	s31 =	sshll.u32 s1, $0xD;
	s1 =	sshrl.u32 s1, $0x2  }
0xce: {  	s4 =	sand.u32 $0x4000, s31;
	s1 =	sadd.s32 s1, s30  }
0xcf: {  	s0 =	sor.u32 s4, s0;
	s1 =	sshll.u32 s1, $0x11  }
0xd0: {  	s0 =	sor.u32 s1, s0  }
0xd1: {  	s0 =	sadd.s32 $0x8F2B, s0  }
0xd2: {  	[sflag:s0] =	ssyncadd.remote.s32 $0x1  }
0xd3: {  	_ =	sfence.sel $0xFFFF  }
0xd4: {  	[dreg:$0x0] =	wrdreg $0xFFFFFFFF;
	(pc) =	sbr.abs _section_cstart, $3  }
0xd5: {  	[dreg:$0x1] =	wrdreg $0xFFFFFFFF  }
0xd6: {  	_ =	task.clear_ibuf [dreg:s22], $0x2FFFF;
	_ =	strace $0x9FFFFFFF  }
0xd7: {  	(tm) =	ssettm $0x7FFFFFFF  }
tec
execute0_lowered:
.L_overlay_start_1:
0x0: {  	(tag) =	ssettag $0x1  }
0x1: {  	s2 =	rddreg [dreg:$0x0];
	s0 =	srdreg.scid  }
0x2: {  	s11 =	stileid.u32;
	s1 =	rddreg [dreg:$0x1]  }
0x3: {  	s3 =	simm.s32 $0x0;
	s12 =	simm.s32 $0x13800;
	s13 =	simm.s32 $0x14000  }
0x4: {  	s14 =	simm.s32 $0x14800;
	s15 =	simm.s32 $0x15000;
	s16 =	simm.s32 $0x15800  }
0x5: {  	s17 =	simm.s32 $0x16000;
	s18 =	simm.s32 $0x16800;
	s19 =	simm.s32 $0x17000  }
0x6: {  	s20 =	simm.s32 $0x17800;
	s21 =	simm.s32 $0x18000;
	s22 =	simm.s32 $0x18800  }
0x7: {  	s23 =	simm.s32 $0x19000;
	s28 =	simm.s32 $0x10800;
	[smem:$0x7FF] =	sst s3  }
0x8: {  	s29 =	simm.s32 $0x11000;
	_ =	strace $0x8000004A;
	[dreg:$0x3] =	wrdreg s12  }
0x9: {  	s30 =	simm.s32 $0x11800;
	s31 =	simm.s32 $0x12000;
	[dreg:$0x4] =	wrdreg s13  }
0xa: {  	s0 =	sand.u32 $0x1, s0;
	s4 =	sshll.u32 s11, $0x1;
	[dreg:$0x5] =	wrdreg s14  }
0xb: {  	s8 =	sadd.s32 $0xF9E200, s1;
	s25 =	smul.u32 $0x52000, s11;
	[dreg:$0x6] =	wrdreg s15  }
0xc: {  	s5 =	sor.u32 s0, s4;
	s4 =	sadd.s32 $0xF50000, s1;
	[dreg:$0x7] =	wrdreg s16  }
0xd: {  	s7 =	ssub.s32 $0x2, s0;
	s10 =	smul.u32 $0x29000, s0;
	[dreg:$0x8] =	wrdreg s17  }
0xe: {  	s0 =	smul.u32 $0x14800, s0;
	s14 =	simm.s32 $0x80;
	[dreg:$0x9] =	wrdreg s18  }
0xf: {  	s15 =	simm.s32 $0x3000;
	s16 =	simm.s32 $0xB000;
	[dreg:$0xa] =	wrdreg s19  }
0x10: {  	s17 =	simm.s32 $0xB800;
	s18 =	simm.s32 $0xC000;
	[dreg:$0xb] =	wrdreg s20  }
0x11: {  	s19 =	simm.s32 $0xC800;
	s20 =	simm.s32 $0xD000;
	[dreg:$0xc] =	wrdreg s21  }
0x12: {  	s21 =	simm.s32 $0xD800;
	[dreg:$0xd] =	wrdreg s22;
	s22 =	simm.s32 $0xE000  }
0x13: {  	[dreg:$0xe] =	wrdreg s23;
	s23 =	simm.s32 $0xE800;
	s6 =	smul.u32 $0x300, s5  }
0x14: {  	s13 =	simm.s32 $0x13000;
	s9 =	sshrl.u32 s7, $0x1;
	s5 =	smul.u32 $0x1480, s5  }
0x15: {  	s7 =	ssub.s32 s7, s9;
	s6 =	sadd.s32 s6, s1;
	s1 =	sadd.s32 $0x122E200, s1  }
0x16: {  	s5 =	sadd.s32 $0x1400, s5;
	s7 =	smax.u32 s7, $0x1;
	s24 =	sadd.s32 $0xF44000, s6  }
0x17: {  	s6 =	sadd.s32 $0xF4A000, s6;
	s26 =	sshll.u32 s5, $0x4;
	[dreg:$0x16] =	wrdreg s7  }
0x18: {  	s5 =	sshll.u32 s5, $0x5;
	s7 =	simm.s32 $0x3;
	[dreg:$0x12] =	wrdreg s24  }
0x19: {  	[dreg:$0x13] =	wrdreg s6;
	s9 =	sadd.s32 s8, s26;
	s5 =	sadd.s32 s1, s5  }
0x1a: {  	s1 =	sadd.s32 s25, s1;
	s24 =	simm.s32 $0x19800;
	[dreg:$0x14] =	wrdreg s9  }
0x1b: {  	s25 =	simm.s32 $0x1A000;
	s26 =	simm.s32 $0x1A800;
	[dreg:$0x15] =	wrdreg s5  }
0x1c: {  	s6 =	simm.s32 $0x2;
	s9 =	smul.u32 $0x29000, s11;
	[dreg:$0xf] =	wrdreg s24  }
0x1d: {  	s1 =	sadd.s32 s10, s1;
	s24 =	simm.s32 $0xF000;
	[dreg:$0x10] =	wrdreg s25  }
0x1e: {  	[dreg:$0x11] =	wrdreg s26;
	s25 =	simm.s32 $0xF800;
	s26 =	simm.s32 $0x10000  }
0x1f: {  	v2 =	vlaneseq.u32;
	s5 =	simm.s32 $0x1;
	s10 =	simm.s32 $0x0;
	s11 =	sadd.s32 s9, s8  }
0x20: {  	vm0 =	vmmov $0xffff;
	v1 =	vshrl.u32 v2, $0x3;
	[dreg:$0x17] =	wrdreg s1;
	s1 =	simm.s32 $0x12800;
	s0 =	sadd.s32 s0, s11  }
0x21: {  	v0 =	vand.u32 $0x7, v2;
	v2 =	vor.u32 $0x8, v2;
	v1 =	vmul.u32 $0x8, v1;
	s8 =	simm.s32 $0x4;
	[dreg:$0x18] =	wrdreg s0;
	s0 =	simm.s32 $0x7000  }
.LBB2_1:
0x22: {  	[dreg:$0x19] =	wrdreg s10  }
0x23: {  	s9 =	rddreg [dreg:$0x12];
	s10 =	simm.s32 $0x5  }
0x24: {  	[tilespmem:s3], [sflag:$0x5] =	stream.linear.gather [hbm4b:s9+s3], $0x1480, $0x38;
	[tilespmem:$0x1B000] =	vst v63  }
0x25: {  	_ =	swait.ge [sflag:s10], $0x1480  }
0x26: {  	[sflag:s10] =	ssyncset.done $0x0  }
0x27: {  	s11 =	simm.s32 $0x1800;
	s12 =	rddreg [dreg:$0x13];
	[sflag:s10] =	ssyncadd.s32 $0xFFFFEB80  }
0x28: {  	[tilespmem:s11], [sflag:$0x5] =	stream.linear.gather [hbm4b:s12+s3], $0x1480, $0x38;
	[tilespmem:$0x1B000] =	vst v63  }
0x29: {  	_ =	swait.ge [sflag:s10], $0x1480  }
0x2a: {  	[sflag:s10] =	ssyncset.done $0x0  }
0x2b: {  	[sflag:s10] =	ssyncadd.s32 $0xFFFFEB80  }
0x2c: {  	[tilespmem:s15], [sflag:$0x1] =	stream.indirect.gather [hbm4b:s2+s14], $0x80, s3, s14, $0xb8;
	[tilespmem:$0x1B000] =	vst v63  }
0x2d: {  	v3 =	vld [tilespmem:$0x1800];
	_ =	sdelay $0x4  }
0x2e: {  	v4 =	vshll.u32 v3, $0x1  }
0x2f: {  	v3 =	vand.u32 $0x7, v3;
	v4 =	vand.u32 $0xFFFFFFF0, v4  }
0x30: {  	v3 =	vor.u32 v3, v4  }
0x31: {  	v4 =	vperm.xlane v3, v0;
	_ =	sdelay $0x1  }
0x32: {  	v3 =	vperm.xlane v3, v2;
	v4 =	vadd.s32 v1, v4;
	_ =	sdelay $0x1  }
0x33: {  	v3 =	vadd.s32 v1, v3;
	_ =	sdelay $0x2  }
0x34: {  	[tilespmem:s16], [sflag:$0x1] =	stream.indirect_vreg.gather [hbm4b:s4+s3], $0x80, v4, vm0, $0xb8;
	[tilespmem:$0x1B000] =	vst v63  }
0x35: {  	_ = 	snop  }
0x36: {  	[tilespmem:s17], [sflag:$0x1] =	stream.indirect_vreg.gather [hbm4b:s4+s3], $0x80, v3, vm0, $0xb8;
	[tilespmem:$0x1B000] =	vst v63  }
0x37: {  	v3 =	vld [tilespmem:$0x1810];
	_ =	sdelay $0x4  }
0x38: {  	v57 =	vshll.u32 v3, $0x1  }
0x39: {  	v3 =	vand.u32 $0x7, v3;
	v4 =	vand.u32 $0xFFFFFFF0, v57  }
0x3a: {  	v3 =	vor.u32 v3, v4  }
0x3b: {  	v4 =	vperm.xlane v3, v0;
	_ =	sdelay $0x1  }
0x3c: {  	v3 =	vperm.xlane v3, v2;
	v4 =	vadd.s32 v1, v4;
	_ =	sdelay $0x1  }
0x3d: {  	v3 =	vadd.s32 v1, v3;
	_ =	sdelay $0x2  }
0x3e: {  	[tilespmem:s18], [sflag:$0x1] =	stream.indirect_vreg.gather [hbm4b:s4+s3], $0x80, v4, vm0, $0xb8;
	[tilespmem:$0x1B000] =	vst v63  }
0x3f: {  	_ = 	snop  }
0x40: {  	[tilespmem:s19], [sflag:$0x1] =	stream.indirect_vreg.gather [hbm4b:s4+s3], $0x80, v3, vm0, $0xb8;
	[tilespmem:$0x1B000] =	vst v63  }
0x41: {  	v3 =	vld [tilespmem:$0x1820];
	_ =	sdelay $0x4  }
0x42: {  	v58 =	vshll.u32 v3, $0x1  }
0x43: {  	v3 =	vand.u32 $0x7, v3;
	v4 =	vand.u32 $0xFFFFFFF0, v58  }
0x44: {  	v3 =	vor.u32 v3, v4  }
0x45: {  	v4 =	vperm.xlane v3, v0;
	_ =	sdelay $0x1  }
0x46: {  	v3 =	vperm.xlane v3, v2;
	v4 =	vadd.s32 v1, v4;
	_ =	sdelay $0x1  }
0x47: {  	v3 =	vadd.s32 v1, v3;
	_ =	sdelay $0x2  }
0x48: {  	[tilespmem:s20], [sflag:$0x1] =	stream.indirect_vreg.gather [hbm4b:s4+s3], $0x80, v4, vm0, $0xb8;
	[tilespmem:$0x1B000] =	vst v63  }
0x49: {  	_ = 	snop  }
0x4a: {  	[tilespmem:s21], [sflag:$0x1] =	stream.indirect_vreg.gather [hbm4b:s4+s3], $0x80, v3, vm0, $0xb8;
	[tilespmem:$0x1B000] =	vst v63  }
0x4b: {  	v3 =	vld [tilespmem:$0x1830];
	_ =	sdelay $0x4  }
0x4c: {  	v59 =	vshll.u32 v3, $0x1  }
0x4d: {  	v3 =	vand.u32 $0x7, v3;
	v4 =	vand.u32 $0xFFFFFFF0, v59  }
0x4e: {  	v3 =	vor.u32 v3, v4  }
0x4f: {  	v4 =	vperm.xlane v3, v0;
	_ =	sdelay $0x1  }
0x50: {  	v3 =	vperm.xlane v3, v2;
	v4 =	vadd.s32 v1, v4;
	_ =	sdelay $0x1  }
0x51: {  	v3 =	vadd.s32 v1, v3;
	_ =	sdelay $0x2  }
0x52: {  	[tilespmem:s22], [sflag:$0x1] =	stream.indirect_vreg.gather [hbm4b:s4+s3], $0x80, v4, vm0, $0xb8;
	[tilespmem:$0x1B000] =	vst v63  }
0x53: {  	_ = 	snop  }
0x54: {  	[tilespmem:s23], [sflag:$0x1] =	stream.indirect_vreg.gather [hbm4b:s4+s3], $0x80, v3, vm0, $0xb8;
	[tilespmem:$0x1B000] =	vst v63  }
0x55: {  	v3 =	vld [tilespmem:$0x1840];
	_ =	sdelay $0x4  }
0x56: {  	v60 =	vshll.u32 v3, $0x1  }
0x57: {  	v3 =	vand.u32 $0x7, v3;
	v4 =	vand.u32 $0xFFFFFFF0, v60  }
0x58: {  	v3 =	vor.u32 v3, v4  }
0x59: {  	v4 =	vperm.xlane v3, v0;
	_ =	sdelay $0x1  }
0x5a: {  	v3 =	vperm.xlane v3, v2;
	v4 =	vadd.s32 v1, v4;
	_ =	sdelay $0x1  }
0x5b: {  	v3 =	vadd.s32 v1, v3;
	_ =	sdelay $0x2  }
0x5c: {  	[tilespmem:s24], [sflag:$0x1] =	stream.indirect_vreg.gather [hbm4b:s4+s3], $0x80, v4, vm0, $0xb8;
	[tilespmem:$0x1B000] =	vst v63  }
0x5d: {  	_ = 	snop  }
0x5e: {  	[tilespmem:s25], [sflag:$0x1] =	stream.indirect_vreg.gather [hbm4b:s4+s3], $0x80, v3, vm0, $0xb8;
	[tilespmem:$0x1B000] =	vst v63  }
0x5f: {  	v3 =	vld [tilespmem:$0x1850];
	_ =	sdelay $0x4  }
0x60: {  	v61 =	vshll.u32 v3, $0x1  }
0x61: {  	v3 =	vand.u32 $0x7, v3;
	v4 =	vand.u32 $0xFFFFFFF0, v61  }
0x62: {  	v3 =	vor.u32 v3, v4  }
0x63: {  	v4 =	vperm.xlane v3, v0;
	_ =	sdelay $0x1  }
0x64: {  	v3 =	vperm.xlane v3, v2;
	v4 =	vadd.s32 v1, v4;
	_ =	sdelay $0x1  }
0x65: {  	v3 =	vadd.s32 v1, v3;
	_ =	sdelay $0x2  }
0x66: {  	[tilespmem:s26], [sflag:$0x1] =	stream.indirect_vreg.gather [hbm4b:s4+s3], $0x80, v4, vm0, $0xb8;
	[tilespmem:$0x1B000] =	vst v63  }
0x67: {  	_ = 	snop  }
0x68: {  	[tilespmem:s28], [sflag:$0x1] =	stream.indirect_vreg.gather [hbm4b:s4+s3], $0x80, v3, vm0, $0xb8;
	[tilespmem:$0x1B000] =	vst v63  }
0x69: {  	v3 =	vld [tilespmem:$0x1860];
	_ =	sdelay $0x4  }
0x6a: {  	v62 =	vshll.u32 v3, $0x1  }
0x6b: {  	v3 =	vand.u32 $0x7, v3;
	v4 =	vand.u32 $0xFFFFFFF0, v62  }
0x6c: {  	v3 =	vor.u32 v3, v4  }
0x6d: {  	v4 =	vperm.xlane v3, v0;
	_ =	sdelay $0x1  }
0x6e: {  	v3 =	vperm.xlane v3, v2;
	v4 =	vadd.s32 v1, v4;
	_ =	sdelay $0x1  }
0x6f: {  	v3 =	vadd.s32 v1, v3;
	_ =	sdelay $0x2  }
0x70: {  	[tilespmem:s29], [sflag:$0x1] =	stream.indirect_vreg.gather [hbm4b:s4+s3], $0x80, v4, vm0, $0xb8;
	[tilespmem:$0x1B000] =	vst v63  }
0x71: {  	_ = 	snop  }
0x72: {  	[tilespmem:s30], [sflag:$0x1] =	stream.indirect_vreg.gather [hbm4b:s4+s3], $0x80, v3, vm0, $0xb8;
	[tilespmem:$0x1B000] =	vst v63  }
0x73: {  	v3 =	vld [tilespmem:$0x1870];
	_ =	sdelay $0x4  }
0x74: {  	v63 =	vshll.u32 v3, $0x1  }
0x75: {  	v3 =	vand.u32 $0x7, v3;
	v4 =	vand.u32 $0xFFFFFFF0, v63  }
0x76: {  	v3 =	vor.u32 v3, v4  }
0x77: {  	v4 =	vperm.xlane v3, v0;
	_ =	sdelay $0x1  }
0x78: {  	v3 =	vperm.xlane v3, v2;
	v4 =	vadd.s32 v1, v4;
	_ =	sdelay $0x1  }
0x79: {  	v3 =	vadd.s32 v1, v3;
	_ =	sdelay $0x1  }
0x7a: {  	s11 =	rddreg [dreg:$0x18]  }
0x7b: {  	[tilespmem:s31], [sflag:$0x1] =	stream.indirect_vreg.gather [hbm4b:s4+s3], $0x80, v4, vm0, $0xb8;
	[tilespmem:$0x1B000] =	vst v63  }
0x7c: {  	s12 =	simm.s32 $0x0;
	s10 =	rddreg [dreg:$0x17]  }
0x7d: {  	[tilespmem:s1], [sflag:$0x1] =	stream.indirect_vreg.gather [hbm4b:s4+s3], $0x80, v3, vm0, $0xb8;
	[tilespmem:$0x1B000] =	vst v63  }
.LBB2_2:
0x7e: {  	s9 =	sshra.s32 s12, $0x2  }
0x7f: {  	s17 =	sadd.s32 $0x80, s9  }
0x80: {  	[tilespmem:s0], [sflag:$0x2] =	stream.indirect.gather [hbm4b:s2+s14], $0x80, s17, s14, $0xb8;
	[tilespmem:$0x1B000] =	vst v63  }
0x81: {  	v3 =	vld [tilespmem:s9+$0x1880];
	_ =	sdelay $0x4  }
0x82: {  	v4 =	vshll.u32 v3, $0x1  }
0x83: {  	v3 =	vand.u32 $0x7, v3;
	v4 =	vand.u32 $0xFFFFFFF0, v4  }
0x84: {  	v3 =	vor.u32 v3, v4  }
0x85: {  	v4 =	vperm.xlane v3, v0;
	_ =	sdelay $0x1  }
0x86: {  	v3 =	vperm.xlane v3, v2;
	v4 =	vadd.s32 v1, v4;
	_ =	sdelay $0x1  }
0x87: {  	v3 =	vadd.s32 v1, v3;
	_ =	sdelay $0x2  }
0x88: {  	[tilespmem:s13], [sflag:$0x2] =	stream.indirect_vreg.gather [hbm4b:s4+s3], $0x80, v4, vm0, $0xb8;
	[tilespmem:$0x1B000] =	vst v63  }
0x89: {  	s18 =	rddreg [dreg:$0x3]  }
0x8a: {  	[tilespmem:s18], [sflag:$0x2] =	stream.indirect_vreg.gather [hbm4b:s4+s3], $0x80, v3, vm0, $0xb8;
	[tilespmem:$0x1B000] =	vst v63  }
0x8b: {  	v3 =	vld [tilespmem:s9+$0x1890];
	_ =	sdelay $0x4  }
0x8c: {  	v49 =	vshll.u32 v3, $0x1  }
0x8d: {  	v3 =	vand.u32 $0x7, v3;
	v4 =	vand.u32 $0xFFFFFFF0, v49  }
0x8e: {  	v3 =	vor.u32 v3, v4  }
0x8f: {  	v4 =	vperm.xlane v3, v0;
	_ =	sdelay $0x1  }
0x90: {  	v3 =	vperm.xlane v3, v2;
	v4 =	vadd.s32 v1, v4;
	_ =	sdelay $0x1  }
0x91: {  	v3 =	vadd.s32 v1, v3;
	_ =	sdelay $0x1  }
0x92: {  	s17 =	rddreg [dreg:$0x4]  }
0x93: {  	[tilespmem:s17], [sflag:$0x2] =	stream.indirect_vreg.gather [hbm4b:s4+s3], $0x80, v4, vm0, $0xb8;
	[tilespmem:$0x1B000] =	vst v63  }
0x94: {  	s18 =	rddreg [dreg:$0x5]  }
0x95: {  	[tilespmem:s18], [sflag:$0x2] =	stream.indirect_vreg.gather [hbm4b:s4+s3], $0x80, v3, vm0, $0xb8;
	[tilespmem:$0x1B000] =	vst v63  }
0x96: {  	v3 =	vld [tilespmem:s9+$0x18A0];
	_ =	sdelay $0x4  }
0x97: {  	v50 =	vshll.u32 v3, $0x1  }
0x98: {  	v3 =	vand.u32 $0x7, v3;
	v4 =	vand.u32 $0xFFFFFFF0, v50  }
0x99: {  	v3 =	vor.u32 v3, v4  }
0x9a: {  	v4 =	vperm.xlane v3, v0;
	_ =	sdelay $0x1  }
0x9b: {  	v3 =	vperm.xlane v3, v2;
	v4 =	vadd.s32 v1, v4;
	_ =	sdelay $0x1  }
0x9c: {  	v3 =	vadd.s32 v1, v3;
	_ =	sdelay $0x1  }
0x9d: {  	s17 =	rddreg [dreg:$0x6]  }
0x9e: {  	[tilespmem:s17], [sflag:$0x2] =	stream.indirect_vreg.gather [hbm4b:s4+s3], $0x80, v4, vm0, $0xb8;
	[tilespmem:$0x1B000] =	vst v63  }
0x9f: {  	s18 =	rddreg [dreg:$0x7]  }
0xa0: {  	[tilespmem:s18], [sflag:$0x2] =	stream.indirect_vreg.gather [hbm4b:s4+s3], $0x80, v3, vm0, $0xb8;
	[tilespmem:$0x1B000] =	vst v63  }
0xa1: {  	v3 =	vld [tilespmem:s9+$0x18B0];
	_ =	sdelay $0x4  }
0xa2: {  	v51 =	vshll.u32 v3, $0x1  }
0xa3: {  	v3 =	vand.u32 $0x7, v3;
	v4 =	vand.u32 $0xFFFFFFF0, v51  }
0xa4: {  	v3 =	vor.u32 v3, v4  }
0xa5: {  	v4 =	vperm.xlane v3, v0;
	_ =	sdelay $0x1  }
0xa6: {  	v3 =	vperm.xlane v3, v2;
	v4 =	vadd.s32 v1, v4;
	_ =	sdelay $0x1  }
0xa7: {  	v3 =	vadd.s32 v1, v3;
	_ =	sdelay $0x1  }
0xa8: {  	s17 =	rddreg [dreg:$0x8]  }
0xa9: {  	[tilespmem:s17], [sflag:$0x2] =	stream.indirect_vreg.gather [hbm4b:s4+s3], $0x80, v4, vm0, $0xb8;
	[tilespmem:$0x1B000] =	vst v63  }
0xaa: {  	s18 =	rddreg [dreg:$0x9]  }
0xab: {  	[tilespmem:s18], [sflag:$0x2] =	stream.indirect_vreg.gather [hbm4b:s4+s3], $0x80, v3, vm0, $0xb8;
	[tilespmem:$0x1B000] =	vst v63  }
0xac: {  	v3 =	vld [tilespmem:s9+$0x18C0];
	_ =	sdelay $0x4  }
0xad: {  	v52 =	vshll.u32 v3, $0x1  }
0xae: {  	v3 =	vand.u32 $0x7, v3;
	v4 =	vand.u32 $0xFFFFFFF0, v52  }
0xaf: {  	v3 =	vor.u32 v3, v4  }
0xb0: {  	v4 =	vperm.xlane v3, v0;
	_ =	sdelay $0x1  }
0xb1: {  	v3 =	vperm.xlane v3, v2;
	v4 =	vadd.s32 v1, v4;
	_ =	sdelay $0x1  }
0xb2: {  	v3 =	vadd.s32 v1, v3;
	_ =	sdelay $0x1  }
0xb3: {  	s17 =	rddreg [dreg:$0xa]  }
0xb4: {  	[tilespmem:s17], [sflag:$0x2] =	stream.indirect_vreg.gather [hbm4b:s4+s3], $0x80, v4, vm0, $0xb8;
	[tilespmem:$0x1B000] =	vst v63  }
0xb5: {  	s18 =	rddreg [dreg:$0xb]  }
0xb6: {  	[tilespmem:s18], [sflag:$0x2] =	stream.indirect_vreg.gather [hbm4b:s4+s3], $0x80, v3, vm0, $0xb8;
	[tilespmem:$0x1B000] =	vst v63  }
0xb7: {  	v3 =	vld [tilespmem:s9+$0x18D0];
	_ =	sdelay $0x4  }
0xb8: {  	v53 =	vshll.u32 v3, $0x1  }
0xb9: {  	v3 =	vand.u32 $0x7, v3;
	v4 =	vand.u32 $0xFFFFFFF0, v53  }
0xba: {  	v3 =	vor.u32 v3, v4  }
0xbb: {  	v4 =	vperm.xlane v3, v0;
	_ =	sdelay $0x1  }
0xbc: {  	v3 =	vperm.xlane v3, v2;
	v4 =	vadd.s32 v1, v4;
	_ =	sdelay $0x1  }
0xbd: {  	v3 =	vadd.s32 v1, v3;
	_ =	sdelay $0x1  }
0xbe: {  	s17 =	rddreg [dreg:$0xc]  }
0xbf: {  	[tilespmem:s17], [sflag:$0x2] =	stream.indirect_vreg.gather [hbm4b:s4+s3], $0x80, v4, vm0, $0xb8;
	[tilespmem:$0x1B000] =	vst v63  }
0xc0: {  	s18 =	rddreg [dreg:$0xd]  }
0xc1: {  	[tilespmem:s18], [sflag:$0x2] =	stream.indirect_vreg.gather [hbm4b:s4+s3], $0x80, v3, vm0, $0xb8;
	[tilespmem:$0x1B000] =	vst v63  }
0xc2: {  	v3 =	vld [tilespmem:s9+$0x18E0];
	_ =	sdelay $0x4  }
0xc3: {  	v54 =	vshll.u32 v3, $0x1  }
0xc4: {  	v3 =	vand.u32 $0x7, v3;
	v4 =	vand.u32 $0xFFFFFFF0, v54  }
0xc5: {  	v3 =	vor.u32 v3, v4  }
0xc6: {  	v4 =	vperm.xlane v3, v0;
	_ =	sdelay $0x1  }
0xc7: {  	v3 =	vperm.xlane v3, v2;
	v4 =	vadd.s32 v1, v4;
	_ =	sdelay $0x1  }
0xc8: {  	v3 =	vadd.s32 v1, v3;
	_ =	sdelay $0x1  }
0xc9: {  	s17 =	rddreg [dreg:$0xe]  }
0xca: {  	[tilespmem:s17], [sflag:$0x2] =	stream.indirect_vreg.gather [hbm4b:s4+s3], $0x80, v4, vm0, $0xb8;
	[tilespmem:$0x1B000] =	vst v63  }
0xcb: {  	s18 =	rddreg [dreg:$0xf]  }
0xcc: {  	[tilespmem:s18], [sflag:$0x2] =	stream.indirect_vreg.gather [hbm4b:s4+s3], $0x80, v3, vm0, $0xb8;
	[tilespmem:$0x1B000] =	vst v63  }
0xcd: {  	v3 =	vld [tilespmem:s9+$0x18F0];
	_ =	sdelay $0x4  }
0xce: {  	v55 =	vshll.u32 v3, $0x1  }
0xcf: {  	v3 =	vand.u32 $0x7, v3;
	v4 =	vand.u32 $0xFFFFFFF0, v55  }
0xd0: {  	v3 =	vor.u32 v3, v4  }
0xd1: {  	v4 =	vperm.xlane v3, v0;
	_ =	sdelay $0x1  }
0xd2: {  	v3 =	vperm.xlane v3, v2;
	v4 =	vadd.s32 v1, v4;
	_ =	sdelay $0x1  }
0xd3: {  	v3 =	vadd.s32 v1, v3;
	_ =	sdelay $0x1  }
0xd4: {  	s17 =	rddreg [dreg:$0x10]  }
0xd5: {  	[tilespmem:s17], [sflag:$0x2] =	stream.indirect_vreg.gather [hbm4b:s4+s3], $0x80, v4, vm0, $0xb8;
	[tilespmem:$0x1B000] =	vst v63  }
0xd6: {  	s18 =	rddreg [dreg:$0x11]  }
0xd7: {  	[tilespmem:s18], [sflag:$0x2] =	stream.indirect_vreg.gather [hbm4b:s4+s3], $0x80, v3, vm0, $0xb8;
	[tilespmem:$0x1B000] =	vst v63  }
0xd8: {  	_ =	swait.ge [sflag:s5], $0x4000  }
0xd9: {  	[sflag:s5] =	ssyncset.done $0x0  }
0xda: {  	[sflag:s5] =	ssyncadd.s32 $0xFFFFC000  }
0xdb: {  	_ =	swait.ge [sflag:s5], $0x8000  }
0xdc: {  	[sflag:s5] =	ssyncset.done $0x0  }
0xdd: {  	[sflag:s5] =	ssyncadd.s32 $0xFFFF8000  }
0xde: {  	[hbm4b:s11+s3] =	stream.linear.scatter [tilespmem:s15], [sflag:$0x3], $0x4000, $0x38;
	[tilespmem:$0x1B000] =	vst v63  }
0xdf: {  	_ = 	snop  }
0xe0: {  	[hbm4b:s10+s3] =	stream.linear.scatter [tilespmem:s16], [sflag:$0x3], $0x8000, $0x38;
	[tilespmem:$0x1B000] =	vst v63  }
0xe1: {  	_ =	swait.ge [sflag:s6], $0x4000  }
0xe2: {  	[sflag:s6] =	ssyncset.done $0x0  }
0xe3: {  	[sflag:s6] =	ssyncadd.s32 $0xFFFFC000  }
0xe4: {  	_ =	swait.ge [sflag:s6], $0x8000  }
0xe5: {  	[sflag:s6] =	ssyncset.done $0x0  }
0xe6: {  	s17 =	sadd.s32 $0x800, s11;
	[sflag:s6] =	ssyncadd.s32 $0xFFFF8000  }
0xe7: {  	[hbm4b:s17+s3] =	stream.linear.scatter [tilespmem:s0], [sflag:$0x4], $0x4000, $0x38;
	[tilespmem:$0x1B000] =	vst v63  }
0xe8: {  	s17 =	sadd.s32 $0x1000, s10  }
0xe9: {  	[hbm4b:s17+s3] =	stream.linear.scatter [tilespmem:s13], [sflag:$0x4], $0x8000, $0x38;
	[tilespmem:$0x1B000] =	vst v63  }
0xea: {  	_ =	swait.ge [sflag:s7], $0x4000  }
0xeb: {  	[sflag:s7] =	ssyncset.done $0x0  }
0xec: {  	[sflag:s7] =	ssyncadd.s32 $0xFFFFC000  }
0xed: {  	_ =	swait.ge [sflag:s7], $0x8000  }
0xee: {  	[sflag:s7] =	ssyncset.done $0x0  }
0xef: {  	s17 =	sadd.s32 $0x100, s9;
	[sflag:s7] =	ssyncadd.s32 $0xFFFF8000  }
0xf0: {  	[tilespmem:s15], [sflag:$0x1] =	stream.indirect.gather [hbm4b:s2+s14], $0x80, s17, s14, $0xb8;
	[tilespmem:$0x1B000] =	vst v63  }
0xf1: {  	v3 =	vld [tilespmem:s9+$0x1900];
	_ =	sdelay $0x4  }
0xf2: {  	v56 =	vshll.u32 v3, $0x1  }
0xf3: {  	v3 =	vand.u32 $0x7, v3;
	v4 =	vand.u32 $0xFFFFFFF0, v56  }
0xf4: {  	v3 =	vor.u32 v3, v4  }
0xf5: {  	v4 =	vperm.xlane v3, v0;
	_ =	sdelay $0x1  }
0xf6: {  	v3 =	vperm.xlane v3, v2;
	v4 =	vadd.s32 v1, v4;
	_ =	sdelay $0x1  }
0xf7: {  	v3 =	vadd.s32 v1, v3;
	_ =	sdelay $0x2  }
0xf8: {  	[tilespmem:s16], [sflag:$0x1] =	stream.indirect_vreg.gather [hbm4b:s4+s3], $0x80, v4, vm0, $0xb8;
	[tilespmem:$0x1B000] =	vst v63  }
0xf9: {  	s17 =	simm.s32 $0xB800  }
0xfa: {  	[tilespmem:s17], [sflag:$0x1] =	stream.indirect_vreg.gather [hbm4b:s4+s3], $0x80, v3, vm0, $0xb8;
	[tilespmem:$0x1B000] =	vst v63  }
0xfb: {  	v3 =	vld [tilespmem:s9+$0x1910];
	_ =	sdelay $0x4  }
0xfc: {  	v57 =	vshll.u32 v3, $0x1  }
0xfd: {  	v3 =	vand.u32 $0x7, v3;
	v4 =	vand.u32 $0xFFFFFFF0, v57  }
0xfe: {  	v3 =	vor.u32 v3, v4  }
0xff: {  	v4 =	vperm.xlane v3, v0;
	_ =	sdelay $0x1  }
0x100: {  	v3 =	vperm.xlane v3, v2;
	v4 =	vadd.s32 v1, v4;
	_ =	sdelay $0x1  }
0x101: {  	v3 =	vadd.s32 v1, v3;
	_ =	sdelay $0x1  }
0x102: {  	s18 =	simm.s32 $0xC000  }
0x103: {  	[tilespmem:s18], [sflag:$0x1] =	stream.indirect_vreg.gather [hbm4b:s4+s3], $0x80, v4, vm0, $0xb8;
	[tilespmem:$0x1B000] =	vst v63  }
0x104: {  	_ = 	snop  }
0x105: {  	[tilespmem:s19], [sflag:$0x1] =	stream.indirect_vreg.gather [hbm4b:s4+s3], $0x80, v3, vm0, $0xb8;
	[tilespmem:$0x1B000] =	vst v63  }
0x106: {  	v3 =	vld [tilespmem:s9+$0x1920];
	_ =	sdelay $0x4  }
0x107: {  	v58 =	vshll.u32 v3, $0x1  }
0x108: {  	v3 =	vand.u32 $0x7, v3;
	v4 =	vand.u32 $0xFFFFFFF0, v58  }
0x109: {  	v3 =	vor.u32 v3, v4  }
0x10a: {  	v4 =	vperm.xlane v3, v0;
	_ =	sdelay $0x1  }
0x10b: {  	v3 =	vperm.xlane v3, v2;
	v4 =	vadd.s32 v1, v4;
	_ =	sdelay $0x1  }
0x10c: {  	v3 =	vadd.s32 v1, v3;
	_ =	sdelay $0x2  }
0x10d: {  	[tilespmem:s20], [sflag:$0x1] =	stream.indirect_vreg.gather [hbm4b:s4+s3], $0x80, v4, vm0, $0xb8;
	[tilespmem:$0x1B000] =	vst v63  }
0x10e: {  	_ = 	snop  }
0x10f: {  	[tilespmem:s21], [sflag:$0x1] =	stream.indirect_vreg.gather [hbm4b:s4+s3], $0x80, v3, vm0, $0xb8;
	[tilespmem:$0x1B000] =	vst v63  }
0x110: {  	v3 =	vld [tilespmem:s9+$0x1930];
	_ =	sdelay $0x4  }
0x111: {  	v59 =	vshll.u32 v3, $0x1  }
0x112: {  	v3 =	vand.u32 $0x7, v3;
	v4 =	vand.u32 $0xFFFFFFF0, v59  }
0x113: {  	v3 =	vor.u32 v3, v4  }
0x114: {  	v4 =	vperm.xlane v3, v0;
	_ =	sdelay $0x1  }
0x115: {  	v3 =	vperm.xlane v3, v2;
	v4 =	vadd.s32 v1, v4;
	_ =	sdelay $0x1  }
0x116: {  	v3 =	vadd.s32 v1, v3;
	_ =	sdelay $0x2  }
0x117: {  	[tilespmem:s22], [sflag:$0x1] =	stream.indirect_vreg.gather [hbm4b:s4+s3], $0x80, v4, vm0, $0xb8;
	[tilespmem:$0x1B000] =	vst v63  }
0x118: {  	_ = 	snop  }
0x119: {  	[tilespmem:s23], [sflag:$0x1] =	stream.indirect_vreg.gather [hbm4b:s4+s3], $0x80, v3, vm0, $0xb8;
	[tilespmem:$0x1B000] =	vst v63  }
0x11a: {  	v3 =	vld [tilespmem:s9+$0x1940];
	_ =	sdelay $0x4  }
0x11b: {  	v60 =	vshll.u32 v3, $0x1  }
0x11c: {  	v3 =	vand.u32 $0x7, v3;
	v4 =	vand.u32 $0xFFFFFFF0, v60  }
0x11d: {  	v3 =	vor.u32 v3, v4  }
0x11e: {  	v4 =	vperm.xlane v3, v0;
	_ =	sdelay $0x1  }
0x11f: {  	v3 =	vperm.xlane v3, v2;
	v4 =	vadd.s32 v1, v4;
	_ =	sdelay $0x1  }
0x120: {  	v3 =	vadd.s32 v1, v3;
	_ =	sdelay $0x2  }
0x121: {  	[tilespmem:s24], [sflag:$0x1] =	stream.indirect_vreg.gather [hbm4b:s4+s3], $0x80, v4, vm0, $0xb8;
	[tilespmem:$0x1B000] =	vst v63  }
0x122: {  	_ = 	snop  }
0x123: {  	[tilespmem:s25], [sflag:$0x1] =	stream.indirect_vreg.gather [hbm4b:s4+s3], $0x80, v3, vm0, $0xb8;
	[tilespmem:$0x1B000] =	vst v63  }
0x124: {  	v3 =	vld [tilespmem:s9+$0x1950];
	_ =	sdelay $0x4  }
0x125: {  	v61 =	vshll.u32 v3, $0x1  }
0x126: {  	v3 =	vand.u32 $0x7, v3;
	v4 =	vand.u32 $0xFFFFFFF0, v61  }
0x127: {  	v3 =	vor.u32 v3, v4  }
0x128: {  	v4 =	vperm.xlane v3, v0;
	_ =	sdelay $0x1  }
0x129: {  	v3 =	vperm.xlane v3, v2;
	v4 =	vadd.s32 v1, v4;
	_ =	sdelay $0x1  }
0x12a: {  	v3 =	vadd.s32 v1, v3;
	_ =	sdelay $0x2  }
0x12b: {  	[tilespmem:s26], [sflag:$0x1] =	stream.indirect_vreg.gather [hbm4b:s4+s3], $0x80, v4, vm0, $0xb8;
	[tilespmem:$0x1B000] =	vst v63  }
0x12c: {  	_ = 	snop  }
0x12d: {  	[tilespmem:s28], [sflag:$0x1] =	stream.indirect_vreg.gather [hbm4b:s4+s3], $0x80, v3, vm0, $0xb8;
	[tilespmem:$0x1B000] =	vst v63  }
0x12e: {  	v3 =	vld [tilespmem:s9+$0x1960];
	_ =	sdelay $0x4  }
0x12f: {  	v62 =	vshll.u32 v3, $0x1  }
0x130: {  	v3 =	vand.u32 $0x7, v3;
	v4 =	vand.u32 $0xFFFFFFF0, v62  }
0x131: {  	v3 =	vor.u32 v3, v4  }
0x132: {  	v4 =	vperm.xlane v3, v0;
	_ =	sdelay $0x1  }
0x133: {  	v3 =	vperm.xlane v3, v2;
	v4 =	vadd.s32 v1, v4;
	_ =	sdelay $0x1  }
0x134: {  	v3 =	vadd.s32 v1, v3;
	_ =	sdelay $0x2  }
0x135: {  	[tilespmem:s29], [sflag:$0x1] =	stream.indirect_vreg.gather [hbm4b:s4+s3], $0x80, v4, vm0, $0xb8;
	[tilespmem:$0x1B000] =	vst v63  }
0x136: {  	_ = 	snop  }
0x137: {  	[tilespmem:s30], [sflag:$0x1] =	stream.indirect_vreg.gather [hbm4b:s4+s3], $0x80, v3, vm0, $0xb8;
	[tilespmem:$0x1B000] =	vst v63  }
0x138: {  	v3 =	vld [tilespmem:s9+$0x1970];
	_ =	sdelay $0x4  }
0x139: {  	v63 =	vshll.u32 v3, $0x1  }
0x13a: {  	v3 =	vand.u32 $0x7, v3;
	v4 =	vand.u32 $0xFFFFFFF0, v63  }
0x13b: {  	v3 =	vor.u32 v3, v4  }
0x13c: {  	v4 =	vperm.xlane v3, v0;
	_ =	sdelay $0x1  }
0x13d: {  	v3 =	vperm.xlane v3, v2;
	v4 =	vadd.s32 v1, v4;
	_ =	sdelay $0x1  }
0x13e: {  	v3 =	vadd.s32 v1, v3;
	_ =	sdelay $0x2  }
0x13f: {  	[tilespmem:s31], [sflag:$0x1] =	stream.indirect_vreg.gather [hbm4b:s4+s3], $0x80, v4, vm0, $0xb8;
	[tilespmem:$0x1B000] =	vst v63  }
0x140: {  	_ = 	snop  }
0x141: {  	[tilespmem:s1], [sflag:$0x1] =	stream.indirect_vreg.gather [hbm4b:s4+s3], $0x80, v3, vm0, $0xb8;
	[tilespmem:$0x1B000] =	vst v63  }
0x142: {  	p0 =	sne.s32 s12, $0x4C00;
	_ =	swait.ge [sflag:s8], $0x4000  }
.Ltmp0:
0x143: {  	[sflag:s8] =	ssyncset.done $0x0;
	(pc) =	sbr.rel @p0 .LBB2_2-.Ltmp0, $4  }
0x144: {  	[sflag:s8] =	ssyncadd.s32 $0xFFFFC000  }
0x145: {  	_ =	swait.ge [sflag:s8], $0x8000  }
0x146: {  	s12 =	sadd.s32 $0x400, s12;
	[sflag:s8] =	ssyncset.done $0x0  }
0x147: {  	s11 =	sadd.s32 $0x1000, s11;
	s10 =	sadd.s32 $0x2000, s10;
	[sflag:s8] =	ssyncadd.s32 $0xFFFF8000  }
0x148: {  	_ =	swait.ge [sflag:s5], $0x4000  }
0x149: {  	[sflag:s5] =	ssyncset.done $0x0  }
0x14a: {  	[sflag:s5] =	ssyncadd.s32 $0xFFFFC000  }
0x14b: {  	_ =	swait.ge [sflag:s5], $0x8000  }
0x14c: {  	[sflag:s5] =	ssyncset.done $0x0  }
0x14d: {  	s9 =	rddreg [dreg:$0x14];
	[sflag:s5] =	ssyncadd.s32 $0xFFFF8000  }
0x14e: {  	[hbm4b:s9+s3] =	stream.linear.scatter [tilespmem:s15], [sflag:$0x3], $0x4000, $0x38;
	[tilespmem:$0x1B000] =	vst v63  }
0x14f: {  	s11 =	rddreg [dreg:$0x15]  }
0x150: {  	[hbm4b:s11+s3] =	stream.linear.scatter [tilespmem:s16], [sflag:$0x3], $0x8000, $0x38;
	[tilespmem:$0x1B000] =	vst v63  }
0x151: {  	_ =	swait.ge [sflag:s7], $0x4000  }
0x152: {  	[sflag:s7] =	ssyncset.done $0x0  }
0x153: {  	[sflag:s7] =	ssyncadd.s32 $0xFFFFC000  }
0x154: {  	_ =	swait.ge [sflag:s7], $0x8000  }
0x155: {  	s10 =	rddreg [dreg:$0x19]  }
0x156: {  	s12 =	rddreg [dreg:$0x16];
	s10 =	sadd.s32 $0x1, s10  }
0x157: {  	p0 =	sne.s32 s10, s12  }
.Ltmp1:
0x158: {  	_ = 	snop;
	(pc) =	sbr.rel @p0 .LBB2_1-.Ltmp1, $3  }
0x159: {  	_ =	sdelay $0x1  }
0x15a: {  	[sflag:s7] =	ssyncset.done $0x0  }
0x15b: {  	[sflag:s7] =	ssyncadd.s32 $0xFFFF8000  }
0x15c: {  	_ =	sfence.sel $0x180000  }
0x15d: {  	[bflag:$0x0] =	sbarrier.arrive $0xFFFF  }
0x15e: {  	_ =	strace $0x9000004A  }
0x15f: {  	s0 =	stileid.u32;
	[bflag:$0x2] =	sbarrier.arrive $0xFFFF  }
0x160: {  	p0 =	sne.s32 s0, $0x0;
	s0 =	rddreg [dreg:$0x2]  }
0x161: {  	s0 =	sadd.s32 @!p0 $0x100000, s0  }
0x162: {  	[sflag:s0] =	ssyncadd.tile.s32 @!p0 $0x1;
	_ =	shalt  }
.Lfunc_end2:
_tile_overlayer_lowered:
.L_overlay_start_2:
0x163: {  	(tag) =	ssettag $0x2  }
0x164: {  	s0 =	rddreg [dreg:$0x0];
	s2 =	stileid.u32  }
0x165: {  	s1 =	rddreg [dreg:$0x1];
	p0 =	sne.s32 s2, $0x0  }
0x166: {  	s3 =	rddreg [dreg:$0x2];
	[bflag:$0x3] =	sbarrier.arrive $0xFFFF;
	s2 =	simm.s32 @!p0 $0x1C05  }
0x167: {  	[timem:s3], [sflag:s2] =	dma.local @!p0 [hbm:s0], s1  }
0x168: {  	s0 =	simm.s32 @!p0 $0x5  }
0x169: {  	_ =	swait.ge @!p0 [sflag:s0], s1  }
0x16a: {  	s1 =	ssub.s32 @!p0 $0x0, s1;
	[sflag:s0] =	ssyncset.done @!p0 $0x0  }
0x16b: {  	[sflag:s0] =	ssyncadd.s32 @!p0 s1  }
0x16c: {  	[bflag:$0x3] =	sbarrier.arrive $0xFFFF  }
0x16d: {  	_ =	shalt  }

// kernel: kernel.26.cloned.1.call-start
scs
__scs_entry_jumppad:
0x0: {  	(pc) =	sbr.rel $0x88, $3  }
0x1: {  	(tag) =	ssettag $0x0;
	lr =	simm.s32 $0x1  }
0x2: {  	[smem:$0x3F4F] =	sst lr;
	_ =	strace $0xD0000000  }
0x3: {  	_ = 	snop  }
0x4: {  	_ = 	snop  }
0x5: {  	_ = 	snop  }
0x6: {  	_ = 	snop  }
0x7: {  	_ = 	snop  }
__scs_overlays_trampoline_lowered:
0x8: {  	[smem:$0x3F5E] =	sst s0  }
0x9: {  	[smem:$0x3F5F] =	sst s1  }
0xa: {  	[smem:$0x3F60] =	sst s2  }
0xb: {  	[smem:$0x3F61] =	sst s3  }
0xc: {  	[smem:$0x3F62] =	sst s4  }
0xd: {  	[smem:$0x3F63] =	sst s5  }
0xe: {  	[smem:$0x3F64] =	sst s6  }
0xf: {  	[smem:$0x3F65] =	sst s7  }
0x10: {  	[smem:$0x3F66] =	sst s8  }
0x11: {  	[smem:$0x3F67] =	sst s9;
	s0 =	simm.s32 @!p0 $0x0  }
0x12: {  	s1 =	sld [smem:$0x3F4D];
	s0 =	simm.s32 @p0 $0x1  }
0x13: {  	[smem:$0x3F68] =	sst s0;
	s0 =	simm.s32 @!p1 $0x0  }
0x14: {  	s2 =	sld [smem:$0x3F4C];
	s0 =	simm.s32 @p1 $0x1  }
0x15: {  	[smem:$0x3F69] =	sst s0;
	s0 =	simm.s32 @!p2 $0x0  }
0x16: {  	s3 =	sld [smem:$0x3FDB];
	s0 =	simm.s32 @p2 $0x1  }
0x17: {  	s4 =	simm.s32 $0x1BF5;
	[smem:$0x3F6B] =	sst s0  }
0x18: {  	s0 =	sld [smem:$0x3F4E];
	_ =	swait.ge [sflag:s4], $0x0  }
0x19: {  	s7 =	sld [smem:$0x3F4F]  }
0x1a: {  	s8 =	sadd.s32 $0xFFFFE003, lr  }
0x1b: {  	s9 =	sadd.s32 $0xFFFFFEF7, lr;
	s5 =	simm.s32 $0xFFFFFFFF;
	p2 =	slt.u32 s8, $0xFFFFF086  }
0x1c: {  	p1 =	slt.u32 s9, $0xF7A;
	s5 =	simm.s32 @!p2 $0x0  }
0x1d: {  	s5 =	simm.s32 @p1 $0x1;
	p0 =	seq.s32 s7, s2  }
0x1e: {  	s7 =	smul.u32 @!p0 $0xF7A, s2;
	p2 =	seq.s32 @!p0 s5, $0x0  }
0x1f: {  	s9 =	smul.u32 $0xF7A, s1;
	s8 =	simm.s32 @!p0 $0x1BF5;
	p2 =	por !p2, p0  }
0x20: {  	[sflag:s8] =	ssyncset.s32 @!p0 $0xFFFFF086;
	s6 =	sadd.s32 @!p0 s3, s7;
	s7 =	simm.s32 @!p0 $0x108  }
0x21: {  	s3 =	sadd.s32 s3, s9;
	s6 =	sadd.s32 @!p0 $0x88, s6;
	s7 =	simm.s32 @p2 $0x1082  }
0x22: {  	[simem:s7], [sflag:s8] =	dma.local @!p0 [hbm:s6], $0xF7A  }
0x23: {  	s9 =	sor.u32 $0xD0000000, s2;
	s6 =	simm.s32 $0x108;
	_ =	swait.ge @!p0 [sflag:s8], $0x0  }
0x24: {  	s3 =	sadd.s32 $0x88, s3;
	s6 =	simm.s32 @!p1 $0x1082;
	[sflag:s4] =	ssyncset.s32 $0xFFFFF086  }
0x25: {  	[simem:s6], [sflag:s4] =	dma.local [hbm:s3], $0xF7A  }
0x26: {  	[smem:$0x3F4F] =	sst s1;
	(tag) =	ssettag s2;
	_ =	strace s9  }
0x27: {  	s1 =	sld [smem:$0x3F5F]  }
0x28: {  	s2 =	sld [smem:$0x3F60]  }
0x29: {  	s4 =	sld [smem:$0x3F62]  }
0x2a: {  	p0 =	seq.s32 s5, $0x0;
	s5 =	sld [smem:$0x3F63]  }
0x2b: {  	s6 =	sld [smem:$0x3F64]  }
0x2c: {  	s7 =	sld [smem:$0x3F65]  }
0x2d: {  	s3 =	simm.s32 $0x108;
	s8 =	sld [smem:$0x3F66]  }
0x2e: {  	s3 =	simm.s32 @!p0 $0x1082;
	s9 =	sld [smem:$0x3F67]  }
0x2f: {  	lr =	sadd.s32 s0, s3;
	s0 =	sld [smem:$0x3F5E]  }
0x30: {  	s3 =	sld [smem:$0x3F61]  }
0x31: {  	[smem:$0x3F6A] =	sst s10  }
0x32: {  	s10 =	sld [smem:$0x3F68];
	_ =	sdelay $0x3  }
0x33: {  	p0 =	seq.s32 s10, $0x1;
	s10 =	sld [smem:$0x3F6A];
	_ =	sdelay $0x3  }
0x34: {  	[smem:$0x3F6A] =	sst s10  }
0x35: {  	s10 =	sld [smem:$0x3F69];
	_ =	sdelay $0x3  }
0x36: {  	p1 =	seq.s32 s10, $0x1;
	s10 =	sld [smem:$0x3F6A];
	_ =	sdelay $0x3  }
0x37: {  	[smem:$0x3F6A] =	sst s10  }
0x38: {  	s10 =	sld [smem:$0x3F6B]  }
0x39: {  	_ = 	snop;
	(pc) =	sbr.ind lr, $3  }
0x3a: {  	_ = 	snop  }
0x3b: {  	_ = 	snop  }
0x3c: {  	p2 =	seq.s32 s10, $0x1;
	s10 =	sld [smem:$0x3F6A]  }
0x3d: {  	_ =	shalt  }
0x3e: {  	_ =	shalt  }
0x3f: {  	_ =	shalt  }
0x40: {  	_ =	shalt  }
0x41: {  	_ =	shalt  }
0x42: {  	_ =	shalt  }
0x43: {  	_ =	shalt  }
0x44: {  	_ =	shalt  }
0x45: {  	_ =	shalt  }
0x46: {  	_ =	shalt  }
0x47: {  	_ =	shalt  }
0x48: {  	_ =	shalt  }
0x49: {  	_ =	shalt  }
0x4a: {  	_ =	shalt  }
0x4b: {  	_ =	shalt  }
0x4c: {  	_ =	shalt  }
0x4d: {  	_ =	shalt  }
0x4e: {  	_ =	shalt  }
0x4f: {  	_ =	shalt  }
0x50: {  	_ =	shalt  }
0x51: {  	_ =	shalt  }
0x52: {  	_ =	shalt  }
0x53: {  	_ =	shalt  }
0x54: {  	_ =	shalt  }
0x55: {  	_ =	shalt  }
0x56: {  	_ =	shalt  }
0x57: {  	_ =	shalt  }
0x58: {  	_ =	shalt  }
0x59: {  	_ =	shalt  }
0x5a: {  	_ =	shalt  }
0x5b: {  	_ =	shalt  }
0x5c: {  	_ =	shalt  }
0x5d: {  	_ =	shalt  }
0x5e: {  	_ =	shalt  }
0x5f: {  	_ =	shalt  }
0x60: {  	_ =	shalt  }
0x61: {  	_ =	shalt  }
0x62: {  	_ =	shalt  }
0x63: {  	_ =	shalt  }
0x64: {  	_ =	shalt  }
0x65: {  	_ =	shalt  }
0x66: {  	_ =	shalt  }
0x67: {  	_ =	shalt  }
0x68: {  	_ =	shalt  }
0x69: {  	_ =	shalt  }
0x6a: {  	_ =	shalt  }
0x6b: {  	_ =	shalt  }
0x6c: {  	_ =	shalt  }
0x6d: {  	_ =	shalt  }
0x6e: {  	_ =	shalt  }
0x6f: {  	_ =	shalt  }
0x70: {  	_ =	shalt  }
0x71: {  	_ =	shalt  }
0x72: {  	_ =	shalt  }
0x73: {  	_ =	shalt  }
0x74: {  	_ =	shalt  }
0x75: {  	_ =	shalt  }
0x76: {  	_ =	shalt  }
0x77: {  	_ =	shalt  }
0x78: {  	_ =	shalt  }
0x79: {  	_ =	shalt  }
0x7a: {  	_ =	shalt  }
0x7b: {  	_ =	shalt  }
0x7c: {  	_ =	shalt  }
0x7d: {  	_ =	shalt  }
0x7e: {  	_ =	shalt  }
0x7f: {  	_ =	shalt  }
0x80: {  	_ =	shalt  }
0x81: {  	_ =	shalt  }
0x82: {  	_ =	shalt  }
0x83: {  	_ =	shalt  }
0x84: {  	_ =	shalt  }
0x85: {  	_ =	shalt  }
0x86: {  	_ =	shalt  }
0x87: {  	_ =	shalt  }
.Lfunc_end0:
.L_simem_size_0:
called_computation.3_lowered:
.L_overlay_start_0:
0x88: {  	s2 =	sld [smem:$0x3FD9]  }
0x89: {  	s3 =	sld [smem:$0x3FFE];
	_ =	sdelay $0x1  }
0x8a: {  	s1 =	srdreg.scid  }
0x8b: {  	s0 =	sand.u32 $0x1, s1  }
0x8c: {  	s17 =	sshll.u32 s0, $0xA;
	s2 =	sadd.s32 s3, s2  }
0x8d: {  	s2 =	sadd.s32 s2, s17  }
0x8e: {  	[smem:$0x3F76] =	sst s2  }
0x8f: {  	_ = 	snop  }
0x90: {  	(tm) =	ssettm $0x1  }
0x91: {  	s18 =	sld [smem:$0x3FFB];
	_ =	sdelay $0x3  }
0x92: {  	_ =	strace s18  }
0x93: {  	s2 =	sld [smem:$0x3FFC];
	_ =	sdelay $0x3  }
0x94: {  	_ =	strace s2  }
0x95: {  	s2 =	sld [smem:$0x3FFD];
	_ =	sdelay $0x3  }
0x96: {  	_ =	strace s2  }
0x97: {  	_ =	strace $0x8FFFFFFF  }
0x98: {  	s19 =	sld [smem:$0x3FDB];
	_ =	sdelay $0x1  }
0x99: {  	s20 =	simm.s32 $_scs_section_size  }
0x9a: {  	s4 =	simm.s32 $_size__tile_overlayer_lowered;
	s5 =	simm.s32 $_tile_overlayer_lowered  }
0x9b: {  	s6 =	simm.s32 $0x1BFF;
	s21 =	sshll.u32 s5, $0x1;
	s3 =	sadd.s32 s20, s19  }
0x9c: {  	s22 =	simm.s32 $0x0;
	s4 =	sshll.u32 s4, $0x1;
	s5 =	sadd.s32 s21, s3  }
0x9d: {  	[timem:s22], [sflag:s6] =	dma.local [hbm:s5], s4  }
0x9e: {  	_ =	swait.ge [sflag:s6], s4  }
0x9f: {  	s4 =	ssub.s32 $0x0, s4;
	[sflag:s6] =	ssyncset.done $0x0  }
0xa0: {  	[sflag:s6] =	ssyncadd.s32 s4;
	_ =	sdelay $0x1  }
0xa1: {  	s23 =	simm.s32 $0x1B8B  }
0xa2: {  	_ =	swait.ge [sflag:s23], $0x1  }
0xa3: {  	[sflag:s23] =	ssyncset.done $0x0  }
0xa4: {  	[sflag:s23] =	ssyncadd.s32 $0xFFFFFFFF  }
0xa5: {  	s4 =	sld [smem:$0x0]  }
0xa6: {  	s5 =	sand.u32 $0xFFFFFFFE, s1  }
0xa7: {  	p0 =	sne.s32 s1, s5  }
0xa8: {  	s5 =	sshll.u32 @p0 s5, $0xE  }
0xa9: {  	s5 =	sadd.s32 @p0 $0x11B8D, s5;
	s6 =	sshll.u32 @p0 s4, $0x11  }
0xaa: {  	s5 =	sor.u32 @p0 s6, s5  }
0xab: {  	[sflag:s5] =	ssyncadd.remote.s32 @p0 $0x1;
	_ =	sdelay $0x1  }
0xac: {  	s5 =	simm.s32 @p0 $0x1B8D  }
0xad: {  	_ =	swait.eq @p0 [sflag:s5], $0x1  }
0xae: {  	[sflag:s5] =	ssyncadd.s32 @p0 $0xFFFFFFFF  }
0xaf: {  	s6 =	sshll.u32 @!p0 s1, $0xE  }
0xb0: {  	s6 =	sor.u32 @!p0 $0x4000, s6;
	s5 =	simm.s32 @!p0 $0x1B8D  }
0xb1: {  	s4 =	sshll.u32 @!p0 s4, $0x11;
	s6 =	sadd.s32 @!p0 $0x11B8D, s6;
	_ =	swait.eq @!p0 [sflag:s5], $0x1  }
0xb2: {  	s4 =	sor.u32 @!p0 s4, s6;
	[sflag:s5] =	ssyncadd.s32 @!p0 $0xFFFFFFFF  }
0xb3: {  	s25 =	simm.s32 $0x1B8E;
	s24 =	sld [smem:$0x3FFE];
	[sflag:s4] =	ssyncadd.remote.s32 @!p0 $0x1  }
0xb4: {  	s26 =	simm.s32 $execute0_lowered;
	[smem:$0x3FD2] =	sst s25  }
0xb5: {  	s5 =	sshll.u32 s26, $0x1;
	_ =	strace $0x8000004F;
	[dreg:$0x1] =	wrdreg $0xFFFFFFFF  }
0xb6: {  	s28 =	simm.s32 $_size_execute0_lowered;
	s3 =	sadd.s32 s3, s5;
	[dreg:$0x0] =	wrdreg $0x0  }
0xb7: {  	s5 =	sshll.u32 s28, $0x1;
	[dreg:$0x2] =	wrdreg s3  }
0xb8: {  	[dreg:$0x3] =	wrdreg s5  }
0xb9: {  	[dreg:$0x4] =	wrdreg $0xC0  }
0xba: {  	_ =	task [dreg:s22], $0x5FFFF  }
0xbb: {  	[dreg:$0x1] =	wrdreg $0xFFFFFFFF  }
0xbc: {  	[dreg:$0x0] =	wrdreg $0x60  }
0xbd: {  	[dreg:$0x2] =	wrdreg s24  }
0xbe: {  	[dreg:$0x3] =	wrdreg $0x98000  }
0xbf: {  	[dreg:$0x4] =	wrdreg $0xA  }
0xc0: {  	_ =	task.clear_ibuf [dreg:s22], $0x5FFFF;
	_ =	strace $0x9000004F  }
0xc1: {  	s29 =	simm.s32 $0xA;
	_ =	strace $0x80000051  }
0xc2: {  	_ =	swait.ge [sflag:s29], $0x1  }
0xc3: {  	[sflag:s29] =	ssyncadd.s32 $0xFFFFFFFF  }
0xc4: {  	_ =	strace $0x90000051  }
0xc5: {  	_ =	sfence  }
0xc6: {  	s30 =	sld [smem:$0x0];
	_ =	sdelay $0x2  }
0xc7: {  	s31 =	sshll.u32 s1, $0xD;
	s1 =	sshrl.u32 s1, $0x2  }
0xc8: {  	s4 =	sand.u32 $0x4000, s31;
	s1 =	sadd.s32 s1, s30  }
0xc9: {  	s0 =	sor.u32 s4, s0;
	s1 =	sshll.u32 s1, $0x11  }
0xca: {  	s0 =	sor.u32 s1, s0  }
0xcb: {  	s0 =	sadd.s32 $0x8F2B, s0  }
0xcc: {  	[sflag:s0] =	ssyncadd.remote.s32 $0x1  }
0xcd: {  	_ =	sfence.sel $0xFFFF  }
0xce: {  	[dreg:$0x0] =	wrdreg $0xFFFFFFFF;
	(pc) =	sbr.abs _section_cstart, $3  }
0xcf: {  	[dreg:$0x1] =	wrdreg $0xFFFFFFFF  }
0xd0: {  	_ =	task.clear_ibuf [dreg:s22], $0x2FFFF;
	_ =	strace $0x9FFFFFFF  }
0xd1: {  	(tm) =	ssettm $0x7FFFFFFF  }
tec
execute0_lowered:
.L_overlay_start_1:
0x0: {  	(tag) =	ssettag $0x1  }
0x1: {  	s1 =	srdreg.scid;
	s5 =	rddreg [dreg:$0x0]  }
0x2: {  	s0 =	stileid.u32;
	s2 =	rddreg [dreg:$0x1]  }
0x3: {  	s3 =	simm.s32 $0x0;
	s18 =	simm.s32 $0x1;
	s19 =	simm.s32 $0x80  }
0x4: {  	s20 =	simm.s32 $0x2;
	s21 =	simm.s32 $0x3;
	s8 =	smul.u32 $0x14000, s0  }
0x5: {  	s9 =	sand.u32 $0x1, s1;
	s22 =	sshll.u32 s0, $0x1;
	s13 =	smul.u32 $0x50000, s0  }
0x6: {  	s1 =	rddreg [dreg:$0x2];
	s10 =	sadd.s32 $0x17F1400, s5;
	s26 =	smul.u32 $0x29000, s0  }
0x7: {  	[smem:$0x7FF] =	sst s3;
	s11 =	sadd.s32 $0x1A81400, s5;
	s7 =	smul.u32 $0x140000, s9  }
0x8: {  	s31 =	sshll.u32 s0, $0x6;
	s6 =	sor.u32 s9, s22;
	s28 =	smul.u32 $0x14800, s9  }
0x9: {  	_ =	strace $0x80000050;
	s23 =	ssub.s32 $0x2, s9;
	s4 =	smul.u32 $0x300, s6  }
0xa: {  	s22 =	simm.s32 $0x4;
	s24 =	sshrl.u32 s23, $0x1;
	s15 =	smul.u32 $0x14800, s6  }
0xb: {  	s25 =	sshrl.u32 s13, $0x2;
	s29 =	sadd.s32 s26, s10;
	s7 =	sadd.s32 s8, s7  }
0xc: {  	s16 =	ssub.s32 s23, s24;
	s17 =	sadd.s32 s25, s2;
	s30 =	sadd.s32 s28, s29  }
0xd: {  	s23 =	simm.s32 $0x1400;
	s12 =	sadd.s32 s4, s5;
	s4 =	sadd.s32 $0x174EC00, s5  }
0xe: {  	s7 =	sshrl.u32 s7, $0x3;
	s6 =	sadd.s32 s10, s15;
	s8 =	sadd.s32 s11, s15  }
0xf: {  	s11 =	sadd.s32 s26, s11;
	s10 =	smax.u32 s16, $0x1;
	s15 =	sshrl.u32 s17, $0x3  }
0x10: {  	s16 =	simm.s32 $0x1800;
	s17 =	simm.s32 $0x5800;
	s14 =	sadd.s32 s7, s5  }
0x11: {  	s5 =	sadd.s32 $0xF44000, s12;
	s13 =	sadd.s32 s28, s11;
	s11 =	sadd.s32 $0x1000, s30  }
0x12: {  	s24 =	simm.s32 $0x0;
	s7 =	sadd.s32 $0x1D11400, s14;
	s9 =	sadd.s32 $0x1D61400, s14  }
0x13: {  	s12 =	sadd.s32 $0x1000, s13;
	s13 =	simm.s32 $0x5;
	s14 =	sor.u32 $0x1C05, s31  }
.LBB2_1:
0x14: {  	[tilespmem:s3], [sflag:$0x5] =	stream.linear.gather [hbm4b:s5+s3], $0x1480, $0x38;
	[tilespmem:$0x1D800] =	vst v63  }
0x15: {  	_ =	swait.ge [sflag:s13], $0x1480  }
0x16: {  	[sflag:s13] =	ssyncset.done $0x0  }
0x17: {  	[sflag:s13] =	ssyncadd.s32 $0xFFFFEB80  }
0x18: {  	[spmem:s15], [sflag:s14] =	dma.local [hbm:s4], $0x2800  }
0x19: {  	_ =	swait.ge [sflag:s13], $0x2800  }
0x1a: {  	[sflag:s13] =	ssyncset.done $0x0  }
0x1b: {  	[sflag:s13] =	ssyncadd.s32 $0xFFFFD800  }
0x1c: {  	[bflag:$0x0] =	sbarrier.arrive $0xFFFF  }
0x1d: {  	[tilespmem:s16], [sflag:$0x1] =	stream.linear.gather [hbm4b:s6+s3], $0x4000, $0x38;
	[tilespmem:$0x1D800] =	vst v63  }
0x1e: {  	s25 =	sadd.s32 $0xFFFFF800, s11  }
0x1f: {  	[tilespmem:s17], [sflag:$0x2] =	stream.linear.gather [hbm4b:s25+s3], $0x4000, $0x38;
	[tilespmem:$0x1D800] =	vst v63  }
0x20: {  	_ =	swait.ge [sflag:s18], $0x4000  }
0x21: {  	[sflag:s18] =	ssyncset.done $0x0  }
0x22: {  	s30 =	simm.s32 $0x0;
	[sflag:s18] =	ssyncadd.s32 $0xFFFFC000  }
0x23: {  	[spmem:s2] =	stream.indirect.scatter.add.f32 [tilespmem:s16], [sflag:$0x3], $0x80, s30, s19, $0xb8;
	[tilespmem:$0x1D800] =	vst v63  }
0x24: {  	_ =	swait.ge [sflag:s20], $0x4000  }
0x25: {  	[sflag:s20] =	ssyncset.done $0x0  }
0x26: {  	s31 =	simm.s32 $0x80;
	[sflag:s20] =	ssyncadd.s32 $0xFFFFC000  }
0x27: {  	[spmem:s2] =	stream.indirect.scatter.add.f32 [tilespmem:s17], [sflag:$0x4], $0x80, s31, s19, $0xb8;
	[tilespmem:$0x1D800] =	vst v63  }
0x28: {  	_ =	swait.ge [sflag:s21], $0x4000  }
0x29: {  	[sflag:s21] =	ssyncset.done $0x0  }
0x2a: {  	[sflag:s21] =	ssyncadd.s32 $0xFFFFC000  }
0x2b: {  	[tilespmem:s16], [sflag:$0x1] =	stream.linear.gather [hbm4b:s11+s3], $0x4000, $0x38;
	[tilespmem:$0x1D800] =	vst v63  }
0x2c: {  	s26 =	simm.s32 $0x400;
	_ =	swait.ge [sflag:s22], $0x4000  }
0x2d: {  	s28 =	simm.s32 $0x800;
	s25 =	sadd.s32 $0x1000, s11;
	[sflag:s22] =	ssyncset.done $0x0  }
.LBB2_2:
0x2e: {  	p0 =	sne.s32 s28, $0x4C00;
	s29 =	sadd.s32 $0xFFFFF800, s25;
	[sflag:s22] =	ssyncadd.s32 $0xFFFFC000  }
0x2f: {  	[tilespmem:s17], [sflag:$0x2] =	stream.linear.gather [hbm4b:s29+s3], $0x4000, $0x38;
	[tilespmem:$0x1D800] =	vst v63  }
0x30: {  	s29 =	smov.u32 s28;
	s28 =	sadd.s32 $0x400, s28;
	_ =	swait.ge [sflag:s18], $0x4000  }
0x31: {  	[sflag:s18] =	ssyncset.done $0x0  }
0x32: {  	s30 =	sshra.s32 s26, $0x2;
	s26 =	smov.u32 s29;
	[sflag:s18] =	ssyncadd.s32 $0xFFFFC000  }
0x33: {  	[spmem:s2] =	stream.indirect.scatter.add.f32 [tilespmem:s16], [sflag:$0x3], $0x80, s30, s19, $0xb8;
	[tilespmem:$0x1D800] =	vst v63  }
0x34: {  	_ =	swait.ge [sflag:s20], $0x4000  }
0x35: {  	[sflag:s20] =	ssyncset.done $0x0  }
0x36: {  	s29 =	sadd.s32 $0x80, s30;
	[sflag:s20] =	ssyncadd.s32 $0xFFFFC000  }
0x37: {  	[spmem:s2] =	stream.indirect.scatter.add.f32 [tilespmem:s17], [sflag:$0x4], $0x80, s29, s19, $0xb8;
	[tilespmem:$0x1D800] =	vst v63  }
0x38: {  	_ =	swait.ge [sflag:s21], $0x4000  }
.Ltmp0:
0x39: {  	[sflag:s21] =	ssyncset.done $0x0;
	(pc) =	sbr.rel @p0 .LBB2_2-.Ltmp0, $4  }
0x3a: {  	[sflag:s21] =	ssyncadd.s32 $0xFFFFC000  }
0x3b: {  	[tilespmem:s16], [sflag:$0x1] =	stream.linear.gather [hbm4b:s25+s3], $0x4000, $0x38;
	[tilespmem:$0x1D800] =	vst v63  }
0x3c: {  	_ =	swait.ge [sflag:s22], $0x4000  }
0x3d: {  	s25 =	sadd.s32 $0x1000, s25;
	[sflag:s22] =	ssyncset.done $0x0  }
0x3e: {  	s28 =	sadd.s32 $0xFFFFF800, s25;
	[sflag:s22] =	ssyncadd.s32 $0xFFFFC000  }
0x3f: {  	[tilespmem:s17], [sflag:$0x2] =	stream.linear.gather [hbm4b:s28+s3], $0x4000, $0x38;
	[tilespmem:$0x1D800] =	vst v63  }
0x40: {  	_ =	swait.ge [sflag:s18], $0x4000  }
0x41: {  	[sflag:s18] =	ssyncset.done $0x0  }
0x42: {  	s26 =	sshra.s32 s26, $0x2;
	[sflag:s18] =	ssyncadd.s32 $0xFFFFC000  }
0x43: {  	[spmem:s2] =	stream.indirect.scatter.add.f32 [tilespmem:s16], [sflag:$0x3], $0x80, s26, s19, $0xb8;
	[tilespmem:$0x1D800] =	vst v63  }
0x44: {  	_ =	swait.ge [sflag:s20], $0x4000  }
0x45: {  	[sflag:s20] =	ssyncset.done $0x0  }
0x46: {  	s26 =	sadd.s32 $0x80, s26;
	[sflag:s20] =	ssyncadd.s32 $0xFFFFC000  }
0x47: {  	[spmem:s2] =	stream.indirect.scatter.add.f32 [tilespmem:s17], [sflag:$0x4], $0x80, s26, s19, $0xb8;
	[tilespmem:$0x1D800] =	vst v63  }
0x48: {  	_ =	swait.ge [sflag:s21], $0x4000  }
0x49: {  	[sflag:s21] =	ssyncset.done $0x0  }
0x4a: {  	[sflag:s21] =	ssyncadd.s32 $0xFFFFC000  }
0x4b: {  	[tilespmem:s16], [sflag:$0x1] =	stream.linear.gather [hbm4b:s25+s3], $0x4000, $0x38;
	[tilespmem:$0x1D800] =	vst v63  }
0x4c: {  	_ =	swait.ge [sflag:s22], $0x4000  }
0x4d: {  	[sflag:s22] =	ssyncset.done $0x0  }
0x4e: {  	[sflag:s22] =	ssyncadd.s32 $0xFFFFC000  }
0x4f: {  	_ =	swait.ge [sflag:s18], $0x4000  }
0x50: {  	[sflag:s18] =	ssyncset.done $0x0  }
0x51: {  	[sflag:s18] =	ssyncadd.s32 $0xFFFFC000  }
0x52: {  	[spmem:s2] =	stream.indirect.scatter.add.f32 [tilespmem:s16], [sflag:$0x3], $0x80, s23, s19, $0xb8;
	[tilespmem:$0x1D800] =	vst v63  }
0x53: {  	_ =	swait.ge [sflag:s21], $0x4000  }
0x54: {  	[sflag:s21] =	ssyncset.done $0x0  }
0x55: {  	[sflag:s21] =	ssyncadd.s32 $0xFFFFC000  }
0x56: {  	[bflag:$0x0] =	sbarrier.arrive $0xFFFF  }
0x57: {  	[hbm:s7], [sflag:s14] =	dma.local [spmem:s15], $0x2800  }
0x58: {  	_ =	swait.ge [sflag:s13], $0x2800  }
0x59: {  	[sflag:s13] =	ssyncset.done $0x0  }
0x5a: {  	[sflag:s13] =	ssyncadd.s32 $0xFFFFD800  }
0x5b: {  	[spmem:s15], [sflag:s14] =	dma.local [hbm:s4], $0x2800  }
0x5c: {  	_ =	swait.ge [sflag:s13], $0x2800  }
0x5d: {  	[sflag:s13] =	ssyncset.done $0x0  }
0x5e: {  	[sflag:s13] =	ssyncadd.s32 $0xFFFFD800  }
0x5f: {  	s26 =	simm.s32 $0x0;
	[bflag:$0x0] =	sbarrier.arrive $0xFFFF  }
0x60: {  	[tilespmem:s16], [sflag:$0x1] =	stream.linear.gather [hbm4b:s8+s26], $0x4000, $0x38;
	[tilespmem:$0x1D800] =	vst v63  }
0x61: {  	s29 =	sadd.s32 $0xFFFFF800, s12  }
0x62: {  	[tilespmem:s17], [sflag:$0x2] =	stream.linear.gather [hbm4b:s29+s3], $0x4000, $0x38;
	[tilespmem:$0x1D800] =	vst v63  }
0x63: {  	_ =	swait.ge [sflag:s18], $0x4000  }
0x64: {  	[sflag:s18] =	ssyncset.done $0x0  }
0x65: {  	s30 =	simm.s32 $0x0;
	[sflag:s18] =	ssyncadd.s32 $0xFFFFC000  }
0x66: {  	[spmem:s2] =	stream.indirect.scatter.add.f32 [tilespmem:s16], [sflag:$0x3], $0x80, s30, s19, $0xb8;
	[tilespmem:$0x1D800] =	vst v63  }
0x67: {  	_ =	swait.ge [sflag:s20], $0x4000  }
0x68: {  	[sflag:s20] =	ssyncset.done $0x0  }
0x69: {  	s31 =	simm.s32 $0x80;
	[sflag:s20] =	ssyncadd.s32 $0xFFFFC000  }
0x6a: {  	[spmem:s2] =	stream.indirect.scatter.add.f32 [tilespmem:s17], [sflag:$0x4], $0x80, s31, s19, $0xb8;
	[tilespmem:$0x1D800] =	vst v63  }
0x6b: {  	_ =	swait.ge [sflag:s21], $0x4000  }
0x6c: {  	[sflag:s21] =	ssyncset.done $0x0  }
0x6d: {  	[sflag:s21] =	ssyncadd.s32 $0xFFFFC000  }
0x6e: {  	[tilespmem:s16], [sflag:$0x1] =	stream.linear.gather [hbm4b:s12+s3], $0x4000, $0x38;
	[tilespmem:$0x1D800] =	vst v63  }
0x6f: {  	s28 =	simm.s32 $0x800;
	_ =	swait.ge [sflag:s22], $0x4000  }
0x70: {  	s25 =	sadd.s32 $0x1000, s12;
	s26 =	simm.s32 $0x400;
	[sflag:s22] =	ssyncset.done $0x0  }
.LBB2_4:
0x71: {  	p0 =	sne.s32 s28, $0x4C00;
	s29 =	sadd.s32 $0xFFFFF800, s25;
	[sflag:s22] =	ssyncadd.s32 $0xFFFFC000  }
0x72: {  	[tilespmem:s17], [sflag:$0x2] =	stream.linear.gather [hbm4b:s29+s3], $0x4000, $0x38;
	[tilespmem:$0x1D800] =	vst v63  }
0x73: {  	s29 =	smov.u32 s28;
	s28 =	sadd.s32 $0x400, s28;
	_ =	swait.ge [sflag:s18], $0x4000  }
0x74: {  	[sflag:s18] =	ssyncset.done $0x0  }
0x75: {  	s30 =	sshra.s32 s26, $0x2;
	s26 =	smov.u32 s29;
	[sflag:s18] =	ssyncadd.s32 $0xFFFFC000  }
0x76: {  	[spmem:s2] =	stream.indirect.scatter.add.f32 [tilespmem:s16], [sflag:$0x3], $0x80, s30, s19, $0xb8;
	[tilespmem:$0x1D800] =	vst v63  }
0x77: {  	_ =	swait.ge [sflag:s20], $0x4000  }
0x78: {  	[sflag:s20] =	ssyncset.done $0x0  }
0x79: {  	s29 =	sadd.s32 $0x80, s30;
	[sflag:s20] =	ssyncadd.s32 $0xFFFFC000  }
0x7a: {  	[spmem:s2] =	stream.indirect.scatter.add.f32 [tilespmem:s17], [sflag:$0x4], $0x80, s29, s19, $0xb8;
	[tilespmem:$0x1D800] =	vst v63  }
0x7b: {  	_ =	swait.ge [sflag:s21], $0x4000  }
.Ltmp1:
0x7c: {  	[sflag:s21] =	ssyncset.done $0x0;
	(pc) =	sbr.rel @p0 .LBB2_4-.Ltmp1, $4  }
0x7d: {  	[sflag:s21] =	ssyncadd.s32 $0xFFFFC000  }
0x7e: {  	[tilespmem:s16], [sflag:$0x1] =	stream.linear.gather [hbm4b:s25+s3], $0x4000, $0x38;
	[tilespmem:$0x1D800] =	vst v63  }
0x7f: {  	_ =	swait.ge [sflag:s22], $0x4000  }
0x80: {  	s25 =	sadd.s32 $0x1000, s25;
	[sflag:s22] =	ssyncset.done $0x0  }
0x81: {  	s28 =	sadd.s32 $0xFFFFF800, s25;
	[sflag:s22] =	ssyncadd.s32 $0xFFFFC000  }
0x82: {  	[tilespmem:s17], [sflag:$0x2] =	stream.linear.gather [hbm4b:s28+s3], $0x4000, $0x38;
	[tilespmem:$0x1D800] =	vst v63  }
0x83: {  	_ =	swait.ge [sflag:s18], $0x4000  }
0x84: {  	[sflag:s18] =	ssyncset.done $0x0  }
0x85: {  	s26 =	sshra.s32 s26, $0x2;
	[sflag:s18] =	ssyncadd.s32 $0xFFFFC000  }
0x86: {  	[spmem:s2] =	stream.indirect.scatter.add.f32 [tilespmem:s16], [sflag:$0x3], $0x80, s26, s19, $0xb8;
	[tilespmem:$0x1D800] =	vst v63  }
0x87: {  	_ =	swait.ge [sflag:s20], $0x4000  }
0x88: {  	[sflag:s20] =	ssyncset.done $0x0  }
0x89: {  	s26 =	sadd.s32 $0x80, s26;
	[sflag:s20] =	ssyncadd.s32 $0xFFFFC000  }
0x8a: {  	[spmem:s2] =	stream.indirect.scatter.add.f32 [tilespmem:s17], [sflag:$0x4], $0x80, s26, s19, $0xb8;
	[tilespmem:$0x1D800] =	vst v63  }
0x8b: {  	_ =	swait.ge [sflag:s21], $0x4000  }
0x8c: {  	[sflag:s21] =	ssyncset.done $0x0  }
0x8d: {  	[sflag:s21] =	ssyncadd.s32 $0xFFFFC000  }
0x8e: {  	[tilespmem:s16], [sflag:$0x1] =	stream.linear.gather [hbm4b:s25+s3], $0x4000, $0x38;
	[tilespmem:$0x1D800] =	vst v63  }
0x8f: {  	_ =	swait.ge [sflag:s22], $0x4000  }
0x90: {  	[sflag:s22] =	ssyncset.done $0x0  }
0x91: {  	[sflag:s22] =	ssyncadd.s32 $0xFFFFC000  }
0x92: {  	_ =	swait.ge [sflag:s18], $0x4000  }
0x93: {  	[sflag:s18] =	ssyncset.done $0x0  }
0x94: {  	[sflag:s18] =	ssyncadd.s32 $0xFFFFC000  }
0x95: {  	[spmem:s2] =	stream.indirect.scatter.add.f32 [tilespmem:s16], [sflag:$0x3], $0x80, s23, s19, $0xb8;
	[tilespmem:$0x1D800] =	vst v63  }
0x96: {  	_ =	swait.ge [sflag:s21], $0x4000  }
0x97: {  	s24 =	sadd.s32 $0x1, s24;
	[sflag:s21] =	ssyncset.done $0x0  }
0x98: {  	p0 =	sne.s32 s24, s10;
	[sflag:s21] =	ssyncadd.s32 $0xFFFFC000  }
.Ltmp2:
0x99: {  	[bflag:$0x0] =	sbarrier.arrive $0xFFFF;
	(pc) =	sbr.rel @p0 .LBB2_1-.Ltmp2, $4  }
0x9a: {  	[hbm:s9], [sflag:s14] =	dma.local [spmem:s15], $0x2800  }
0x9b: {  	_ =	swait.ge [sflag:s13], $0x2800  }
0x9c: {  	[sflag:s13] =	ssyncset.done $0x0  }
0x9d: {  	[sflag:s13] =	ssyncadd.s32 $0xFFFFD800  }
0x9e: {  	_ =	sfence.sel $0x180000  }
0x9f: {  	[bflag:$0x0] =	sbarrier.arrive $0xFFFF  }
0xa0: {  	p0 =	sne.s32 s0, $0x0;
	_ =	strace $0x90000050  }
0xa1: {  	s0 =	sadd.s32 @!p0 $0x100000, s1;
	[bflag:$0x2] =	sbarrier.arrive $0xFFFF  }
0xa2: {  	[sflag:s0] =	ssyncadd.tile.s32 @!p0 $0x1;
	_ =	shalt  }
.Lfunc_end2:
_tile_overlayer_lowered:
.L_overlay_start_2:
0xa3: {  	(tag) =	ssettag $0x2  }
0xa4: {  	s0 =	rddreg [dreg:$0x0];
	s2 =	stileid.u32  }
0xa5: {  	s1 =	rddreg [dreg:$0x1];
	p0 =	sne.s32 s2, $0x0  }
0xa6: {  	s3 =	rddreg [dreg:$0x2];
	[bflag:$0x3] =	sbarrier.arrive $0xFFFF;
	s2 =	simm.s32 @!p0 $0x1C05  }
0xa7: {  	[timem:s3], [sflag:s2] =	dma.local @!p0 [hbm:s0], s1  }
0xa8: {  	s0 =	simm.s32 @!p0 $0x5  }
0xa9: {  	_ =	swait.ge @!p0 [sflag:s0], s1  }
0xaa: {  	s1 =	ssub.s32 @!p0 $0x0, s1;
	[sflag:s0] =	ssyncset.done @!p0 $0x0  }
0xab: {  	[sflag:s0] =	ssyncadd.s32 @!p0 s1  }
0xac: {  	[bflag:$0x3] =	sbarrier.arrive $0xFFFF  }
0xad: {  	_ =	shalt  }

// kernel: kernel.29.cloned.1.call-start
scs
__scs_entry_jumppad:
0x0: {  	(pc) =	sbr.rel $0x88, $3  }
0x1: {  	(tag) =	ssettag $0x0;
	lr =	simm.s32 $0x1  }
0x2: {  	[smem:$0x3F4F] =	sst lr;
	_ =	strace $0xD0000000  }
0x3: {  	_ = 	snop  }
0x4: {  	_ = 	snop  }
0x5: {  	_ = 	snop  }
0x6: {  	_ = 	snop  }
0x7: {  	_ = 	snop  }
__scs_overlays_trampoline_lowered:
0x8: {  	[smem:$0x3F5E] =	sst s0  }
0x9: {  	[smem:$0x3F5F] =	sst s1  }
0xa: {  	[smem:$0x3F60] =	sst s2  }
0xb: {  	[smem:$0x3F61] =	sst s3  }
0xc: {  	[smem:$0x3F62] =	sst s4  }
0xd: {  	[smem:$0x3F63] =	sst s5  }
0xe: {  	[smem:$0x3F64] =	sst s6  }
0xf: {  	[smem:$0x3F65] =	sst s7  }
0x10: {  	[smem:$0x3F66] =	sst s8  }
0x11: {  	[smem:$0x3F67] =	sst s9;
	s0 =	simm.s32 @!p0 $0x0  }
0x12: {  	s1 =	sld [smem:$0x3F4D];
	s0 =	simm.s32 @p0 $0x1  }
0x13: {  	[smem:$0x3F68] =	sst s0;
	s0 =	simm.s32 @!p1 $0x0  }
0x14: {  	s2 =	sld [smem:$0x3F4C];
	s0 =	simm.s32 @p1 $0x1  }
0x15: {  	[smem:$0x3F69] =	sst s0;
	s0 =	simm.s32 @!p2 $0x0  }
0x16: {  	s3 =	sld [smem:$0x3FDB];
	s0 =	simm.s32 @p2 $0x1  }
0x17: {  	s4 =	simm.s32 $0x1BF5;
	[smem:$0x3F6B] =	sst s0  }
0x18: {  	s0 =	sld [smem:$0x3F4E];
	_ =	swait.ge [sflag:s4], $0x0  }
0x19: {  	s7 =	sld [smem:$0x3F4F]  }
0x1a: {  	s8 =	sadd.s32 $0xFFFFE003, lr  }
0x1b: {  	s9 =	sadd.s32 $0xFFFFFEF7, lr;
	s5 =	simm.s32 $0xFFFFFFFF;
	p2 =	slt.u32 s8, $0xFFFFF086  }
0x1c: {  	p1 =	slt.u32 s9, $0xF7A;
	s5 =	simm.s32 @!p2 $0x0  }
0x1d: {  	s5 =	simm.s32 @p1 $0x1;
	p0 =	seq.s32 s7, s2  }
0x1e: {  	s7 =	smul.u32 @!p0 $0xF7A, s2;
	p2 =	seq.s32 @!p0 s5, $0x0  }
0x1f: {  	s9 =	smul.u32 $0xF7A, s1;
	s8 =	simm.s32 @!p0 $0x1BF5;
	p2 =	por !p2, p0  }
0x20: {  	[sflag:s8] =	ssyncset.s32 @!p0 $0xFFFFF086;
	s6 =	sadd.s32 @!p0 s3, s7;
	s7 =	simm.s32 @!p0 $0x108  }
0x21: {  	s3 =	sadd.s32 s3, s9;
	s6 =	sadd.s32 @!p0 $0x88, s6;
	s7 =	simm.s32 @p2 $0x1082  }
0x22: {  	[simem:s7], [sflag:s8] =	dma.local @!p0 [hbm:s6], $0xF7A  }
0x23: {  	s9 =	sor.u32 $0xD0000000, s2;
	s6 =	simm.s32 $0x108;
	_ =	swait.ge @!p0 [sflag:s8], $0x0  }
0x24: {  	s3 =	sadd.s32 $0x88, s3;
	s6 =	simm.s32 @!p1 $0x1082;
	[sflag:s4] =	ssyncset.s32 $0xFFFFF086  }
0x25: {  	[simem:s6], [sflag:s4] =	dma.local [hbm:s3], $0xF7A  }
0x26: {  	[smem:$0x3F4F] =	sst s1;
	(tag) =	ssettag s2;
	_ =	strace s9  }
0x27: {  	s1 =	sld [smem:$0x3F5F]  }
0x28: {  	s2 =	sld [smem:$0x3F60]  }
0x29: {  	s4 =	sld [smem:$0x3F62]  }
0x2a: {  	p0 =	seq.s32 s5, $0x0;
	s5 =	sld [smem:$0x3F63]  }
0x2b: {  	s6 =	sld [smem:$0x3F64]  }
0x2c: {  	s7 =	sld [smem:$0x3F65]  }
0x2d: {  	s3 =	simm.s32 $0x108;
	s8 =	sld [smem:$0x3F66]  }
0x2e: {  	s3 =	simm.s32 @!p0 $0x1082;
	s9 =	sld [smem:$0x3F67]  }
0x2f: {  	lr =	sadd.s32 s0, s3;
	s0 =	sld [smem:$0x3F5E]  }
0x30: {  	s3 =	sld [smem:$0x3F61]  }
0x31: {  	[smem:$0x3F6A] =	sst s10  }
0x32: {  	s10 =	sld [smem:$0x3F68];
	_ =	sdelay $0x3  }
0x33: {  	p0 =	seq.s32 s10, $0x1;
	s10 =	sld [smem:$0x3F6A];
	_ =	sdelay $0x3  }
0x34: {  	[smem:$0x3F6A] =	sst s10  }
0x35: {  	s10 =	sld [smem:$0x3F69];
	_ =	sdelay $0x3  }
0x36: {  	p1 =	seq.s32 s10, $0x1;
	s10 =	sld [smem:$0x3F6A];
	_ =	sdelay $0x3  }
0x37: {  	[smem:$0x3F6A] =	sst s10  }
0x38: {  	s10 =	sld [smem:$0x3F6B]  }
0x39: {  	_ = 	snop;
	(pc) =	sbr.ind lr, $3  }
0x3a: {  	_ = 	snop  }
0x3b: {  	_ = 	snop  }
0x3c: {  	p2 =	seq.s32 s10, $0x1;
	s10 =	sld [smem:$0x3F6A]  }
0x3d: {  	_ =	shalt  }
0x3e: {  	_ =	shalt  }
0x3f: {  	_ =	shalt  }
0x40: {  	_ =	shalt  }
0x41: {  	_ =	shalt  }
0x42: {  	_ =	shalt  }
0x43: {  	_ =	shalt  }
0x44: {  	_ =	shalt  }
0x45: {  	_ =	shalt  }
0x46: {  	_ =	shalt  }
0x47: {  	_ =	shalt  }
0x48: {  	_ =	shalt  }
0x49: {  	_ =	shalt  }
0x4a: {  	_ =	shalt  }
0x4b: {  	_ =	shalt  }
0x4c: {  	_ =	shalt  }
0x4d: {  	_ =	shalt  }
0x4e: {  	_ =	shalt  }
0x4f: {  	_ =	shalt  }
0x50: {  	_ =	shalt  }
0x51: {  	_ =	shalt  }
0x52: {  	_ =	shalt  }
0x53: {  	_ =	shalt  }
0x54: {  	_ =	shalt  }
0x55: {  	_ =	shalt  }
0x56: {  	_ =	shalt  }
0x57: {  	_ =	shalt  }
0x58: {  	_ =	shalt  }
0x59: {  	_ =	shalt  }
0x5a: {  	_ =	shalt  }
0x5b: {  	_ =	shalt  }
0x5c: {  	_ =	shalt  }
0x5d: {  	_ =	shalt  }
0x5e: {  	_ =	shalt  }
0x5f: {  	_ =	shalt  }
0x60: {  	_ =	shalt  }
0x61: {  	_ =	shalt  }
0x62: {  	_ =	shalt  }
0x63: {  	_ =	shalt  }
0x64: {  	_ =	shalt  }
0x65: {  	_ =	shalt  }
0x66: {  	_ =	shalt  }
0x67: {  	_ =	shalt  }
0x68: {  	_ =	shalt  }
0x69: {  	_ =	shalt  }
0x6a: {  	_ =	shalt  }
0x6b: {  	_ =	shalt  }
0x6c: {  	_ =	shalt  }
0x6d: {  	_ =	shalt  }
0x6e: {  	_ =	shalt  }
0x6f: {  	_ =	shalt  }
0x70: {  	_ =	shalt  }
0x71: {  	_ =	shalt  }
0x72: {  	_ =	shalt  }
0x73: {  	_ =	shalt  }
0x74: {  	_ =	shalt  }
0x75: {  	_ =	shalt  }
0x76: {  	_ =	shalt  }
0x77: {  	_ =	shalt  }
0x78: {  	_ =	shalt  }
0x79: {  	_ =	shalt  }
0x7a: {  	_ =	shalt  }
0x7b: {  	_ =	shalt  }
0x7c: {  	_ =	shalt  }
0x7d: {  	_ =	shalt  }
0x7e: {  	_ =	shalt  }
0x7f: {  	_ =	shalt  }
0x80: {  	_ =	shalt  }
0x81: {  	_ =	shalt  }
0x82: {  	_ =	shalt  }
0x83: {  	_ =	shalt  }
0x84: {  	_ =	shalt  }
0x85: {  	_ =	shalt  }
0x86: {  	_ =	shalt  }
0x87: {  	_ =	shalt  }
.Lfunc_end0:
.L_simem_size_0:
called_computation.4_lowered:
.L_overlay_start_0:
0x88: {  	s2 =	sld [smem:$0x3FD9]  }
0x89: {  	s3 =	sld [smem:$0x3FFE];
	_ =	sdelay $0x1  }
0x8a: {  	s1 =	srdreg.scid  }
0x8b: {  	s0 =	sand.u32 $0x1, s1  }
0x8c: {  	s14 =	sshll.u32 s0, $0xA;
	s2 =	sadd.s32 s3, s2  }
0x8d: {  	s2 =	sadd.s32 s2, s14  }
0x8e: {  	[smem:$0x3F76] =	sst s2  }
0x8f: {  	_ = 	snop  }
0x90: {  	s2 =	sld [smem:$0x3FD0];
	_ =	sdelay $0x2  }
0x91: {  	s15 =	simm.s32 $0xB;
	s4 =	simm.s32 $0x10  }
0x92: {  	[smem:s4], [sflag:s15] =	dma.local [hbm:s2], $0x1  }
0x93: {  	_ =	swait.eq [sflag:s15], $0x1  }
0x94: {  	[sflag:s15] =	ssyncset.done $0x0  }
0x95: {  	[sflag:s15] =	ssyncadd.s32 $0xFFFFFFFF  }
0x96: {  	s16 =	sld [smem:$0x10];
	(tm) =	ssettm $0x1  }
0x97: {  	s17 =	sld [smem:$0x3FFB];
	_ =	sdelay $0x3  }
0x98: {  	_ =	strace s17  }
0x99: {  	s3 =	sld [smem:$0x3FFC];
	_ =	sdelay $0x3  }
0x9a: {  	_ =	strace s3  }
0x9b: {  	s3 =	sld [smem:$0x3FFD];
	_ =	sdelay $0x3  }
0x9c: {  	_ =	strace s3  }
0x9d: {  	_ =	strace $0x8FFFFFFF  }
0x9e: {  	s18 =	sld [smem:$0x3FDB];
	_ =	sdelay $0x1  }
0x9f: {  	s19 =	simm.s32 $_scs_section_size  }
0xa0: {  	s5 =	simm.s32 $_size__tile_overlayer_lowered;
	s6 =	simm.s32 $_tile_overlayer_lowered  }
0xa1: {  	s22 =	simm.s32 $0x1BFF;
	s21 =	sshll.u32 s6, $0x1;
	s3 =	sadd.s32 s19, s18  }
0xa2: {  	s7 =	simm.s32 $0x0;
	s20 =	sshll.u32 s5, $0x1;
	s5 =	sadd.s32 s21, s3  }
0xa3: {  	[timem:s7], [sflag:s22] =	dma.local [hbm:s5], s20  }
0xa4: {  	_ =	swait.ge [sflag:s22], s20  }
0xa5: {  	s4 =	ssub.s32 $0x0, s20;
	[sflag:s22] =	ssyncset.done $0x0  }
0xa6: {  	[sflag:s22] =	ssyncadd.s32 s4;
	_ =	sdelay $0x1  }
0xa7: {  	s23 =	simm.s32 $0x1B8B  }
0xa8: {  	_ =	swait.ge [sflag:s23], $0x1  }
0xa9: {  	[sflag:s23] =	ssyncset.done $0x0  }
0xaa: {  	s25 =	simm.s32 $0x1B8E;
	s24 =	sld [smem:$0x3FFE];
	[sflag:s23] =	ssyncadd.s32 $0xFFFFFFFF  }
0xab: {  	s26 =	simm.s32 $execute0_lowered;
	[smem:$0x3FD2] =	sst s25  }
0xac: {  	s5 =	sshll.u32 s26, $0x1;
	_ =	strace $0x80000052;
	[dreg:$0x1] =	wrdreg $0xFFFFFFFF  }
0xad: {  	s28 =	simm.s32 $_size_execute0_lowered;
	s3 =	sadd.s32 s3, s5;
	[dreg:$0x0] =	wrdreg $0x0  }
0xae: {  	s5 =	sshll.u32 s28, $0x1;
	[dreg:$0x2] =	wrdreg s3  }
0xaf: {  	[dreg:$0x3] =	wrdreg s5  }
0xb0: {  	[dreg:$0x4] =	wrdreg $0xC0  }
0xb1: {  	_ =	task [dreg:s7], $0x5FFFF  }
0xb2: {  	[dreg:$0x1] =	wrdreg $0xFFFFFFFF  }
0xb3: {  	[dreg:$0x0] =	wrdreg $0x60  }
0xb4: {  	[dreg:$0x2] =	wrdreg s16  }
0xb5: {  	[dreg:$0x3] =	wrdreg s24  }
0xb6: {  	[dreg:$0x4] =	wrdreg $0x9  }
0xb7: {  	_ =	task.clear_ibuf [dreg:s7], $0x5FFFF;
	_ =	strace $0x90000052  }
0xb8: {  	s29 =	simm.s32 $0x9;
	_ =	strace $0x80000054  }
0xb9: {  	_ =	swait.ge [sflag:s29], $0x1  }
0xba: {  	[sflag:s29] =	ssyncadd.s32 $0xFFFFFFFF  }
0xbb: {  	_ =	strace $0x90000054  }
0xbc: {  	_ =	sfence  }
0xbd: {  	s30 =	sld [smem:$0x0];
	_ =	sdelay $0x2  }
0xbe: {  	s31 =	sshll.u32 s1, $0xD;
	s1 =	sshrl.u32 s1, $0x2  }
0xbf: {  	s3 =	sand.u32 $0x4000, s31;
	s1 =	sadd.s32 s1, s30  }
0xc0: {  	s0 =	sor.u32 s3, s0;
	s1 =	sshll.u32 s1, $0x11  }
0xc1: {  	s0 =	sor.u32 s1, s0  }
0xc2: {  	s0 =	sadd.s32 $0x8F2B, s0  }
0xc3: {  	[sflag:s0] =	ssyncadd.remote.s32 $0x1  }
0xc4: {  	_ =	sfence.sel $0xFFFF  }
0xc5: {  	[dreg:$0x0] =	wrdreg $0xFFFFFFFF;
	(pc) =	sbr.abs _section_cstart, $3  }
0xc6: {  	[dreg:$0x1] =	wrdreg $0xFFFFFFFF  }
0xc7: {  	_ =	task.clear_ibuf [dreg:s7], $0x2FFFF;
	_ =	strace $0x9FFFFFFF  }
0xc8: {  	(tm) =	ssettm $0x7FFFFFFF  }
0xc9: {  	_ =	shalt  }
tec
execute0_lowered:
.L_overlay_start_1:
0x0: {  	(tag) =	ssettag $0x1  }
0x1: {  	s2 =	rddreg [dreg:$0x0];
	s0 =	srdreg.scid  }
0x2: {  	s11 =	stileid.u32;
	s1 =	rddreg [dreg:$0x1]  }
0x3: {  	s3 =	simm.s32 $0x0;
	s12 =	simm.s32 $0x15800;
	s13 =	simm.s32 $0x16000  }
0x4: {  	s14 =	simm.s32 $0x16800;
	s15 =	simm.s32 $0x17000;
	s16 =	simm.s32 $0x17800  }
0x5: {  	s17 =	simm.s32 $0x18000;
	s18 =	simm.s32 $0x18800;
	s19 =	simm.s32 $0x19000  }
0x6: {  	s20 =	simm.s32 $0x19800;
	s21 =	simm.s32 $0x1A000;
	s22 =	simm.s32 $0x1A800  }
0x7: {  	s23 =	simm.s32 $0x1B000;
	s28 =	simm.s32 $0x12800;
	[smem:$0x7FF] =	sst s3  }
0x8: {  	s29 =	simm.s32 $0x13000;
	_ =	strace $0x80000053;
	[dreg:$0x3] =	wrdreg s12  }
0x9: {  	s30 =	simm.s32 $0x13800;
	s31 =	simm.s32 $0x14000;
	[dreg:$0x4] =	wrdreg s13  }
0xa: {  	s0 =	sand.u32 $0x1, s0;
	s4 =	sshll.u32 s11, $0x1;
	[dreg:$0x5] =	wrdreg s14  }
0xb: {  	s8 =	sadd.s32 $0x17C6800, s1;
	s25 =	smul.u32 $0x9E000, s11;
	[dreg:$0x6] =	wrdreg s15  }
0xc: {  	s5 =	sor.u32 s0, s4;
	s4 =	sadd.s32 $0x1778600, s1;
	[dreg:$0x7] =	wrdreg s16  }
0xd: {  	s7 =	ssub.s32 $0x2, s0;
	s10 =	smul.u32 $0x4F000, s0;
	[dreg:$0x8] =	wrdreg s17  }
0xe: {  	s0 =	smul.u32 $0x27800, s0;
	s14 =	simm.s32 $0x80;
	[dreg:$0x9] =	wrdreg s18  }
0xf: {  	s15 =	simm.s32 $0x5000;
	s16 =	simm.s32 $0xD000;
	[dreg:$0xa] =	wrdreg s19  }
0x10: {  	s17 =	simm.s32 $0xD800;
	s18 =	simm.s32 $0xE000;
	[dreg:$0xb] =	wrdreg s20  }
0x11: {  	s19 =	simm.s32 $0xE800;
	s20 =	simm.s32 $0xF000;
	[dreg:$0xc] =	wrdreg s21  }
0x12: {  	s21 =	simm.s32 $0xF800;
	[dreg:$0xd] =	wrdreg s22;
	s22 =	simm.s32 $0x10000  }
0x13: {  	[dreg:$0xe] =	wrdreg s23;
	s23 =	simm.s32 $0x10800;
	s6 =	smul.u32 $0x500, s5  }
0x14: {  	s13 =	simm.s32 $0x15000;
	s9 =	sshrl.u32 s7, $0x1;
	s5 =	smul.u32 $0x2780, s5  }
0x15: {  	s7 =	ssub.s32 s7, s9;
	s6 =	sadd.s32 s6, s1;
	s1 =	sadd.s32 $0x11E00, s1  }
0x16: {  	s5 =	sadd.s32 $0x2700, s5;
	s7 =	smax.u32 s7, $0x1;
	s24 =	sadd.s32 $0x1DB1400, s6  }
0x17: {  	s6 =	sadd.s32 $0x1DBB400, s6;
	s26 =	sshll.u32 s5, $0x4;
	[dreg:$0x16] =	wrdreg s7  }
0x18: {  	s5 =	sshll.u32 s5, $0x5;
	s7 =	simm.s32 $0x3;
	[dreg:$0x12] =	wrdreg s24  }
0x19: {  	[dreg:$0x13] =	wrdreg s6;
	s9 =	sadd.s32 s8, s26;
	s5 =	sadd.s32 s1, s5  }
0x1a: {  	s1 =	sadd.s32 s25, s1;
	s24 =	simm.s32 $0x1B800;
	[dreg:$0x14] =	wrdreg s9  }
0x1b: {  	s25 =	simm.s32 $0x1C000;
	s26 =	simm.s32 $0x1C800;
	[dreg:$0x15] =	wrdreg s5  }
0x1c: {  	s6 =	simm.s32 $0x2;
	s9 =	smul.u32 $0x4F000, s11;
	[dreg:$0xf] =	wrdreg s24  }
0x1d: {  	s1 =	sadd.s32 s10, s1;
	s24 =	simm.s32 $0x11000;
	[dreg:$0x10] =	wrdreg s25  }
0x1e: {  	[dreg:$0x11] =	wrdreg s26;
	s25 =	simm.s32 $0x11800;
	s26 =	simm.s32 $0x12000  }
0x1f: {  	v2 =	vlaneseq.u32;
	s5 =	simm.s32 $0x1;
	s10 =	simm.s32 $0x0;
	s11 =	sadd.s32 s9, s8  }
0x20: {  	vm0 =	vmmov $0xffff;
	v1 =	vshrl.u32 v2, $0x3;
	[dreg:$0x17] =	wrdreg s1;
	s1 =	simm.s32 $0x14800;
	s0 =	sadd.s32 s0, s11  }
0x21: {  	v0 =	vand.u32 $0x7, v2;
	v2 =	vor.u32 $0x8, v2;
	v1 =	vmul.u32 $0x8, v1;
	s8 =	simm.s32 $0x4;
	[dreg:$0x18] =	wrdreg s0;
	s0 =	simm.s32 $0x9000  }
.LBB2_1:
0x22: {  	[dreg:$0x19] =	wrdreg s10  }
0x23: {  	s9 =	rddreg [dreg:$0x12];
	s10 =	simm.s32 $0x5  }
0x24: {  	[tilespmem:s3], [sflag:$0x5] =	stream.linear.gather [hbm4b:s9+s3], $0x2780, $0x38;
	[tilespmem:$0x1D000] =	vst v63  }
0x25: {  	_ =	swait.ge [sflag:s10], $0x2780  }
0x26: {  	[sflag:s10] =	ssyncset.done $0x0  }
0x27: {  	s11 =	simm.s32 $0x2800;
	s12 =	rddreg [dreg:$0x13];
	[sflag:s10] =	ssyncadd.s32 $0xFFFFD880  }
0x28: {  	[tilespmem:s11], [sflag:$0x5] =	stream.linear.gather [hbm4b:s12+s3], $0x2780, $0x38;
	[tilespmem:$0x1D000] =	vst v63  }
0x29: {  	_ =	swait.ge [sflag:s10], $0x2780  }
0x2a: {  	[sflag:s10] =	ssyncset.done $0x0  }
0x2b: {  	[sflag:s10] =	ssyncadd.s32 $0xFFFFD880  }
0x2c: {  	[tilespmem:s15], [sflag:$0x1] =	stream.indirect.gather [hbm4b:s2+s14], $0x80, s3, s14, $0xb8;
	[tilespmem:$0x1D000] =	vst v63  }
0x2d: {  	v3 =	vld [tilespmem:$0x2800];
	_ =	sdelay $0x4  }
0x2e: {  	v4 =	vshll.u32 v3, $0x1  }
0x2f: {  	v3 =	vand.u32 $0x7, v3;
	v4 =	vand.u32 $0xFFFFFFF0, v4  }
0x30: {  	v3 =	vor.u32 v3, v4  }
0x31: {  	v4 =	vperm.xlane v3, v0;
	_ =	sdelay $0x1  }
0x32: {  	v3 =	vperm.xlane v3, v2;
	v4 =	vadd.s32 v1, v4;
	_ =	sdelay $0x1  }
0x33: {  	v3 =	vadd.s32 v1, v3;
	_ =	sdelay $0x2  }
0x34: {  	[tilespmem:s16], [sflag:$0x1] =	stream.indirect_vreg.gather [hbm4b:s4+s3], $0x80, v4, vm0, $0xb8;
	[tilespmem:$0x1D000] =	vst v63  }
0x35: {  	_ = 	snop  }
0x36: {  	[tilespmem:s17], [sflag:$0x1] =	stream.indirect_vreg.gather [hbm4b:s4+s3], $0x80, v3, vm0, $0xb8;
	[tilespmem:$0x1D000] =	vst v63  }
0x37: {  	v3 =	vld [tilespmem:$0x2810];
	_ =	sdelay $0x4  }
0x38: {  	v57 =	vshll.u32 v3, $0x1  }
0x39: {  	v3 =	vand.u32 $0x7, v3;
	v4 =	vand.u32 $0xFFFFFFF0, v57  }
0x3a: {  	v3 =	vor.u32 v3, v4  }
0x3b: {  	v4 =	vperm.xlane v3, v0;
	_ =	sdelay $0x1  }
0x3c: {  	v3 =	vperm.xlane v3, v2;
	v4 =	vadd.s32 v1, v4;
	_ =	sdelay $0x1  }
0x3d: {  	v3 =	vadd.s32 v1, v3;
	_ =	sdelay $0x2  }
0x3e: {  	[tilespmem:s18], [sflag:$0x1] =	stream.indirect_vreg.gather [hbm4b:s4+s3], $0x80, v4, vm0, $0xb8;
	[tilespmem:$0x1D000] =	vst v63  }
0x3f: {  	_ = 	snop  }
0x40: {  	[tilespmem:s19], [sflag:$0x1] =	stream.indirect_vreg.gather [hbm4b:s4+s3], $0x80, v3, vm0, $0xb8;
	[tilespmem:$0x1D000] =	vst v63  }
0x41: {  	v3 =	vld [tilespmem:$0x2820];
	_ =	sdelay $0x4  }
0x42: {  	v58 =	vshll.u32 v3, $0x1  }
0x43: {  	v3 =	vand.u32 $0x7, v3;
	v4 =	vand.u32 $0xFFFFFFF0, v58  }
0x44: {  	v3 =	vor.u32 v3, v4  }
0x45: {  	v4 =	vperm.xlane v3, v0;
	_ =	sdelay $0x1  }
0x46: {  	v3 =	vperm.xlane v3, v2;
	v4 =	vadd.s32 v1, v4;
	_ =	sdelay $0x1  }
0x47: {  	v3 =	vadd.s32 v1, v3;
	_ =	sdelay $0x2  }
0x48: {  	[tilespmem:s20], [sflag:$0x1] =	stream.indirect_vreg.gather [hbm4b:s4+s3], $0x80, v4, vm0, $0xb8;
	[tilespmem:$0x1D000] =	vst v63  }
0x49: {  	_ = 	snop  }
0x4a: {  	[tilespmem:s21], [sflag:$0x1] =	stream.indirect_vreg.gather [hbm4b:s4+s3], $0x80, v3, vm0, $0xb8;
	[tilespmem:$0x1D000] =	vst v63  }
0x4b: {  	v3 =	vld [tilespmem:$0x2830];
	_ =	sdelay $0x4  }
0x4c: {  	v59 =	vshll.u32 v3, $0x1  }
0x4d: {  	v3 =	vand.u32 $0x7, v3;
	v4 =	vand.u32 $0xFFFFFFF0, v59  }
0x4e: {  	v3 =	vor.u32 v3, v4  }
0x4f: {  	v4 =	vperm.xlane v3, v0;
	_ =	sdelay $0x1  }
0x50: {  	v3 =	vperm.xlane v3, v2;
	v4 =	vadd.s32 v1, v4;
	_ =	sdelay $0x1  }
0x51: {  	v3 =	vadd.s32 v1, v3;
	_ =	sdelay $0x2  }
0x52: {  	[tilespmem:s22], [sflag:$0x1] =	stream.indirect_vreg.gather [hbm4b:s4+s3], $0x80, v4, vm0, $0xb8;
	[tilespmem:$0x1D000] =	vst v63  }
0x53: {  	_ = 	snop  }
0x54: {  	[tilespmem:s23], [sflag:$0x1] =	stream.indirect_vreg.gather [hbm4b:s4+s3], $0x80, v3, vm0, $0xb8;
	[tilespmem:$0x1D000] =	vst v63  }
0x55: {  	v3 =	vld [tilespmem:$0x2840];
	_ =	sdelay $0x4  }
0x56: {  	v60 =	vshll.u32 v3, $0x1  }
0x57: {  	v3 =	vand.u32 $0x7, v3;
	v4 =	vand.u32 $0xFFFFFFF0, v60  }
0x58: {  	v3 =	vor.u32 v3, v4  }
0x59: {  	v4 =	vperm.xlane v3, v0;
	_ =	sdelay $0x1  }
0x5a: {  	v3 =	vperm.xlane v3, v2;
	v4 =	vadd.s32 v1, v4;
	_ =	sdelay $0x1  }
0x5b: {  	v3 =	vadd.s32 v1, v3;
	_ =	sdelay $0x2  }
0x5c: {  	[tilespmem:s24], [sflag:$0x1] =	stream.indirect_vreg.gather [hbm4b:s4+s3], $0x80, v4, vm0, $0xb8;
	[tilespmem:$0x1D000] =	vst v63  }
0x5d: {  	_ = 	snop  }
0x5e: {  	[tilespmem:s25], [sflag:$0x1] =	stream.indirect_vreg.gather [hbm4b:s4+s3], $0x80, v3, vm0, $0xb8;
	[tilespmem:$0x1D000] =	vst v63  }
0x5f: {  	v3 =	vld [tilespmem:$0x2850];
	_ =	sdelay $0x4  }
0x60: {  	v61 =	vshll.u32 v3, $0x1  }
0x61: {  	v3 =	vand.u32 $0x7, v3;
	v4 =	vand.u32 $0xFFFFFFF0, v61  }
0x62: {  	v3 =	vor.u32 v3, v4  }
0x63: {  	v4 =	vperm.xlane v3, v0;
	_ =	sdelay $0x1  }
0x64: {  	v3 =	vperm.xlane v3, v2;
	v4 =	vadd.s32 v1, v4;
	_ =	sdelay $0x1  }
0x65: {  	v3 =	vadd.s32 v1, v3;
	_ =	sdelay $0x2  }
0x66: {  	[tilespmem:s26], [sflag:$0x1] =	stream.indirect_vreg.gather [hbm4b:s4+s3], $0x80, v4, vm0, $0xb8;
	[tilespmem:$0x1D000] =	vst v63  }
0x67: {  	_ = 	snop  }
0x68: {  	[tilespmem:s28], [sflag:$0x1] =	stream.indirect_vreg.gather [hbm4b:s4+s3], $0x80, v3, vm0, $0xb8;
	[tilespmem:$0x1D000] =	vst v63  }
0x69: {  	v3 =	vld [tilespmem:$0x2860];
	_ =	sdelay $0x4  }
0x6a: {  	v62 =	vshll.u32 v3, $0x1  }
0x6b: {  	v3 =	vand.u32 $0x7, v3;
	v4 =	vand.u32 $0xFFFFFFF0, v62  }
0x6c: {  	v3 =	vor.u32 v3, v4  }
0x6d: {  	v4 =	vperm.xlane v3, v0;
	_ =	sdelay $0x1  }
0x6e: {  	v3 =	vperm.xlane v3, v2;
	v4 =	vadd.s32 v1, v4;
	_ =	sdelay $0x1  }
0x6f: {  	v3 =	vadd.s32 v1, v3;
	_ =	sdelay $0x2  }
0x70: {  	[tilespmem:s29], [sflag:$0x1] =	stream.indirect_vreg.gather [hbm4b:s4+s3], $0x80, v4, vm0, $0xb8;
	[tilespmem:$0x1D000] =	vst v63  }
0x71: {  	_ = 	snop  }
0x72: {  	[tilespmem:s30], [sflag:$0x1] =	stream.indirect_vreg.gather [hbm4b:s4+s3], $0x80, v3, vm0, $0xb8;
	[tilespmem:$0x1D000] =	vst v63  }
0x73: {  	v3 =	vld [tilespmem:$0x2870];
	_ =	sdelay $0x4  }
0x74: {  	v63 =	vshll.u32 v3, $0x1  }
0x75: {  	v3 =	vand.u32 $0x7, v3;
	v4 =	vand.u32 $0xFFFFFFF0, v63  }
0x76: {  	v3 =	vor.u32 v3, v4  }
0x77: {  	v4 =	vperm.xlane v3, v0;
	_ =	sdelay $0x1  }
0x78: {  	v3 =	vperm.xlane v3, v2;
	v4 =	vadd.s32 v1, v4;
	_ =	sdelay $0x1  }
0x79: {  	v3 =	vadd.s32 v1, v3;
	_ =	sdelay $0x1  }
0x7a: {  	s11 =	rddreg [dreg:$0x18]  }
0x7b: {  	[tilespmem:s31], [sflag:$0x1] =	stream.indirect_vreg.gather [hbm4b:s4+s3], $0x80, v4, vm0, $0xb8;
	[tilespmem:$0x1D000] =	vst v63  }
0x7c: {  	s12 =	simm.s32 $0x0;
	s10 =	rddreg [dreg:$0x17]  }
0x7d: {  	[tilespmem:s1], [sflag:$0x1] =	stream.indirect_vreg.gather [hbm4b:s4+s3], $0x80, v3, vm0, $0xb8;
	[tilespmem:$0x1D000] =	vst v63  }
.LBB2_2:
0x7e: {  	s9 =	sshra.s32 s12, $0x2  }
0x7f: {  	s17 =	sadd.s32 $0x80, s9  }
0x80: {  	[tilespmem:s0], [sflag:$0x2] =	stream.indirect.gather [hbm4b:s2+s14], $0x80, s17, s14, $0xb8;
	[tilespmem:$0x1D000] =	vst v63  }
0x81: {  	v3 =	vld [tilespmem:s9+$0x2880];
	_ =	sdelay $0x4  }
0x82: {  	v4 =	vshll.u32 v3, $0x1  }
0x83: {  	v3 =	vand.u32 $0x7, v3;
	v4 =	vand.u32 $0xFFFFFFF0, v4  }
0x84: {  	v3 =	vor.u32 v3, v4  }
0x85: {  	v4 =	vperm.xlane v3, v0;
	_ =	sdelay $0x1  }
0x86: {  	v3 =	vperm.xlane v3, v2;
	v4 =	vadd.s32 v1, v4;
	_ =	sdelay $0x1  }
0x87: {  	v3 =	vadd.s32 v1, v3;
	_ =	sdelay $0x2  }
0x88: {  	[tilespmem:s13], [sflag:$0x2] =	stream.indirect_vreg.gather [hbm4b:s4+s3], $0x80, v4, vm0, $0xb8;
	[tilespmem:$0x1D000] =	vst v63  }
0x89: {  	s18 =	rddreg [dreg:$0x3]  }
0x8a: {  	[tilespmem:s18], [sflag:$0x2] =	stream.indirect_vreg.gather [hbm4b:s4+s3], $0x80, v3, vm0, $0xb8;
	[tilespmem:$0x1D000] =	vst v63  }
0x8b: {  	v3 =	vld [tilespmem:s9+$0x2890];
	_ =	sdelay $0x4  }
0x8c: {  	v49 =	vshll.u32 v3, $0x1  }
0x8d: {  	v3 =	vand.u32 $0x7, v3;
	v4 =	vand.u32 $0xFFFFFFF0, v49  }
0x8e: {  	v3 =	vor.u32 v3, v4  }
0x8f: {  	v4 =	vperm.xlane v3, v0;
	_ =	sdelay $0x1  }
0x90: {  	v3 =	vperm.xlane v3, v2;
	v4 =	vadd.s32 v1, v4;
	_ =	sdelay $0x1  }
0x91: {  	v3 =	vadd.s32 v1, v3;
	_ =	sdelay $0x1  }
0x92: {  	s17 =	rddreg [dreg:$0x4]  }
0x93: {  	[tilespmem:s17], [sflag:$0x2] =	stream.indirect_vreg.gather [hbm4b:s4+s3], $0x80, v4, vm0, $0xb8;
	[tilespmem:$0x1D000] =	vst v63  }
0x94: {  	s18 =	rddreg [dreg:$0x5]  }
0x95: {  	[tilespmem:s18], [sflag:$0x2] =	stream.indirect_vreg.gather [hbm4b:s4+s3], $0x80, v3, vm0, $0xb8;
	[tilespmem:$0x1D000] =	vst v63  }
0x96: {  	v3 =	vld [tilespmem:s9+$0x28A0];
	_ =	sdelay $0x4  }
0x97: {  	v50 =	vshll.u32 v3, $0x1  }
0x98: {  	v3 =	vand.u32 $0x7, v3;
	v4 =	vand.u32 $0xFFFFFFF0, v50  }
0x99: {  	v3 =	vor.u32 v3, v4  }
0x9a: {  	v4 =	vperm.xlane v3, v0;
	_ =	sdelay $0x1  }
0x9b: {  	v3 =	vperm.xlane v3, v2;
	v4 =	vadd.s32 v1, v4;
	_ =	sdelay $0x1  }
0x9c: {  	v3 =	vadd.s32 v1, v3;
	_ =	sdelay $0x1  }
0x9d: {  	s17 =	rddreg [dreg:$0x6]  }
0x9e: {  	[tilespmem:s17], [sflag:$0x2] =	stream.indirect_vreg.gather [hbm4b:s4+s3], $0x80, v4, vm0, $0xb8;
	[tilespmem:$0x1D000] =	vst v63  }
0x9f: {  	s18 =	rddreg [dreg:$0x7]  }
0xa0: {  	[tilespmem:s18], [sflag:$0x2] =	stream.indirect_vreg.gather [hbm4b:s4+s3], $0x80, v3, vm0, $0xb8;
	[tilespmem:$0x1D000] =	vst v63  }
0xa1: {  	v3 =	vld [tilespmem:s9+$0x28B0];
	_ =	sdelay $0x4  }
0xa2: {  	v51 =	vshll.u32 v3, $0x1  }
0xa3: {  	v3 =	vand.u32 $0x7, v3;
	v4 =	vand.u32 $0xFFFFFFF0, v51  }
0xa4: {  	v3 =	vor.u32 v3, v4  }
0xa5: {  	v4 =	vperm.xlane v3, v0;
	_ =	sdelay $0x1  }
0xa6: {  	v3 =	vperm.xlane v3, v2;
	v4 =	vadd.s32 v1, v4;
	_ =	sdelay $0x1  }
0xa7: {  	v3 =	vadd.s32 v1, v3;
	_ =	sdelay $0x1  }
0xa8: {  	s17 =	rddreg [dreg:$0x8]  }
0xa9: {  	[tilespmem:s17], [sflag:$0x2] =	stream.indirect_vreg.gather [hbm4b:s4+s3], $0x80, v4, vm0, $0xb8;
	[tilespmem:$0x1D000] =	vst v63  }
0xaa: {  	s18 =	rddreg [dreg:$0x9]  }
0xab: {  	[tilespmem:s18], [sflag:$0x2] =	stream.indirect_vreg.gather [hbm4b:s4+s3], $0x80, v3, vm0, $0xb8;
	[tilespmem:$0x1D000] =	vst v63  }
0xac: {  	v3 =	vld [tilespmem:s9+$0x28C0];
	_ =	sdelay $0x4  }
0xad: {  	v52 =	vshll.u32 v3, $0x1  }
0xae: {  	v3 =	vand.u32 $0x7, v3;
	v4 =	vand.u32 $0xFFFFFFF0, v52  }
0xaf: {  	v3 =	vor.u32 v3, v4  }
0xb0: {  	v4 =	vperm.xlane v3, v0;
	_ =	sdelay $0x1  }
0xb1: {  	v3 =	vperm.xlane v3, v2;
	v4 =	vadd.s32 v1, v4;
	_ =	sdelay $0x1  }
0xb2: {  	v3 =	vadd.s32 v1, v3;
	_ =	sdelay $0x1  }
0xb3: {  	s17 =	rddreg [dreg:$0xa]  }
0xb4: {  	[tilespmem:s17], [sflag:$0x2] =	stream.indirect_vreg.gather [hbm4b:s4+s3], $0x80, v4, vm0, $0xb8;
	[tilespmem:$0x1D000] =	vst v63  }
0xb5: {  	s18 =	rddreg [dreg:$0xb]  }
0xb6: {  	[tilespmem:s18], [sflag:$0x2] =	stream.indirect_vreg.gather [hbm4b:s4+s3], $0x80, v3, vm0, $0xb8;
	[tilespmem:$0x1D000] =	vst v63  }
0xb7: {  	v3 =	vld [tilespmem:s9+$0x28D0];
	_ =	sdelay $0x4  }
0xb8: {  	v53 =	vshll.u32 v3, $0x1  }
0xb9: {  	v3 =	vand.u32 $0x7, v3;
	v4 =	vand.u32 $0xFFFFFFF0, v53  }
0xba: {  	v3 =	vor.u32 v3, v4  }
0xbb: {  	v4 =	vperm.xlane v3, v0;
	_ =	sdelay $0x1  }
0xbc: {  	v3 =	vperm.xlane v3, v2;
	v4 =	vadd.s32 v1, v4;
	_ =	sdelay $0x1  }
0xbd: {  	v3 =	vadd.s32 v1, v3;
	_ =	sdelay $0x1  }
0xbe: {  	s17 =	rddreg [dreg:$0xc]  }
0xbf: {  	[tilespmem:s17], [sflag:$0x2] =	stream.indirect_vreg.gather [hbm4b:s4+s3], $0x80, v4, vm0, $0xb8;
	[tilespmem:$0x1D000] =	vst v63  }
0xc0: {  	s18 =	rddreg [dreg:$0xd]  }
0xc1: {  	[tilespmem:s18], [sflag:$0x2] =	stream.indirect_vreg.gather [hbm4b:s4+s3], $0x80, v3, vm0, $0xb8;
	[tilespmem:$0x1D000] =	vst v63  }
0xc2: {  	v3 =	vld [tilespmem:s9+$0x28E0];
	_ =	sdelay $0x4  }
0xc3: {  	v54 =	vshll.u32 v3, $0x1  }
0xc4: {  	v3 =	vand.u32 $0x7, v3;
	v4 =	vand.u32 $0xFFFFFFF0, v54  }
0xc5: {  	v3 =	vor.u32 v3, v4  }
0xc6: {  	v4 =	vperm.xlane v3, v0;
	_ =	sdelay $0x1  }
0xc7: {  	v3 =	vperm.xlane v3, v2;
	v4 =	vadd.s32 v1, v4;
	_ =	sdelay $0x1  }
0xc8: {  	v3 =	vadd.s32 v1, v3;
	_ =	sdelay $0x1  }
0xc9: {  	s17 =	rddreg [dreg:$0xe]  }
0xca: {  	[tilespmem:s17], [sflag:$0x2] =	stream.indirect_vreg.gather [hbm4b:s4+s3], $0x80, v4, vm0, $0xb8;
	[tilespmem:$0x1D000] =	vst v63  }
0xcb: {  	s18 =	rddreg [dreg:$0xf]  }
0xcc: {  	[tilespmem:s18], [sflag:$0x2] =	stream.indirect_vreg.gather [hbm4b:s4+s3], $0x80, v3, vm0, $0xb8;
	[tilespmem:$0x1D000] =	vst v63  }
0xcd: {  	v3 =	vld [tilespmem:s9+$0x28F0];
	_ =	sdelay $0x4  }
0xce: {  	v55 =	vshll.u32 v3, $0x1  }
0xcf: {  	v3 =	vand.u32 $0x7, v3;
	v4 =	vand.u32 $0xFFFFFFF0, v55  }
0xd0: {  	v3 =	vor.u32 v3, v4  }
0xd1: {  	v4 =	vperm.xlane v3, v0;
	_ =	sdelay $0x1  }
0xd2: {  	v3 =	vperm.xlane v3, v2;
	v4 =	vadd.s32 v1, v4;
	_ =	sdelay $0x1  }
0xd3: {  	v3 =	vadd.s32 v1, v3;
	_ =	sdelay $0x1  }
0xd4: {  	s17 =	rddreg [dreg:$0x10]  }
0xd5: {  	[tilespmem:s17], [sflag:$0x2] =	stream.indirect_vreg.gather [hbm4b:s4+s3], $0x80, v4, vm0, $0xb8;
	[tilespmem:$0x1D000] =	vst v63  }
0xd6: {  	s18 =	rddreg [dreg:$0x11]  }
0xd7: {  	[tilespmem:s18], [sflag:$0x2] =	stream.indirect_vreg.gather [hbm4b:s4+s3], $0x80, v3, vm0, $0xb8;
	[tilespmem:$0x1D000] =	vst v63  }
0xd8: {  	_ =	swait.ge [sflag:s5], $0x4000  }
0xd9: {  	[sflag:s5] =	ssyncset.done $0x0  }
0xda: {  	[sflag:s5] =	ssyncadd.s32 $0xFFFFC000  }
0xdb: {  	_ =	swait.ge [sflag:s5], $0x8000  }
0xdc: {  	[sflag:s5] =	ssyncset.done $0x0  }
0xdd: {  	[sflag:s5] =	ssyncadd.s32 $0xFFFF8000  }
0xde: {  	[hbm4b:s11+s3] =	stream.linear.scatter [tilespmem:s15], [sflag:$0x3], $0x4000, $0x38;
	[tilespmem:$0x1D000] =	vst v63  }
0xdf: {  	_ = 	snop  }
0xe0: {  	[hbm4b:s10+s3] =	stream.linear.scatter [tilespmem:s16], [sflag:$0x3], $0x8000, $0x38;
	[tilespmem:$0x1D000] =	vst v63  }
0xe1: {  	_ =	swait.ge [sflag:s6], $0x4000  }
0xe2: {  	[sflag:s6] =	ssyncset.done $0x0  }
0xe3: {  	[sflag:s6] =	ssyncadd.s32 $0xFFFFC000  }
0xe4: {  	_ =	swait.ge [sflag:s6], $0x8000  }
0xe5: {  	[sflag:s6] =	ssyncset.done $0x0  }
0xe6: {  	s17 =	sadd.s32 $0x800, s11;
	[sflag:s6] =	ssyncadd.s32 $0xFFFF8000  }
0xe7: {  	[hbm4b:s17+s3] =	stream.linear.scatter [tilespmem:s0], [sflag:$0x4], $0x4000, $0x38;
	[tilespmem:$0x1D000] =	vst v63  }
0xe8: {  	s17 =	sadd.s32 $0x1000, s10  }
0xe9: {  	[hbm4b:s17+s3] =	stream.linear.scatter [tilespmem:s13], [sflag:$0x4], $0x8000, $0x38;
	[tilespmem:$0x1D000] =	vst v63  }
0xea: {  	_ =	swait.ge [sflag:s7], $0x4000  }
0xeb: {  	[sflag:s7] =	ssyncset.done $0x0  }
0xec: {  	[sflag:s7] =	ssyncadd.s32 $0xFFFFC000  }
0xed: {  	_ =	swait.ge [sflag:s7], $0x8000  }
0xee: {  	[sflag:s7] =	ssyncset.done $0x0  }
0xef: {  	s17 =	sadd.s32 $0x100, s9;
	[sflag:s7] =	ssyncadd.s32 $0xFFFF8000  }
0xf0: {  	[tilespmem:s15], [sflag:$0x1] =	stream.indirect.gather [hbm4b:s2+s14], $0x80, s17, s14, $0xb8;
	[tilespmem:$0x1D000] =	vst v63  }
0xf1: {  	v3 =	vld [tilespmem:s9+$0x2900];
	_ =	sdelay $0x4  }
0xf2: {  	v56 =	vshll.u32 v3, $0x1  }
0xf3: {  	v3 =	vand.u32 $0x7, v3;
	v4 =	vand.u32 $0xFFFFFFF0, v56  }
0xf4: {  	v3 =	vor.u32 v3, v4  }
0xf5: {  	v4 =	vperm.xlane v3, v0;
	_ =	sdelay $0x1  }
0xf6: {  	v3 =	vperm.xlane v3, v2;
	v4 =	vadd.s32 v1, v4;
	_ =	sdelay $0x1  }
0xf7: {  	v3 =	vadd.s32 v1, v3;
	_ =	sdelay $0x2  }
0xf8: {  	[tilespmem:s16], [sflag:$0x1] =	stream.indirect_vreg.gather [hbm4b:s4+s3], $0x80, v4, vm0, $0xb8;
	[tilespmem:$0x1D000] =	vst v63  }
0xf9: {  	s17 =	simm.s32 $0xD800  }
0xfa: {  	[tilespmem:s17], [sflag:$0x1] =	stream.indirect_vreg.gather [hbm4b:s4+s3], $0x80, v3, vm0, $0xb8;
	[tilespmem:$0x1D000] =	vst v63  }
0xfb: {  	v3 =	vld [tilespmem:s9+$0x2910];
	_ =	sdelay $0x4  }
0xfc: {  	v57 =	vshll.u32 v3, $0x1  }
0xfd: {  	v3 =	vand.u32 $0x7, v3;
	v4 =	vand.u32 $0xFFFFFFF0, v57  }
0xfe: {  	v3 =	vor.u32 v3, v4  }
0xff: {  	v4 =	vperm.xlane v3, v0;
	_ =	sdelay $0x1  }
0x100: {  	v3 =	vperm.xlane v3, v2;
	v4 =	vadd.s32 v1, v4;
	_ =	sdelay $0x1  }
0x101: {  	v3 =	vadd.s32 v1, v3;
	_ =	sdelay $0x1  }
0x102: {  	s18 =	simm.s32 $0xE000  }
0x103: {  	[tilespmem:s18], [sflag:$0x1] =	stream.indirect_vreg.gather [hbm4b:s4+s3], $0x80, v4, vm0, $0xb8;
	[tilespmem:$0x1D000] =	vst v63  }
0x104: {  	_ = 	snop  }
0x105: {  	[tilespmem:s19], [sflag:$0x1] =	stream.indirect_vreg.gather [hbm4b:s4+s3], $0x80, v3, vm0, $0xb8;
	[tilespmem:$0x1D000] =	vst v63  }
0x106: {  	v3 =	vld [tilespmem:s9+$0x2920];
	_ =	sdelay $0x4  }
0x107: {  	v58 =	vshll.u32 v3, $0x1  }
0x108: {  	v3 =	vand.u32 $0x7, v3;
	v4 =	vand.u32 $0xFFFFFFF0, v58  }
0x109: {  	v3 =	vor.u32 v3, v4  }
0x10a: {  	v4 =	vperm.xlane v3, v0;
	_ =	sdelay $0x1  }
0x10b: {  	v3 =	vperm.xlane v3, v2;
	v4 =	vadd.s32 v1, v4;
	_ =	sdelay $0x1  }
0x10c: {  	v3 =	vadd.s32 v1, v3;
	_ =	sdelay $0x2  }
0x10d: {  	[tilespmem:s20], [sflag:$0x1] =	stream.indirect_vreg.gather [hbm4b:s4+s3], $0x80, v4, vm0, $0xb8;
	[tilespmem:$0x1D000] =	vst v63  }
0x10e: {  	_ = 	snop  }
0x10f: {  	[tilespmem:s21], [sflag:$0x1] =	stream.indirect_vreg.gather [hbm4b:s4+s3], $0x80, v3, vm0, $0xb8;
	[tilespmem:$0x1D000] =	vst v63  }
0x110: {  	v3 =	vld [tilespmem:s9+$0x2930];
	_ =	sdelay $0x4  }
0x111: {  	v59 =	vshll.u32 v3, $0x1  }
0x112: {  	v3 =	vand.u32 $0x7, v3;
	v4 =	vand.u32 $0xFFFFFFF0, v59  }
0x113: {  	v3 =	vor.u32 v3, v4  }
0x114: {  	v4 =	vperm.xlane v3, v0;
	_ =	sdelay $0x1  }
0x115: {  	v3 =	vperm.xlane v3, v2;
	v4 =	vadd.s32 v1, v4;
	_ =	sdelay $0x1  }
0x116: {  	v3 =	vadd.s32 v1, v3;
	_ =	sdelay $0x2  }
0x117: {  	[tilespmem:s22], [sflag:$0x1] =	stream.indirect_vreg.gather [hbm4b:s4+s3], $0x80, v4, vm0, $0xb8;
	[tilespmem:$0x1D000] =	vst v63  }
0x118: {  	_ = 	snop  }
0x119: {  	[tilespmem:s23], [sflag:$0x1] =	stream.indirect_vreg.gather [hbm4b:s4+s3], $0x80, v3, vm0, $0xb8;
	[tilespmem:$0x1D000] =	vst v63  }
0x11a: {  	v3 =	vld [tilespmem:s9+$0x2940];
	_ =	sdelay $0x4  }
0x11b: {  	v60 =	vshll.u32 v3, $0x1  }
0x11c: {  	v3 =	vand.u32 $0x7, v3;
	v4 =	vand.u32 $0xFFFFFFF0, v60  }
0x11d: {  	v3 =	vor.u32 v3, v4  }
0x11e: {  	v4 =	vperm.xlane v3, v0;
	_ =	sdelay $0x1  }
0x11f: {  	v3 =	vperm.xlane v3, v2;
	v4 =	vadd.s32 v1, v4;
	_ =	sdelay $0x1  }
0x120: {  	v3 =	vadd.s32 v1, v3;
	_ =	sdelay $0x2  }
0x121: {  	[tilespmem:s24], [sflag:$0x1] =	stream.indirect_vreg.gather [hbm4b:s4+s3], $0x80, v4, vm0, $0xb8;
	[tilespmem:$0x1D000] =	vst v63  }
0x122: {  	_ = 	snop  }
0x123: {  	[tilespmem:s25], [sflag:$0x1] =	stream.indirect_vreg.gather [hbm4b:s4+s3], $0x80, v3, vm0, $0xb8;
	[tilespmem:$0x1D000] =	vst v63  }
0x124: {  	v3 =	vld [tilespmem:s9+$0x2950];
	_ =	sdelay $0x4  }
0x125: {  	v61 =	vshll.u32 v3, $0x1  }
0x126: {  	v3 =	vand.u32 $0x7, v3;
	v4 =	vand.u32 $0xFFFFFFF0, v61  }
0x127: {  	v3 =	vor.u32 v3, v4  }
0x128: {  	v4 =	vperm.xlane v3, v0;
	_ =	sdelay $0x1  }
0x129: {  	v3 =	vperm.xlane v3, v2;
	v4 =	vadd.s32 v1, v4;
	_ =	sdelay $0x1  }
0x12a: {  	v3 =	vadd.s32 v1, v3;
	_ =	sdelay $0x2  }
0x12b: {  	[tilespmem:s26], [sflag:$0x1] =	stream.indirect_vreg.gather [hbm4b:s4+s3], $0x80, v4, vm0, $0xb8;
	[tilespmem:$0x1D000] =	vst v63  }
0x12c: {  	_ = 	snop  }
0x12d: {  	[tilespmem:s28], [sflag:$0x1] =	stream.indirect_vreg.gather [hbm4b:s4+s3], $0x80, v3, vm0, $0xb8;
	[tilespmem:$0x1D000] =	vst v63  }
0x12e: {  	v3 =	vld [tilespmem:s9+$0x2960];
	_ =	sdelay $0x4  }
0x12f: {  	v62 =	vshll.u32 v3, $0x1  }
0x130: {  	v3 =	vand.u32 $0x7, v3;
	v4 =	vand.u32 $0xFFFFFFF0, v62  }
0x131: {  	v3 =	vor.u32 v3, v4  }
0x132: {  	v4 =	vperm.xlane v3, v0;
	_ =	sdelay $0x1  }
0x133: {  	v3 =	vperm.xlane v3, v2;
	v4 =	vadd.s32 v1, v4;
	_ =	sdelay $0x1  }
0x134: {  	v3 =	vadd.s32 v1, v3;
	_ =	sdelay $0x2  }
0x135: {  	[tilespmem:s29], [sflag:$0x1] =	stream.indirect_vreg.gather [hbm4b:s4+s3], $0x80, v4, vm0, $0xb8;
	[tilespmem:$0x1D000] =	vst v63  }
0x136: {  	_ = 	snop  }
0x137: {  	[tilespmem:s30], [sflag:$0x1] =	stream.indirect_vreg.gather [hbm4b:s4+s3], $0x80, v3, vm0, $0xb8;
	[tilespmem:$0x1D000] =	vst v63  }
0x138: {  	v3 =	vld [tilespmem:s9+$0x2970];
	_ =	sdelay $0x4  }
0x139: {  	v63 =	vshll.u32 v3, $0x1  }
0x13a: {  	v3 =	vand.u32 $0x7, v3;
	v4 =	vand.u32 $0xFFFFFFF0, v63  }
0x13b: {  	v3 =	vor.u32 v3, v4  }
0x13c: {  	v4 =	vperm.xlane v3, v0;
	_ =	sdelay $0x1  }
0x13d: {  	v3 =	vperm.xlane v3, v2;
	v4 =	vadd.s32 v1, v4;
	_ =	sdelay $0x1  }
0x13e: {  	v3 =	vadd.s32 v1, v3;
	_ =	sdelay $0x2  }
0x13f: {  	[tilespmem:s31], [sflag:$0x1] =	stream.indirect_vreg.gather [hbm4b:s4+s3], $0x80, v4, vm0, $0xb8;
	[tilespmem:$0x1D000] =	vst v63  }
0x140: {  	_ = 	snop  }
0x141: {  	[tilespmem:s1], [sflag:$0x1] =	stream.indirect_vreg.gather [hbm4b:s4+s3], $0x80, v3, vm0, $0xb8;
	[tilespmem:$0x1D000] =	vst v63  }
0x142: {  	p0 =	sne.s32 s12, $0x9800;
	_ =	swait.ge [sflag:s8], $0x4000  }
.Ltmp0:
0x143: {  	[sflag:s8] =	ssyncset.done $0x0;
	(pc) =	sbr.rel @p0 .LBB2_2-.Ltmp0, $4  }
0x144: {  	[sflag:s8] =	ssyncadd.s32 $0xFFFFC000  }
0x145: {  	_ =	swait.ge [sflag:s8], $0x8000  }
0x146: {  	s12 =	sadd.s32 $0x400, s12;
	[sflag:s8] =	ssyncset.done $0x0  }
0x147: {  	s11 =	sadd.s32 $0x1000, s11;
	s10 =	sadd.s32 $0x2000, s10;
	[sflag:s8] =	ssyncadd.s32 $0xFFFF8000  }
0x148: {  	_ =	swait.ge [sflag:s5], $0x4000  }
0x149: {  	[sflag:s5] =	ssyncset.done $0x0  }
0x14a: {  	[sflag:s5] =	ssyncadd.s32 $0xFFFFC000  }
0x14b: {  	_ =	swait.ge [sflag:s5], $0x8000  }
0x14c: {  	[sflag:s5] =	ssyncset.done $0x0  }
0x14d: {  	s9 =	rddreg [dreg:$0x14];
	[sflag:s5] =	ssyncadd.s32 $0xFFFF8000  }
0x14e: {  	[hbm4b:s9+s3] =	stream.linear.scatter [tilespmem:s15], [sflag:$0x3], $0x4000, $0x38;
	[tilespmem:$0x1D000] =	vst v63  }
0x14f: {  	s11 =	rddreg [dreg:$0x15]  }
0x150: {  	[hbm4b:s11+s3] =	stream.linear.scatter [tilespmem:s16], [sflag:$0x3], $0x8000, $0x38;
	[tilespmem:$0x1D000] =	vst v63  }
0x151: {  	_ =	swait.ge [sflag:s7], $0x4000  }
0x152: {  	[sflag:s7] =	ssyncset.done $0x0  }
0x153: {  	[sflag:s7] =	ssyncadd.s32 $0xFFFFC000  }
0x154: {  	_ =	swait.ge [sflag:s7], $0x8000  }
0x155: {  	s10 =	rddreg [dreg:$0x19]  }
0x156: {  	s12 =	rddreg [dreg:$0x16];
	s10 =	sadd.s32 $0x1, s10  }
0x157: {  	p0 =	sne.s32 s10, s12  }
.Ltmp1:
0x158: {  	_ = 	snop;
	(pc) =	sbr.rel @p0 .LBB2_1-.Ltmp1, $3  }
0x159: {  	_ =	sdelay $0x1  }
0x15a: {  	[sflag:s7] =	ssyncset.done $0x0  }
0x15b: {  	[sflag:s7] =	ssyncadd.s32 $0xFFFF8000  }
0x15c: {  	_ =	sfence.sel $0x180000  }
0x15d: {  	[bflag:$0x0] =	sbarrier.arrive $0xFFFF  }
0x15e: {  	_ =	strace $0x90000053  }
0x15f: {  	s0 =	stileid.u32;
	[bflag:$0x2] =	sbarrier.arrive $0xFFFF  }
0x160: {  	p0 =	sne.s32 s0, $0x0;
	s0 =	rddreg [dreg:$0x2]  }
0x161: {  	s0 =	sadd.s32 @!p0 $0x100000, s0  }
0x162: {  	[sflag:s0] =	ssyncadd.tile.s32 @!p0 $0x1;
	_ =	shalt  }
.Lfunc_end2:
_tile_overlayer_lowered:
.L_overlay_start_2:
0x163: {  	(tag) =	ssettag $0x2  }
0x164: {  	s0 =	rddreg [dreg:$0x0];
	s2 =	stileid.u32  }
0x165: {  	s1 =	rddreg [dreg:$0x1];
	p0 =	sne.s32 s2, $0x0  }
0x166: {  	s3 =	rddreg [dreg:$0x2];
	[bflag:$0x3] =	sbarrier.arrive $0xFFFF;
	s2 =	simm.s32 @!p0 $0x1C05  }
0x167: {  	[timem:s3], [sflag:s2] =	dma.local @!p0 [hbm:s0], s1  }
0x168: {  	s0 =	simm.s32 @!p0 $0x5  }
0x169: {  	_ =	swait.ge @!p0 [sflag:s0], s1  }
0x16a: {  	s1 =	ssub.s32 @!p0 $0x0, s1;
	[sflag:s0] =	ssyncset.done @!p0 $0x0  }
0x16b: {  	[sflag:s0] =	ssyncadd.s32 @!p0 s1  }
0x16c: {  	[bflag:$0x3] =	sbarrier.arrive $0xFFFF  }
0x16d: {  	_ =	shalt  }

// kernel: kernel.32.cloned.1.call-start
scs
__scs_entry_jumppad:
0x0: {  	(pc) =	sbr.rel $0x88, $3  }
0x1: {  	(tag) =	ssettag $0x0;
	lr =	simm.s32 $0x1  }
0x2: {  	[smem:$0x3F4F] =	sst lr;
	_ =	strace $0xD0000000  }
0x3: {  	_ = 	snop  }
0x4: {  	_ = 	snop  }
0x5: {  	_ = 	snop  }
0x6: {  	_ = 	snop  }
0x7: {  	_ = 	snop  }
__scs_overlays_trampoline_lowered:
0x8: {  	[smem:$0x3F5E] =	sst s0  }
0x9: {  	[smem:$0x3F5F] =	sst s1  }
0xa: {  	[smem:$0x3F60] =	sst s2  }
0xb: {  	[smem:$0x3F61] =	sst s3  }
0xc: {  	[smem:$0x3F62] =	sst s4  }
0xd: {  	[smem:$0x3F63] =	sst s5  }
0xe: {  	[smem:$0x3F64] =	sst s6  }
0xf: {  	[smem:$0x3F65] =	sst s7  }
0x10: {  	[smem:$0x3F66] =	sst s8  }
0x11: {  	[smem:$0x3F67] =	sst s9;
	s0 =	simm.s32 @!p0 $0x0  }
0x12: {  	s1 =	sld [smem:$0x3F4D];
	s0 =	simm.s32 @p0 $0x1  }
0x13: {  	[smem:$0x3F68] =	sst s0;
	s0 =	simm.s32 @!p1 $0x0  }
0x14: {  	s2 =	sld [smem:$0x3F4C];
	s0 =	simm.s32 @p1 $0x1  }
0x15: {  	[smem:$0x3F69] =	sst s0;
	s0 =	simm.s32 @!p2 $0x0  }
0x16: {  	s3 =	sld [smem:$0x3FDB];
	s0 =	simm.s32 @p2 $0x1  }
0x17: {  	s4 =	simm.s32 $0x1BF5;
	[smem:$0x3F6B] =	sst s0  }
0x18: {  	s0 =	sld [smem:$0x3F4E];
	_ =	swait.ge [sflag:s4], $0x0  }
0x19: {  	s7 =	sld [smem:$0x3F4F]  }
0x1a: {  	s8 =	sadd.s32 $0xFFFFE003, lr  }
0x1b: {  	s9 =	sadd.s32 $0xFFFFFEF7, lr;
	s5 =	simm.s32 $0xFFFFFFFF;
	p2 =	slt.u32 s8, $0xFFFFF086  }
0x1c: {  	p1 =	slt.u32 s9, $0xF7A;
	s5 =	simm.s32 @!p2 $0x0  }
0x1d: {  	s5 =	simm.s32 @p1 $0x1;
	p0 =	seq.s32 s7, s2  }
0x1e: {  	s7 =	smul.u32 @!p0 $0xF7A, s2;
	p2 =	seq.s32 @!p0 s5, $0x0  }
0x1f: {  	s9 =	smul.u32 $0xF7A, s1;
	s8 =	simm.s32 @!p0 $0x1BF5;
	p2 =	por !p2, p0  }
0x20: {  	[sflag:s8] =	ssyncset.s32 @!p0 $0xFFFFF086;
	s6 =	sadd.s32 @!p0 s3, s7;
	s7 =	simm.s32 @!p0 $0x108  }
0x21: {  	s3 =	sadd.s32 s3, s9;
	s6 =	sadd.s32 @!p0 $0x88, s6;
	s7 =	simm.s32 @p2 $0x1082  }
0x22: {  	[simem:s7], [sflag:s8] =	dma.local @!p0 [hbm:s6], $0xF7A  }
0x23: {  	s9 =	sor.u32 $0xD0000000, s2;
	s6 =	simm.s32 $0x108;
	_ =	swait.ge @!p0 [sflag:s8], $0x0  }
0x24: {  	s3 =	sadd.s32 $0x88, s3;
	s6 =	simm.s32 @!p1 $0x1082;
	[sflag:s4] =	ssyncset.s32 $0xFFFFF086  }
0x25: {  	[simem:s6], [sflag:s4] =	dma.local [hbm:s3], $0xF7A  }
0x26: {  	[smem:$0x3F4F] =	sst s1;
	(tag) =	ssettag s2;
	_ =	strace s9  }
0x27: {  	s1 =	sld [smem:$0x3F5F]  }
0x28: {  	s2 =	sld [smem:$0x3F60]  }
0x29: {  	s4 =	sld [smem:$0x3F62]  }
0x2a: {  	p0 =	seq.s32 s5, $0x0;
	s5 =	sld [smem:$0x3F63]  }
0x2b: {  	s6 =	sld [smem:$0x3F64]  }
0x2c: {  	s7 =	sld [smem:$0x3F65]  }
0x2d: {  	s3 =	simm.s32 $0x108;
	s8 =	sld [smem:$0x3F66]  }
0x2e: {  	s3 =	simm.s32 @!p0 $0x1082;
	s9 =	sld [smem:$0x3F67]  }
0x2f: {  	lr =	sadd.s32 s0, s3;
	s0 =	sld [smem:$0x3F5E]  }
0x30: {  	s3 =	sld [smem:$0x3F61]  }
0x31: {  	[smem:$0x3F6A] =	sst s10  }
0x32: {  	s10 =	sld [smem:$0x3F68];
	_ =	sdelay $0x3  }
0x33: {  	p0 =	seq.s32 s10, $0x1;
	s10 =	sld [smem:$0x3F6A];
	_ =	sdelay $0x3  }
0x34: {  	[smem:$0x3F6A] =	sst s10  }
0x35: {  	s10 =	sld [smem:$0x3F69];
	_ =	sdelay $0x3  }
0x36: {  	p1 =	seq.s32 s10, $0x1;
	s10 =	sld [smem:$0x3F6A];
	_ =	sdelay $0x3  }
0x37: {  	[smem:$0x3F6A] =	sst s10  }
0x38: {  	s10 =	sld [smem:$0x3F6B]  }
0x39: {  	_ = 	snop;
	(pc) =	sbr.ind lr, $3  }
0x3a: {  	_ = 	snop  }
0x3b: {  	_ = 	snop  }
0x3c: {  	p2 =	seq.s32 s10, $0x1;
	s10 =	sld [smem:$0x3F6A]  }
0x3d: {  	_ =	shalt  }
0x3e: {  	_ =	shalt  }
0x3f: {  	_ =	shalt  }
0x40: {  	_ =	shalt  }
0x41: {  	_ =	shalt  }
0x42: {  	_ =	shalt  }
0x43: {  	_ =	shalt  }
0x44: {  	_ =	shalt  }
0x45: {  	_ =	shalt  }
0x46: {  	_ =	shalt  }
0x47: {  	_ =	shalt  }
0x48: {  	_ =	shalt  }
0x49: {  	_ =	shalt  }
0x4a: {  	_ =	shalt  }
0x4b: {  	_ =	shalt  }
0x4c: {  	_ =	shalt  }
0x4d: {  	_ =	shalt  }
0x4e: {  	_ =	shalt  }
0x4f: {  	_ =	shalt  }
0x50: {  	_ =	shalt  }
0x51: {  	_ =	shalt  }
0x52: {  	_ =	shalt  }
0x53: {  	_ =	shalt  }
0x54: {  	_ =	shalt  }
0x55: {  	_ =	shalt  }
0x56: {  	_ =	shalt  }
0x57: {  	_ =	shalt  }
0x58: {  	_ =	shalt  }
0x59: {  	_ =	shalt  }
0x5a: {  	_ =	shalt  }
0x5b: {  	_ =	shalt  }
0x5c: {  	_ =	shalt  }
0x5d: {  	_ =	shalt  }
0x5e: {  	_ =	shalt  }
0x5f: {  	_ =	shalt  }
0x60: {  	_ =	shalt  }
0x61: {  	_ =	shalt  }
0x62: {  	_ =	shalt  }
0x63: {  	_ =	shalt  }
0x64: {  	_ =	shalt  }
0x65: {  	_ =	shalt  }
0x66: {  	_ =	shalt  }
0x67: {  	_ =	shalt  }
0x68: {  	_ =	shalt  }
0x69: {  	_ =	shalt  }
0x6a: {  	_ =	shalt  }
0x6b: {  	_ =	shalt  }
0x6c: {  	_ =	shalt  }
0x6d: {  	_ =	shalt  }
0x6e: {  	_ =	shalt  }
0x6f: {  	_ =	shalt  }
0x70: {  	_ =	shalt  }
0x71: {  	_ =	shalt  }
0x72: {  	_ =	shalt  }
0x73: {  	_ =	shalt  }
0x74: {  	_ =	shalt  }
0x75: {  	_ =	shalt  }
0x76: {  	_ =	shalt  }
0x77: {  	_ =	shalt  }
0x78: {  	_ =	shalt  }
0x79: {  	_ =	shalt  }
0x7a: {  	_ =	shalt  }
0x7b: {  	_ =	shalt  }
0x7c: {  	_ =	shalt  }
0x7d: {  	_ =	shalt  }
0x7e: {  	_ =	shalt  }
0x7f: {  	_ =	shalt  }
0x80: {  	_ =	shalt  }
0x81: {  	_ =	shalt  }
0x82: {  	_ =	shalt  }
0x83: {  	_ =	shalt  }
0x84: {  	_ =	shalt  }
0x85: {  	_ =	shalt  }
0x86: {  	_ =	shalt  }
0x87: {  	_ =	shalt  }
.Lfunc_end0:
.L_simem_size_0:
called_computation.5_lowered:
.L_overlay_start_0:
0x88: {  	s2 =	sld [smem:$0x3FD9]  }
0x89: {  	s3 =	sld [smem:$0x3FFE];
	_ =	sdelay $0x1  }
0x8a: {  	s1 =	srdreg.scid  }
0x8b: {  	s0 =	sand.u32 $0x1, s1  }
0x8c: {  	s16 =	sshll.u32 s0, $0xA;
	s2 =	sadd.s32 s3, s2  }
0x8d: {  	s2 =	sadd.s32 s2, s16  }
0x8e: {  	[smem:$0x3F76] =	sst s2  }
0x8f: {  	_ = 	snop  }
0x90: {  	(tm) =	ssettm $0x1  }
0x91: {  	s17 =	sld [smem:$0x3FFB];
	_ =	sdelay $0x3  }
0x92: {  	_ =	strace s17  }
0x93: {  	s2 =	sld [smem:$0x3FFC];
	_ =	sdelay $0x3  }
0x94: {  	_ =	strace s2  }
0x95: {  	s2 =	sld [smem:$0x3FFD];
	_ =	sdelay $0x3  }
0x96: {  	_ =	strace s2  }
0x97: {  	_ =	strace $0x8FFFFFFF  }
0x98: {  	s18 =	sld [smem:$0x3FDB];
	_ =	sdelay $0x1  }
0x99: {  	s19 =	simm.s32 $_scs_section_size  }
0x9a: {  	s4 =	simm.s32 $_size__tile_overlayer_lowered;
	s5 =	simm.s32 $_tile_overlayer_lowered  }
0x9b: {  	s22 =	simm.s32 $0x1BFF;
	s21 =	sshll.u32 s5, $0x1;
	s2 =	sadd.s32 s19, s18  }
0x9c: {  	s6 =	simm.s32 $0x0;
	s20 =	sshll.u32 s4, $0x1;
	s4 =	sadd.s32 s21, s2  }
0x9d: {  	[timem:s6], [sflag:s22] =	dma.local [hbm:s4], s20  }
0x9e: {  	_ =	swait.ge [sflag:s22], s20  }
0x9f: {  	s3 =	ssub.s32 $0x0, s20;
	[sflag:s22] =	ssyncset.done $0x0  }
0xa0: {  	[sflag:s22] =	ssyncadd.s32 s3;
	_ =	sdelay $0x1  }
0xa1: {  	s23 =	simm.s32 $0x1B8B  }
0xa2: {  	_ =	swait.ge [sflag:s23], $0x1  }
0xa3: {  	[sflag:s23] =	ssyncset.done $0x0  }
0xa4: {  	s25 =	simm.s32 $0x1B8E;
	s24 =	sld [smem:$0x3FFE];
	[sflag:s23] =	ssyncadd.s32 $0xFFFFFFFF  }
0xa5: {  	s26 =	simm.s32 $execute0_lowered;
	[smem:$0x3FD2] =	sst s25  }
0xa6: {  	s4 =	sshll.u32 s26, $0x1;
	_ =	strace $0x80000055;
	[dreg:$0x1] =	wrdreg $0xFFFFFFFF  }
0xa7: {  	s28 =	simm.s32 $_size_execute0_lowered;
	s2 =	sadd.s32 s2, s4;
	[dreg:$0x0] =	wrdreg $0x0  }
0xa8: {  	s4 =	sshll.u32 s28, $0x1;
	[dreg:$0x2] =	wrdreg s2  }
0xa9: {  	[dreg:$0x3] =	wrdreg s4  }
0xaa: {  	[dreg:$0x4] =	wrdreg $0xC0  }
0xab: {  	_ =	task [dreg:s6], $0x5FFFF  }
0xac: {  	[dreg:$0x1] =	wrdreg $0xFFFFFFFF  }
0xad: {  	[dreg:$0x0] =	wrdreg $0x60  }
0xae: {  	[dreg:$0x2] =	wrdreg s24  }
0xaf: {  	[dreg:$0x3] =	wrdreg $0xA8000  }
0xb0: {  	[dreg:$0x4] =	wrdreg $0x9  }
0xb1: {  	_ =	task.clear_ibuf [dreg:s6], $0x5FFFF;
	_ =	strace $0x90000055  }
0xb2: {  	s29 =	simm.s32 $0x9;
	_ =	strace $0x80000057  }
0xb3: {  	_ =	swait.ge [sflag:s29], $0x1  }
0xb4: {  	[sflag:s29] =	ssyncadd.s32 $0xFFFFFFFF  }
0xb5: {  	_ =	strace $0x90000057  }
0xb6: {  	_ =	sfence  }
0xb7: {  	s30 =	sld [smem:$0x0];
	_ =	sdelay $0x2  }
0xb8: {  	s31 =	sshll.u32 s1, $0xD;
	s1 =	sshrl.u32 s1, $0x2  }
0xb9: {  	s3 =	sand.u32 $0x4000, s31;
	s1 =	sadd.s32 s1, s30  }
0xba: {  	s0 =	sor.u32 s3, s0;
	s1 =	sshll.u32 s1, $0x11  }
0xbb: {  	s0 =	sor.u32 s1, s0  }
0xbc: {  	s0 =	sadd.s32 $0x8F2B, s0  }
0xbd: {  	[sflag:s0] =	ssyncadd.remote.s32 $0x1  }
0xbe: {  	_ =	sfence.sel $0xFFFF  }
0xbf: {  	[dreg:$0x0] =	wrdreg $0xFFFFFFFF;
	(pc) =	sbr.abs _section_cstart, $3  }
0xc0: {  	[dreg:$0x1] =	wrdreg $0xFFFFFFFF  }
0xc1: {  	_ =	task.clear_ibuf [dreg:s6], $0x2FFFF;
	_ =	strace $0x9FFFFFFF  }
0xc2: {  	(tm) =	ssettm $0x7FFFFFFF  }
0xc3: {  	_ =	shalt  }
tec
execute0_lowered:
.L_overlay_start_1:
0x0: {  	(tag) =	ssettag $0x1  }
0x1: {  	s1 =	srdreg.scid;
	s5 =	rddreg [dreg:$0x0]  }
0x2: {  	s0 =	stileid.u32;
	s2 =	rddreg [dreg:$0x1]  }
0x3: {  	s3 =	simm.s32 $0x0;
	s18 =	simm.s32 $0x1;
	s19 =	simm.s32 $0x80  }
0x4: {  	s20 =	simm.s32 $0x2;
	s21 =	simm.s32 $0x3;
	s8 =	smul.u32 $0x14000, s0  }
0x5: {  	s9 =	sand.u32 $0x1, s1;
	s22 =	sshll.u32 s0, $0x1;
	s13 =	smul.u32 $0x50000, s0  }
0x6: {  	s1 =	rddreg [dreg:$0x2];
	s10 =	sadd.s32 $0x9F1E00, s5;
	s26 =	smul.u32 $0x4F000, s0  }
0x7: {  	[smem:$0x7FF] =	sst s3;
	s11 =	sadd.s32 $0xEE1E00, s5;
	s7 =	smul.u32 $0x140000, s9  }
0x8: {  	s31 =	sshll.u32 s0, $0x6;
	s6 =	sor.u32 s9, s22;
	s28 =	smul.u32 $0x27800, s9  }
0x9: {  	_ =	strace $0x80000056;
	s23 =	ssub.s32 $0x2, s9;
	s4 =	smul.u32 $0x500, s6  }
0xa: {  	s22 =	simm.s32 $0x4;
	s24 =	sshrl.u32 s23, $0x1;
	s15 =	smul.u32 $0x27800, s6  }
0xb: {  	s25 =	sshrl.u32 s13, $0x2;
	s29 =	sadd.s32 s26, s10;
	s7 =	sadd.s32 s8, s7  }
0xc: {  	s16 =	ssub.s32 s23, s24;
	s17 =	sadd.s32 s25, s2;
	s30 =	sadd.s32 s28, s29  }
0xd: {  	s23 =	simm.s32 $0x2700;
	s12 =	sadd.s32 s4, s5;
	s4 =	sadd.s32 $0x174EC00, s5  }
0xe: {  	s7 =	sshrl.u32 s7, $0x3;
	s6 =	sadd.s32 s10, s15;
	s8 =	sadd.s32 s11, s15  }
0xf: {  	s11 =	sadd.s32 s26, s11;
	s10 =	smax.u32 s16, $0x1;
	s15 =	sshrl.u32 s17, $0x3  }
0x10: {  	s16 =	simm.s32 $0x2800;
	s17 =	simm.s32 $0x6800;
	s14 =	sadd.s32 s7, s5  }
0x11: {  	s5 =	sadd.s32 $0x1DB1400, s12;
	s13 =	sadd.s32 s28, s11;
	s11 =	sadd.s32 $0x1000, s30  }
0x12: {  	s24 =	simm.s32 $0x0;
	s7 =	sadd.s32 $0x13D1E00, s14;
	s9 =	sadd.s32 $0x1421E00, s14  }
0x13: {  	s12 =	sadd.s32 $0x1000, s13;
	s13 =	simm.s32 $0x5;
	s14 =	sor.u32 $0x1C05, s31  }
.LBB2_1:
0x14: {  	[tilespmem:s3], [sflag:$0x5] =	stream.linear.gather [hbm4b:s5+s3], $0x2780, $0x38;
	[tilespmem:$0x1E800] =	vst v63  }
0x15: {  	_ =	swait.ge [sflag:s13], $0x2780  }
0x16: {  	[sflag:s13] =	ssyncset.done $0x0  }
0x17: {  	[sflag:s13] =	ssyncadd.s32 $0xFFFFD880  }
0x18: {  	[spmem:s15], [sflag:s14] =	dma.local [hbm:s4], $0x2800  }
0x19: {  	_ =	swait.ge [sflag:s13], $0x2800  }
0x1a: {  	[sflag:s13] =	ssyncset.done $0x0  }
0x1b: {  	[sflag:s13] =	ssyncadd.s32 $0xFFFFD800  }
0x1c: {  	[bflag:$0x0] =	sbarrier.arrive $0xFFFF  }
0x1d: {  	[tilespmem:s16], [sflag:$0x1] =	stream.linear.gather [hbm4b:s6+s3], $0x4000, $0x38;
	[tilespmem:$0x1E800] =	vst v63  }
0x1e: {  	s25 =	sadd.s32 $0xFFFFF800, s11  }
0x1f: {  	[tilespmem:s17], [sflag:$0x2] =	stream.linear.gather [hbm4b:s25+s3], $0x4000, $0x38;
	[tilespmem:$0x1E800] =	vst v63  }
0x20: {  	_ =	swait.ge [sflag:s18], $0x4000  }
0x21: {  	[sflag:s18] =	ssyncset.done $0x0  }
0x22: {  	s30 =	simm.s32 $0x0;
	[sflag:s18] =	ssyncadd.s32 $0xFFFFC000  }
0x23: {  	[spmem:s2] =	stream.indirect.scatter.add.f32 [tilespmem:s16], [sflag:$0x3], $0x80, s30, s19, $0xb8;
	[tilespmem:$0x1E800] =	vst v63  }
0x24: {  	_ =	swait.ge [sflag:s20], $0x4000  }
0x25: {  	[sflag:s20] =	ssyncset.done $0x0  }
0x26: {  	s31 =	simm.s32 $0x80;
	[sflag:s20] =	ssyncadd.s32 $0xFFFFC000  }
0x27: {  	[spmem:s2] =	stream.indirect.scatter.add.f32 [tilespmem:s17], [sflag:$0x4], $0x80, s31, s19, $0xb8;
	[tilespmem:$0x1E800] =	vst v63  }
0x28: {  	_ =	swait.ge [sflag:s21], $0x4000  }
0x29: {  	[sflag:s21] =	ssyncset.done $0x0  }
0x2a: {  	[sflag:s21] =	ssyncadd.s32 $0xFFFFC000  }
0x2b: {  	[tilespmem:s16], [sflag:$0x1] =	stream.linear.gather [hbm4b:s11+s3], $0x4000, $0x38;
	[tilespmem:$0x1E800] =	vst v63  }
0x2c: {  	s26 =	simm.s32 $0x400;
	_ =	swait.ge [sflag:s22], $0x4000  }
0x2d: {  	s28 =	simm.s32 $0x800;
	s25 =	sadd.s32 $0x1000, s11;
	[sflag:s22] =	ssyncset.done $0x0  }
.LBB2_2:
0x2e: {  	p0 =	sne.s32 s28, $0x9800;
	s29 =	sadd.s32 $0xFFFFF800, s25;
	[sflag:s22] =	ssyncadd.s32 $0xFFFFC000  }
0x2f: {  	[tilespmem:s17], [sflag:$0x2] =	stream.linear.gather [hbm4b:s29+s3], $0x4000, $0x38;
	[tilespmem:$0x1E800] =	vst v63  }
0x30: {  	s29 =	smov.u32 s28;
	s28 =	sadd.s32 $0x400, s28;
	_ =	swait.ge [sflag:s18], $0x4000  }
0x31: {  	[sflag:s18] =	ssyncset.done $0x0  }
0x32: {  	s30 =	sshra.s32 s26, $0x2;
	s26 =	smov.u32 s29;
	[sflag:s18] =	ssyncadd.s32 $0xFFFFC000  }
0x33: {  	[spmem:s2] =	stream.indirect.scatter.add.f32 [tilespmem:s16], [sflag:$0x3], $0x80, s30, s19, $0xb8;
	[tilespmem:$0x1E800] =	vst v63  }
0x34: {  	_ =	swait.ge [sflag:s20], $0x4000  }
0x35: {  	[sflag:s20] =	ssyncset.done $0x0  }
0x36: {  	s29 =	sadd.s32 $0x80, s30;
	[sflag:s20] =	ssyncadd.s32 $0xFFFFC000  }
0x37: {  	[spmem:s2] =	stream.indirect.scatter.add.f32 [tilespmem:s17], [sflag:$0x4], $0x80, s29, s19, $0xb8;
	[tilespmem:$0x1E800] =	vst v63  }
0x38: {  	_ =	swait.ge [sflag:s21], $0x4000  }
.Ltmp0:
0x39: {  	[sflag:s21] =	ssyncset.done $0x0;
	(pc) =	sbr.rel @p0 .LBB2_2-.Ltmp0, $4  }
0x3a: {  	[sflag:s21] =	ssyncadd.s32 $0xFFFFC000  }
0x3b: {  	[tilespmem:s16], [sflag:$0x1] =	stream.linear.gather [hbm4b:s25+s3], $0x4000, $0x38;
	[tilespmem:$0x1E800] =	vst v63  }
0x3c: {  	_ =	swait.ge [sflag:s22], $0x4000  }
0x3d: {  	s25 =	sadd.s32 $0x1000, s25;
	[sflag:s22] =	ssyncset.done $0x0  }
0x3e: {  	s28 =	sadd.s32 $0xFFFFF800, s25;
	[sflag:s22] =	ssyncadd.s32 $0xFFFFC000  }
0x3f: {  	[tilespmem:s17], [sflag:$0x2] =	stream.linear.gather [hbm4b:s28+s3], $0x4000, $0x38;
	[tilespmem:$0x1E800] =	vst v63  }
0x40: {  	_ =	swait.ge [sflag:s18], $0x4000  }
0x41: {  	[sflag:s18] =	ssyncset.done $0x0  }
0x42: {  	s26 =	sshra.s32 s26, $0x2;
	[sflag:s18] =	ssyncadd.s32 $0xFFFFC000  }
0x43: {  	[spmem:s2] =	stream.indirect.scatter.add.f32 [tilespmem:s16], [sflag:$0x3], $0x80, s26, s19, $0xb8;
	[tilespmem:$0x1E800] =	vst v63  }
0x44: {  	_ =	swait.ge [sflag:s20], $0x4000  }
0x45: {  	[sflag:s20] =	ssyncset.done $0x0  }
0x46: {  	s26 =	sadd.s32 $0x80, s26;
	[sflag:s20] =	ssyncadd.s32 $0xFFFFC000  }
0x47: {  	[spmem:s2] =	stream.indirect.scatter.add.f32 [tilespmem:s17], [sflag:$0x4], $0x80, s26, s19, $0xb8;
	[tilespmem:$0x1E800] =	vst v63  }
0x48: {  	_ =	swait.ge [sflag:s21], $0x4000  }
0x49: {  	[sflag:s21] =	ssyncset.done $0x0  }
0x4a: {  	[sflag:s21] =	ssyncadd.s32 $0xFFFFC000  }
0x4b: {  	[tilespmem:s16], [sflag:$0x1] =	stream.linear.gather [hbm4b:s25+s3], $0x4000, $0x38;
	[tilespmem:$0x1E800] =	vst v63  }
0x4c: {  	_ =	swait.ge [sflag:s22], $0x4000  }
0x4d: {  	[sflag:s22] =	ssyncset.done $0x0  }
0x4e: {  	[sflag:s22] =	ssyncadd.s32 $0xFFFFC000  }
0x4f: {  	_ =	swait.ge [sflag:s18], $0x4000  }
0x50: {  	[sflag:s18] =	ssyncset.done $0x0  }
0x51: {  	[sflag:s18] =	ssyncadd.s32 $0xFFFFC000  }
0x52: {  	[spmem:s2] =	stream.indirect.scatter.add.f32 [tilespmem:s16], [sflag:$0x3], $0x80, s23, s19, $0xb8;
	[tilespmem:$0x1E800] =	vst v63  }
0x53: {  	_ =	swait.ge [sflag:s21], $0x4000  }
0x54: {  	[sflag:s21] =	ssyncset.done $0x0  }
0x55: {  	[sflag:s21] =	ssyncadd.s32 $0xFFFFC000  }
0x56: {  	[bflag:$0x0] =	sbarrier.arrive $0xFFFF  }
0x57: {  	[hbm:s7], [sflag:s14] =	dma.local [spmem:s15], $0x2800  }
0x58: {  	_ =	swait.ge [sflag:s13], $0x2800  }
0x59: {  	[sflag:s13] =	ssyncset.done $0x0  }
0x5a: {  	[sflag:s13] =	ssyncadd.s32 $0xFFFFD800  }
0x5b: {  	[spmem:s15], [sflag:s14] =	dma.local [hbm:s4], $0x2800  }
0x5c: {  	_ =	swait.ge [sflag:s13], $0x2800  }
0x5d: {  	[sflag:s13] =	ssyncset.done $0x0  }
0x5e: {  	[sflag:s13] =	ssyncadd.s32 $0xFFFFD800  }
0x5f: {  	s26 =	simm.s32 $0x0;
	[bflag:$0x0] =	sbarrier.arrive $0xFFFF  }
0x60: {  	[tilespmem:s16], [sflag:$0x1] =	stream.linear.gather [hbm4b:s8+s26], $0x4000, $0x38;
	[tilespmem:$0x1E800] =	vst v63  }
0x61: {  	s29 =	sadd.s32 $0xFFFFF800, s12  }
0x62: {  	[tilespmem:s17], [sflag:$0x2] =	stream.linear.gather [hbm4b:s29+s3], $0x4000, $0x38;
	[tilespmem:$0x1E800] =	vst v63  }
0x63: {  	_ =	swait.ge [sflag:s18], $0x4000  }
0x64: {  	[sflag:s18] =	ssyncset.done $0x0  }
0x65: {  	s30 =	simm.s32 $0x0;
	[sflag:s18] =	ssyncadd.s32 $0xFFFFC000  }
0x66: {  	[spmem:s2] =	stream.indirect.scatter.add.f32 [tilespmem:s16], [sflag:$0x3], $0x80, s30, s19, $0xb8;
	[tilespmem:$0x1E800] =	vst v63  }
0x67: {  	_ =	swait.ge [sflag:s20], $0x4000  }
0x68: {  	[sflag:s20] =	ssyncset.done $0x0  }
0x69: {  	s31 =	simm.s32 $0x80;
	[sflag:s20] =	ssyncadd.s32 $0xFFFFC000  }
0x6a: {  	[spmem:s2] =	stream.indirect.scatter.add.f32 [tilespmem:s17], [sflag:$0x4], $0x80, s31, s19, $0xb8;
	[tilespmem:$0x1E800] =	vst v63  }
0x6b: {  	_ =	swait.ge [sflag:s21], $0x4000  }
0x6c: {  	[sflag:s21] =	ssyncset.done $0x0  }
0x6d: {  	[sflag:s21] =	ssyncadd.s32 $0xFFFFC000  }
0x6e: {  	[tilespmem:s16], [sflag:$0x1] =	stream.linear.gather [hbm4b:s12+s3], $0x4000, $0x38;
	[tilespmem:$0x1E800] =	vst v63  }
0x6f: {  	s28 =	simm.s32 $0x800;
	_ =	swait.ge [sflag:s22], $0x4000  }
0x70: {  	s25 =	sadd.s32 $0x1000, s12;
	s26 =	simm.s32 $0x400;
	[sflag:s22] =	ssyncset.done $0x0  }
.LBB2_4:
0x71: {  	p0 =	sne.s32 s28, $0x9800;
	s29 =	sadd.s32 $0xFFFFF800, s25;
	[sflag:s22] =	ssyncadd.s32 $0xFFFFC000  }
0x72: {  	[tilespmem:s17], [sflag:$0x2] =	stream.linear.gather [hbm4b:s29+s3], $0x4000, $0x38;
	[tilespmem:$0x1E800] =	vst v63  }
0x73: {  	s29 =	smov.u32 s28;
	s28 =	sadd.s32 $0x400, s28;
	_ =	swait.ge [sflag:s18], $0x4000  }
0x74: {  	[sflag:s18] =	ssyncset.done $0x0  }
0x75: {  	s30 =	sshra.s32 s26, $0x2;
	s26 =	smov.u32 s29;
	[sflag:s18] =	ssyncadd.s32 $0xFFFFC000  }
0x76: {  	[spmem:s2] =	stream.indirect.scatter.add.f32 [tilespmem:s16], [sflag:$0x3], $0x80, s30, s19, $0xb8;
	[tilespmem:$0x1E800] =	vst v63  }
0x77: {  	_ =	swait.ge [sflag:s20], $0x4000  }
0x78: {  	[sflag:s20] =	ssyncset.done $0x0  }
0x79: {  	s29 =	sadd.s32 $0x80, s30;
	[sflag:s20] =	ssyncadd.s32 $0xFFFFC000  }
0x7a: {  	[spmem:s2] =	stream.indirect.scatter.add.f32 [tilespmem:s17], [sflag:$0x4], $0x80, s29, s19, $0xb8;
	[tilespmem:$0x1E800] =	vst v63  }
0x7b: {  	_ =	swait.ge [sflag:s21], $0x4000  }
.Ltmp1:
0x7c: {  	[sflag:s21] =	ssyncset.done $0x0;
	(pc) =	sbr.rel @p0 .LBB2_4-.Ltmp1, $4  }
0x7d: {  	[sflag:s21] =	ssyncadd.s32 $0xFFFFC000  }
0x7e: {  	[tilespmem:s16], [sflag:$0x1] =	stream.linear.gather [hbm4b:s25+s3], $0x4000, $0x38;
	[tilespmem:$0x1E800] =	vst v63  }
0x7f: {  	_ =	swait.ge [sflag:s22], $0x4000  }
0x80: {  	s25 =	sadd.s32 $0x1000, s25;
	[sflag:s22] =	ssyncset.done $0x0  }
0x81: {  	s28 =	sadd.s32 $0xFFFFF800, s25;
	[sflag:s22] =	ssyncadd.s32 $0xFFFFC000  }
0x82: {  	[tilespmem:s17], [sflag:$0x2] =	stream.linear.gather [hbm4b:s28+s3], $0x4000, $0x38;
	[tilespmem:$0x1E800] =	vst v63  }
0x83: {  	_ =	swait.ge [sflag:s18], $0x4000  }
0x84: {  	[sflag:s18] =	ssyncset.done $0x0  }
0x85: {  	s26 =	sshra.s32 s26, $0x2;
	[sflag:s18] =	ssyncadd.s32 $0xFFFFC000  }
0x86: {  	[spmem:s2] =	stream.indirect.scatter.add.f32 [tilespmem:s16], [sflag:$0x3], $0x80, s26, s19, $0xb8;
	[tilespmem:$0x1E800] =	vst v63  }
0x87: {  	_ =	swait.ge [sflag:s20], $0x4000  }
0x88: {  	[sflag:s20] =	ssyncset.done $0x0  }
0x89: {  	s26 =	sadd.s32 $0x80, s26;
	[sflag:s20] =	ssyncadd.s32 $0xFFFFC000  }
0x8a: {  	[spmem:s2] =	stream.indirect.scatter.add.f32 [tilespmem:s17], [sflag:$0x4], $0x80, s26, s19, $0xb8;
	[tilespmem:$0x1E800] =	vst v63  }
0x8b: {  	_ =	swait.ge [sflag:s21], $0x4000  }
0x8c: {  	[sflag:s21] =	ssyncset.done $0x0  }
0x8d: {  	[sflag:s21] =	ssyncadd.s32 $0xFFFFC000  }
0x8e: {  	[tilespmem:s16], [sflag:$0x1] =	stream.linear.gather [hbm4b:s25+s3], $0x4000, $0x38;
	[tilespmem:$0x1E800] =	vst v63  }
0x8f: {  	_ =	swait.ge [sflag:s22], $0x4000  }
0x90: {  	[sflag:s22] =	ssyncset.done $0x0  }
0x91: {  	[sflag:s22] =	ssyncadd.s32 $0xFFFFC000  }
0x92: {  	_ =	swait.ge [sflag:s18], $0x4000  }
0x93: {  	[sflag:s18] =	ssyncset.done $0x0  }
0x94: {  	[sflag:s18] =	ssyncadd.s32 $0xFFFFC000  }
0x95: {  	[spmem:s2] =	stream.indirect.scatter.add.f32 [tilespmem:s16], [sflag:$0x3], $0x80, s23, s19, $0xb8;
	[tilespmem:$0x1E800] =	vst v63  }
0x96: {  	_ =	swait.ge [sflag:s21], $0x4000  }
0x97: {  	s24 =	sadd.s32 $0x1, s24;
	[sflag:s21] =	ssyncset.done $0x0  }
0x98: {  	p0 =	sne.s32 s24, s10;
	[sflag:s21] =	ssyncadd.s32 $0xFFFFC000  }
.Ltmp2:
0x99: {  	[bflag:$0x0] =	sbarrier.arrive $0xFFFF;
	(pc) =	sbr.rel @p0 .LBB2_1-.Ltmp2, $4  }
0x9a: {  	[hbm:s9], [sflag:s14] =	dma.local [spmem:s15], $0x2800  }
0x9b: {  	_ =	swait.ge [sflag:s13], $0x2800  }
0x9c: {  	[sflag:s13] =	ssyncset.done $0x0  }
0x9d: {  	[sflag:s13] =	ssyncadd.s32 $0xFFFFD800  }
0x9e: {  	_ =	sfence.sel $0x180000  }
0x9f: {  	[bflag:$0x0] =	sbarrier.arrive $0xFFFF  }
0xa0: {  	p0 =	sne.s32 s0, $0x0;
	_ =	strace $0x90000056  }
0xa1: {  	s0 =	sadd.s32 @!p0 $0x100000, s1;
	[bflag:$0x2] =	sbarrier.arrive $0xFFFF  }
0xa2: {  	[sflag:s0] =	ssyncadd.tile.s32 @!p0 $0x1;
	_ =	shalt  }
.Lfunc_end2:
_tile_overlayer_lowered:
.L_overlay_start_2:
0xa3: {  	(tag) =	ssettag $0x2  }
0xa4: {  	s0 =	rddreg [dreg:$0x0];
	s2 =	stileid.u32  }
0xa5: {  	s1 =	rddreg [dreg:$0x1];
	p0 =	sne.s32 s2, $0x0  }
0xa6: {  	s3 =	rddreg [dreg:$0x2];
	[bflag:$0x3] =	sbarrier.arrive $0xFFFF;
	s2 =	simm.s32 @!p0 $0x1C05  }
0xa7: {  	[timem:s3], [sflag:s2] =	dma.local @!p0 [hbm:s0], s1  }
0xa8: {  	s0 =	simm.s32 @!p0 $0x5  }
0xa9: {  	_ =	swait.ge @!p0 [sflag:s0], s1  }
0xaa: {  	s1 =	ssub.s32 @!p0 $0x0, s1;
	[sflag:s0] =	ssyncset.done @!p0 $0x0  }
0xab: {  	[sflag:s0] =	ssyncadd.s32 @!p0 s1  }
0xac: {  	[bflag:$0x3] =	sbarrier.arrive $0xFFFF  }
0xad: {  	_ =	shalt  }

</sc_bundles>
